<compile_context>
chip_gen: v7x
topology: tpu7x:2x2x1
jax: 0.10.2.dev20260603
libtpu: 0.0.44.dev20260713+nightly
codegen_flags: <defaults>
</compile_context>

<pallas_src>
import functools

import jax
import jax.numpy as jnp
from jax import lax
from jax.experimental import pallas as pl
from jax.experimental.pallas import tpu as pltpu
from jax.experimental.pallas import tpu_sc as plsc

NC = 2
NS = 16
L = 16
NW = NC * NS

N_NODES = 10000
N_EDGES = 320000
DIM = 128
NVR = DIM // L

EPW = N_EDGES // NW
CHUNK = 128
NCHUNK = -(-EPW // CHUNK)
NCHUNK_HBM = NCHUNK + 1
EPW_PAD = NCHUNK_HBM * CHUNK
ACC_ROWS = N_NODES + 8
PAD_DST = N_NODES

WB_TILES = 10
WB_ROWS = N_NODES // WB_TILES
ZROWS = 40

MM_BLOCK = 1000


def _matmul_body(x_ref, wt_ref, g_ref):
    g_ref[...] = jnp.dot(x_ref[...], wt_ref[...],
                         preferred_element_type=jnp.float32)


def _node_matmul(x, wt):
    return pl.pallas_call(
        _matmul_body,
        grid=(N_NODES // MM_BLOCK,),
        in_specs=[
            pl.BlockSpec((MM_BLOCK, DIM), lambda i: (i, 0)),
            pl.BlockSpec((DIM, DIM), lambda i: (0, 0)),
        ],
        out_specs=pl.BlockSpec((MM_BLOCK, DIM), lambda i: (i, 0)),
        out_shape=jax.ShapeDtypeStruct((N_NODES, DIM), jnp.float32),
    )(x, wt)


def _combine_body(g_ref, b_ref, p0_ref, p1_ref, o_ref):
    o_ref[...] = (g_ref[...] + b_ref[...]) + (p0_ref[...] + p1_ref[...])


def _combine(g, b2d, p0, p1):
    return pl.pallas_call(
        _combine_body,
        grid=(N_NODES // MM_BLOCK,),
        in_specs=[
            pl.BlockSpec((MM_BLOCK, DIM), lambda i: (i, 0)),
            pl.BlockSpec((1, DIM), lambda i: (0, 0)),
            pl.BlockSpec((MM_BLOCK, DIM), lambda i: (i, 0)),
            pl.BlockSpec((MM_BLOCK, DIM), lambda i: (i, 0)),
        ],
        out_specs=pl.BlockSpec((MM_BLOCK, DIM), lambda i: (i, 0)),
        out_shape=jax.ShapeDtypeStruct((N_NODES, DIM), jnp.float32),
    )(g, b2d, p0, p1)


_sc_mesh = plsc.VectorSubcoreMesh(
    core_axis_name="c", subcore_axis_name="s",
    num_cores=NC, num_subcores=NS)


@functools.partial(
    pl.kernel,
    out_type=jax.ShapeDtypeStruct((NC, N_NODES, DIM), jnp.float32),
    mesh=_sc_mesh,
    compiler_params=pltpu.CompilerParams(needs_layout_passes=False),
    scratch_types=[
        pltpu.VMEM((3, CHUNK), jnp.int32),
        pltpu.VMEM((3, CHUNK), jnp.int32),
        pltpu.VMEM((N_NODES,), jnp.float32),
        pltpu.VMEM((DIM,), jnp.float32),
        pltpu.VMEM((CHUNK, DIM), jnp.float32),
        pltpu.VMEM((CHUNK, DIM), jnp.float32),
        pltpu.VMEM((ZROWS, DIM), jnp.float32),
        pltpu.VMEM_SHARED((ACC_ROWS, DIM), jnp.float32),
        pltpu.SemaphoreType.DMA,
        pltpu.SemaphoreType.DMA,
        pltpu.SemaphoreType.DMA,
        pltpu.SemaphoreType.DMA,
    ],
)
def _sc_edges(idx_hbm, rw_hbm, b_hbm, g_hbm, out_hbm,
              idx0, idx1, rw_v, b_v, rows0, rows1, zb_v, acc,
              gsem0, gsem1, isem0, isem1):
    c = lax.axis_index("c")
    s = lax.axis_index("s")
    w = c * NS + s

    pltpu.sync_copy(rw_hbm, rw_v)
    pltpu.sync_copy(b_hbm, b_v)

    zero = jnp.zeros((L,), jnp.float32)

    def zrow(i, carry):
        for v in range(NVR):
            zb_v[i, pl.ds(v * L, L)] = zero
        return carry

    lax.fori_loop(0, ZROWS, zrow, 0)

    @pl.when(s < WB_TILES)
    def _():
        for t in range(WB_ROWS // ZROWS):
            pltpu.sync_copy(
                zb_v, acc.at[pl.ds(s * WB_ROWS + t * ZROWS, ZROWS)])

    @pl.when(s == WB_TILES)
    def _():
        pltpu.sync_copy(zb_v.at[pl.ds(0, ACC_ROWS - N_NODES)],
                        acc.at[pl.ds(N_NODES, ACC_ROWS - N_NODES)])

    plsc.subcore_barrier()

    bvec = [b_v[pl.ds(v * L, L)] for v in range(NVR)]

    def compute(rows_v, idx_v):
        def group_body(i, gcarry):
            rel16 = idx_v[1, pl.ds(i * L, L)]
            rw16 = plsc.load_gather(rw_v, [rel16])
            for u in range(L):
                e = i * L + u
                rwb = jnp.broadcast_to(rw16[u], (L,))
                for v in range(NVR):
                    sl = pl.ds(v * L, L)
                    rows_v[e, sl] = rows_v[e, sl] * rwb + bvec[v]
            return gcarry

        lax.fori_loop(0, CHUNK // L, group_body, 0)

    def drain(sem, dst_ref):
        pltpu.make_async_copy(g_hbm.at[pl.ds(0, CHUNK)], dst_ref, sem).wait()

    def drain_idx(sem, dst_ref):
        pltpu.make_async_copy(idx_hbm.at[w, 0], dst_ref, sem).wait()

    pltpu.sync_copy(idx_hbm.at[w, 0], idx0)
    pltpu.async_copy(g_hbm.at[idx0.at[0]], rows0, gsem0)
    pltpu.async_copy(idx_hbm.at[w, 1], idx1, isem1)

    def pipe(t, carry):
        drain(gsem0, rows0)
        drain_idx(isem1, idx1)
        pltpu.async_copy(g_hbm.at[idx1.at[0]], rows1, gsem1)
        compute(rows0, idx0)
        pltpu.sync_copy(rows0, acc.at[idx0.at[2]], add=True)
        pltpu.async_copy(idx_hbm.at[w, 2 * t + 2], idx0, isem0)
        drain(gsem1, rows1)
        drain_idx(isem0, idx0)
        pltpu.async_copy(g_hbm.at[idx0.at[0]], rows0, gsem0)
        compute(rows1, idx1)
        pltpu.sync_copy(rows1, acc.at[idx1.at[2]], add=True)
        pltpu.async_copy(idx_hbm.at[w, 2 * t + 3], idx1, isem1)
        return carry

    lax.fori_loop(0, (NCHUNK - 1) // 2, pipe, 0)
    drain(gsem0, rows0)
    compute(rows0, idx0)
    pltpu.sync_copy(rows0, acc.at[idx0.at[2]], add=True)
    drain_idx(isem1, idx1)
    plsc.subcore_barrier()

    @pl.when(s < WB_TILES)
    def _():
        pltpu.sync_copy(
            acc.at[pl.ds(s * WB_ROWS, WB_ROWS)],
            out_hbm.at[c, pl.ds(s * WB_ROWS, WB_ROWS)])


def kernel(nodes_embed, edges, W, b, relation_weight):
    e32 = edges.astype(jnp.int32).reshape(NW, EPW, 3)
    pad = jnp.broadcast_to(
        jnp.array([0, 0, PAD_DST], jnp.int32), (NW, EPW_PAD - EPW, 3))
    idx = (jnp.concatenate([e32, pad], axis=1)
           .reshape(NW, NCHUNK_HBM, CHUNK, 3)
           .transpose(0, 1, 3, 2))
    rw = relation_weight.reshape(-1).astype(jnp.float32)
    bf = b.astype(jnp.float32)

    g = _node_matmul(nodes_embed, W.T)
    partial = _sc_edges(idx, rw, bf, g)
    return _combine(g, bf.reshape(1, DIM), partial[0], partial[1])

# --- scband reference (transcript-rebuilt; emitter-appended) ---
"""Pipeline reference for scband-wgcnlayer-64854006169653 (READ-ONLY COPY).

The authoritative reference and input builder live on the scoring server;
editing this copy changes nothing except your own understanding.
"""

import jax, jax.numpy as jnp
import numpy as np

NUM_NODES = 10000
NUM_EDGES = 320000
NUM_RELATION = 10000
INPUT_DIM = 128
OUTPUT_DIM = 128


def setup_inputs(seed: int = 0) -> dict:
    key = jax.random.key(seed)
    k1, k2, k3, k4, k5 = jax.random.split(key, 5)
    nodes_embed = jax.random.normal(k1, (NUM_NODES, INPUT_DIM), dtype=jnp.float32)
    edges = jax.random.randint(k2, (NUM_EDGES, 3), 0, NUM_NODES, dtype=jnp.int64)
    stdv = 1.0 / (OUTPUT_DIM ** 0.5)
    W = jax.random.uniform(k3, (OUTPUT_DIM, INPUT_DIM), dtype=jnp.float32, minval=-stdv, maxval=stdv)
    b = jax.random.uniform(k4, (OUTPUT_DIM,), dtype=jnp.float32, minval=-stdv, maxval=stdv)
    relation_weight = jax.random.uniform(k5, (NUM_RELATION, 1), dtype=jnp.float32)
    return {"nodes_embed": nodes_embed, "edges": edges, "W": W, "b": b, "relation_weight": relation_weight}


def reference(nodes_embed, edges, W, b, relation_weight):
    # h = fc(nodes_embed)
    h = nodes_embed @ W.T + b
    src = edges[:, 0]
    rel = edges[:, 1]
    dst = edges[:, 2]
    # message = fc(nodes_embed[src] * relation_weight[rel])
    gathered = jnp.take(nodes_embed, src, axis=0)
    rw = jnp.take(relation_weight, rel, axis=0)  # (E, 1)
    message = (gathered * rw) @ W.T + b  # (E, output_dim)
    # GNN.gcn_aggregate(message, dst, normalize=None): sum messages per destination,
    # then h[des] = h[des] + aggregated  ==  scatter-add into h at dst
    h = h.at[dst].add(message)
    return h

if __name__ == "__main__":
    import jax
    _d = setup_inputs()
    print(jax.jit(kernel)(*tuple(_d.values())))

</pallas_src>

<mosaic_0001>
#map = affine_map<(d0, d1) -> (0, 0, 0, 0)>
#map1 = affine_map<(d0, d1) -> (0)>
#map2 = affine_map<(d0, d1) -> (0, 0)>
#map3 = affine_map<(d0, d1) -> (0, 0, 0)>
module attributes {stable_mosaic.version = 14 : i64} {
  func.func @_sc_edges(%arg0: i32, %arg1: i32, %arg2: memref<32x80x3x128xi32, #tpu.memory_space<hbm>>, %arg3: memref<10000xf32, #tpu.memory_space<hbm>>, %arg4: memref<128xf32, #tpu.memory_space<hbm>>, %arg5: memref<10000x128xf32, #tpu.memory_space<hbm>>, %arg6: memref<2x10000x128xf32, #tpu.memory_space<hbm>>, %arg7: memref<3x128xi32, #tpu.memory_space<vmem>>, %arg8: memref<3x128xi32, #tpu.memory_space<vmem>>, %arg9: memref<10000xf32, #tpu.memory_space<vmem>>, %arg10: memref<128xf32, #tpu.memory_space<vmem>>, %arg11: memref<128x128xf32, #tpu.memory_space<vmem>>, %arg12: memref<128x128xf32, #tpu.memory_space<vmem>>, %arg13: memref<40x128xf32, #tpu.memory_space<vmem>>, %arg14: memref<10008x128xf32, #tpu.memory_space<vmem_shared>>, %arg15: memref<!tpu.dma_semaphore, #tpu.memory_space<semaphore_mem>>, %arg16: memref<!tpu.dma_semaphore, #tpu.memory_space<semaphore_mem>>, %arg17: memref<!tpu.dma_semaphore, #tpu.memory_space<semaphore_mem>>, %arg18: memref<!tpu.dma_semaphore, #tpu.memory_space<semaphore_mem>>) attributes {dimension_semantics = [#tpu.dimension_semantics<core_parallel>, #tpu.dimension_semantics<subcore_parallel>], iteration_bounds = array<i64: 2, 16>, scalar_prefetch = 0 : i64, scratch_operands = 12 : i64, tpu.core_type = #tpu.core_type<sc_vector_subcore>, window_params = [{transform_indices = #map}, {transform_indices = #map1}, {transform_indices = #map1}, {transform_indices = #map2}, {transform_indices = #map3}]} {
    %mul3A = arith.constant 16 : i32
    %mul3A_0 = arith.muli %arg0, %mul3A : i32
    %add3A = arith.addi %mul3A_0, %arg1 : i32
    "tpu.region"() ({
      %run_scoped3A_76 = tpu.sem_alloc : memref<!tpu.dma_semaphore, #tpu.memory_space<semaphore_mem>>
      tpu.enqueue_dma source(%arg3 : memref<10000xf32, #tpu.memory_space<hbm>>) target(%arg9 : memref<10000xf32, #tpu.memory_space<vmem>>) target_semaphore(%run_scoped3A_76 : memref<!tpu.dma_semaphore, #tpu.memory_space<semaphore_mem>>)
      tpu.wait_dma2 semaphore(%run_scoped3A_76 : memref<!tpu.dma_semaphore, #tpu.memory_space<semaphore_mem>>) src(%arg3 : memref<10000xf32, #tpu.memory_space<hbm>>) dst(%arg9 : memref<10000xf32, #tpu.memory_space<vmem>>)
      tpu.yield
    }) : () -> ()
    "tpu.region"() ({
      %run_scoped3A_76 = tpu.sem_alloc : memref<!tpu.dma_semaphore, #tpu.memory_space<semaphore_mem>>
      tpu.enqueue_dma source(%arg4 : memref<128xf32, #tpu.memory_space<hbm>>) target(%arg10 : memref<128xf32, #tpu.memory_space<vmem>>) target_semaphore(%run_scoped3A_76 : memref<!tpu.dma_semaphore, #tpu.memory_space<semaphore_mem>>)
      tpu.wait_dma2 semaphore(%run_scoped3A_76 : memref<!tpu.dma_semaphore, #tpu.memory_space<semaphore_mem>>) src(%arg4 : memref<128xf32, #tpu.memory_space<hbm>>) dst(%arg10 : memref<128xf32, #tpu.memory_space<vmem>>)
      tpu.yield
    }) : () -> ()
    %broadcast_in_dim3A = arith.constant 0.000000e+00 : f32
    %broadcast_in_dim3A_1 = vector.broadcast %broadcast_in_dim3A : f32 to vector<16xf32>
    %scan3A = arith.constant 0 : i32
    %scan3A_2 = arith.constant 0 : i32
    %scan3A_3 = arith.constant 40 : i32
    %scan3A_4 = arith.addi %scan3A_2, %scan3A_3 : i32
    %scan3A_5 = arith.constant 1 : i32
    scf.for %scan3A_76 = %scan3A_2 to %scan3A_4 step %scan3A_5  : i32 {
      %swap3A = arith.index_cast %scan3A_76 : i32 to index
      %swap3A_77 = arith.constant 0 : index
      %swap3A_78 = tpu.vector_load %arg13[%swap3A, %swap3A_77] {strides = array<i32>} : memref<40x128xf32, #tpu.memory_space<vmem>>, vector<16xf32>,
      tpu.vector_store %arg13[%swap3A, %swap3A_77], %broadcast_in_dim3A_1 {strides = array<i32>} : memref<40x128xf32, #tpu.memory_space<vmem>>, vector<16xf32>,
      %swap3A_79 = arith.index_cast %scan3A_76 : i32 to index
      %swap3A_80 = arith.constant 16 : index
      %swap3A_81 = tpu.vector_load %arg13[%swap3A_79, %swap3A_80] {strides = array<i32>} : memref<40x128xf32, #tpu.memory_space<vmem>>, vector<16xf32>,
      tpu.vector_store %arg13[%swap3A_79, %swap3A_80], %broadcast_in_dim3A_1 {strides = array<i32>} : memref<40x128xf32, #tpu.memory_space<vmem>>, vector<16xf32>,
      %swap3A_82 = arith.index_cast %scan3A_76 : i32 to index
      %swap3A_83 = arith.constant 32 : index
      %swap3A_84 = tpu.vector_load %arg13[%swap3A_82, %swap3A_83] {strides = array<i32>} : memref<40x128xf32, #tpu.memory_space<vmem>>, vector<16xf32>,
      tpu.vector_store %arg13[%swap3A_82, %swap3A_83], %broadcast_in_dim3A_1 {strides = array<i32>} : memref<40x128xf32, #tpu.memory_space<vmem>>, vector<16xf32>,
      %swap3A_85 = arith.index_cast %scan3A_76 : i32 to index
      %swap3A_86 = arith.constant 48 : index
      %swap3A_87 = tpu.vector_load %arg13[%swap3A_85, %swap3A_86] {strides = array<i32>} : memref<40x128xf32, #tpu.memory_space<vmem>>, vector<16xf32>,
      tpu.vector_store %arg13[%swap3A_85, %swap3A_86], %broadcast_in_dim3A_1 {strides = array<i32>} : memref<40x128xf32, #tpu.memory_space<vmem>>, vector<16xf32>,
      %swap3A_88 = arith.index_cast %scan3A_76 : i32 to index
      %swap3A_89 = arith.constant 64 : index
      %swap3A_90 = tpu.vector_load %arg13[%swap3A_88, %swap3A_89] {strides = array<i32>} : memref<40x128xf32, #tpu.memory_space<vmem>>, vector<16xf32>,
      tpu.vector_store %arg13[%swap3A_88, %swap3A_89], %broadcast_in_dim3A_1 {strides = array<i32>} : memref<40x128xf32, #tpu.memory_space<vmem>>, vector<16xf32>,
      %swap3A_91 = arith.index_cast %scan3A_76 : i32 to index
      %swap3A_92 = arith.constant 80 : index
      %swap3A_93 = tpu.vector_load %arg13[%swap3A_91, %swap3A_92] {strides = array<i32>} : memref<40x128xf32, #tpu.memory_space<vmem>>, vector<16xf32>,
      tpu.vector_store %arg13[%swap3A_91, %swap3A_92], %broadcast_in_dim3A_1 {strides = array<i32>} : memref<40x128xf32, #tpu.memory_space<vmem>>, vector<16xf32>,
      %swap3A_94 = arith.index_cast %scan3A_76 : i32 to index
      %swap3A_95 = arith.constant 96 : index
      %swap3A_96 = tpu.vector_load %arg13[%swap3A_94, %swap3A_95] {strides = array<i32>} : memref<40x128xf32, #tpu.memory_space<vmem>>, vector<16xf32>,
      tpu.vector_store %arg13[%swap3A_94, %swap3A_95], %broadcast_in_dim3A_1 {strides = array<i32>} : memref<40x128xf32, #tpu.memory_space<vmem>>, vector<16xf32>,
      %swap3A_97 = arith.index_cast %scan3A_76 : i32 to index
      %swap3A_98 = arith.constant 112 : index
      %swap3A_99 = tpu.vector_load %arg13[%swap3A_97, %swap3A_98] {strides = array<i32>} : memref<40x128xf32, #tpu.memory_space<vmem>>, vector<16xf32>,
      tpu.vector_store %arg13[%swap3A_97, %swap3A_98], %broadcast_in_dim3A_1 {strides = array<i32>} : memref<40x128xf32, #tpu.memory_space<vmem>>, vector<16xf32>,
    }
    %scan3A_6 = arith.constant 40 : i32
    %lt3A = arith.constant 10 : i32
    %lt3A_7 = arith.cmpi slt, %arg1, %lt3A : i32
    %convert_element_type3A = arith.extui %lt3A_7 : i1 to i32
    %cond3A = arith.constant 0 : i32
    %cond3A_8 = arith.cmpi ne, %convert_element_type3A, %cond3A : i32
    scf.if %cond3A_8 {
      %mul3A_76 = arith.constant 1000 : i32
      %mul3A_77 = arith.muli %arg1, %mul3A_76 : i32
      %add3A_78 = arith.constant 0 : i32
      %add3A_79 = arith.addi %mul3A_77, %add3A_78 : i32
      "tpu.region"() ({
        %run_scoped3A_176 = tpu.sem_alloc : memref<!tpu.dma_semaphore, #tpu.memory_space<semaphore_mem>>
        %dma_start3A_177 = arith.constant 0 : i32
        %dma_start3A_178 = tpu.memref_slice %arg14[%add3A_79, %dma_start3A_177] : memref<10008x128xf32, #tpu.memory_space<vmem_shared>> -> memref<40x128xf32, #tpu.memory_space<vmem_shared>>
        %dma_start3A_179 = arith.constant 0 : i32
        %dma_start3A_180 = tpu.memref_slice %arg14[%add3A_79, %dma_start3A_179] : memref<10008x128xf32, #tpu.memory_space<vmem_shared>> -> memref<40x128xf32, #tpu.memory_space<vmem_shared>>
        tpu.enqueue_dma source(%arg13 : memref<40x128xf32, #tpu.memory_space<vmem>>) target(%dma_start3A_180 : memref<40x128xf32, #tpu.memory_space<vmem_shared>>) target_semaphore(%run_scoped3A_176 : memref<!tpu.dma_semaphore, #tpu.memory_space<semaphore_mem>>)
        %dma_wait3A_181 = arith.constant 0 : i32
        %dma_wait3A_182 = tpu.memref_slice %arg14[%add3A_79, %dma_wait3A_181] : memref<10008x128xf32, #tpu.memory_space<vmem_shared>> -> memref<40x128xf32, #tpu.memory_space<vmem_shared>>
        %dma_wait3A_183 = arith.constant 0 : i32
        %dma_wait3A_184 = tpu.memref_slice %arg14[%add3A_79, %dma_wait3A_183] : memref<10008x128xf32, #tpu.memory_space<vmem_shared>> -> memref<40x128xf32, #tpu.memory_space<vmem_shared>>
        tpu.wait_dma2 semaphore(%run_scoped3A_176 : memref<!tpu.dma_semaphore, #tpu.memory_space<semaphore_mem>>) src(%arg13 : memref<40x128xf32, #tpu.memory_space<vmem>>) dst(%dma_wait3A_184 : memref<40x128xf32, #tpu.memory_space<vmem_shared>>)
        tpu.yield
      }) : () -> ()
      %mul3A_80 = arith.constant 1000 : i32
      %mul3A_81 = arith.muli %arg1, %mul3A_80 : i32
      %add3A_82 = arith.constant 40 : i32
      %add3A_83 = arith.addi %mul3A_81, %add3A_82 : i32
      "tpu.region"() ({
        %run_scoped3A_176 = tpu.sem_alloc : memref<!tpu.dma_semaphore, #tpu.memory_space<semaphore_mem>>
        %dma_start3A_177 = arith.constant 0 : i32
        %dma_start3A_178 = tpu.memref_slice %arg14[%add3A_83, %dma_start3A_177] : memref<10008x128xf32, #tpu.memory_space<vmem_shared>> -> memref<40x128xf32, #tpu.memory_space<vmem_shared>>
        %dma_start3A_179 = arith.constant 0 : i32
        %dma_start3A_180 = tpu.memref_slice %arg14[%add3A_83, %dma_start3A_179] : memref<10008x128xf32, #tpu.memory_space<vmem_shared>> -> memref<40x128xf32, #tpu.memory_space<vmem_shared>>
        tpu.enqueue_dma source(%arg13 : memref<40x128xf32, #tpu.memory_space<vmem>>) target(%dma_start3A_180 : memref<40x128xf32, #tpu.memory_space<vmem_shared>>) target_semaphore(%run_scoped3A_176 : memref<!tpu.dma_semaphore, #tpu.memory_space<semaphore_mem>>)
        %dma_wait3A_181 = arith.constant 0 : i32
        %dma_wait3A_182 = tpu.memref_slice %arg14[%add3A_83, %dma_wait3A_181] : memref<10008x128xf32, #tpu.memory_space<vmem_shared>> -> memref<40x128xf32, #tpu.memory_space<vmem_shared>>
        %dma_wait3A_183 = arith.constant 0 : i32
        %dma_wait3A_184 = tpu.memref_slice %arg14[%add3A_83, %dma_wait3A_183] : memref<10008x128xf32, #tpu.memory_space<vmem_shared>> -> memref<40x128xf32, #tpu.memory_space<vmem_shared>>
        tpu.wait_dma2 semaphore(%run_scoped3A_176 : memref<!tpu.dma_semaphore, #tpu.memory_space<semaphore_mem>>) src(%arg13 : memref<40x128xf32, #tpu.memory_space<vmem>>) dst(%dma_wait3A_184 : memref<40x128xf32, #tpu.memory_space<vmem_shared>>)
        tpu.yield
      }) : () -> ()
      %mul3A_84 = arith.constant 1000 : i32
      %mul3A_85 = arith.muli %arg1, %mul3A_84 : i32
      %add3A_86 = arith.constant 80 : i32
      %add3A_87 = arith.addi %mul3A_85, %add3A_86 : i32
      "tpu.region"() ({
        %run_scoped3A_176 = tpu.sem_alloc : memref<!tpu.dma_semaphore, #tpu.memory_space<semaphore_mem>>
        %dma_start3A_177 = arith.constant 0 : i32
        %dma_start3A_178 = tpu.memref_slice %arg14[%add3A_87, %dma_start3A_177] : memref<10008x128xf32, #tpu.memory_space<vmem_shared>> -> memref<40x128xf32, #tpu.memory_space<vmem_shared>>
        %dma_start3A_179 = arith.constant 0 : i32
        %dma_start3A_180 = tpu.memref_slice %arg14[%add3A_87, %dma_start3A_179] : memref<10008x128xf32, #tpu.memory_space<vmem_shared>> -> memref<40x128xf32, #tpu.memory_space<vmem_shared>>
        tpu.enqueue_dma source(%arg13 : memref<40x128xf32, #tpu.memory_space<vmem>>) target(%dma_start3A_180 : memref<40x128xf32, #tpu.memory_space<vmem_shared>>) target_semaphore(%run_scoped3A_176 : memref<!tpu.dma_semaphore, #tpu.memory_space<semaphore_mem>>)
        %dma_wait3A_181 = arith.constant 0 : i32
        %dma_wait3A_182 = tpu.memref_slice %arg14[%add3A_87, %dma_wait3A_181] : memref<10008x128xf32, #tpu.memory_space<vmem_shared>> -> memref<40x128xf32, #tpu.memory_space<vmem_shared>>
        %dma_wait3A_183 = arith.constant 0 : i32
        %dma_wait3A_184 = tpu.memref_slice %arg14[%add3A_87, %dma_wait3A_183] : memref<10008x128xf32, #tpu.memory_space<vmem_shared>> -> memref<40x128xf32, #tpu.memory_space<vmem_shared>>
        tpu.wait_dma2 semaphore(%run_scoped3A_176 : memref<!tpu.dma_semaphore, #tpu.memory_space<semaphore_mem>>) src(%arg13 : memref<40x128xf32, #tpu.memory_space<vmem>>) dst(%dma_wait3A_184 : memref<40x128xf32, #tpu.memory_space<vmem_shared>>)
        tpu.yield
      }) : () -> ()
      %mul3A_88 = arith.constant 1000 : i32
      %mul3A_89 = arith.muli %arg1, %mul3A_88 : i32
      %add3A_90 = arith.constant 120 : i32
      %add3A_91 = arith.addi %mul3A_89, %add3A_90 : i32
      "tpu.region"() ({
        %run_scoped3A_176 = tpu.sem_alloc : memref<!tpu.dma_semaphore, #tpu.memory_space<semaphore_mem>>
        %dma_start3A_177 = arith.constant 0 : i32
        %dma_start3A_178 = tpu.memref_slice %arg14[%add3A_91, %dma_start3A_177] : memref<10008x128xf32, #tpu.memory_space<vmem_shared>> -> memref<40x128xf32, #tpu.memory_space<vmem_shared>>
        %dma_start3A_179 = arith.constant 0 : i32
        %dma_start3A_180 = tpu.memref_slice %arg14[%add3A_91, %dma_start3A_179] : memref<10008x128xf32, #tpu.memory_space<vmem_shared>> -> memref<40x128xf32, #tpu.memory_space<vmem_shared>>
        tpu.enqueue_dma source(%arg13 : memref<40x128xf32, #tpu.memory_space<vmem>>) target(%dma_start3A_180 : memref<40x128xf32, #tpu.memory_space<vmem_shared>>) target_semaphore(%run_scoped3A_176 : memref<!tpu.dma_semaphore, #tpu.memory_space<semaphore_mem>>)
        %dma_wait3A_181 = arith.constant 0 : i32
        %dma_wait3A_182 = tpu.memref_slice %arg14[%add3A_91, %dma_wait3A_181] : memref<10008x128xf32, #tpu.memory_space<vmem_shared>> -> memref<40x128xf32, #tpu.memory_space<vmem_shared>>
        %dma_wait3A_183 = arith.constant 0 : i32
        %dma_wait3A_184 = tpu.memref_slice %arg14[%add3A_91, %dma_wait3A_183] : memref<10008x128xf32, #tpu.memory_space<vmem_shared>> -> memref<40x128xf32, #tpu.memory_space<vmem_shared>>
        tpu.wait_dma2 semaphore(%run_scoped3A_176 : memref<!tpu.dma_semaphore, #tpu.memory_space<semaphore_mem>>) src(%arg13 : memref<40x128xf32, #tpu.memory_space<vmem>>) dst(%dma_wait3A_184 : memref<40x128xf32, #tpu.memory_space<vmem_shared>>)
        tpu.yield
      }) : () -> ()
      %mul3A_92 = arith.constant 1000 : i32
      %mul3A_93 = arith.muli %arg1, %mul3A_92 : i32
      %add3A_94 = arith.constant 160 : i32
      %add3A_95 = arith.addi %mul3A_93, %add3A_94 : i32
      "tpu.region"() ({
        %run_scoped3A_176 = tpu.sem_alloc : memref<!tpu.dma_semaphore, #tpu.memory_space<semaphore_mem>>
        %dma_start3A_177 = arith.constant 0 : i32
        %dma_start3A_178 = tpu.memref_slice %arg14[%add3A_95, %dma_start3A_177] : memref<10008x128xf32, #tpu.memory_space<vmem_shared>> -> memref<40x128xf32, #tpu.memory_space<vmem_shared>>
        %dma_start3A_179 = arith.constant 0 : i32
        %dma_start3A_180 = tpu.memref_slice %arg14[%add3A_95, %dma_start3A_179] : memref<10008x128xf32, #tpu.memory_space<vmem_shared>> -> memref<40x128xf32, #tpu.memory_space<vmem_shared>>
        tpu.enqueue_dma source(%arg13 : memref<40x128xf32, #tpu.memory_space<vmem>>) target(%dma_start3A_180 : memref<40x128xf32, #tpu.memory_space<vmem_shared>>) target_semaphore(%run_scoped3A_176 : memref<!tpu.dma_semaphore, #tpu.memory_space<semaphore_mem>>)
        %dma_wait3A_181 = arith.constant 0 : i32
        %dma_wait3A_182 = tpu.memref_slice %arg14[%add3A_95, %dma_wait3A_181] : memref<10008x128xf32, #tpu.memory_space<vmem_shared>> -> memref<40x128xf32, #tpu.memory_space<vmem_shared>>
        %dma_wait3A_183 = arith.constant 0 : i32
        %dma_wait3A_184 = tpu.memref_slice %arg14[%add3A_95, %dma_wait3A_183] : memref<10008x128xf32, #tpu.memory_space<vmem_shared>> -> memref<40x128xf32, #tpu.memory_space<vmem_shared>>
        tpu.wait_dma2 semaphore(%run_scoped3A_176 : memref<!tpu.dma_semaphore, #tpu.memory_space<semaphore_mem>>) src(%arg13 : memref<40x128xf32, #tpu.memory_space<vmem>>) dst(%dma_wait3A_184 : memref<40x128xf32, #tpu.memory_space<vmem_shared>>)
        tpu.yield
      }) : () -> ()
      %mul3A_96 = arith.constant 1000 : i32
      %mul3A_97 = arith.muli %arg1, %mul3A_96 : i32
      %add3A_98 = arith.constant 200 : i32
      %add3A_99 = arith.addi %mul3A_97, %add3A_98 : i32
      "tpu.region"() ({
        %run_scoped3A_176 = tpu.sem_alloc : memref<!tpu.dma_semaphore, #tpu.memory_space<semaphore_mem>>
        %dma_start3A_177 = arith.constant 0 : i32
        %dma_start3A_178 = tpu.memref_slice %arg14[%add3A_99, %dma_start3A_177] : memref<10008x128xf32, #tpu.memory_space<vmem_shared>> -> memref<40x128xf32, #tpu.memory_space<vmem_shared>>
        %dma_start3A_179 = arith.constant 0 : i32
        %dma_start3A_180 = tpu.memref_slice %arg14[%add3A_99, %dma_start3A_179] : memref<10008x128xf32, #tpu.memory_space<vmem_shared>> -> memref<40x128xf32, #tpu.memory_space<vmem_shared>>
        tpu.enqueue_dma source(%arg13 : memref<40x128xf32, #tpu.memory_space<vmem>>) target(%dma_start3A_180 : memref<40x128xf32, #tpu.memory_space<vmem_shared>>) target_semaphore(%run_scoped3A_176 : memref<!tpu.dma_semaphore, #tpu.memory_space<semaphore_mem>>)
        %dma_wait3A_181 = arith.constant 0 : i32
        %dma_wait3A_182 = tpu.memref_slice %arg14[%add3A_99, %dma_wait3A_181] : memref<10008x128xf32, #tpu.memory_space<vmem_shared>> -> memref<40x128xf32, #tpu.memory_space<vmem_shared>>
        %dma_wait3A_183 = arith.constant 0 : i32
        %dma_wait3A_184 = tpu.memref_slice %arg14[%add3A_99, %dma_wait3A_183] : memref<10008x128xf32, #tpu.memory_space<vmem_shared>> -> memref<40x128xf32, #tpu.memory_space<vmem_shared>>
        tpu.wait_dma2 semaphore(%run_scoped3A_176 : memref<!tpu.dma_semaphore, #tpu.memory_space<semaphore_mem>>) src(%arg13 : memref<40x128xf32, #tpu.memory_space<vmem>>) dst(%dma_wait3A_184 : memref<40x128xf32, #tpu.memory_space<vmem_shared>>)
        tpu.yield
      }) : () -> ()
      %mul3A_100 = arith.constant 1000 : i32
      %mul3A_101 = arith.muli %arg1, %mul3A_100 : i32
      %add3A_102 = arith.constant 240 : i32
      %add3A_103 = arith.addi %mul3A_101, %add3A_102 : i32
      "tpu.region"() ({
        %run_scoped3A_176 = tpu.sem_alloc : memref<!tpu.dma_semaphore, #tpu.memory_space<semaphore_mem>>
        %dma_start3A_177 = arith.constant 0 : i32
        %dma_start3A_178 = tpu.memref_slice %arg14[%add3A_103, %dma_start3A_177] : memref<10008x128xf32, #tpu.memory_space<vmem_shared>> -> memref<40x128xf32, #tpu.memory_space<vmem_shared>>
        %dma_start3A_179 = arith.constant 0 : i32
        %dma_start3A_180 = tpu.memref_slice %arg14[%add3A_103, %dma_start3A_179] : memref<10008x128xf32, #tpu.memory_space<vmem_shared>> -> memref<40x128xf32, #tpu.memory_space<vmem_shared>>
        tpu.enqueue_dma source(%arg13 : memref<40x128xf32, #tpu.memory_space<vmem>>) target(%dma_start3A_180 : memref<40x128xf32, #tpu.memory_space<vmem_shared>>) target_semaphore(%run_scoped3A_176 : memref<!tpu.dma_semaphore, #tpu.memory_space<semaphore_mem>>)
        %dma_wait3A_181 = arith.constant 0 : i32
        %dma_wait3A_182 = tpu.memref_slice %arg14[%add3A_103, %dma_wait3A_181] : memref<10008x128xf32, #tpu.memory_space<vmem_shared>> -> memref<40x128xf32, #tpu.memory_space<vmem_shared>>
        %dma_wait3A_183 = arith.constant 0 : i32
        %dma_wait3A_184 = tpu.memref_slice %arg14[%add3A_103, %dma_wait3A_183] : memref<10008x128xf32, #tpu.memory_space<vmem_shared>> -> memref<40x128xf32, #tpu.memory_space<vmem_shared>>
        tpu.wait_dma2 semaphore(%run_scoped3A_176 : memref<!tpu.dma_semaphore, #tpu.memory_space<semaphore_mem>>) src(%arg13 : memref<40x128xf32, #tpu.memory_space<vmem>>) dst(%dma_wait3A_184 : memref<40x128xf32, #tpu.memory_space<vmem_shared>>)
        tpu.yield
      }) : () -> ()
      %mul3A_104 = arith.constant 1000 : i32
      %mul3A_105 = arith.muli %arg1, %mul3A_104 : i32
      %add3A_106 = arith.constant 280 : i32
      %add3A_107 = arith.addi %mul3A_105, %add3A_106 : i32
      "tpu.region"() ({
        %run_scoped3A_176 = tpu.sem_alloc : memref<!tpu.dma_semaphore, #tpu.memory_space<semaphore_mem>>
        %dma_start3A_177 = arith.constant 0 : i32
        %dma_start3A_178 = tpu.memref_slice %arg14[%add3A_107, %dma_start3A_177] : memref<10008x128xf32, #tpu.memory_space<vmem_shared>> -> memref<40x128xf32, #tpu.memory_space<vmem_shared>>
        %dma_start3A_179 = arith.constant 0 : i32
        %dma_start3A_180 = tpu.memref_slice %arg14[%add3A_107, %dma_start3A_179] : memref<10008x128xf32, #tpu.memory_space<vmem_shared>> -> memref<40x128xf32, #tpu.memory_space<vmem_shared>>
        tpu.enqueue_dma source(%arg13 : memref<40x128xf32, #tpu.memory_space<vmem>>) target(%dma_start3A_180 : memref<40x128xf32, #tpu.memory_space<vmem_shared>>) target_semaphore(%run_scoped3A_176 : memref<!tpu.dma_semaphore, #tpu.memory_space<semaphore_mem>>)
        %dma_wait3A_181 = arith.constant 0 : i32
        %dma_wait3A_182 = tpu.memref_slice %arg14[%add3A_107, %dma_wait3A_181] : memref<10008x128xf32, #tpu.memory_space<vmem_shared>> -> memref<40x128xf32, #tpu.memory_space<vmem_shared>>
        %dma_wait3A_183 = arith.constant 0 : i32
        %dma_wait3A_184 = tpu.memref_slice %arg14[%add3A_107, %dma_wait3A_183] : memref<10008x128xf32, #tpu.memory_space<vmem_shared>> -> memref<40x128xf32, #tpu.memory_space<vmem_shared>>
        tpu.wait_dma2 semaphore(%run_scoped3A_176 : memref<!tpu.dma_semaphore, #tpu.memory_space<semaphore_mem>>) src(%arg13 : memref<40x128xf32, #tpu.memory_space<vmem>>) dst(%dma_wait3A_184 : memref<40x128xf32, #tpu.memory_space<vmem_shared>>)
        tpu.yield
      }) : () -> ()
      %mul3A_108 = arith.constant 1000 : i32
      %mul3A_109 = arith.muli %arg1, %mul3A_108 : i32
      %add3A_110 = arith.constant 320 : i32
      %add3A_111 = arith.addi %mul3A_109, %add3A_110 : i32
      "tpu.region"() ({
        %run_scoped3A_176 = tpu.sem_alloc : memref<!tpu.dma_semaphore, #tpu.memory_space<semaphore_mem>>
        %dma_start3A_177 = arith.constant 0 : i32
        %dma_start3A_178 = tpu.memref_slice %arg14[%add3A_111, %dma_start3A_177] : memref<10008x128xf32, #tpu.memory_space<vmem_shared>> -> memref<40x128xf32, #tpu.memory_space<vmem_shared>>
        %dma_start3A_179 = arith.constant 0 : i32
        %dma_start3A_180 = tpu.memref_slice %arg14[%add3A_111, %dma_start3A_179] : memref<10008x128xf32, #tpu.memory_space<vmem_shared>> -> memref<40x128xf32, #tpu.memory_space<vmem_shared>>
        tpu.enqueue_dma source(%arg13 : memref<40x128xf32, #tpu.memory_space<vmem>>) target(%dma_start3A_180 : memref<40x128xf32, #tpu.memory_space<vmem_shared>>) target_semaphore(%run_scoped3A_176 : memref<!tpu.dma_semaphore, #tpu.memory_space<semaphore_mem>>)
        %dma_wait3A_181 = arith.constant 0 : i32
        %dma_wait3A_182 = tpu.memref_slice %arg14[%add3A_111, %dma_wait3A_181] : memref<10008x128xf32, #tpu.memory_space<vmem_shared>> -> memref<40x128xf32, #tpu.memory_space<vmem_shared>>
        %dma_wait3A_183 = arith.constant 0 : i32
        %dma_wait3A_184 = tpu.memref_slice %arg14[%add3A_111, %dma_wait3A_183] : memref<10008x128xf32, #tpu.memory_space<vmem_shared>> -> memref<40x128xf32, #tpu.memory_space<vmem_shared>>
        tpu.wait_dma2 semaphore(%run_scoped3A_176 : memref<!tpu.dma_semaphore, #tpu.memory_space<semaphore_mem>>) src(%arg13 : memref<40x128xf32, #tpu.memory_space<vmem>>) dst(%dma_wait3A_184 : memref<40x128xf32, #tpu.memory_space<vmem_shared>>)
        tpu.yield
      }) : () -> ()
      %mul3A_112 = arith.constant 1000 : i32
      %mul3A_113 = arith.muli %arg1, %mul3A_112 : i32
      %add3A_114 = arith.constant 360 : i32
      %add3A_115 = arith.addi %mul3A_113, %add3A_114 : i32
      "tpu.region"() ({
        %run_scoped3A_176 = tpu.sem_alloc : memref<!tpu.dma_semaphore, #tpu.memory_space<semaphore_mem>>
        %dma_start3A_177 = arith.constant 0 : i32
        %dma_start3A_178 = tpu.memref_slice %arg14[%add3A_115, %dma_start3A_177] : memref<10008x128xf32, #tpu.memory_space<vmem_shared>> -> memref<40x128xf32, #tpu.memory_space<vmem_shared>>
        %dma_start3A_179 = arith.constant 0 : i32
        %dma_start3A_180 = tpu.memref_slice %arg14[%add3A_115, %dma_start3A_179] : memref<10008x128xf32, #tpu.memory_space<vmem_shared>> -> memref<40x128xf32, #tpu.memory_space<vmem_shared>>
        tpu.enqueue_dma source(%arg13 : memref<40x128xf32, #tpu.memory_space<vmem>>) target(%dma_start3A_180 : memref<40x128xf32, #tpu.memory_space<vmem_shared>>) target_semaphore(%run_scoped3A_176 : memref<!tpu.dma_semaphore, #tpu.memory_space<semaphore_mem>>)
        %dma_wait3A_181 = arith.constant 0 : i32
        %dma_wait3A_182 = tpu.memref_slice %arg14[%add3A_115, %dma_wait3A_181] : memref<10008x128xf32, #tpu.memory_space<vmem_shared>> -> memref<40x128xf32, #tpu.memory_space<vmem_shared>>
        %dma_wait3A_183 = arith.constant 0 : i32
        %dma_wait3A_184 = tpu.memref_slice %arg14[%add3A_115, %dma_wait3A_183] : memref<10008x128xf32, #tpu.memory_space<vmem_shared>> -> memref<40x128xf32, #tpu.memory_space<vmem_shared>>
        tpu.wait_dma2 semaphore(%run_scoped3A_176 : memref<!tpu.dma_semaphore, #tpu.memory_space<semaphore_mem>>) src(%arg13 : memref<40x128xf32, #tpu.memory_space<vmem>>) dst(%dma_wait3A_184 : memref<40x128xf32, #tpu.memory_space<vmem_shared>>)
        tpu.yield
      }) : () -> ()
      %mul3A_116 = arith.constant 1000 : i32
      %mul3A_117 = arith.muli %arg1, %mul3A_116 : i32
      %add3A_118 = arith.constant 400 : i32
      %add3A_119 = arith.addi %mul3A_117, %add3A_118 : i32
      "tpu.region"() ({
        %run_scoped3A_176 = tpu.sem_alloc : memref<!tpu.dma_semaphore, #tpu.memory_space<semaphore_mem>>
        %dma_start3A_177 = arith.constant 0 : i32
        %dma_start3A_178 = tpu.memref_slice %arg14[%add3A_119, %dma_start3A_177] : memref<10008x128xf32, #tpu.memory_space<vmem_shared>> -> memref<40x128xf32, #tpu.memory_space<vmem_shared>>
        %dma_start3A_179 = arith.constant 0 : i32
        %dma_start3A_180 = tpu.memref_slice %arg14[%add3A_119, %dma_start3A_179] : memref<10008x128xf32, #tpu.memory_space<vmem_shared>> -> memref<40x128xf32, #tpu.memory_space<vmem_shared>>
        tpu.enqueue_dma source(%arg13 : memref<40x128xf32, #tpu.memory_space<vmem>>) target(%dma_start3A_180 : memref<40x128xf32, #tpu.memory_space<vmem_shared>>) target_semaphore(%run_scoped3A_176 : memref<!tpu.dma_semaphore, #tpu.memory_space<semaphore_mem>>)
        %dma_wait3A_181 = arith.constant 0 : i32
        %dma_wait3A_182 = tpu.memref_slice %arg14[%add3A_119, %dma_wait3A_181] : memref<10008x128xf32, #tpu.memory_space<vmem_shared>> -> memref<40x128xf32, #tpu.memory_space<vmem_shared>>
        %dma_wait3A_183 = arith.constant 0 : i32
        %dma_wait3A_184 = tpu.memref_slice %arg14[%add3A_119, %dma_wait3A_183] : memref<10008x128xf32, #tpu.memory_space<vmem_shared>> -> memref<40x128xf32, #tpu.memory_space<vmem_shared>>
        tpu.wait_dma2 semaphore(%run_scoped3A_176 : memref<!tpu.dma_semaphore, #tpu.memory_space<semaphore_mem>>) src(%arg13 : memref<40x128xf32, #tpu.memory_space<vmem>>) dst(%dma_wait3A_184 : memref<40x128xf32, #tpu.memory_space<vmem_shared>>)
        tpu.yield
      }) : () -> ()
      %mul3A_120 = arith.constant 1000 : i32
      %mul3A_121 = arith.muli %arg1, %mul3A_120 : i32
      %add3A_122 = arith.constant 440 : i32
      %add3A_123 = arith.addi %mul3A_121, %add3A_122 : i32
      "tpu.region"() ({
        %run_scoped3A_176 = tpu.sem_alloc : memref<!tpu.dma_semaphore, #tpu.memory_space<semaphore_mem>>
        %dma_start3A_177 = arith.constant 0 : i32
        %dma_start3A_178 = tpu.memref_slice %arg14[%add3A_123, %dma_start3A_177] : memref<10008x128xf32, #tpu.memory_space<vmem_shared>> -> memref<40x128xf32, #tpu.memory_space<vmem_shared>>
        %dma_start3A_179 = arith.constant 0 : i32
        %dma_start3A_180 = tpu.memref_slice %arg14[%add3A_123, %dma_start3A_179] : memref<10008x128xf32, #tpu.memory_space<vmem_shared>> -> memref<40x128xf32, #tpu.memory_space<vmem_shared>>
        tpu.enqueue_dma source(%arg13 : memref<40x128xf32, #tpu.memory_space<vmem>>) target(%dma_start3A_180 : memref<40x128xf32, #tpu.memory_space<vmem_shared>>) target_semaphore(%run_scoped3A_176 : memref<!tpu.dma_semaphore, #tpu.memory_space<semaphore_mem>>)
        %dma_wait3A_181 = arith.constant 0 : i32
        %dma_wait3A_182 = tpu.memref_slice %arg14[%add3A_123, %dma_wait3A_181] : memref<10008x128xf32, #tpu.memory_space<vmem_shared>> -> memref<40x128xf32, #tpu.memory_space<vmem_shared>>
        %dma_wait3A_183 = arith.constant 0 : i32
        %dma_wait3A_184 = tpu.memref_slice %arg14[%add3A_123, %dma_wait3A_183] : memref<10008x128xf32, #tpu.memory_space<vmem_shared>> -> memref<40x128xf32, #tpu.memory_space<vmem_shared>>
        tpu.wait_dma2 semaphore(%run_scoped3A_176 : memref<!tpu.dma_semaphore, #tpu.memory_space<semaphore_mem>>) src(%arg13 : memref<40x128xf32, #tpu.memory_space<vmem>>) dst(%dma_wait3A_184 : memref<40x128xf32, #tpu.memory_space<vmem_shared>>)
        tpu.yield
      }) : () -> ()
      %mul3A_124 = arith.constant 1000 : i32
      %mul3A_125 = arith.muli %arg1, %mul3A_124 : i32
      %add3A_126 = arith.constant 480 : i32
      %add3A_127 = arith.addi %mul3A_125, %add3A_126 : i32
      "tpu.region"() ({
        %run_scoped3A_176 = tpu.sem_alloc : memref<!tpu.dma_semaphore, #tpu.memory_space<semaphore_mem>>
        %dma_start3A_177 = arith.constant 0 : i32
        %dma_start3A_178 = tpu.memref_slice %arg14[%add3A_127, %dma_start3A_177] : memref<10008x128xf32, #tpu.memory_space<vmem_shared>> -> memref<40x128xf32, #tpu.memory_space<vmem_shared>>
        %dma_start3A_179 = arith.constant 0 : i32
        %dma_start3A_180 = tpu.memref_slice %arg14[%add3A_127, %dma_start3A_179] : memref<10008x128xf32, #tpu.memory_space<vmem_shared>> -> memref<40x128xf32, #tpu.memory_space<vmem_shared>>
        tpu.enqueue_dma source(%arg13 : memref<40x128xf32, #tpu.memory_space<vmem>>) target(%dma_start3A_180 : memref<40x128xf32, #tpu.memory_space<vmem_shared>>) target_semaphore(%run_scoped3A_176 : memref<!tpu.dma_semaphore, #tpu.memory_space<semaphore_mem>>)
        %dma_wait3A_181 = arith.constant 0 : i32
        %dma_wait3A_182 = tpu.memref_slice %arg14[%add3A_127, %dma_wait3A_181] : memref<10008x128xf32, #tpu.memory_space<vmem_shared>> -> memref<40x128xf32, #tpu.memory_space<vmem_shared>>
        %dma_wait3A_183 = arith.constant 0 : i32
        %dma_wait3A_184 = tpu.memref_slice %arg14[%add3A_127, %dma_wait3A_183] : memref<10008x128xf32, #tpu.memory_space<vmem_shared>> -> memref<40x128xf32, #tpu.memory_space<vmem_shared>>
        tpu.wait_dma2 semaphore(%run_scoped3A_176 : memref<!tpu.dma_semaphore, #tpu.memory_space<semaphore_mem>>) src(%arg13 : memref<40x128xf32, #tpu.memory_space<vmem>>) dst(%dma_wait3A_184 : memref<40x128xf32, #tpu.memory_space<vmem_shared>>)
        tpu.yield
      }) : () -> ()
      %mul3A_128 = arith.constant 1000 : i32
      %mul3A_129 = arith.muli %arg1, %mul3A_128 : i32
      %add3A_130 = arith.constant 520 : i32
      %add3A_131 = arith.addi %mul3A_129, %add3A_130 : i32
      "tpu.region"() ({
        %run_scoped3A_176 = tpu.sem_alloc : memref<!tpu.dma_semaphore, #tpu.memory_space<semaphore_mem>>
        %dma_start3A_177 = arith.constant 0 : i32
        %dma_start3A_178 = tpu.memref_slice %arg14[%add3A_131, %dma_start3A_177] : memref<10008x128xf32, #tpu.memory_space<vmem_shared>> -> memref<40x128xf32, #tpu.memory_space<vmem_shared>>
        %dma_start3A_179 = arith.constant 0 : i32
        %dma_start3A_180 = tpu.memref_slice %arg14[%add3A_131, %dma_start3A_179] : memref<10008x128xf32, #tpu.memory_space<vmem_shared>> -> memref<40x128xf32, #tpu.memory_space<vmem_shared>>
        tpu.enqueue_dma source(%arg13 : memref<40x128xf32, #tpu.memory_space<vmem>>) target(%dma_start3A_180 : memref<40x128xf32, #tpu.memory_space<vmem_shared>>) target_semaphore(%run_scoped3A_176 : memref<!tpu.dma_semaphore, #tpu.memory_space<semaphore_mem>>)
        %dma_wait3A_181 = arith.constant 0 : i32
        %dma_wait3A_182 = tpu.memref_slice %arg14[%add3A_131, %dma_wait3A_181] : memref<10008x128xf32, #tpu.memory_space<vmem_shared>> -> memref<40x128xf32, #tpu.memory_space<vmem_shared>>
        %dma_wait3A_183 = arith.constant 0 : i32
        %dma_wait3A_184 = tpu.memref_slice %arg14[%add3A_131, %dma_wait3A_183] : memref<10008x128xf32, #tpu.memory_space<vmem_shared>> -> memref<40x128xf32, #tpu.memory_space<vmem_shared>>
        tpu.wait_dma2 semaphore(%run_scoped3A_176 : memref<!tpu.dma_semaphore, #tpu.memory_space<semaphore_mem>>) src(%arg13 : memref<40x128xf32, #tpu.memory_space<vmem>>) dst(%dma_wait3A_184 : memref<40x128xf32, #tpu.memory_space<vmem_shared>>)
        tpu.yield
      }) : () -> ()
      %mul3A_132 = arith.constant 1000 : i32
      %mul3A_133 = arith.muli %arg1, %mul3A_132 : i32
      %add3A_134 = arith.constant 560 : i32
      %add3A_135 = arith.addi %mul3A_133, %add3A_134 : i32
      "tpu.region"() ({
        %run_scoped3A_176 = tpu.sem_alloc : memref<!tpu.dma_semaphore, #tpu.memory_space<semaphore_mem>>
        %dma_start3A_177 = arith.constant 0 : i32
        %dma_start3A_178 = tpu.memref_slice %arg14[%add3A_135, %dma_start3A_177] : memref<10008x128xf32, #tpu.memory_space<vmem_shared>> -> memref<40x128xf32, #tpu.memory_space<vmem_shared>>
        %dma_start3A_179 = arith.constant 0 : i32
        %dma_start3A_180 = tpu.memref_slice %arg14[%add3A_135, %dma_start3A_179] : memref<10008x128xf32, #tpu.memory_space<vmem_shared>> -> memref<40x128xf32, #tpu.memory_space<vmem_shared>>
        tpu.enqueue_dma source(%arg13 : memref<40x128xf32, #tpu.memory_space<vmem>>) target(%dma_start3A_180 : memref<40x128xf32, #tpu.memory_space<vmem_shared>>) target_semaphore(%run_scoped3A_176 : memref<!tpu.dma_semaphore, #tpu.memory_space<semaphore_mem>>)
        %dma_wait3A_181 = arith.constant 0 : i32
        %dma_wait3A_182 = tpu.memref_slice %arg14[%add3A_135, %dma_wait3A_181] : memref<10008x128xf32, #tpu.memory_space<vmem_shared>> -> memref<40x128xf32, #tpu.memory_space<vmem_shared>>
        %dma_wait3A_183 = arith.constant 0 : i32
        %dma_wait3A_184 = tpu.memref_slice %arg14[%add3A_135, %dma_wait3A_183] : memref<10008x128xf32, #tpu.memory_space<vmem_shared>> -> memref<40x128xf32, #tpu.memory_space<vmem_shared>>
        tpu.wait_dma2 semaphore(%run_scoped3A_176 : memref<!tpu.dma_semaphore, #tpu.memory_space<semaphore_mem>>) src(%arg13 : memref<40x128xf32, #tpu.memory_space<vmem>>) dst(%dma_wait3A_184 : memref<40x128xf32, #tpu.memory_space<vmem_shared>>)
        tpu.yield
      }) : () -> ()
      %mul3A_136 = arith.constant 1000 : i32
      %mul3A_137 = arith.muli %arg1, %mul3A_136 : i32
      %add3A_138 = arith.constant 600 : i32
      %add3A_139 = arith.addi %mul3A_137, %add3A_138 : i32
      "tpu.region"() ({
        %run_scoped3A_176 = tpu.sem_alloc : memref<!tpu.dma_semaphore, #tpu.memory_space<semaphore_mem>>
        %dma_start3A_177 = arith.constant 0 : i32
        %dma_start3A_178 = tpu.memref_slice %arg14[%add3A_139, %dma_start3A_177] : memref<10008x128xf32, #tpu.memory_space<vmem_shared>> -> memref<40x128xf32, #tpu.memory_space<vmem_shared>>
        %dma_start3A_179 = arith.constant 0 : i32
        %dma_start3A_180 = tpu.memref_slice %arg14[%add3A_139, %dma_start3A_179] : memref<10008x128xf32, #tpu.memory_space<vmem_shared>> -> memref<40x128xf32, #tpu.memory_space<vmem_shared>>
        tpu.enqueue_dma source(%arg13 : memref<40x128xf32, #tpu.memory_space<vmem>>) target(%dma_start3A_180 : memref<40x128xf32, #tpu.memory_space<vmem_shared>>) target_semaphore(%run_scoped3A_176 : memref<!tpu.dma_semaphore, #tpu.memory_space<semaphore_mem>>)
        %dma_wait3A_181 = arith.constant 0 : i32
        %dma_wait3A_182 = tpu.memref_slice %arg14[%add3A_139, %dma_wait3A_181] : memref<10008x128xf32, #tpu.memory_space<vmem_shared>> -> memref<40x128xf32, #tpu.memory_space<vmem_shared>>
        %dma_wait3A_183 = arith.constant 0 : i32
        %dma_wait3A_184 = tpu.memref_slice %arg14[%add3A_139, %dma_wait3A_183] : memref<10008x128xf32, #tpu.memory_space<vmem_shared>> -> memref<40x128xf32, #tpu.memory_space<vmem_shared>>
        tpu.wait_dma2 semaphore(%run_scoped3A_176 : memref<!tpu.dma_semaphore, #tpu.memory_space<semaphore_mem>>) src(%arg13 : memref<40x128xf32, #tpu.memory_space<vmem>>) dst(%dma_wait3A_184 : memref<40x128xf32, #tpu.memory_space<vmem_shared>>)
        tpu.yield
      }) : () -> ()
      %mul3A_140 = arith.constant 1000 : i32
      %mul3A_141 = arith.muli %arg1, %mul3A_140 : i32
      %add3A_142 = arith.constant 640 : i32
      %add3A_143 = arith.addi %mul3A_141, %add3A_142 : i32
      "tpu.region"() ({
        %run_scoped3A_176 = tpu.sem_alloc : memref<!tpu.dma_semaphore, #tpu.memory_space<semaphore_mem>>
        %dma_start3A_177 = arith.constant 0 : i32
        %dma_start3A_178 = tpu.memref_slice %arg14[%add3A_143, %dma_start3A_177] : memref<10008x128xf32, #tpu.memory_space<vmem_shared>> -> memref<40x128xf32, #tpu.memory_space<vmem_shared>>
        %dma_start3A_179 = arith.constant 0 : i32
        %dma_start3A_180 = tpu.memref_slice %arg14[%add3A_143, %dma_start3A_179] : memref<10008x128xf32, #tpu.memory_space<vmem_shared>> -> memref<40x128xf32, #tpu.memory_space<vmem_shared>>
        tpu.enqueue_dma source(%arg13 : memref<40x128xf32, #tpu.memory_space<vmem>>) target(%dma_start3A_180 : memref<40x128xf32, #tpu.memory_space<vmem_shared>>) target_semaphore(%run_scoped3A_176 : memref<!tpu.dma_semaphore, #tpu.memory_space<semaphore_mem>>)
        %dma_wait3A_181 = arith.constant 0 : i32
        %dma_wait3A_182 = tpu.memref_slice %arg14[%add3A_143, %dma_wait3A_181] : memref<10008x128xf32, #tpu.memory_space<vmem_shared>> -> memref<40x128xf32, #tpu.memory_space<vmem_shared>>
        %dma_wait3A_183 = arith.constant 0 : i32
        %dma_wait3A_184 = tpu.memref_slice %arg14[%add3A_143, %dma_wait3A_183] : memref<10008x128xf32, #tpu.memory_space<vmem_shared>> -> memref<40x128xf32, #tpu.memory_space<vmem_shared>>
        tpu.wait_dma2 semaphore(%run_scoped3A_176 : memref<!tpu.dma_semaphore, #tpu.memory_space<semaphore_mem>>) src(%arg13 : memref<40x128xf32, #tpu.memory_space<vmem>>) dst(%dma_wait3A_184 : memref<40x128xf32, #tpu.memory_space<vmem_shared>>)
        tpu.yield
      }) : () -> ()
      %mul3A_144 = arith.constant 1000 : i32
      %mul3A_145 = arith.muli %arg1, %mul3A_144 : i32
      %add3A_146 = arith.constant 680 : i32
      %add3A_147 = arith.addi %mul3A_145, %add3A_146 : i32
      "tpu.region"() ({
        %run_scoped3A_176 = tpu.sem_alloc : memref<!tpu.dma_semaphore, #tpu.memory_space<semaphore_mem>>
        %dma_start3A_177 = arith.constant 0 : i32
        %dma_start3A_178 = tpu.memref_slice %arg14[%add3A_147, %dma_start3A_177] : memref<10008x128xf32, #tpu.memory_space<vmem_shared>> -> memref<40x128xf32, #tpu.memory_space<vmem_shared>>
        %dma_start3A_179 = arith.constant 0 : i32
        %dma_start3A_180 = tpu.memref_slice %arg14[%add3A_147, %dma_start3A_179] : memref<10008x128xf32, #tpu.memory_space<vmem_shared>> -> memref<40x128xf32, #tpu.memory_space<vmem_shared>>
        tpu.enqueue_dma source(%arg13 : memref<40x128xf32, #tpu.memory_space<vmem>>) target(%dma_start3A_180 : memref<40x128xf32, #tpu.memory_space<vmem_shared>>) target_semaphore(%run_scoped3A_176 : memref<!tpu.dma_semaphore, #tpu.memory_space<semaphore_mem>>)
        %dma_wait3A_181 = arith.constant 0 : i32
        %dma_wait3A_182 = tpu.memref_slice %arg14[%add3A_147, %dma_wait3A_181] : memref<10008x128xf32, #tpu.memory_space<vmem_shared>> -> memref<40x128xf32, #tpu.memory_space<vmem_shared>>
        %dma_wait3A_183 = arith.constant 0 : i32
        %dma_wait3A_184 = tpu.memref_slice %arg14[%add3A_147, %dma_wait3A_183] : memref<10008x128xf32, #tpu.memory_space<vmem_shared>> -> memref<40x128xf32, #tpu.memory_space<vmem_shared>>
        tpu.wait_dma2 semaphore(%run_scoped3A_176 : memref<!tpu.dma_semaphore, #tpu.memory_space<semaphore_mem>>) src(%arg13 : memref<40x128xf32, #tpu.memory_space<vmem>>) dst(%dma_wait3A_184 : memref<40x128xf32, #tpu.memory_space<vmem_shared>>)
        tpu.yield
      }) : () -> ()
      %mul3A_148 = arith.constant 1000 : i32
      %mul3A_149 = arith.muli %arg1, %mul3A_148 : i32
      %add3A_150 = arith.constant 720 : i32
      %add3A_151 = arith.addi %mul3A_149, %add3A_150 : i32
      "tpu.region"() ({
        %run_scoped3A_176 = tpu.sem_alloc : memref<!tpu.dma_semaphore, #tpu.memory_space<semaphore_mem>>
        %dma_start3A_177 = arith.constant 0 : i32
        %dma_start3A_178 = tpu.memref_slice %arg14[%add3A_151, %dma_start3A_177] : memref<10008x128xf32, #tpu.memory_space<vmem_shared>> -> memref<40x128xf32, #tpu.memory_space<vmem_shared>>
        %dma_start3A_179 = arith.constant 0 : i32
        %dma_start3A_180 = tpu.memref_slice %arg14[%add3A_151, %dma_start3A_179] : memref<10008x128xf32, #tpu.memory_space<vmem_shared>> -> memref<40x128xf32, #tpu.memory_space<vmem_shared>>
        tpu.enqueue_dma source(%arg13 : memref<40x128xf32, #tpu.memory_space<vmem>>) target(%dma_start3A_180 : memref<40x128xf32, #tpu.memory_space<vmem_shared>>) target_semaphore(%run_scoped3A_176 : memref<!tpu.dma_semaphore, #tpu.memory_space<semaphore_mem>>)
        %dma_wait3A_181 = arith.constant 0 : i32
        %dma_wait3A_182 = tpu.memref_slice %arg14[%add3A_151, %dma_wait3A_181] : memref<10008x128xf32, #tpu.memory_space<vmem_shared>> -> memref<40x128xf32, #tpu.memory_space<vmem_shared>>
        %dma_wait3A_183 = arith.constant 0 : i32
        %dma_wait3A_184 = tpu.memref_slice %arg14[%add3A_151, %dma_wait3A_183] : memref<10008x128xf32, #tpu.memory_space<vmem_shared>> -> memref<40x128xf32, #tpu.memory_space<vmem_shared>>
        tpu.wait_dma2 semaphore(%run_scoped3A_176 : memref<!tpu.dma_semaphore, #tpu.memory_space<semaphore_mem>>) src(%arg13 : memref<40x128xf32, #tpu.memory_space<vmem>>) dst(%dma_wait3A_184 : memref<40x128xf32, #tpu.memory_space<vmem_shared>>)
        tpu.yield
      }) : () -> ()
      %mul3A_152 = arith.constant 1000 : i32
      %mul3A_153 = arith.muli %arg1, %mul3A_152 : i32
      %add3A_154 = arith.constant 760 : i32
      %add3A_155 = arith.addi %mul3A_153, %add3A_154 : i32
      "tpu.region"() ({
        %run_scoped3A_176 = tpu.sem_alloc : memref<!tpu.dma_semaphore, #tpu.memory_space<semaphore_mem>>
        %dma_start3A_177 = arith.constant 0 : i32
        %dma_start3A_178 = tpu.memref_slice %arg14[%add3A_155, %dma_start3A_177] : memref<10008x128xf32, #tpu.memory_space<vmem_shared>> -> memref<40x128xf32, #tpu.memory_space<vmem_shared>>
        %dma_start3A_179 = arith.constant 0 : i32
        %dma_start3A_180 = tpu.memref_slice %arg14[%add3A_155, %dma_start3A_179] : memref<10008x128xf32, #tpu.memory_space<vmem_shared>> -> memref<40x128xf32, #tpu.memory_space<vmem_shared>>
        tpu.enqueue_dma source(%arg13 : memref<40x128xf32, #tpu.memory_space<vmem>>) target(%dma_start3A_180 : memref<40x128xf32, #tpu.memory_space<vmem_shared>>) target_semaphore(%run_scoped3A_176 : memref<!tpu.dma_semaphore, #tpu.memory_space<semaphore_mem>>)
        %dma_wait3A_181 = arith.constant 0 : i32
        %dma_wait3A_182 = tpu.memref_slice %arg14[%add3A_155, %dma_wait3A_181] : memref<10008x128xf32, #tpu.memory_space<vmem_shared>> -> memref<40x128xf32, #tpu.memory_space<vmem_shared>>
        %dma_wait3A_183 = arith.constant 0 : i32
        %dma_wait3A_184 = tpu.memref_slice %arg14[%add3A_155, %dma_wait3A_183] : memref<10008x128xf32, #tpu.memory_space<vmem_shared>> -> memref<40x128xf32, #tpu.memory_space<vmem_shared>>
        tpu.wait_dma2 semaphore(%run_scoped3A_176 : memref<!tpu.dma_semaphore, #tpu.memory_space<semaphore_mem>>) src(%arg13 : memref<40x128xf32, #tpu.memory_space<vmem>>) dst(%dma_wait3A_184 : memref<40x128xf32, #tpu.memory_space<vmem_shared>>)
        tpu.yield
      }) : () -> ()
      %mul3A_156 = arith.constant 1000 : i32
      %mul3A_157 = arith.muli %arg1, %mul3A_156 : i32
      %add3A_158 = arith.constant 800 : i32
      %add3A_159 = arith.addi %mul3A_157, %add3A_158 : i32
      "tpu.region"() ({
        %run_scoped3A_176 = tpu.sem_alloc : memref<!tpu.dma_semaphore, #tpu.memory_space<semaphore_mem>>
        %dma_start3A_177 = arith.constant 0 : i32
        %dma_start3A_178 = tpu.memref_slice %arg14[%add3A_159, %dma_start3A_177] : memref<10008x128xf32, #tpu.memory_space<vmem_shared>> -> memref<40x128xf32, #tpu.memory_space<vmem_shared>>
        %dma_start3A_179 = arith.constant 0 : i32
        %dma_start3A_180 = tpu.memref_slice %arg14[%add3A_159, %dma_start3A_179] : memref<10008x128xf32, #tpu.memory_space<vmem_shared>> -> memref<40x128xf32, #tpu.memory_space<vmem_shared>>
        tpu.enqueue_dma source(%arg13 : memref<40x128xf32, #tpu.memory_space<vmem>>) target(%dma_start3A_180 : memref<40x128xf32, #tpu.memory_space<vmem_shared>>) target_semaphore(%run_scoped3A_176 : memref<!tpu.dma_semaphore, #tpu.memory_space<semaphore_mem>>)
        %dma_wait3A_181 = arith.constant 0 : i32
        %dma_wait3A_182 = tpu.memref_slice %arg14[%add3A_159, %dma_wait3A_181] : memref<10008x128xf32, #tpu.memory_space<vmem_shared>> -> memref<40x128xf32, #tpu.memory_space<vmem_shared>>
        %dma_wait3A_183 = arith.constant 0 : i32
        %dma_wait3A_184 = tpu.memref_slice %arg14[%add3A_159, %dma_wait3A_183] : memref<10008x128xf32, #tpu.memory_space<vmem_shared>> -> memref<40x128xf32, #tpu.memory_space<vmem_shared>>
        tpu.wait_dma2 semaphore(%run_scoped3A_176 : memref<!tpu.dma_semaphore, #tpu.memory_space<semaphore_mem>>) src(%arg13 : memref<40x128xf32, #tpu.memory_space<vmem>>) dst(%dma_wait3A_184 : memref<40x128xf32, #tpu.memory_space<vmem_shared>>)
        tpu.yield
      }) : () -> ()
      %mul3A_160 = arith.constant 1000 : i32
      %mul3A_161 = arith.muli %arg1, %mul3A_160 : i32
      %add3A_162 = arith.constant 840 : i32
      %add3A_163 = arith.addi %mul3A_161, %add3A_162 : i32
      "tpu.region"() ({
        %run_scoped3A_176 = tpu.sem_alloc : memref<!tpu.dma_semaphore, #tpu.memory_space<semaphore_mem>>
        %dma_start3A_177 = arith.constant 0 : i32
        %dma_start3A_178 = tpu.memref_slice %arg14[%add3A_163, %dma_start3A_177] : memref<10008x128xf32, #tpu.memory_space<vmem_shared>> -> memref<40x128xf32, #tpu.memory_space<vmem_shared>>
        %dma_start3A_179 = arith.constant 0 : i32
        %dma_start3A_180 = tpu.memref_slice %arg14[%add3A_163, %dma_start3A_179] : memref<10008x128xf32, #tpu.memory_space<vmem_shared>> -> memref<40x128xf32, #tpu.memory_space<vmem_shared>>
        tpu.enqueue_dma source(%arg13 : memref<40x128xf32, #tpu.memory_space<vmem>>) target(%dma_start3A_180 : memref<40x128xf32, #tpu.memory_space<vmem_shared>>) target_semaphore(%run_scoped3A_176 : memref<!tpu.dma_semaphore, #tpu.memory_space<semaphore_mem>>)
        %dma_wait3A_181 = arith.constant 0 : i32
        %dma_wait3A_182 = tpu.memref_slice %arg14[%add3A_163, %dma_wait3A_181] : memref<10008x128xf32, #tpu.memory_space<vmem_shared>> -> memref<40x128xf32, #tpu.memory_space<vmem_shared>>
        %dma_wait3A_183 = arith.constant 0 : i32
        %dma_wait3A_184 = tpu.memref_slice %arg14[%add3A_163, %dma_wait3A_183] : memref<10008x128xf32, #tpu.memory_space<vmem_shared>> -> memref<40x128xf32, #tpu.memory_space<vmem_shared>>
        tpu.wait_dma2 semaphore(%run_scoped3A_176 : memref<!tpu.dma_semaphore, #tpu.memory_space<semaphore_mem>>) src(%arg13 : memref<40x128xf32, #tpu.memory_space<vmem>>) dst(%dma_wait3A_184 : memref<40x128xf32, #tpu.memory_space<vmem_shared>>)
        tpu.yield
      }) : () -> ()
      %mul3A_164 = arith.constant 1000 : i32
      %mul3A_165 = arith.muli %arg1, %mul3A_164 : i32
      %add3A_166 = arith.constant 880 : i32
      %add3A_167 = arith.addi %mul3A_165, %add3A_166 : i32
      "tpu.region"() ({
        %run_scoped3A_176 = tpu.sem_alloc : memref<!tpu.dma_semaphore, #tpu.memory_space<semaphore_mem>>
        %dma_start3A_177 = arith.constant 0 : i32
        %dma_start3A_178 = tpu.memref_slice %arg14[%add3A_167, %dma_start3A_177] : memref<10008x128xf32, #tpu.memory_space<vmem_shared>> -> memref<40x128xf32, #tpu.memory_space<vmem_shared>>
        %dma_start3A_179 = arith.constant 0 : i32
        %dma_start3A_180 = tpu.memref_slice %arg14[%add3A_167, %dma_start3A_179] : memref<10008x128xf32, #tpu.memory_space<vmem_shared>> -> memref<40x128xf32, #tpu.memory_space<vmem_shared>>
        tpu.enqueue_dma source(%arg13 : memref<40x128xf32, #tpu.memory_space<vmem>>) target(%dma_start3A_180 : memref<40x128xf32, #tpu.memory_space<vmem_shared>>) target_semaphore(%run_scoped3A_176 : memref<!tpu.dma_semaphore, #tpu.memory_space<semaphore_mem>>)
        %dma_wait3A_181 = arith.constant 0 : i32
        %dma_wait3A_182 = tpu.memref_slice %arg14[%add3A_167, %dma_wait3A_181] : memref<10008x128xf32, #tpu.memory_space<vmem_shared>> -> memref<40x128xf32, #tpu.memory_space<vmem_shared>>
        %dma_wait3A_183 = arith.constant 0 : i32
        %dma_wait3A_184 = tpu.memref_slice %arg14[%add3A_167, %dma_wait3A_183] : memref<10008x128xf32, #tpu.memory_space<vmem_shared>> -> memref<40x128xf32, #tpu.memory_space<vmem_shared>>
        tpu.wait_dma2 semaphore(%run_scoped3A_176 : memref<!tpu.dma_semaphore, #tpu.memory_space<semaphore_mem>>) src(%arg13 : memref<40x128xf32, #tpu.memory_space<vmem>>) dst(%dma_wait3A_184 : memref<40x128xf32, #tpu.memory_space<vmem_shared>>)
        tpu.yield
      }) : () -> ()
      %mul3A_168 = arith.constant 1000 : i32
      %mul3A_169 = arith.muli %arg1, %mul3A_168 : i32
      %add3A_170 = arith.constant 920 : i32
      %add3A_171 = arith.addi %mul3A_169, %add3A_170 : i32
      "tpu.region"() ({
        %run_scoped3A_176 = tpu.sem_alloc : memref<!tpu.dma_semaphore, #tpu.memory_space<semaphore_mem>>
        %dma_start3A_177 = arith.constant 0 : i32
        %dma_start3A_178 = tpu.memref_slice %arg14[%add3A_171, %dma_start3A_177] : memref<10008x128xf32, #tpu.memory_space<vmem_shared>> -> memref<40x128xf32, #tpu.memory_space<vmem_shared>>
        %dma_start3A_179 = arith.constant 0 : i32
        %dma_start3A_180 = tpu.memref_slice %arg14[%add3A_171, %dma_start3A_179] : memref<10008x128xf32, #tpu.memory_space<vmem_shared>> -> memref<40x128xf32, #tpu.memory_space<vmem_shared>>
        tpu.enqueue_dma source(%arg13 : memref<40x128xf32, #tpu.memory_space<vmem>>) target(%dma_start3A_180 : memref<40x128xf32, #tpu.memory_space<vmem_shared>>) target_semaphore(%run_scoped3A_176 : memref<!tpu.dma_semaphore, #tpu.memory_space<semaphore_mem>>)
        %dma_wait3A_181 = arith.constant 0 : i32
        %dma_wait3A_182 = tpu.memref_slice %arg14[%add3A_171, %dma_wait3A_181] : memref<10008x128xf32, #tpu.memory_space<vmem_shared>> -> memref<40x128xf32, #tpu.memory_space<vmem_shared>>
        %dma_wait3A_183 = arith.constant 0 : i32
        %dma_wait3A_184 = tpu.memref_slice %arg14[%add3A_171, %dma_wait3A_183] : memref<10008x128xf32, #tpu.memory_space<vmem_shared>> -> memref<40x128xf32, #tpu.memory_space<vmem_shared>>
        tpu.wait_dma2 semaphore(%run_scoped3A_176 : memref<!tpu.dma_semaphore, #tpu.memory_space<semaphore_mem>>) src(%arg13 : memref<40x128xf32, #tpu.memory_space<vmem>>) dst(%dma_wait3A_184 : memref<40x128xf32, #tpu.memory_space<vmem_shared>>)
        tpu.yield
      }) : () -> ()
      %mul3A_172 = arith.constant 1000 : i32
      %mul3A_173 = arith.muli %arg1, %mul3A_172 : i32
      %add3A_174 = arith.constant 960 : i32
      %add3A_175 = arith.addi %mul3A_173, %add3A_174 : i32
      "tpu.region"() ({
        %run_scoped3A_176 = tpu.sem_alloc : memref<!tpu.dma_semaphore, #tpu.memory_space<semaphore_mem>>
        %dma_start3A_177 = arith.constant 0 : i32
        %dma_start3A_178 = tpu.memref_slice %arg14[%add3A_175, %dma_start3A_177] : memref<10008x128xf32, #tpu.memory_space<vmem_shared>> -> memref<40x128xf32, #tpu.memory_space<vmem_shared>>
        %dma_start3A_179 = arith.constant 0 : i32
        %dma_start3A_180 = tpu.memref_slice %arg14[%add3A_175, %dma_start3A_179] : memref<10008x128xf32, #tpu.memory_space<vmem_shared>> -> memref<40x128xf32, #tpu.memory_space<vmem_shared>>
        tpu.enqueue_dma source(%arg13 : memref<40x128xf32, #tpu.memory_space<vmem>>) target(%dma_start3A_180 : memref<40x128xf32, #tpu.memory_space<vmem_shared>>) target_semaphore(%run_scoped3A_176 : memref<!tpu.dma_semaphore, #tpu.memory_space<semaphore_mem>>)
        %dma_wait3A_181 = arith.constant 0 : i32
        %dma_wait3A_182 = tpu.memref_slice %arg14[%add3A_175, %dma_wait3A_181] : memref<10008x128xf32, #tpu.memory_space<vmem_shared>> -> memref<40x128xf32, #tpu.memory_space<vmem_shared>>
        %dma_wait3A_183 = arith.constant 0 : i32
        %dma_wait3A_184 = tpu.memref_slice %arg14[%add3A_175, %dma_wait3A_183] : memref<10008x128xf32, #tpu.memory_space<vmem_shared>> -> memref<40x128xf32, #tpu.memory_space<vmem_shared>>
        tpu.wait_dma2 semaphore(%run_scoped3A_176 : memref<!tpu.dma_semaphore, #tpu.memory_space<semaphore_mem>>) src(%arg13 : memref<40x128xf32, #tpu.memory_space<vmem>>) dst(%dma_wait3A_184 : memref<40x128xf32, #tpu.memory_space<vmem_shared>>)
        tpu.yield
      }) : () -> ()
    } else {
    }
    %eq3A = arith.constant 10 : i32
    %eq3A_9 = arith.cmpi eq, %arg1, %eq3A : i32
    %convert_element_type3A_10 = arith.extui %eq3A_9 : i1 to i32
    %cond3A_11 = arith.constant 0 : i32
    %cond3A_12 = arith.cmpi ne, %convert_element_type3A_10, %cond3A_11 : i32
    scf.if %cond3A_12 {
      "tpu.region"() ({
        %run_scoped3A_76 = tpu.sem_alloc : memref<!tpu.dma_semaphore, #tpu.memory_space<semaphore_mem>>
        %dma_start3A_77 = arith.constant 0 : i32
        %dma_start3A_78 = arith.constant 0 : i32
        %dma_start3A_79 = tpu.memref_slice %arg13[%dma_start3A_77, %dma_start3A_78] : memref<40x128xf32, #tpu.memory_space<vmem>> -> memref<8x128xf32, #tpu.memory_space<vmem>>
        %dma_start3A_80 = arith.constant 10000 : i32
        %dma_start3A_81 = arith.constant 0 : i32
        %dma_start3A_82 = tpu.memref_slice %arg14[%dma_start3A_80, %dma_start3A_81] : memref<10008x128xf32, #tpu.memory_space<vmem_shared>> -> memref<8x128xf32, #tpu.memory_space<vmem_shared>>
        %dma_start3A_83 = arith.constant 10000 : i32
        %dma_start3A_84 = arith.constant 0 : i32
        %dma_start3A_85 = tpu.memref_slice %arg14[%dma_start3A_83, %dma_start3A_84] : memref<10008x128xf32, #tpu.memory_space<vmem_shared>> -> memref<8x128xf32, #tpu.memory_space<vmem_shared>>
        %dma_start3A_86 = arith.constant 0 : i32
        %dma_start3A_87 = arith.constant 0 : i32
        %dma_start3A_88 = tpu.memref_slice %arg13[%dma_start3A_86, %dma_start3A_87] : memref<40x128xf32, #tpu.memory_space<vmem>> -> memref<8x128xf32, #tpu.memory_space<vmem>>
        tpu.enqueue_dma source(%dma_start3A_88 : memref<8x128xf32, #tpu.memory_space<vmem>>) target(%dma_start3A_85 : memref<8x128xf32, #tpu.memory_space<vmem_shared>>) target_semaphore(%run_scoped3A_76 : memref<!tpu.dma_semaphore, #tpu.memory_space<semaphore_mem>>)
        %dma_wait3A_89 = arith.constant 0 : i32
        %dma_wait3A_90 = arith.constant 0 : i32
        %dma_wait3A_91 = tpu.memref_slice %arg13[%dma_wait3A_89, %dma_wait3A_90] : memref<40x128xf32, #tpu.memory_space<vmem>> -> memref<8x128xf32, #tpu.memory_space<vmem>>
        %dma_wait3A_92 = arith.constant 10000 : i32
        %dma_wait3A_93 = arith.constant 0 : i32
        %dma_wait3A_94 = tpu.memref_slice %arg14[%dma_wait3A_92, %dma_wait3A_93] : memref<10008x128xf32, #tpu.memory_space<vmem_shared>> -> memref<8x128xf32, #tpu.memory_space<vmem_shared>>
        %dma_wait3A_95 = arith.constant 10000 : i32
        %dma_wait3A_96 = arith.constant 0 : i32
        %dma_wait3A_97 = tpu.memref_slice %arg14[%dma_wait3A_95, %dma_wait3A_96] : memref<10008x128xf32, #tpu.memory_space<vmem_shared>> -> memref<8x128xf32, #tpu.memory_space<vmem_shared>>
        %dma_wait3A_98 = arith.constant 0 : i32
        %dma_wait3A_99 = arith.constant 0 : i32
        %dma_wait3A_100 = tpu.memref_slice %arg13[%dma_wait3A_98, %dma_wait3A_99] : memref<40x128xf32, #tpu.memory_space<vmem>> -> memref<8x128xf32, #tpu.memory_space<vmem>>
        tpu.wait_dma2 semaphore(%run_scoped3A_76 : memref<!tpu.dma_semaphore, #tpu.memory_space<semaphore_mem>>) src(%dma_wait3A_100 : memref<8x128xf32, #tpu.memory_space<vmem>>) dst(%dma_wait3A_97 : memref<8x128xf32, #tpu.memory_space<vmem_shared>>)
        tpu.yield
      }) : () -> ()
    } else {
    }
    %barrier3A = arith.constant 0 : index
    tpu.barrier barrier_id(%barrier3A)
    %get3A = arith.constant 0 : index
    %get3A_13 = tpu.vector_load %arg10[%get3A] {strides = array<i32>} : memref<128xf32, #tpu.memory_space<vmem>>, vector<16xf32>,
    %get3A_14 = arith.constant 16 : index
    %get3A_15 = tpu.vector_load %arg10[%get3A_14] {strides = array<i32>} : memref<128xf32, #tpu.memory_space<vmem>>, vector<16xf32>,
    %get3A_16 = arith.constant 32 : index
    %get3A_17 = tpu.vector_load %arg10[%get3A_16] {strides = array<i32>} : memref<128xf32, #tpu.memory_space<vmem>>, vector<16xf32>,
    %get3A_18 = arith.constant 48 : index
    %get3A_19 = tpu.vector_load %arg10[%get3A_18] {strides = array<i32>} : memref<128xf32, #tpu.memory_space<vmem>>, vector<16xf32>,
    %get3A_20 = arith.constant 64 : index
    %get3A_21 = tpu.vector_load %arg10[%get3A_20] {strides = array<i32>} : memref<128xf32, #tpu.memory_space<vmem>>, vector<16xf32>,
    %get3A_22 = arith.constant 80 : index
    %get3A_23 = tpu.vector_load %arg10[%get3A_22] {strides = array<i32>} : memref<128xf32, #tpu.memory_space<vmem>>, vector<16xf32>,
    %get3A_24 = arith.constant 96 : index
    %get3A_25 = tpu.vector_load %arg10[%get3A_24] {strides = array<i32>} : memref<128xf32, #tpu.memory_space<vmem>>, vector<16xf32>,
    %get3A_26 = arith.constant 112 : index
    %get3A_27 = tpu.vector_load %arg10[%get3A_26] {strides = array<i32>} : memref<128xf32, #tpu.memory_space<vmem>>, vector<16xf32>,
    %run_scoped3A = arith.constant 0 : i32
    "tpu.region"() ({
      %run_scoped3A_76 = tpu.sem_alloc : memref<!tpu.dma_semaphore, #tpu.memory_space<semaphore_mem>>
      %dma_start3A_77 = arith.constant 0 : i32
      %dma_start3A_78 = arith.constant 0 : i32
      %dma_start3A_79 = tpu.memref_slice %arg2[%add3A, %run_scoped3A, %dma_start3A_77, %dma_start3A_78] : memref<32x80x3x128xi32, #tpu.memory_space<hbm>> -> memref<1x1x3x128xi32, #tpu.memory_space<hbm>>
      %dma_start3A_80 = tpu.memref_squeeze %dma_start3A_79 : memref<1x1x3x128xi32, #tpu.memory_space<hbm>> -> memref<3x128xi32, #tpu.memory_space<hbm>>
      %dma_start3A_81 = arith.constant 0 : i32
      %dma_start3A_82 = arith.constant 0 : i32
      %dma_start3A_83 = tpu.memref_slice %arg2[%add3A, %run_scoped3A, %dma_start3A_81, %dma_start3A_82] : memref<32x80x3x128xi32, #tpu.memory_space<hbm>> -> memref<1x1x3x128xi32, #tpu.memory_space<hbm>>
      %dma_start3A_84 = tpu.memref_squeeze %dma_start3A_83 : memref<1x1x3x128xi32, #tpu.memory_space<hbm>> -> memref<3x128xi32, #tpu.memory_space<hbm>>
      tpu.enqueue_dma source(%dma_start3A_84 : memref<3x128xi32, #tpu.memory_space<hbm>>) target(%arg7 : memref<3x128xi32, #tpu.memory_space<vmem>>) target_semaphore(%run_scoped3A_76 : memref<!tpu.dma_semaphore, #tpu.memory_space<semaphore_mem>>)
      %dma_wait3A_85 = arith.constant 0 : i32
      %dma_wait3A_86 = arith.constant 0 : i32
      %dma_wait3A_87 = tpu.memref_slice %arg2[%add3A, %run_scoped3A, %dma_wait3A_85, %dma_wait3A_86] : memref<32x80x3x128xi32, #tpu.memory_space<hbm>> -> memref<1x1x3x128xi32, #tpu.memory_space<hbm>>
      %dma_wait3A_88 = tpu.memref_squeeze %dma_wait3A_87 : memref<1x1x3x128xi32, #tpu.memory_space<hbm>> -> memref<3x128xi32, #tpu.memory_space<hbm>>
      %dma_wait3A_89 = arith.constant 0 : i32
      %dma_wait3A_90 = arith.constant 0 : i32
      %dma_wait3A_91 = tpu.memref_slice %arg2[%add3A, %run_scoped3A, %dma_wait3A_89, %dma_wait3A_90] : memref<32x80x3x128xi32, #tpu.memory_space<hbm>> -> memref<1x1x3x128xi32, #tpu.memory_space<hbm>>
      %dma_wait3A_92 = tpu.memref_squeeze %dma_wait3A_91 : memref<1x1x3x128xi32, #tpu.memory_space<hbm>> -> memref<3x128xi32, #tpu.memory_space<hbm>>
      tpu.wait_dma2 semaphore(%run_scoped3A_76 : memref<!tpu.dma_semaphore, #tpu.memory_space<semaphore_mem>>) src(%dma_wait3A_92 : memref<3x128xi32, #tpu.memory_space<hbm>>) dst(%arg7 : memref<3x128xi32, #tpu.memory_space<vmem>>)
      tpu.yield
    }) : () -> ()
    %dma_start3A = arith.constant 0 : i32
    %dma_start3A_28 = arith.constant 0 : i32
    %dma_start3A_29 = tpu.memref_slice %arg7[%dma_start3A, %dma_start3A_28] : memref<3x128xi32, #tpu.memory_space<vmem>> -> memref<1x128xi32, #tpu.memory_space<vmem>>
    %dma_start3A_30 = tpu.memref_squeeze %dma_start3A_29 : memref<1x128xi32, #tpu.memory_space<vmem>> -> memref<128xi32, #tpu.memory_space<vmem>>
    %dma_start3A_31 = arith.constant 0 : i32
    %dma_start3A_32 = arith.constant 0 : i32
    %dma_start3A_33 = tpu.memref_slice %arg5[%dma_start3A_31, %dma_start3A_32] : memref<10000x128xf32, #tpu.memory_space<hbm>> -> memref<10000x128xf32, #tpu.memory_space<hbm>>
    tpu.enqueue_indirect_dma source(%dma_start3A_33 : memref<10000x128xf32, #tpu.memory_space<hbm>>) target(%arg11 : memref<128x128xf32, #tpu.memory_space<vmem>>) offsets(%dma_start3A_30 : memref<128xi32, #tpu.memory_space<vmem>>) semaphore(%arg15 : memref<!tpu.dma_semaphore, #tpu.memory_space<semaphore_mem>>)
    %dma_start3A_34 = arith.constant 1 : i32
    %dma_start3A_35 = arith.constant 0 : i32
    %dma_start3A_36 = arith.constant 0 : i32
    %dma_start3A_37 = tpu.memref_slice %arg2[%add3A, %dma_start3A_34, %dma_start3A_35, %dma_start3A_36] : memref<32x80x3x128xi32, #tpu.memory_space<hbm>> -> memref<1x1x3x128xi32, #tpu.memory_space<hbm>>
    %dma_start3A_38 = tpu.memref_squeeze %dma_start3A_37 : memref<1x1x3x128xi32, #tpu.memory_space<hbm>> -> memref<3x128xi32, #tpu.memory_space<hbm>>
    %dma_start3A_39 = arith.constant 0 : i32
    %dma_start3A_40 = arith.constant 0 : i32
    %dma_start3A_41 = tpu.memref_slice %arg2[%add3A, %dma_start3A_34, %dma_start3A_39, %dma_start3A_40] : memref<32x80x3x128xi32, #tpu.memory_space<hbm>> -> memref<1x1x3x128xi32, #tpu.memory_space<hbm>>
    %dma_start3A_42 = tpu.memref_squeeze %dma_start3A_41 : memref<1x1x3x128xi32, #tpu.memory_space<hbm>> -> memref<3x128xi32, #tpu.memory_space<hbm>>
    tpu.enqueue_dma source(%dma_start3A_42 : memref<3x128xi32, #tpu.memory_space<hbm>>) target(%arg8 : memref<3x128xi32, #tpu.memory_space<vmem>>) target_semaphore(%arg18 : memref<!tpu.dma_semaphore, #tpu.memory_space<semaphore_mem>>)
    %scan3A_43 = arith.constant 0 : i32
    %scan3A_44 = arith.constant 0 : i32
    %scan3A_45 = arith.constant 39 : i32
    %scan3A_46 = arith.addi %scan3A_44, %scan3A_45 : i32
    %scan3A_47 = arith.constant 1 : i32
    scf.for %scan3A_76 = %scan3A_44 to %scan3A_46 step %scan3A_47  : i32 {
      %dma_wait3A_77 = arith.constant 0 : i32
      %dma_wait3A_78 = arith.constant 0 : i32
      %dma_wait3A_79 = tpu.memref_slice %arg5[%dma_wait3A_77, %dma_wait3A_78] : memref<10000x128xf32, #tpu.memory_space<hbm>> -> memref<128x128xf32, #tpu.memory_space<hbm>>
      %dma_wait3A_80 = arith.constant 0 : i32
      %dma_wait3A_81 = arith.constant 0 : i32
      %dma_wait3A_82 = tpu.memref_slice %arg5[%dma_wait3A_80, %dma_wait3A_81] : memref<10000x128xf32, #tpu.memory_space<hbm>> -> memref<128x128xf32, #tpu.memory_space<hbm>>
      tpu.wait_dma2 semaphore(%arg15 : memref<!tpu.dma_semaphore, #tpu.memory_space<semaphore_mem>>) src(%dma_wait3A_82 : memref<128x128xf32, #tpu.memory_space<hbm>>) dst(%arg11 : memref<128x128xf32, #tpu.memory_space<vmem>>)
      %dma_wait3A_83 = arith.constant 0 : i32
      %dma_wait3A_84 = arith.constant 0 : i32
      %dma_wait3A_85 = arith.constant 0 : i32
      %dma_wait3A_86 = tpu.memref_slice %arg2[%add3A, %dma_wait3A_83, %dma_wait3A_84, %dma_wait3A_85] : memref<32x80x3x128xi32, #tpu.memory_space<hbm>> -> memref<1x1x3x128xi32, #tpu.memory_space<hbm>>
      %dma_wait3A_87 = tpu.memref_squeeze %dma_wait3A_86 : memref<1x1x3x128xi32, #tpu.memory_space<hbm>> -> memref<3x128xi32, #tpu.memory_space<hbm>>
      %dma_wait3A_88 = arith.constant 0 : i32
      %dma_wait3A_89 = arith.constant 0 : i32
      %dma_wait3A_90 = tpu.memref_slice %arg2[%add3A, %dma_wait3A_83, %dma_wait3A_88, %dma_wait3A_89] : memref<32x80x3x128xi32, #tpu.memory_space<hbm>> -> memref<1x1x3x128xi32, #tpu.memory_space<hbm>>
      %dma_wait3A_91 = tpu.memref_squeeze %dma_wait3A_90 : memref<1x1x3x128xi32, #tpu.memory_space<hbm>> -> memref<3x128xi32, #tpu.memory_space<hbm>>
      tpu.wait_dma2 semaphore(%arg18 : memref<!tpu.dma_semaphore, #tpu.memory_space<semaphore_mem>>) src(%dma_wait3A_91 : memref<3x128xi32, #tpu.memory_space<hbm>>) dst(%arg8 : memref<3x128xi32, #tpu.memory_space<vmem>>)
      %dma_start3A_92 = arith.constant 0 : i32
      %dma_start3A_93 = arith.constant 0 : i32
      %dma_start3A_94 = tpu.memref_slice %arg8[%dma_start3A_92, %dma_start3A_93] : memref<3x128xi32, #tpu.memory_space<vmem>> -> memref<1x128xi32, #tpu.memory_space<vmem>>
      %dma_start3A_95 = tpu.memref_squeeze %dma_start3A_94 : memref<1x128xi32, #tpu.memory_space<vmem>> -> memref<128xi32, #tpu.memory_space<vmem>>
      %dma_start3A_96 = arith.constant 0 : i32
      %dma_start3A_97 = arith.constant 0 : i32
      %dma_start3A_98 = tpu.memref_slice %arg5[%dma_start3A_96, %dma_start3A_97] : memref<10000x128xf32, #tpu.memory_space<hbm>> -> memref<10000x128xf32, #tpu.memory_space<hbm>>
      tpu.enqueue_indirect_dma source(%dma_start3A_98 : memref<10000x128xf32, #tpu.memory_space<hbm>>) target(%arg12 : memref<128x128xf32, #tpu.memory_space<vmem>>) offsets(%dma_start3A_95 : memref<128xi32, #tpu.memory_space<vmem>>) semaphore(%arg16 : memref<!tpu.dma_semaphore, #tpu.memory_space<semaphore_mem>>)
      %scan3A_99 = arith.constant 0 : i32
      %scan3A_100 = arith.constant 0 : i32
      %scan3A_101 = arith.constant 8 : i32
      %scan3A_102 = arith.addi %scan3A_100, %scan3A_101 : i32
      %scan3A_103 = arith.constant 1 : i32
      scf.for %scan3A_159 = %scan3A_100 to %scan3A_102 step %scan3A_103  : i32 {
        %mul3A_160 = arith.constant 16 : i32
        %mul3A_161 = arith.muli %scan3A_159, %mul3A_160 : i32
        %get3A_162 = arith.constant 1 : i32
        %get3A_163 = arith.index_cast %get3A_162 : i32 to index
        %get3A_164 = arith.index_cast %mul3A_161 : i32 to index
        %get3A_165 = tpu.vector_load %arg7[%get3A_163, %get3A_164] {strides = array<i32>} : memref<3x128xi32, #tpu.memory_space<vmem>>, vector<16xi32>,
        %gather3A = tpu.vector_load_idx %arg9[%get3A_165] : memref<10000xf32, #tpu.memory_space<vmem>>[vector<16xi32>], vector<16xf32>,
        %mul3A_166 = arith.constant 16 : i32
        %mul3A_167 = arith.muli %scan3A_159, %mul3A_166 : i32
        %add3A_168 = arith.constant 0 : i32
        %add3A_169 = arith.addi %mul3A_167, %add3A_168 : i32
        %slice3A = vector.extract_strided_slice %gather3A {offsets = [0], sizes = [1], strides = [1]} : vector<16xf32> to vector<1xf32>
        %squeeze3A = vector.extract %slice3A[0] : f32 from vector<1xf32>
        %broadcast_in_dim3A_170 = vector.broadcast %squeeze3A : f32 to vector<16xf32>
        %get3A_171 = arith.index_cast %add3A_169 : i32 to index
        %get3A_172 = arith.constant 0 : index
        %get3A_173 = tpu.vector_load %arg11[%get3A_171, %get3A_172] {strides = array<i32>} : memref<128x128xf32, #tpu.memory_space<vmem>>, vector<16xf32>,
        %mul3A_174 = arith.mulf %get3A_173, %broadcast_in_dim3A_170 : vector<16xf32>
        %add3A_175 = arith.addf %mul3A_174, %get3A_13 : vector<16xf32>
        %swap3A = arith.index_cast %add3A_169 : i32 to index
        %swap3A_176 = arith.constant 0 : index
        %swap3A_177 = tpu.vector_load %arg11[%swap3A, %swap3A_176] {strides = array<i32>} : memref<128x128xf32, #tpu.memory_space<vmem>>, vector<16xf32>,
        tpu.vector_store %arg11[%swap3A, %swap3A_176], %add3A_175 {strides = array<i32>} : memref<128x128xf32, #tpu.memory_space<vmem>>, vector<16xf32>,
        %get3A_178 = arith.index_cast %add3A_169 : i32 to index
        %get3A_179 = arith.constant 16 : index
        %get3A_180 = tpu.vector_load %arg11[%get3A_178, %get3A_179] {strides = array<i32>} : memref<128x128xf32, #tpu.memory_space<vmem>>, vector<16xf32>,
        %mul3A_181 = arith.mulf %get3A_180, %broadcast_in_dim3A_170 : vector<16xf32>
        %add3A_182 = arith.addf %mul3A_181, %get3A_15 : vector<16xf32>
        %swap3A_183 = arith.index_cast %add3A_169 : i32 to index
        %swap3A_184 = arith.constant 16 : index
        %swap3A_185 = tpu.vector_load %arg11[%swap3A_183, %swap3A_184] {strides = array<i32>} : memref<128x128xf32, #tpu.memory_space<vmem>>, vector<16xf32>,
        tpu.vector_store %arg11[%swap3A_183, %swap3A_184], %add3A_182 {strides = array<i32>} : memref<128x128xf32, #tpu.memory_space<vmem>>, vector<16xf32>,
        %get3A_186 = arith.index_cast %add3A_169 : i32 to index
        %get3A_187 = arith.constant 32 : index
        %get3A_188 = tpu.vector_load %arg11[%get3A_186, %get3A_187] {strides = array<i32>} : memref<128x128xf32, #tpu.memory_space<vmem>>, vector<16xf32>,
        %mul3A_189 = arith.mulf %get3A_188, %broadcast_in_dim3A_170 : vector<16xf32>
        %add3A_190 = arith.addf %mul3A_189, %get3A_17 : vector<16xf32>
        %swap3A_191 = arith.index_cast %add3A_169 : i32 to index
        %swap3A_192 = arith.constant 32 : index
        %swap3A_193 = tpu.vector_load %arg11[%swap3A_191, %swap3A_192] {strides = array<i32>} : memref<128x128xf32, #tpu.memory_space<vmem>>, vector<16xf32>,
        tpu.vector_store %arg11[%swap3A_191, %swap3A_192], %add3A_190 {strides = array<i32>} : memref<128x128xf32, #tpu.memory_space<vmem>>, vector<16xf32>,
        %get3A_194 = arith.index_cast %add3A_169 : i32 to index
        %get3A_195 = arith.constant 48 : index
        %get3A_196 = tpu.vector_load %arg11[%get3A_194, %get3A_195] {strides = array<i32>} : memref<128x128xf32, #tpu.memory_space<vmem>>, vector<16xf32>,
        %mul3A_197 = arith.mulf %get3A_196, %broadcast_in_dim3A_170 : vector<16xf32>
        %add3A_198 = arith.addf %mul3A_197, %get3A_19 : vector<16xf32>
        %swap3A_199 = arith.index_cast %add3A_169 : i32 to index
        %swap3A_200 = arith.constant 48 : index
        %swap3A_201 = tpu.vector_load %arg11[%swap3A_199, %swap3A_200] {strides = array<i32>} : memref<128x128xf32, #tpu.memory_space<vmem>>, vector<16xf32>,
        tpu.vector_store %arg11[%swap3A_199, %swap3A_200], %add3A_198 {strides = array<i32>} : memref<128x128xf32, #tpu.memory_space<vmem>>, vector<16xf32>,
        %get3A_202 = arith.index_cast %add3A_169 : i32 to index
        %get3A_203 = arith.constant 64 : index
        %get3A_204 = tpu.vector_load %arg11[%get3A_202, %get3A_203] {strides = array<i32>} : memref<128x128xf32, #tpu.memory_space<vmem>>, vector<16xf32>,
        %mul3A_205 = arith.mulf %get3A_204, %broadcast_in_dim3A_170 : vector<16xf32>
        %add3A_206 = arith.addf %mul3A_205, %get3A_21 : vector<16xf32>
        %swap3A_207 = arith.index_cast %add3A_169 : i32 to index
        %swap3A_208 = arith.constant 64 : index
        %swap3A_209 = tpu.vector_load %arg11[%swap3A_207, %swap3A_208] {strides = array<i32>} : memref<128x128xf32, #tpu.memory_space<vmem>>, vector<16xf32>,
        tpu.vector_store %arg11[%swap3A_207, %swap3A_208], %add3A_206 {strides = array<i32>} : memref<128x128xf32, #tpu.memory_space<vmem>>, vector<16xf32>,
        %get3A_210 = arith.index_cast %add3A_169 : i32 to index
        %get3A_211 = arith.constant 80 : index
        %get3A_212 = tpu.vector_load %arg11[%get3A_210, %get3A_211] {strides = array<i32>} : memref<128x128xf32, #tpu.memory_space<vmem>>, vector<16xf32>,
        %mul3A_213 = arith.mulf %get3A_212, %broadcast_in_dim3A_170 : vector<16xf32>
        %add3A_214 = arith.addf %mul3A_213, %get3A_23 : vector<16xf32>
        %swap3A_215 = arith.index_cast %add3A_169 : i32 to index
        %swap3A_216 = arith.constant 80 : index
        %swap3A_217 = tpu.vector_load %arg11[%swap3A_215, %swap3A_216] {strides = array<i32>} : memref<128x128xf32, #tpu.memory_space<vmem>>, vector<16xf32>,
        tpu.vector_store %arg11[%swap3A_215, %swap3A_216], %add3A_214 {strides = array<i32>} : memref<128x128xf32, #tpu.memory_space<vmem>>, vector<16xf32>,
        %get3A_218 = arith.index_cast %add3A_169 : i32 to index
        %get3A_219 = arith.constant 96 : index
        %get3A_220 = tpu.vector_load %arg11[%get3A_218, %get3A_219] {strides = array<i32>} : memref<128x128xf32, #tpu.memory_space<vmem>>, vector<16xf32>,
        %mul3A_221 = arith.mulf %get3A_220, %broadcast_in_dim3A_170 : vector<16xf32>
        %add3A_222 = arith.addf %mul3A_221, %get3A_25 : vector<16xf32>
        %swap3A_223 = arith.index_cast %add3A_169 : i32 to index
        %swap3A_224 = arith.constant 96 : index
        %swap3A_225 = tpu.vector_load %arg11[%swap3A_223, %swap3A_224] {strides = array<i32>} : memref<128x128xf32, #tpu.memory_space<vmem>>, vector<16xf32>,
        tpu.vector_store %arg11[%swap3A_223, %swap3A_224], %add3A_222 {strides = array<i32>} : memref<128x128xf32, #tpu.memory_space<vmem>>, vector<16xf32>,
        %get3A_226 = arith.index_cast %add3A_169 : i32 to index
        %get3A_227 = arith.constant 112 : index
        %get3A_228 = tpu.vector_load %arg11[%get3A_226, %get3A_227] {strides = array<i32>} : memref<128x128xf32, #tpu.memory_space<vmem>>, vector<16xf32>,
        %mul3A_229 = arith.mulf %get3A_228, %broadcast_in_dim3A_170 : vector<16xf32>
        %add3A_230 = arith.addf %mul3A_229, %get3A_27 : vector<16xf32>
        %swap3A_231 = arith.index_cast %add3A_169 : i32 to index
        %swap3A_232 = arith.constant 112 : index
        %swap3A_233 = tpu.vector_load %arg11[%swap3A_231, %swap3A_232] {strides = array<i32>} : memref<128x128xf32, #tpu.memory_space<vmem>>, vector<16xf32>,
        tpu.vector_store %arg11[%swap3A_231, %swap3A_232], %add3A_230 {strides = array<i32>} : memref<128x128xf32, #tpu.memory_space<vmem>>, vector<16xf32>,
        %mul3A_234 = arith.constant 16 : i32
        %mul3A_235 = arith.muli %scan3A_159, %mul3A_234 : i32
        %add3A_236 = arith.constant 1 : i32
        %add3A_237 = arith.addi %mul3A_235, %add3A_236 : i32
        %slice3A_238 = vector.extract_strided_slice %gather3A {offsets = [1], sizes = [1], strides = [1]} : vector<16xf32> to vector<1xf32>
        %squeeze3A_239 = vector.extract %slice3A_238[0] : f32 from vector<1xf32>
        %broadcast_in_dim3A_240 = vector.broadcast %squeeze3A_239 : f32 to vector<16xf32>
        %get3A_241 = arith.index_cast %add3A_237 : i32 to index
        %get3A_242 = arith.constant 0 : index
        %get3A_243 = tpu.vector_load %arg11[%get3A_241, %get3A_242] {strides = array<i32>} : memref<128x128xf32, #tpu.memory_space<vmem>>, vector<16xf32>,
        %mul3A_244 = arith.mulf %get3A_243, %broadcast_in_dim3A_240 : vector<16xf32>
        %add3A_245 = arith.addf %mul3A_244, %get3A_13 : vector<16xf32>
        %swap3A_246 = arith.index_cast %add3A_237 : i32 to index
        %swap3A_247 = arith.constant 0 : index
        %swap3A_248 = tpu.vector_load %arg11[%swap3A_246, %swap3A_247] {strides = array<i32>} : memref<128x128xf32, #tpu.memory_space<vmem>>, vector<16xf32>,
        tpu.vector_store %arg11[%swap3A_246, %swap3A_247], %add3A_245 {strides = array<i32>} : memref<128x128xf32, #tpu.memory_space<vmem>>, vector<16xf32>,
        %get3A_249 = arith.index_cast %add3A_237 : i32 to index
        %get3A_250 = arith.constant 16 : index
        %get3A_251 = tpu.vector_load %arg11[%get3A_249, %get3A_250] {strides = array<i32>} : memref<128x128xf32, #tpu.memory_space<vmem>>, vector<16xf32>,
        %mul3A_252 = arith.mulf %get3A_251, %broadcast_in_dim3A_240 : vector<16xf32>
        %add3A_253 = arith.addf %mul3A_252, %get3A_15 : vector<16xf32>
        %swap3A_254 = arith.index_cast %add3A_237 : i32 to index
        %swap3A_255 = arith.constant 16 : index
        %swap3A_256 = tpu.vector_load %arg11[%swap3A_254, %swap3A_255] {strides = array<i32>} : memref<128x128xf32, #tpu.memory_space<vmem>>, vector<16xf32>,
        tpu.vector_store %arg11[%swap3A_254, %swap3A_255], %add3A_253 {strides = array<i32>} : memref<128x128xf32, #tpu.memory_space<vmem>>, vector<16xf32>,
        %get3A_257 = arith.index_cast %add3A_237 : i32 to index
        %get3A_258 = arith.constant 32 : index
        %get3A_259 = tpu.vector_load %arg11[%get3A_257, %get3A_258] {strides = array<i32>} : memref<128x128xf32, #tpu.memory_space<vmem>>, vector<16xf32>,
        %mul3A_260 = arith.mulf %get3A_259, %broadcast_in_dim3A_240 : vector<16xf32>
        %add3A_261 = arith.addf %mul3A_260, %get3A_17 : vector<16xf32>
        %swap3A_262 = arith.index_cast %add3A_237 : i32 to index
        %swap3A_263 = arith.constant 32 : index
        %swap3A_264 = tpu.vector_load %arg11[%swap3A_262, %swap3A_263] {strides = array<i32>} : memref<128x128xf32, #tpu.memory_space<vmem>>, vector<16xf32>,
        tpu.vector_store %arg11[%swap3A_262, %swap3A_263], %add3A_261 {strides = array<i32>} : memref<128x128xf32, #tpu.memory_space<vmem>>, vector<16xf32>,
        %get3A_265 = arith.index_cast %add3A_237 : i32 to index
        %get3A_266 = arith.constant 48 : index
        %get3A_267 = tpu.vector_load %arg11[%get3A_265, %get3A_266] {strides = array<i32>} : memref<128x128xf32, #tpu.memory_space<vmem>>, vector<16xf32>,
        %mul3A_268 = arith.mulf %get3A_267, %broadcast_in_dim3A_240 : vector<16xf32>
        %add3A_269 = arith.addf %mul3A_268, %get3A_19 : vector<16xf32>
        %swap3A_270 = arith.index_cast %add3A_237 : i32 to index
        %swap3A_271 = arith.constant 48 : index
        %swap3A_272 = tpu.vector_load %arg11[%swap3A_270, %swap3A_271] {strides = array<i32>} : memref<128x128xf32, #tpu.memory_space<vmem>>, vector<16xf32>,
        tpu.vector_store %arg11[%swap3A_270, %swap3A_271], %add3A_269 {strides = array<i32>} : memref<128x128xf32, #tpu.memory_space<vmem>>, vector<16xf32>,
        %get3A_273 = arith.index_cast %add3A_237 : i32 to index
        %get3A_274 = arith.constant 64 : index
        %get3A_275 = tpu.vector_load %arg11[%get3A_273, %get3A_274] {strides = array<i32>} : memref<128x128xf32, #tpu.memory_space<vmem>>, vector<16xf32>,
        %mul3A_276 = arith.mulf %get3A_275, %broadcast_in_dim3A_240 : vector<16xf32>
        %add3A_277 = arith.addf %mul3A_276, %get3A_21 : vector<16xf32>
        %swap3A_278 = arith.index_cast %add3A_237 : i32 to index
        %swap3A_279 = arith.constant 64 : index
        %swap3A_280 = tpu.vector_load %arg11[%swap3A_278, %swap3A_279] {strides = array<i32>} : memref<128x128xf32, #tpu.memory_space<vmem>>, vector<16xf32>,
        tpu.vector_store %arg11[%swap3A_278, %swap3A_279], %add3A_277 {strides = array<i32>} : memref<128x128xf32, #tpu.memory_space<vmem>>, vector<16xf32>,
        %get3A_281 = arith.index_cast %add3A_237 : i32 to index
        %get3A_282 = arith.constant 80 : index
        %get3A_283 = tpu.vector_load %arg11[%get3A_281, %get3A_282] {strides = array<i32>} : memref<128x128xf32, #tpu.memory_space<vmem>>, vector<16xf32>,
        %mul3A_284 = arith.mulf %get3A_283, %broadcast_in_dim3A_240 : vector<16xf32>
        %add3A_285 = arith.addf %mul3A_284, %get3A_23 : vector<16xf32>
        %swap3A_286 = arith.index_cast %add3A_237 : i32 to index
        %swap3A_287 = arith.constant 80 : index
        %swap3A_288 = tpu.vector_load %arg11[%swap3A_286, %swap3A_287] {strides = array<i32>} : memref<128x128xf32, #tpu.memory_space<vmem>>, vector<16xf32>,
        tpu.vector_store %arg11[%swap3A_286, %swap3A_287], %add3A_285 {strides = array<i32>} : memref<128x128xf32, #tpu.memory_space<vmem>>, vector<16xf32>,
        %get3A_289 = arith.index_cast %add3A_237 : i32 to index
        %get3A_290 = arith.constant 96 : index
        %get3A_291 = tpu.vector_load %arg11[%get3A_289, %get3A_290] {strides = array<i32>} : memref<128x128xf32, #tpu.memory_space<vmem>>, vector<16xf32>,
        %mul3A_292 = arith.mulf %get3A_291, %broadcast_in_dim3A_240 : vector<16xf32>
        %add3A_293 = arith.addf %mul3A_292, %get3A_25 : vector<16xf32>
        %swap3A_294 = arith.index_cast %add3A_237 : i32 to index
        %swap3A_295 = arith.constant 96 : index
        %swap3A_296 = tpu.vector_load %arg11[%swap3A_294, %swap3A_295] {strides = array<i32>} : memref<128x128xf32, #tpu.memory_space<vmem>>, vector<16xf32>,
        tpu.vector_store %arg11[%swap3A_294, %swap3A_295], %add3A_293 {strides = array<i32>} : memref<128x128xf32, #tpu.memory_space<vmem>>, vector<16xf32>,
        %get3A_297 = arith.index_cast %add3A_237 : i32 to index
        %get3A_298 = arith.constant 112 : index
        %get3A_299 = tpu.vector_load %arg11[%get3A_297, %get3A_298] {strides = array<i32>} : memref<128x128xf32, #tpu.memory_space<vmem>>, vector<16xf32>,
        %mul3A_300 = arith.mulf %get3A_299, %broadcast_in_dim3A_240 : vector<16xf32>
        %add3A_301 = arith.addf %mul3A_300, %get3A_27 : vector<16xf32>
        %swap3A_302 = arith.index_cast %add3A_237 : i32 to index
        %swap3A_303 = arith.constant 112 : index
        %swap3A_304 = tpu.vector_load %arg11[%swap3A_302, %swap3A_303] {strides = array<i32>} : memref<128x128xf32, #tpu.memory_space<vmem>>, vector<16xf32>,
        tpu.vector_store %arg11[%swap3A_302, %swap3A_303], %add3A_301 {strides = array<i32>} : memref<128x128xf32, #tpu.memory_space<vmem>>, vector<16xf32>,
        %mul3A_305 = arith.constant 16 : i32
        %mul3A_306 = arith.muli %scan3A_159, %mul3A_305 : i32
        %add3A_307 = arith.constant 2 : i32
        %add3A_308 = arith.addi %mul3A_306, %add3A_307 : i32
        %slice3A_309 = vector.extract_strided_slice %gather3A {offsets = [2], sizes = [1], strides = [1]} : vector<16xf32> to vector<1xf32>
        %squeeze3A_310 = vector.extract %slice3A_309[0] : f32 from vector<1xf32>
        %broadcast_in_dim3A_311 = vector.broadcast %squeeze3A_310 : f32 to vector<16xf32>
        %get3A_312 = arith.index_cast %add3A_308 : i32 to index
        %get3A_313 = arith.constant 0 : index
        %get3A_314 = tpu.vector_load %arg11[%get3A_312, %get3A_313] {strides = array<i32>} : memref<128x128xf32, #tpu.memory_space<vmem>>, vector<16xf32>,
        %mul3A_315 = arith.mulf %get3A_314, %broadcast_in_dim3A_311 : vector<16xf32>
        %add3A_316 = arith.addf %mul3A_315, %get3A_13 : vector<16xf32>
        %swap3A_317 = arith.index_cast %add3A_308 : i32 to index
        %swap3A_318 = arith.constant 0 : index
        %swap3A_319 = tpu.vector_load %arg11[%swap3A_317, %swap3A_318] {strides = array<i32>} : memref<128x128xf32, #tpu.memory_space<vmem>>, vector<16xf32>,
        tpu.vector_store %arg11[%swap3A_317, %swap3A_318], %add3A_316 {strides = array<i32>} : memref<128x128xf32, #tpu.memory_space<vmem>>, vector<16xf32>,
        %get3A_320 = arith.index_cast %add3A_308 : i32 to index
        %get3A_321 = arith.constant 16 : index
        %get3A_322 = tpu.vector_load %arg11[%get3A_320, %get3A_321] {strides = array<i32>} : memref<128x128xf32, #tpu.memory_space<vmem>>, vector<16xf32>,
        %mul3A_323 = arith.mulf %get3A_322, %broadcast_in_dim3A_311 : vector<16xf32>
        %add3A_324 = arith.addf %mul3A_323, %get3A_15 : vector<16xf32>
        %swap3A_325 = arith.index_cast %add3A_308 : i32 to index
        %swap3A_326 = arith.constant 16 : index
        %swap3A_327 = tpu.vector_load %arg11[%swap3A_325, %swap3A_326] {strides = array<i32>} : memref<128x128xf32, #tpu.memory_space<vmem>>, vector<16xf32>,
        tpu.vector_store %arg11[%swap3A_325, %swap3A_326], %add3A_324 {strides = array<i32>} : memref<128x128xf32, #tpu.memory_space<vmem>>, vector<16xf32>,
        %get3A_328 = arith.index_cast %add3A_308 : i32 to index
        %get3A_329 = arith.constant 32 : index
        %get3A_330 = tpu.vector_load %arg11[%get3A_328, %get3A_329] {strides = array<i32>} : memref<128x128xf32, #tpu.memory_space<vmem>>, vector<16xf32>,
        %mul3A_331 = arith.mulf %get3A_330, %broadcast_in_dim3A_311 : vector<16xf32>
        %add3A_332 = arith.addf %mul3A_331, %get3A_17 : vector<16xf32>
        %swap3A_333 = arith.index_cast %add3A_308 : i32 to index
        %swap3A_334 = arith.constant 32 : index
        %swap3A_335 = tpu.vector_load %arg11[%swap3A_333, %swap3A_334] {strides = array<i32>} : memref<128x128xf32, #tpu.memory_space<vmem>>, vector<16xf32>,
        tpu.vector_store %arg11[%swap3A_333, %swap3A_334], %add3A_332 {strides = array<i32>} : memref<128x128xf32, #tpu.memory_space<vmem>>, vector<16xf32>,
        %get3A_336 = arith.index_cast %add3A_308 : i32 to index
        %get3A_337 = arith.constant 48 : index
        %get3A_338 = tpu.vector_load %arg11[%get3A_336, %get3A_337] {strides = array<i32>} : memref<128x128xf32, #tpu.memory_space<vmem>>, vector<16xf32>,
        %mul3A_339 = arith.mulf %get3A_338, %broadcast_in_dim3A_311 : vector<16xf32>
        %add3A_340 = arith.addf %mul3A_339, %get3A_19 : vector<16xf32>
        %swap3A_341 = arith.index_cast %add3A_308 : i32 to index
        %swap3A_342 = arith.constant 48 : index
        %swap3A_343 = tpu.vector_load %arg11[%swap3A_341, %swap3A_342] {strides = array<i32>} : memref<128x128xf32, #tpu.memory_space<vmem>>, vector<16xf32>,
        tpu.vector_store %arg11[%swap3A_341, %swap3A_342], %add3A_340 {strides = array<i32>} : memref<128x128xf32, #tpu.memory_space<vmem>>, vector<16xf32>,
        %get3A_344 = arith.index_cast %add3A_308 : i32 to index
        %get3A_345 = arith.constant 64 : index
        %get3A_346 = tpu.vector_load %arg11[%get3A_344, %get3A_345] {strides = array<i32>} : memref<128x128xf32, #tpu.memory_space<vmem>>, vector<16xf32>,
        %mul3A_347 = arith.mulf %get3A_346, %broadcast_in_dim3A_311 : vector<16xf32>
        %add3A_348 = arith.addf %mul3A_347, %get3A_21 : vector<16xf32>
        %swap3A_349 = arith.index_cast %add3A_308 : i32 to index
        %swap3A_350 = arith.constant 64 : index
        %swap3A_351 = tpu.vector_load %arg11[%swap3A_349, %swap3A_350] {strides = array<i32>} : memref<128x128xf32, #tpu.memory_space<vmem>>, vector<16xf32>,
        tpu.vector_store %arg11[%swap3A_349, %swap3A_350], %add3A_348 {strides = array<i32>} : memref<128x128xf32, #tpu.memory_space<vmem>>, vector<16xf32>,
        %get3A_352 = arith.index_cast %add3A_308 : i32 to index
        %get3A_353 = arith.constant 80 : index
        %get3A_354 = tpu.vector_load %arg11[%get3A_352, %get3A_353] {strides = array<i32>} : memref<128x128xf32, #tpu.memory_space<vmem>>, vector<16xf32>,
        %mul3A_355 = arith.mulf %get3A_354, %broadcast_in_dim3A_311 : vector<16xf32>
        %add3A_356 = arith.addf %mul3A_355, %get3A_23 : vector<16xf32>
        %swap3A_357 = arith.index_cast %add3A_308 : i32 to index
        %swap3A_358 = arith.constant 80 : index
        %swap3A_359 = tpu.vector_load %arg11[%swap3A_357, %swap3A_358] {strides = array<i32>} : memref<128x128xf32, #tpu.memory_space<vmem>>, vector<16xf32>,
        tpu.vector_store %arg11[%swap3A_357, %swap3A_358], %add3A_356 {strides = array<i32>} : memref<128x128xf32, #tpu.memory_space<vmem>>, vector<16xf32>,
        %get3A_360 = arith.index_cast %add3A_308 : i32 to index
        %get3A_361 = arith.constant 96 : index
        %get3A_362 = tpu.vector_load %arg11[%get3A_360, %get3A_361] {strides = array<i32>} : memref<128x128xf32, #tpu.memory_space<vmem>>, vector<16xf32>,
        %mul3A_363 = arith.mulf %get3A_362, %broadcast_in_dim3A_311 : vector<16xf32>
        %add3A_364 = arith.addf %mul3A_363, %get3A_25 : vector<16xf32>
        %swap3A_365 = arith.index_cast %add3A_308 : i32 to index
        %swap3A_366 = arith.constant 96 : index
        %swap3A_367 = tpu.vector_load %arg11[%swap3A_365, %swap3A_366] {strides = array<i32>} : memref<128x128xf32, #tpu.memory_space<vmem>>, vector<16xf32>,
        tpu.vector_store %arg11[%swap3A_365, %swap3A_366], %add3A_364 {strides = array<i32>} : memref<128x128xf32, #tpu.memory_space<vmem>>, vector<16xf32>,
        %get3A_368 = arith.index_cast %add3A_308 : i32 to index
        %get3A_369 = arith.constant 112 : index
        %get3A_370 = tpu.vector_load %arg11[%get3A_368, %get3A_369] {strides = array<i32>} : memref<128x128xf32, #tpu.memory_space<vmem>>, vector<16xf32>,
        %mul3A_371 = arith.mulf %get3A_370, %broadcast_in_dim3A_311 : vector<16xf32>
        %add3A_372 = arith.addf %mul3A_371, %get3A_27 : vector<16xf32>
        %swap3A_373 = arith.index_cast %add3A_308 : i32 to index
        %swap3A_374 = arith.constant 112 : index
        %swap3A_375 = tpu.vector_load %arg11[%swap3A_373, %swap3A_374] {strides = array<i32>} : memref<128x128xf32, #tpu.memory_space<vmem>>, vector<16xf32>,
        tpu.vector_store %arg11[%swap3A_373, %swap3A_374], %add3A_372 {strides = array<i32>} : memref<128x128xf32, #tpu.memory_space<vmem>>, vector<16xf32>,
        %mul3A_376 = arith.constant 16 : i32
        %mul3A_377 = arith.muli %scan3A_159, %mul3A_376 : i32
        %add3A_378 = arith.constant 3 : i32
        %add3A_379 = arith.addi %mul3A_377, %add3A_378 : i32
        %slice3A_380 = vector.extract_strided_slice %gather3A {offsets = [3], sizes = [1], strides = [1]} : vector<16xf32> to vector<1xf32>
        %squeeze3A_381 = vector.extract %slice3A_380[0] : f32 from vector<1xf32>
        %broadcast_in_dim3A_382 = vector.broadcast %squeeze3A_381 : f32 to vector<16xf32>
        %get3A_383 = arith.index_cast %add3A_379 : i32 to index
        %get3A_384 = arith.constant 0 : index
        %get3A_385 = tpu.vector_load %arg11[%get3A_383, %get3A_384] {strides = array<i32>} : memref<128x128xf32, #tpu.memory_space<vmem>>, vector<16xf32>,
        %mul3A_386 = arith.mulf %get3A_385, %broadcast_in_dim3A_382 : vector<16xf32>
        %add3A_387 = arith.addf %mul3A_386, %get3A_13 : vector<16xf32>
        %swap3A_388 = arith.index_cast %add3A_379 : i32 to index
        %swap3A_389 = arith.constant 0 : index
        %swap3A_390 = tpu.vector_load %arg11[%swap3A_388, %swap3A_389] {strides = array<i32>} : memref<128x128xf32, #tpu.memory_space<vmem>>, vector<16xf32>,
        tpu.vector_store %arg11[%swap3A_388, %swap3A_389], %add3A_387 {strides = array<i32>} : memref<128x128xf32, #tpu.memory_space<vmem>>, vector<16xf32>,
        %get3A_391 = arith.index_cast %add3A_379 : i32 to index
        %get3A_392 = arith.constant 16 : index
        %get3A_393 = tpu.vector_load %arg11[%get3A_391, %get3A_392] {strides = array<i32>} : memref<128x128xf32, #tpu.memory_space<vmem>>, vector<16xf32>,
        %mul3A_394 = arith.mulf %get3A_393, %broadcast_in_dim3A_382 : vector<16xf32>
        %add3A_395 = arith.addf %mul3A_394, %get3A_15 : vector<16xf32>
        %swap3A_396 = arith.index_cast %add3A_379 : i32 to index
        %swap3A_397 = arith.constant 16 : index
        %swap3A_398 = tpu.vector_load %arg11[%swap3A_396, %swap3A_397] {strides = array<i32>} : memref<128x128xf32, #tpu.memory_space<vmem>>, vector<16xf32>,
        tpu.vector_store %arg11[%swap3A_396, %swap3A_397], %add3A_395 {strides = array<i32>} : memref<128x128xf32, #tpu.memory_space<vmem>>, vector<16xf32>,
        %get3A_399 = arith.index_cast %add3A_379 : i32 to index
        %get3A_400 = arith.constant 32 : index
        %get3A_401 = tpu.vector_load %arg11[%get3A_399, %get3A_400] {strides = array<i32>} : memref<128x128xf32, #tpu.memory_space<vmem>>, vector<16xf32>,
        %mul3A_402 = arith.mulf %get3A_401, %broadcast_in_dim3A_382 : vector<16xf32>
        %add3A_403 = arith.addf %mul3A_402, %get3A_17 : vector<16xf32>
        %swap3A_404 = arith.index_cast %add3A_379 : i32 to index
        %swap3A_405 = arith.constant 32 : index
        %swap3A_406 = tpu.vector_load %arg11[%swap3A_404, %swap3A_405] {strides = array<i32>} : memref<128x128xf32, #tpu.memory_space<vmem>>, vector<16xf32>,
        tpu.vector_store %arg11[%swap3A_404, %swap3A_405], %add3A_403 {strides = array<i32>} : memref<128x128xf32, #tpu.memory_space<vmem>>, vector<16xf32>,
        %get3A_407 = arith.index_cast %add3A_379 : i32 to index
        %get3A_408 = arith.constant 48 : index
        %get3A_409 = tpu.vector_load %arg11[%get3A_407, %get3A_408] {strides = array<i32>} : memref<128x128xf32, #tpu.memory_space<vmem>>, vector<16xf32>,
        %mul3A_410 = arith.mulf %get3A_409, %broadcast_in_dim3A_382 : vector<16xf32>
        %add3A_411 = arith.addf %mul3A_410, %get3A_19 : vector<16xf32>
        %swap3A_412 = arith.index_cast %add3A_379 : i32 to index
        %swap3A_413 = arith.constant 48 : index
        %swap3A_414 = tpu.vector_load %arg11[%swap3A_412, %swap3A_413] {strides = array<i32>} : memref<128x128xf32, #tpu.memory_space<vmem>>, vector<16xf32>,
        tpu.vector_store %arg11[%swap3A_412, %swap3A_413], %add3A_411 {strides = array<i32>} : memref<128x128xf32, #tpu.memory_space<vmem>>, vector<16xf32>,
        %get3A_415 = arith.index_cast %add3A_379 : i32 to index
        %get3A_416 = arith.constant 64 : index
        %get3A_417 = tpu.vector_load %arg11[%get3A_415, %get3A_416] {strides = array<i32>} : memref<128x128xf32, #tpu.memory_space<vmem>>, vector<16xf32>,
        %mul3A_418 = arith.mulf %get3A_417, %broadcast_in_dim3A_382 : vector<16xf32>
        %add3A_419 = arith.addf %mul3A_418, %get3A_21 : vector<16xf32>
        %swap3A_420 = arith.index_cast %add3A_379 : i32 to index
        %swap3A_421 = arith.constant 64 : index
        %swap3A_422 = tpu.vector_load %arg11[%swap3A_420, %swap3A_421] {strides = array<i32>} : memref<128x128xf32, #tpu.memory_space<vmem>>, vector<16xf32>,
        tpu.vector_store %arg11[%swap3A_420, %swap3A_421], %add3A_419 {strides = array<i32>} : memref<128x128xf32, #tpu.memory_space<vmem>>, vector<16xf32>,
        %get3A_423 = arith.index_cast %add3A_379 : i32 to index
        %get3A_424 = arith.constant 80 : index
        %get3A_425 = tpu.vector_load %arg11[%get3A_423, %get3A_424] {strides = array<i32>} : memref<128x128xf32, #tpu.memory_space<vmem>>, vector<16xf32>,
        %mul3A_426 = arith.mulf %get3A_425, %broadcast_in_dim3A_382 : vector<16xf32>
        %add3A_427 = arith.addf %mul3A_426, %get3A_23 : vector<16xf32>
        %swap3A_428 = arith.index_cast %add3A_379 : i32 to index
        %swap3A_429 = arith.constant 80 : index
        %swap3A_430 = tpu.vector_load %arg11[%swap3A_428, %swap3A_429] {strides = array<i32>} : memref<128x128xf32, #tpu.memory_space<vmem>>, vector<16xf32>,
        tpu.vector_store %arg11[%swap3A_428, %swap3A_429], %add3A_427 {strides = array<i32>} : memref<128x128xf32, #tpu.memory_space<vmem>>, vector<16xf32>,
        %get3A_431 = arith.index_cast %add3A_379 : i32 to index
        %get3A_432 = arith.constant 96 : index
        %get3A_433 = tpu.vector_load %arg11[%get3A_431, %get3A_432] {strides = array<i32>} : memref<128x128xf32, #tpu.memory_space<vmem>>, vector<16xf32>,
        %mul3A_434 = arith.mulf %get3A_433, %broadcast_in_dim3A_382 : vector<16xf32>
        %add3A_435 = arith.addf %mul3A_434, %get3A_25 : vector<16xf32>
        %swap3A_436 = arith.index_cast %add3A_379 : i32 to index
        %swap3A_437 = arith.constant 96 : index
        %swap3A_438 = tpu.vector_load %arg11[%swap3A_436, %swap3A_437] {strides = array<i32>} : memref<128x128xf32, #tpu.memory_space<vmem>>, vector<16xf32>,
        tpu.vector_store %arg11[%swap3A_436, %swap3A_437], %add3A_435 {strides = array<i32>} : memref<128x128xf32, #tpu.memory_space<vmem>>, vector<16xf32>,
        %get3A_439 = arith.index_cast %add3A_379 : i32 to index
        %get3A_440 = arith.constant 112 : index
        %get3A_441 = tpu.vector_load %arg11[%get3A_439, %get3A_440] {strides = array<i32>} : memref<128x128xf32, #tpu.memory_space<vmem>>, vector<16xf32>,
        %mul3A_442 = arith.mulf %get3A_441, %broadcast_in_dim3A_382 : vector<16xf32>
        %add3A_443 = arith.addf %mul3A_442, %get3A_27 : vector<16xf32>
        %swap3A_444 = arith.index_cast %add3A_379 : i32 to index
        %swap3A_445 = arith.constant 112 : index
        %swap3A_446 = tpu.vector_load %arg11[%swap3A_444, %swap3A_445] {strides = array<i32>} : memref<128x128xf32, #tpu.memory_space<vmem>>, vector<16xf32>,
        tpu.vector_store %arg11[%swap3A_444, %swap3A_445], %add3A_443 {strides = array<i32>} : memref<128x128xf32, #tpu.memory_space<vmem>>, vector<16xf32>,
        %mul3A_447 = arith.constant 16 : i32
        %mul3A_448 = arith.muli %scan3A_159, %mul3A_447 : i32
        %add3A_449 = arith.constant 4 : i32
        %add3A_450 = arith.addi %mul3A_448, %add3A_449 : i32
        %slice3A_451 = vector.extract_strided_slice %gather3A {offsets = [4], sizes = [1], strides = [1]} : vector<16xf32> to vector<1xf32>
        %squeeze3A_452 = vector.extract %slice3A_451[0] : f32 from vector<1xf32>
        %broadcast_in_dim3A_453 = vector.broadcast %squeeze3A_452 : f32 to vector<16xf32>
        %get3A_454 = arith.index_cast %add3A_450 : i32 to index
        %get3A_455 = arith.constant 0 : index
        %get3A_456 = tpu.vector_load %arg11[%get3A_454, %get3A_455] {strides = array<i32>} : memref<128x128xf32, #tpu.memory_space<vmem>>, vector<16xf32>,
        %mul3A_457 = arith.mulf %get3A_456, %broadcast_in_dim3A_453 : vector<16xf32>
        %add3A_458 = arith.addf %mul3A_457, %get3A_13 : vector<16xf32>
        %swap3A_459 = arith.index_cast %add3A_450 : i32 to index
        %swap3A_460 = arith.constant 0 : index
        %swap3A_461 = tpu.vector_load %arg11[%swap3A_459, %swap3A_460] {strides = array<i32>} : memref<128x128xf32, #tpu.memory_space<vmem>>, vector<16xf32>,
        tpu.vector_store %arg11[%swap3A_459, %swap3A_460], %add3A_458 {strides = array<i32>} : memref<128x128xf32, #tpu.memory_space<vmem>>, vector<16xf32>,
        %get3A_462 = arith.index_cast %add3A_450 : i32 to index
        %get3A_463 = arith.constant 16 : index
        %get3A_464 = tpu.vector_load %arg11[%get3A_462, %get3A_463] {strides = array<i32>} : memref<128x128xf32, #tpu.memory_space<vmem>>, vector<16xf32>,
        %mul3A_465 = arith.mulf %get3A_464, %broadcast_in_dim3A_453 : vector<16xf32>
        %add3A_466 = arith.addf %mul3A_465, %get3A_15 : vector<16xf32>
        %swap3A_467 = arith.index_cast %add3A_450 : i32 to index
        %swap3A_468 = arith.constant 16 : index
        %swap3A_469 = tpu.vector_load %arg11[%swap3A_467, %swap3A_468] {strides = array<i32>} : memref<128x128xf32, #tpu.memory_space<vmem>>, vector<16xf32>,
        tpu.vector_store %arg11[%swap3A_467, %swap3A_468], %add3A_466 {strides = array<i32>} : memref<128x128xf32, #tpu.memory_space<vmem>>, vector<16xf32>,
        %get3A_470 = arith.index_cast %add3A_450 : i32 to index
        %get3A_471 = arith.constant 32 : index
        %get3A_472 = tpu.vector_load %arg11[%get3A_470, %get3A_471] {strides = array<i32>} : memref<128x128xf32, #tpu.memory_space<vmem>>, vector<16xf32>,
        %mul3A_473 = arith.mulf %get3A_472, %broadcast_in_dim3A_453 : vector<16xf32>
        %add3A_474 = arith.addf %mul3A_473, %get3A_17 : vector<16xf32>
        %swap3A_475 = arith.index_cast %add3A_450 : i32 to index
        %swap3A_476 = arith.constant 32 : index
        %swap3A_477 = tpu.vector_load %arg11[%swap3A_475, %swap3A_476] {strides = array<i32>} : memref<128x128xf32, #tpu.memory_space<vmem>>, vector<16xf32>,
        tpu.vector_store %arg11[%swap3A_475, %swap3A_476], %add3A_474 {strides = array<i32>} : memref<128x128xf32, #tpu.memory_space<vmem>>, vector<16xf32>,
        %get3A_478 = arith.index_cast %add3A_450 : i32 to index
        %get3A_479 = arith.constant 48 : index
        %get3A_480 = tpu.vector_load %arg11[%get3A_478, %get3A_479] {strides = array<i32>} : memref<128x128xf32, #tpu.memory_space<vmem>>, vector<16xf32>,
        %mul3A_481 = arith.mulf %get3A_480, %broadcast_in_dim3A_453 : vector<16xf32>
        %add3A_482 = arith.addf %mul3A_481, %get3A_19 : vector<16xf32>
        %swap3A_483 = arith.index_cast %add3A_450 : i32 to index
        %swap3A_484 = arith.constant 48 : index
        %swap3A_485 = tpu.vector_load %arg11[%swap3A_483, %swap3A_484] {strides = array<i32>} : memref<128x128xf32, #tpu.memory_space<vmem>>, vector<16xf32>,
        tpu.vector_store %arg11[%swap3A_483, %swap3A_484], %add3A_482 {strides = array<i32>} : memref<128x128xf32, #tpu.memory_space<vmem>>, vector<16xf32>,
        %get3A_486 = arith.index_cast %add3A_450 : i32 to index
        %get3A_487 = arith.constant 64 : index
        %get3A_488 = tpu.vector_load %arg11[%get3A_486, %get3A_487] {strides = array<i32>} : memref<128x128xf32, #tpu.memory_space<vmem>>, vector<16xf32>,
        %mul3A_489 = arith.mulf %get3A_488, %broadcast_in_dim3A_453 : vector<16xf32>
        %add3A_490 = arith.addf %mul3A_489, %get3A_21 : vector<16xf32>
        %swap3A_491 = arith.index_cast %add3A_450 : i32 to index
        %swap3A_492 = arith.constant 64 : index
        %swap3A_493 = tpu.vector_load %arg11[%swap3A_491, %swap3A_492] {strides = array<i32>} : memref<128x128xf32, #tpu.memory_space<vmem>>, vector<16xf32>,
        tpu.vector_store %arg11[%swap3A_491, %swap3A_492], %add3A_490 {strides = array<i32>} : memref<128x128xf32, #tpu.memory_space<vmem>>, vector<16xf32>,
        %get3A_494 = arith.index_cast %add3A_450 : i32 to index
        %get3A_495 = arith.constant 80 : index
        %get3A_496 = tpu.vector_load %arg11[%get3A_494, %get3A_495] {strides = array<i32>} : memref<128x128xf32, #tpu.memory_space<vmem>>, vector<16xf32>,
        %mul3A_497 = arith.mulf %get3A_496, %broadcast_in_dim3A_453 : vector<16xf32>
        %add3A_498 = arith.addf %mul3A_497, %get3A_23 : vector<16xf32>
        %swap3A_499 = arith.index_cast %add3A_450 : i32 to index
        %swap3A_500 = arith.constant 80 : index
        %swap3A_501 = tpu.vector_load %arg11[%swap3A_499, %swap3A_500] {strides = array<i32>} : memref<128x128xf32, #tpu.memory_space<vmem>>, vector<16xf32>,
        tpu.vector_store %arg11[%swap3A_499, %swap3A_500], %add3A_498 {strides = array<i32>} : memref<128x128xf32, #tpu.memory_space<vmem>>, vector<16xf32>,
        %get3A_502 = arith.index_cast %add3A_450 : i32 to index
        %get3A_503 = arith.constant 96 : index
        %get3A_504 = tpu.vector_load %arg11[%get3A_502, %get3A_503] {strides = array<i32>} : memref<128x128xf32, #tpu.memory_space<vmem>>, vector<16xf32>,
        %mul3A_505 = arith.mulf %get3A_504, %broadcast_in_dim3A_453 : vector<16xf32>
        %add3A_506 = arith.addf %mul3A_505, %get3A_25 : vector<16xf32>
        %swap3A_507 = arith.index_cast %add3A_450 : i32 to index
        %swap3A_508 = arith.constant 96 : index
        %swap3A_509 = tpu.vector_load %arg11[%swap3A_507, %swap3A_508] {strides = array<i32>} : memref<128x128xf32, #tpu.memory_space<vmem>>, vector<16xf32>,
        tpu.vector_store %arg11[%swap3A_507, %swap3A_508], %add3A_506 {strides = array<i32>} : memref<128x128xf32, #tpu.memory_space<vmem>>, vector<16xf32>,
        %get3A_510 = arith.index_cast %add3A_450 : i32 to index
        %get3A_511 = arith.constant 112 : index
        %get3A_512 = tpu.vector_load %arg11[%get3A_510, %get3A_511] {strides = array<i32>} : memref<128x128xf32, #tpu.memory_space<vmem>>, vector<16xf32>,
        %mul3A_513 = arith.mulf %get3A_512, %broadcast_in_dim3A_453 : vector<16xf32>
        %add3A_514 = arith.addf %mul3A_513, %get3A_27 : vector<16xf32>
        %swap3A_515 = arith.index_cast %add3A_450 : i32 to index
        %swap3A_516 = arith.constant 112 : index
        %swap3A_517 = tpu.vector_load %arg11[%swap3A_515, %swap3A_516] {strides = array<i32>} : memref<128x128xf32, #tpu.memory_space<vmem>>, vector<16xf32>,
        tpu.vector_store %arg11[%swap3A_515, %swap3A_516], %add3A_514 {strides = array<i32>} : memref<128x128xf32, #tpu.memory_space<vmem>>, vector<16xf32>,
        %mul3A_518 = arith.constant 16 : i32
        %mul3A_519 = arith.muli %scan3A_159, %mul3A_518 : i32
        %add3A_520 = arith.constant 5 : i32
        %add3A_521 = arith.addi %mul3A_519, %add3A_520 : i32
        %slice3A_522 = vector.extract_strided_slice %gather3A {offsets = [5], sizes = [1], strides = [1]} : vector<16xf32> to vector<1xf32>
        %squeeze3A_523 = vector.extract %slice3A_522[0] : f32 from vector<1xf32>
        %broadcast_in_dim3A_524 = vector.broadcast %squeeze3A_523 : f32 to vector<16xf32>
        %get3A_525 = arith.index_cast %add3A_521 : i32 to index
        %get3A_526 = arith.constant 0 : index
        %get3A_527 = tpu.vector_load %arg11[%get3A_525, %get3A_526] {strides = array<i32>} : memref<128x128xf32, #tpu.memory_space<vmem>>, vector<16xf32>,
        %mul3A_528 = arith.mulf %get3A_527, %broadcast_in_dim3A_524 : vector<16xf32>
        %add3A_529 = arith.addf %mul3A_528, %get3A_13 : vector<16xf32>
        %swap3A_530 = arith.index_cast %add3A_521 : i32 to index
        %swap3A_531 = arith.constant 0 : index
        %swap3A_532 = tpu.vector_load %arg11[%swap3A_530, %swap3A_531] {strides = array<i32>} : memref<128x128xf32, #tpu.memory_space<vmem>>, vector<16xf32>,
        tpu.vector_store %arg11[%swap3A_530, %swap3A_531], %add3A_529 {strides = array<i32>} : memref<128x128xf32, #tpu.memory_space<vmem>>, vector<16xf32>,
        %get3A_533 = arith.index_cast %add3A_521 : i32 to index
        %get3A_534 = arith.constant 16 : index
        %get3A_535 = tpu.vector_load %arg11[%get3A_533, %get3A_534] {strides = array<i32>} : memref<128x128xf32, #tpu.memory_space<vmem>>, vector<16xf32>,
        %mul3A_536 = arith.mulf %get3A_535, %broadcast_in_dim3A_524 : vector<16xf32>
        %add3A_537 = arith.addf %mul3A_536, %get3A_15 : vector<16xf32>
        %swap3A_538 = arith.index_cast %add3A_521 : i32 to index
        %swap3A_539 = arith.constant 16 : index
        %swap3A_540 = tpu.vector_load %arg11[%swap3A_538, %swap3A_539] {strides = array<i32>} : memref<128x128xf32, #tpu.memory_space<vmem>>, vector<16xf32>,
        tpu.vector_store %arg11[%swap3A_538, %swap3A_539], %add3A_537 {strides = array<i32>} : memref<128x128xf32, #tpu.memory_space<vmem>>, vector<16xf32>,
        %get3A_541 = arith.index_cast %add3A_521 : i32 to index
        %get3A_542 = arith.constant 32 : index
        %get3A_543 = tpu.vector_load %arg11[%get3A_541, %get3A_542] {strides = array<i32>} : memref<128x128xf32, #tpu.memory_space<vmem>>, vector<16xf32>,
        %mul3A_544 = arith.mulf %get3A_543, %broadcast_in_dim3A_524 : vector<16xf32>
        %add3A_545 = arith.addf %mul3A_544, %get3A_17 : vector<16xf32>
        %swap3A_546 = arith.index_cast %add3A_521 : i32 to index
        %swap3A_547 = arith.constant 32 : index
        %swap3A_548 = tpu.vector_load %arg11[%swap3A_546, %swap3A_547] {strides = array<i32>} : memref<128x128xf32, #tpu.memory_space<vmem>>, vector<16xf32>,
        tpu.vector_store %arg11[%swap3A_546, %swap3A_547], %add3A_545 {strides = array<i32>} : memref<128x128xf32, #tpu.memory_space<vmem>>, vector<16xf32>,
        %get3A_549 = arith.index_cast %add3A_521 : i32 to index
        %get3A_550 = arith.constant 48 : index
        %get3A_551 = tpu.vector_load %arg11[%get3A_549, %get3A_550] {strides = array<i32>} : memref<128x128xf32, #tpu.memory_space<vmem>>, vector<16xf32>,
        %mul3A_552 = arith.mulf %get3A_551, %broadcast_in_dim3A_524 : vector<16xf32>
        %add3A_553 = arith.addf %mul3A_552, %get3A_19 : vector<16xf32>
        %swap3A_554 = arith.index_cast %add3A_521 : i32 to index
        %swap3A_555 = arith.constant 48 : index
        %swap3A_556 = tpu.vector_load %arg11[%swap3A_554, %swap3A_555] {strides = array<i32>} : memref<128x128xf32, #tpu.memory_space<vmem>>, vector<16xf32>,
        tpu.vector_store %arg11[%swap3A_554, %swap3A_555], %add3A_553 {strides = array<i32>} : memref<128x128xf32, #tpu.memory_space<vmem>>, vector<16xf32>,
        %get3A_557 = arith.index_cast %add3A_521 : i32 to index
        %get3A_558 = arith.constant 64 : index
        %get3A_559 = tpu.vector_load %arg11[%get3A_557, %get3A_558] {strides = array<i32>} : memref<128x128xf32, #tpu.memory_space<vmem>>, vector<16xf32>,
        %mul3A_560 = arith.mulf %get3A_559, %broadcast_in_dim3A_524 : vector<16xf32>
        %add3A_561 = arith.addf %mul3A_560, %get3A_21 : vector<16xf32>
        %swap3A_562 = arith.index_cast %add3A_521 : i32 to index
        %swap3A_563 = arith.constant 64 : index
        %swap3A_564 = tpu.vector_load %arg11[%swap3A_562, %swap3A_563] {strides = array<i32>} : memref<128x128xf32, #tpu.memory_space<vmem>>, vector<16xf32>,
        tpu.vector_store %arg11[%swap3A_562, %swap3A_563], %add3A_561 {strides = array<i32>} : memref<128x128xf32, #tpu.memory_space<vmem>>, vector<16xf32>,
        %get3A_565 = arith.index_cast %add3A_521 : i32 to index
        %get3A_566 = arith.constant 80 : index
        %get3A_567 = tpu.vector_load %arg11[%get3A_565, %get3A_566] {strides = array<i32>} : memref<128x128xf32, #tpu.memory_space<vmem>>, vector<16xf32>,
        %mul3A_568 = arith.mulf %get3A_567, %broadcast_in_dim3A_524 : vector<16xf32>
        %add3A_569 = arith.addf %mul3A_568, %get3A_23 : vector<16xf32>
        %swap3A_570 = arith.index_cast %add3A_521 : i32 to index
        %swap3A_571 = arith.constant 80 : index
        %swap3A_572 = tpu.vector_load %arg11[%swap3A_570, %swap3A_571] {strides = array<i32>} : memref<128x128xf32, #tpu.memory_space<vmem>>, vector<16xf32>,
        tpu.vector_store %arg11[%swap3A_570, %swap3A_571], %add3A_569 {strides = array<i32>} : memref<128x128xf32, #tpu.memory_space<vmem>>, vector<16xf32>,
        %get3A_573 = arith.index_cast %add3A_521 : i32 to index
        %get3A_574 = arith.constant 96 : index
        %get3A_575 = tpu.vector_load %arg11[%get3A_573, %get3A_574] {strides = array<i32>} : memref<128x128xf32, #tpu.memory_space<vmem>>, vector<16xf32>,
        %mul3A_576 = arith.mulf %get3A_575, %broadcast_in_dim3A_524 : vector<16xf32>
        %add3A_577 = arith.addf %mul3A_576, %get3A_25 : vector<16xf32>
        %swap3A_578 = arith.index_cast %add3A_521 : i32 to index
        %swap3A_579 = arith.constant 96 : index
        %swap3A_580 = tpu.vector_load %arg11[%swap3A_578, %swap3A_579] {strides = array<i32>} : memref<128x128xf32, #tpu.memory_space<vmem>>, vector<16xf32>,
        tpu.vector_store %arg11[%swap3A_578, %swap3A_579], %add3A_577 {strides = array<i32>} : memref<128x128xf32, #tpu.memory_space<vmem>>, vector<16xf32>,
        %get3A_581 = arith.index_cast %add3A_521 : i32 to index
        %get3A_582 = arith.constant 112 : index
        %get3A_583 = tpu.vector_load %arg11[%get3A_581, %get3A_582] {strides = array<i32>} : memref<128x128xf32, #tpu.memory_space<vmem>>, vector<16xf32>,
        %mul3A_584 = arith.mulf %get3A_583, %broadcast_in_dim3A_524 : vector<16xf32>
        %add3A_585 = arith.addf %mul3A_584, %get3A_27 : vector<16xf32>
        %swap3A_586 = arith.index_cast %add3A_521 : i32 to index
        %swap3A_587 = arith.constant 112 : index
        %swap3A_588 = tpu.vector_load %arg11[%swap3A_586, %swap3A_587] {strides = array<i32>} : memref<128x128xf32, #tpu.memory_space<vmem>>, vector<16xf32>,
        tpu.vector_store %arg11[%swap3A_586, %swap3A_587], %add3A_585 {strides = array<i32>} : memref<128x128xf32, #tpu.memory_space<vmem>>, vector<16xf32>,
        %mul3A_589 = arith.constant 16 : i32
        %mul3A_590 = arith.muli %scan3A_159, %mul3A_589 : i32
        %add3A_591 = arith.constant 6 : i32
        %add3A_592 = arith.addi %mul3A_590, %add3A_591 : i32
        %slice3A_593 = vector.extract_strided_slice %gather3A {offsets = [6], sizes = [1], strides = [1]} : vector<16xf32> to vector<1xf32>
        %squeeze3A_594 = vector.extract %slice3A_593[0] : f32 from vector<1xf32>
        %broadcast_in_dim3A_595 = vector.broadcast %squeeze3A_594 : f32 to vector<16xf32>
        %get3A_596 = arith.index_cast %add3A_592 : i32 to index
        %get3A_597 = arith.constant 0 : index
        %get3A_598 = tpu.vector_load %arg11[%get3A_596, %get3A_597] {strides = array<i32>} : memref<128x128xf32, #tpu.memory_space<vmem>>, vector<16xf32>,
        %mul3A_599 = arith.mulf %get3A_598, %broadcast_in_dim3A_595 : vector<16xf32>
        %add3A_600 = arith.addf %mul3A_599, %get3A_13 : vector<16xf32>
        %swap3A_601 = arith.index_cast %add3A_592 : i32 to index
        %swap3A_602 = arith.constant 0 : index
        %swap3A_603 = tpu.vector_load %arg11[%swap3A_601, %swap3A_602] {strides = array<i32>} : memref<128x128xf32, #tpu.memory_space<vmem>>, vector<16xf32>,
        tpu.vector_store %arg11[%swap3A_601, %swap3A_602], %add3A_600 {strides = array<i32>} : memref<128x128xf32, #tpu.memory_space<vmem>>, vector<16xf32>,
        %get3A_604 = arith.index_cast %add3A_592 : i32 to index
        %get3A_605 = arith.constant 16 : index
        %get3A_606 = tpu.vector_load %arg11[%get3A_604, %get3A_605] {strides = array<i32>} : memref<128x128xf32, #tpu.memory_space<vmem>>, vector<16xf32>,
        %mul3A_607 = arith.mulf %get3A_606, %broadcast_in_dim3A_595 : vector<16xf32>
        %add3A_608 = arith.addf %mul3A_607, %get3A_15 : vector<16xf32>
        %swap3A_609 = arith.index_cast %add3A_592 : i32 to index
        %swap3A_610 = arith.constant 16 : index
        %swap3A_611 = tpu.vector_load %arg11[%swap3A_609, %swap3A_610] {strides = array<i32>} : memref<128x128xf32, #tpu.memory_space<vmem>>, vector<16xf32>,
        tpu.vector_store %arg11[%swap3A_609, %swap3A_610], %add3A_608 {strides = array<i32>} : memref<128x128xf32, #tpu.memory_space<vmem>>, vector<16xf32>,
        %get3A_612 = arith.index_cast %add3A_592 : i32 to index
        %get3A_613 = arith.constant 32 : index
        %get3A_614 = tpu.vector_load %arg11[%get3A_612, %get3A_613] {strides = array<i32>} : memref<128x128xf32, #tpu.memory_space<vmem>>, vector<16xf32>,
        %mul3A_615 = arith.mulf %get3A_614, %broadcast_in_dim3A_595 : vector<16xf32>
        %add3A_616 = arith.addf %mul3A_615, %get3A_17 : vector<16xf32>
        %swap3A_617 = arith.index_cast %add3A_592 : i32 to index
        %swap3A_618 = arith.constant 32 : index
        %swap3A_619 = tpu.vector_load %arg11[%swap3A_617, %swap3A_618] {strides = array<i32>} : memref<128x128xf32, #tpu.memory_space<vmem>>, vector<16xf32>,
        tpu.vector_store %arg11[%swap3A_617, %swap3A_618], %add3A_616 {strides = array<i32>} : memref<128x128xf32, #tpu.memory_space<vmem>>, vector<16xf32>,
        %get3A_620 = arith.index_cast %add3A_592 : i32 to index
        %get3A_621 = arith.constant 48 : index
        %get3A_622 = tpu.vector_load %arg11[%get3A_620, %get3A_621] {strides = array<i32>} : memref<128x128xf32, #tpu.memory_space<vmem>>, vector<16xf32>,
        %mul3A_623 = arith.mulf %get3A_622, %broadcast_in_dim3A_595 : vector<16xf32>
        %add3A_624 = arith.addf %mul3A_623, %get3A_19 : vector<16xf32>
        %swap3A_625 = arith.index_cast %add3A_592 : i32 to index
        %swap3A_626 = arith.constant 48 : index
        %swap3A_627 = tpu.vector_load %arg11[%swap3A_625, %swap3A_626] {strides = array<i32>} : memref<128x128xf32, #tpu.memory_space<vmem>>, vector<16xf32>,
        tpu.vector_store %arg11[%swap3A_625, %swap3A_626], %add3A_624 {strides = array<i32>} : memref<128x128xf32, #tpu.memory_space<vmem>>, vector<16xf32>,
        %get3A_628 = arith.index_cast %add3A_592 : i32 to index
        %get3A_629 = arith.constant 64 : index
        %get3A_630 = tpu.vector_load %arg11[%get3A_628, %get3A_629] {strides = array<i32>} : memref<128x128xf32, #tpu.memory_space<vmem>>, vector<16xf32>,
        %mul3A_631 = arith.mulf %get3A_630, %broadcast_in_dim3A_595 : vector<16xf32>
        %add3A_632 = arith.addf %mul3A_631, %get3A_21 : vector<16xf32>
        %swap3A_633 = arith.index_cast %add3A_592 : i32 to index
        %swap3A_634 = arith.constant 64 : index
        %swap3A_635 = tpu.vector_load %arg11[%swap3A_633, %swap3A_634] {strides = array<i32>} : memref<128x128xf32, #tpu.memory_space<vmem>>, vector<16xf32>,
        tpu.vector_store %arg11[%swap3A_633, %swap3A_634], %add3A_632 {strides = array<i32>} : memref<128x128xf32, #tpu.memory_space<vmem>>, vector<16xf32>,
        %get3A_636 = arith.index_cast %add3A_592 : i32 to index
        %get3A_637 = arith.constant 80 : index
        %get3A_638 = tpu.vector_load %arg11[%get3A_636, %get3A_637] {strides = array<i32>} : memref<128x128xf32, #tpu.memory_space<vmem>>, vector<16xf32>,
        %mul3A_639 = arith.mulf %get3A_638, %broadcast_in_dim3A_595 : vector<16xf32>
        %add3A_640 = arith.addf %mul3A_639, %get3A_23 : vector<16xf32>
        %swap3A_641 = arith.index_cast %add3A_592 : i32 to index
        %swap3A_642 = arith.constant 80 : index
        %swap3A_643 = tpu.vector_load %arg11[%swap3A_641, %swap3A_642] {strides = array<i32>} : memref<128x128xf32, #tpu.memory_space<vmem>>, vector<16xf32>,
        tpu.vector_store %arg11[%swap3A_641, %swap3A_642], %add3A_640 {strides = array<i32>} : memref<128x128xf32, #tpu.memory_space<vmem>>, vector<16xf32>,
        %get3A_644 = arith.index_cast %add3A_592 : i32 to index
        %get3A_645 = arith.constant 96 : index
        %get3A_646 = tpu.vector_load %arg11[%get3A_644, %get3A_645] {strides = array<i32>} : memref<128x128xf32, #tpu.memory_space<vmem>>, vector<16xf32>,
        %mul3A_647 = arith.mulf %get3A_646, %broadcast_in_dim3A_595 : vector<16xf32>
        %add3A_648 = arith.addf %mul3A_647, %get3A_25 : vector<16xf32>
        %swap3A_649 = arith.index_cast %add3A_592 : i32 to index
        %swap3A_650 = arith.constant 96 : index
        %swap3A_651 = tpu.vector_load %arg11[%swap3A_649, %swap3A_650] {strides = array<i32>} : memref<128x128xf32, #tpu.memory_space<vmem>>, vector<16xf32>,
        tpu.vector_store %arg11[%swap3A_649, %swap3A_650], %add3A_648 {strides = array<i32>} : memref<128x128xf32, #tpu.memory_space<vmem>>, vector<16xf32>,
        %get3A_652 = arith.index_cast %add3A_592 : i32 to index
        %get3A_653 = arith.constant 112 : index
        %get3A_654 = tpu.vector_load %arg11[%get3A_652, %get3A_653] {strides = array<i32>} : memref<128x128xf32, #tpu.memory_space<vmem>>, vector<16xf32>,
        %mul3A_655 = arith.mulf %get3A_654, %broadcast_in_dim3A_595 : vector<16xf32>
        %add3A_656 = arith.addf %mul3A_655, %get3A_27 : vector<16xf32>
        %swap3A_657 = arith.index_cast %add3A_592 : i32 to index
        %swap3A_658 = arith.constant 112 : index
        %swap3A_659 = tpu.vector_load %arg11[%swap3A_657, %swap3A_658] {strides = array<i32>} : memref<128x128xf32, #tpu.memory_space<vmem>>, vector<16xf32>,
        tpu.vector_store %arg11[%swap3A_657, %swap3A_658], %add3A_656 {strides = array<i32>} : memref<128x128xf32, #tpu.memory_space<vmem>>, vector<16xf32>,
        %mul3A_660 = arith.constant 16 : i32
        %mul3A_661 = arith.muli %scan3A_159, %mul3A_660 : i32
        %add3A_662 = arith.constant 7 : i32
        %add3A_663 = arith.addi %mul3A_661, %add3A_662 : i32
        %slice3A_664 = vector.extract_strided_slice %gather3A {offsets = [7], sizes = [1], strides = [1]} : vector<16xf32> to vector<1xf32>
        %squeeze3A_665 = vector.extract %slice3A_664[0] : f32 from vector<1xf32>
        %broadcast_in_dim3A_666 = vector.broadcast %squeeze3A_665 : f32 to vector<16xf32>
        %get3A_667 = arith.index_cast %add3A_663 : i32 to index
        %get3A_668 = arith.constant 0 : index
        %get3A_669 = tpu.vector_load %arg11[%get3A_667, %get3A_668] {strides = array<i32>} : memref<128x128xf32, #tpu.memory_space<vmem>>, vector<16xf32>,
        %mul3A_670 = arith.mulf %get3A_669, %broadcast_in_dim3A_666 : vector<16xf32>
        %add3A_671 = arith.addf %mul3A_670, %get3A_13 : vector<16xf32>
        %swap3A_672 = arith.index_cast %add3A_663 : i32 to index
        %swap3A_673 = arith.constant 0 : index
        %swap3A_674 = tpu.vector_load %arg11[%swap3A_672, %swap3A_673] {strides = array<i32>} : memref<128x128xf32, #tpu.memory_space<vmem>>, vector<16xf32>,
        tpu.vector_store %arg11[%swap3A_672, %swap3A_673], %add3A_671 {strides = array<i32>} : memref<128x128xf32, #tpu.memory_space<vmem>>, vector<16xf32>,
        %get3A_675 = arith.index_cast %add3A_663 : i32 to index
        %get3A_676 = arith.constant 16 : index
        %get3A_677 = tpu.vector_load %arg11[%get3A_675, %get3A_676] {strides = array<i32>} : memref<128x128xf32, #tpu.memory_space<vmem>>, vector<16xf32>,
        %mul3A_678 = arith.mulf %get3A_677, %broadcast_in_dim3A_666 : vector<16xf32>
        %add3A_679 = arith.addf %mul3A_678, %get3A_15 : vector<16xf32>
        %swap3A_680 = arith.index_cast %add3A_663 : i32 to index
        %swap3A_681 = arith.constant 16 : index
        %swap3A_682 = tpu.vector_load %arg11[%swap3A_680, %swap3A_681] {strides = array<i32>} : memref<128x128xf32, #tpu.memory_space<vmem>>, vector<16xf32>,
        tpu.vector_store %arg11[%swap3A_680, %swap3A_681], %add3A_679 {strides = array<i32>} : memref<128x128xf32, #tpu.memory_space<vmem>>, vector<16xf32>,
        %get3A_683 = arith.index_cast %add3A_663 : i32 to index
        %get3A_684 = arith.constant 32 : index
        %get3A_685 = tpu.vector_load %arg11[%get3A_683, %get3A_684] {strides = array<i32>} : memref<128x128xf32, #tpu.memory_space<vmem>>, vector<16xf32>,
        %mul3A_686 = arith.mulf %get3A_685, %broadcast_in_dim3A_666 : vector<16xf32>
        %add3A_687 = arith.addf %mul3A_686, %get3A_17 : vector<16xf32>
        %swap3A_688 = arith.index_cast %add3A_663 : i32 to index
        %swap3A_689 = arith.constant 32 : index
        %swap3A_690 = tpu.vector_load %arg11[%swap3A_688, %swap3A_689] {strides = array<i32>} : memref<128x128xf32, #tpu.memory_space<vmem>>, vector<16xf32>,
        tpu.vector_store %arg11[%swap3A_688, %swap3A_689], %add3A_687 {strides = array<i32>} : memref<128x128xf32, #tpu.memory_space<vmem>>, vector<16xf32>,
        %get3A_691 = arith.index_cast %add3A_663 : i32 to index
        %get3A_692 = arith.constant 48 : index
        %get3A_693 = tpu.vector_load %arg11[%get3A_691, %get3A_692] {strides = array<i32>} : memref<128x128xf32, #tpu.memory_space<vmem>>, vector<16xf32>,
        %mul3A_694 = arith.mulf %get3A_693, %broadcast_in_dim3A_666 : vector<16xf32>
        %add3A_695 = arith.addf %mul3A_694, %get3A_19 : vector<16xf32>
        %swap3A_696 = arith.index_cast %add3A_663 : i32 to index
        %swap3A_697 = arith.constant 48 : index
        %swap3A_698 = tpu.vector_load %arg11[%swap3A_696, %swap3A_697] {strides = array<i32>} : memref<128x128xf32, #tpu.memory_space<vmem>>, vector<16xf32>,
        tpu.vector_store %arg11[%swap3A_696, %swap3A_697], %add3A_695 {strides = array<i32>} : memref<128x128xf32, #tpu.memory_space<vmem>>, vector<16xf32>,
        %get3A_699 = arith.index_cast %add3A_663 : i32 to index
        %get3A_700 = arith.constant 64 : index
        %get3A_701 = tpu.vector_load %arg11[%get3A_699, %get3A_700] {strides = array<i32>} : memref<128x128xf32, #tpu.memory_space<vmem>>, vector<16xf32>,
        %mul3A_702 = arith.mulf %get3A_701, %broadcast_in_dim3A_666 : vector<16xf32>
        %add3A_703 = arith.addf %mul3A_702, %get3A_21 : vector<16xf32>
        %swap3A_704 = arith.index_cast %add3A_663 : i32 to index
        %swap3A_705 = arith.constant 64 : index
        %swap3A_706 = tpu.vector_load %arg11[%swap3A_704, %swap3A_705] {strides = array<i32>} : memref<128x128xf32, #tpu.memory_space<vmem>>, vector<16xf32>,
        tpu.vector_store %arg11[%swap3A_704, %swap3A_705], %add3A_703 {strides = array<i32>} : memref<128x128xf32, #tpu.memory_space<vmem>>, vector<16xf32>,
        %get3A_707 = arith.index_cast %add3A_663 : i32 to index
        %get3A_708 = arith.constant 80 : index
        %get3A_709 = tpu.vector_load %arg11[%get3A_707, %get3A_708] {strides = array<i32>} : memref<128x128xf32, #tpu.memory_space<vmem>>, vector<16xf32>,
        %mul3A_710 = arith.mulf %get3A_709, %broadcast_in_dim3A_666 : vector<16xf32>
        %add3A_711 = arith.addf %mul3A_710, %get3A_23 : vector<16xf32>
        %swap3A_712 = arith.index_cast %add3A_663 : i32 to index
        %swap3A_713 = arith.constant 80 : index
        %swap3A_714 = tpu.vector_load %arg11[%swap3A_712, %swap3A_713] {strides = array<i32>} : memref<128x128xf32, #tpu.memory_space<vmem>>, vector<16xf32>,
        tpu.vector_store %arg11[%swap3A_712, %swap3A_713], %add3A_711 {strides = array<i32>} : memref<128x128xf32, #tpu.memory_space<vmem>>, vector<16xf32>,
        %get3A_715 = arith.index_cast %add3A_663 : i32 to index
        %get3A_716 = arith.constant 96 : index
        %get3A_717 = tpu.vector_load %arg11[%get3A_715, %get3A_716] {strides = array<i32>} : memref<128x128xf32, #tpu.memory_space<vmem>>, vector<16xf32>,
        %mul3A_718 = arith.mulf %get3A_717, %broadcast_in_dim3A_666 : vector<16xf32>
        %add3A_719 = arith.addf %mul3A_718, %get3A_25 : vector<16xf32>
        %swap3A_720 = arith.index_cast %add3A_663 : i32 to index
        %swap3A_721 = arith.constant 96 : index
        %swap3A_722 = tpu.vector_load %arg11[%swap3A_720, %swap3A_721] {strides = array<i32>} : memref<128x128xf32, #tpu.memory_space<vmem>>, vector<16xf32>,
        tpu.vector_store %arg11[%swap3A_720, %swap3A_721], %add3A_719 {strides = array<i32>} : memref<128x128xf32, #tpu.memory_space<vmem>>, vector<16xf32>,
        %get3A_723 = arith.index_cast %add3A_663 : i32 to index
        %get3A_724 = arith.constant 112 : index
        %get3A_725 = tpu.vector_load %arg11[%get3A_723, %get3A_724] {strides = array<i32>} : memref<128x128xf32, #tpu.memory_space<vmem>>, vector<16xf32>,
        %mul3A_726 = arith.mulf %get3A_725, %broadcast_in_dim3A_666 : vector<16xf32>
        %add3A_727 = arith.addf %mul3A_726, %get3A_27 : vector<16xf32>
        %swap3A_728 = arith.index_cast %add3A_663 : i32 to index
        %swap3A_729 = arith.constant 112 : index
        %swap3A_730 = tpu.vector_load %arg11[%swap3A_728, %swap3A_729] {strides = array<i32>} : memref<128x128xf32, #tpu.memory_space<vmem>>, vector<16xf32>,
        tpu.vector_store %arg11[%swap3A_728, %swap3A_729], %add3A_727 {strides = array<i32>} : memref<128x128xf32, #tpu.memory_space<vmem>>, vector<16xf32>,
        %mul3A_731 = arith.constant 16 : i32
        %mul3A_732 = arith.muli %scan3A_159, %mul3A_731 : i32
        %add3A_733 = arith.constant 8 : i32
        %add3A_734 = arith.addi %mul3A_732, %add3A_733 : i32
        %slice3A_735 = vector.extract_strided_slice %gather3A {offsets = [8], sizes = [1], strides = [1]} : vector<16xf32> to vector<1xf32>
        %squeeze3A_736 = vector.extract %slice3A_735[0] : f32 from vector<1xf32>
        %broadcast_in_dim3A_737 = vector.broadcast %squeeze3A_736 : f32 to vector<16xf32>
        %get3A_738 = arith.index_cast %add3A_734 : i32 to index
        %get3A_739 = arith.constant 0 : index
        %get3A_740 = tpu.vector_load %arg11[%get3A_738, %get3A_739] {strides = array<i32>} : memref<128x128xf32, #tpu.memory_space<vmem>>, vector<16xf32>,
        %mul3A_741 = arith.mulf %get3A_740, %broadcast_in_dim3A_737 : vector<16xf32>
        %add3A_742 = arith.addf %mul3A_741, %get3A_13 : vector<16xf32>
        %swap3A_743 = arith.index_cast %add3A_734 : i32 to index
        %swap3A_744 = arith.constant 0 : index
        %swap3A_745 = tpu.vector_load %arg11[%swap3A_743, %swap3A_744] {strides = array<i32>} : memref<128x128xf32, #tpu.memory_space<vmem>>, vector<16xf32>,
        tpu.vector_store %arg11[%swap3A_743, %swap3A_744], %add3A_742 {strides = array<i32>} : memref<128x128xf32, #tpu.memory_space<vmem>>, vector<16xf32>,
        %get3A_746 = arith.index_cast %add3A_734 : i32 to index
        %get3A_747 = arith.constant 16 : index
        %get3A_748 = tpu.vector_load %arg11[%get3A_746, %get3A_747] {strides = array<i32>} : memref<128x128xf32, #tpu.memory_space<vmem>>, vector<16xf32>,
        %mul3A_749 = arith.mulf %get3A_748, %broadcast_in_dim3A_737 : vector<16xf32>
        %add3A_750 = arith.addf %mul3A_749, %get3A_15 : vector<16xf32>
        %swap3A_751 = arith.index_cast %add3A_734 : i32 to index
        %swap3A_752 = arith.constant 16 : index
        %swap3A_753 = tpu.vector_load %arg11[%swap3A_751, %swap3A_752] {strides = array<i32>} : memref<128x128xf32, #tpu.memory_space<vmem>>, vector<16xf32>,
        tpu.vector_store %arg11[%swap3A_751, %swap3A_752], %add3A_750 {strides = array<i32>} : memref<128x128xf32, #tpu.memory_space<vmem>>, vector<16xf32>,
        %get3A_754 = arith.index_cast %add3A_734 : i32 to index
        %get3A_755 = arith.constant 32 : index
        %get3A_756 = tpu.vector_load %arg11[%get3A_754, %get3A_755] {strides = array<i32>} : memref<128x128xf32, #tpu.memory_space<vmem>>, vector<16xf32>,
        %mul3A_757 = arith.mulf %get3A_756, %broadcast_in_dim3A_737 : vector<16xf32>
        %add3A_758 = arith.addf %mul3A_757, %get3A_17 : vector<16xf32>
        %swap3A_759 = arith.index_cast %add3A_734 : i32 to index
        %swap3A_760 = arith.constant 32 : index
        %swap3A_761 = tpu.vector_load %arg11[%swap3A_759, %swap3A_760] {strides = array<i32>} : memref<128x128xf32, #tpu.memory_space<vmem>>, vector<16xf32>,
        tpu.vector_store %arg11[%swap3A_759, %swap3A_760], %add3A_758 {strides = array<i32>} : memref<128x128xf32, #tpu.memory_space<vmem>>, vector<16xf32>,
        %get3A_762 = arith.index_cast %add3A_734 : i32 to index
        %get3A_763 = arith.constant 48 : index
        %get3A_764 = tpu.vector_load %arg11[%get3A_762, %get3A_763] {strides = array<i32>} : memref<128x128xf32, #tpu.memory_space<vmem>>, vector<16xf32>,
        %mul3A_765 = arith.mulf %get3A_764, %broadcast_in_dim3A_737 : vector<16xf32>
        %add3A_766 = arith.addf %mul3A_765, %get3A_19 : vector<16xf32>
        %swap3A_767 = arith.index_cast %add3A_734 : i32 to index
        %swap3A_768 = arith.constant 48 : index
        %swap3A_769 = tpu.vector_load %arg11[%swap3A_767, %swap3A_768] {strides = array<i32>} : memref<128x128xf32, #tpu.memory_space<vmem>>, vector<16xf32>,
        tpu.vector_store %arg11[%swap3A_767, %swap3A_768], %add3A_766 {strides = array<i32>} : memref<128x128xf32, #tpu.memory_space<vmem>>, vector<16xf32>,
        %get3A_770 = arith.index_cast %add3A_734 : i32 to index
        %get3A_771 = arith.constant 64 : index
        %get3A_772 = tpu.vector_load %arg11[%get3A_770, %get3A_771] {strides = array<i32>} : memref<128x128xf32, #tpu.memory_space<vmem>>, vector<16xf32>,
        %mul3A_773 = arith.mulf %get3A_772, %broadcast_in_dim3A_737 : vector<16xf32>
        %add3A_774 = arith.addf %mul3A_773, %get3A_21 : vector<16xf32>
        %swap3A_775 = arith.index_cast %add3A_734 : i32 to index
        %swap3A_776 = arith.constant 64 : index
        %swap3A_777 = tpu.vector_load %arg11[%swap3A_775, %swap3A_776] {strides = array<i32>} : memref<128x128xf32, #tpu.memory_space<vmem>>, vector<16xf32>,
        tpu.vector_store %arg11[%swap3A_775, %swap3A_776], %add3A_774 {strides = array<i32>} : memref<128x128xf32, #tpu.memory_space<vmem>>, vector<16xf32>,
        %get3A_778 = arith.index_cast %add3A_734 : i32 to index
        %get3A_779 = arith.constant 80 : index
        %get3A_780 = tpu.vector_load %arg11[%get3A_778, %get3A_779] {strides = array<i32>} : memref<128x128xf32, #tpu.memory_space<vmem>>, vector<16xf32>,
        %mul3A_781 = arith.mulf %get3A_780, %broadcast_in_dim3A_737 : vector<16xf32>
        %add3A_782 = arith.addf %mul3A_781, %get3A_23 : vector<16xf32>
        %swap3A_783 = arith.index_cast %add3A_734 : i32 to index
        %swap3A_784 = arith.constant 80 : index
        %swap3A_785 = tpu.vector_load %arg11[%swap3A_783, %swap3A_784] {strides = array<i32>} : memref<128x128xf32, #tpu.memory_space<vmem>>, vector<16xf32>,
        tpu.vector_store %arg11[%swap3A_783, %swap3A_784], %add3A_782 {strides = array<i32>} : memref<128x128xf32, #tpu.memory_space<vmem>>, vector<16xf32>,
        %get3A_786 = arith.index_cast %add3A_734 : i32 to index
        %get3A_787 = arith.constant 96 : index
        %get3A_788 = tpu.vector_load %arg11[%get3A_786, %get3A_787] {strides = array<i32>} : memref<128x128xf32, #tpu.memory_space<vmem>>, vector<16xf32>,
        %mul3A_789 = arith.mulf %get3A_788, %broadcast_in_dim3A_737 : vector<16xf32>
        %add3A_790 = arith.addf %mul3A_789, %get3A_25 : vector<16xf32>
        %swap3A_791 = arith.index_cast %add3A_734 : i32 to index
        %swap3A_792 = arith.constant 96 : index
        %swap3A_793 = tpu.vector_load %arg11[%swap3A_791, %swap3A_792] {strides = array<i32>} : memref<128x128xf32, #tpu.memory_space<vmem>>, vector<16xf32>,
        tpu.vector_store %arg11[%swap3A_791, %swap3A_792], %add3A_790 {strides = array<i32>} : memref<128x128xf32, #tpu.memory_space<vmem>>, vector<16xf32>,
        %get3A_794 = arith.index_cast %add3A_734 : i32 to index
        %get3A_795 = arith.constant 112 : index
        %get3A_796 = tpu.vector_load %arg11[%get3A_794, %get3A_795] {strides = array<i32>} : memref<128x128xf32, #tpu.memory_space<vmem>>, vector<16xf32>,
        %mul3A_797 = arith.mulf %get3A_796, %broadcast_in_dim3A_737 : vector<16xf32>
        %add3A_798 = arith.addf %mul3A_797, %get3A_27 : vector<16xf32>
        %swap3A_799 = arith.index_cast %add3A_734 : i32 to index
        %swap3A_800 = arith.constant 112 : index
        %swap3A_801 = tpu.vector_load %arg11[%swap3A_799, %swap3A_800] {strides = array<i32>} : memref<128x128xf32, #tpu.memory_space<vmem>>, vector<16xf32>,
        tpu.vector_store %arg11[%swap3A_799, %swap3A_800], %add3A_798 {strides = array<i32>} : memref<128x128xf32, #tpu.memory_space<vmem>>, vector<16xf32>,
        %mul3A_802 = arith.constant 16 : i32
        %mul3A_803 = arith.muli %scan3A_159, %mul3A_802 : i32
        %add3A_804 = arith.constant 9 : i32
        %add3A_805 = arith.addi %mul3A_803, %add3A_804 : i32
        %slice3A_806 = vector.extract_strided_slice %gather3A {offsets = [9], sizes = [1], strides = [1]} : vector<16xf32> to vector<1xf32>
        %squeeze3A_807 = vector.extract %slice3A_806[0] : f32 from vector<1xf32>
        %broadcast_in_dim3A_808 = vector.broadcast %squeeze3A_807 : f32 to vector<16xf32>
        %get3A_809 = arith.index_cast %add3A_805 : i32 to index
        %get3A_810 = arith.constant 0 : index
        %get3A_811 = tpu.vector_load %arg11[%get3A_809, %get3A_810] {strides = array<i32>} : memref<128x128xf32, #tpu.memory_space<vmem>>, vector<16xf32>,
        %mul3A_812 = arith.mulf %get3A_811, %broadcast_in_dim3A_808 : vector<16xf32>
        %add3A_813 = arith.addf %mul3A_812, %get3A_13 : vector<16xf32>
        %swap3A_814 = arith.index_cast %add3A_805 : i32 to index
        %swap3A_815 = arith.constant 0 : index
        %swap3A_816 = tpu.vector_load %arg11[%swap3A_814, %swap3A_815] {strides = array<i32>} : memref<128x128xf32, #tpu.memory_space<vmem>>, vector<16xf32>,
        tpu.vector_store %arg11[%swap3A_814, %swap3A_815], %add3A_813 {strides = array<i32>} : memref<128x128xf32, #tpu.memory_space<vmem>>, vector<16xf32>,
        %get3A_817 = arith.index_cast %add3A_805 : i32 to index
        %get3A_818 = arith.constant 16 : index
        %get3A_819 = tpu.vector_load %arg11[%get3A_817, %get3A_818] {strides = array<i32>} : memref<128x128xf32, #tpu.memory_space<vmem>>, vector<16xf32>,
        %mul3A_820 = arith.mulf %get3A_819, %broadcast_in_dim3A_808 : vector<16xf32>
        %add3A_821 = arith.addf %mul3A_820, %get3A_15 : vector<16xf32>
        %swap3A_822 = arith.index_cast %add3A_805 : i32 to index
        %swap3A_823 = arith.constant 16 : index
        %swap3A_824 = tpu.vector_load %arg11[%swap3A_822, %swap3A_823] {strides = array<i32>} : memref<128x128xf32, #tpu.memory_space<vmem>>, vector<16xf32>,
        tpu.vector_store %arg11[%swap3A_822, %swap3A_823], %add3A_821 {strides = array<i32>} : memref<128x128xf32, #tpu.memory_space<vmem>>, vector<16xf32>,
        %get3A_825 = arith.index_cast %add3A_805 : i32 to index
        %get3A_826 = arith.constant 32 : index
        %get3A_827 = tpu.vector_load %arg11[%get3A_825, %get3A_826] {strides = array<i32>} : memref<128x128xf32, #tpu.memory_space<vmem>>, vector<16xf32>,
        %mul3A_828 = arith.mulf %get3A_827, %broadcast_in_dim3A_808 : vector<16xf32>
        %add3A_829 = arith.addf %mul3A_828, %get3A_17 : vector<16xf32>
        %swap3A_830 = arith.index_cast %add3A_805 : i32 to index
        %swap3A_831 = arith.constant 32 : index
        %swap3A_832 = tpu.vector_load %arg11[%swap3A_830, %swap3A_831] {strides = array<i32>} : memref<128x128xf32, #tpu.memory_space<vmem>>, vector<16xf32>,
        tpu.vector_store %arg11[%swap3A_830, %swap3A_831], %add3A_829 {strides = array<i32>} : memref<128x128xf32, #tpu.memory_space<vmem>>, vector<16xf32>,
        %get3A_833 = arith.index_cast %add3A_805 : i32 to index
        %get3A_834 = arith.constant 48 : index
        %get3A_835 = tpu.vector_load %arg11[%get3A_833, %get3A_834] {strides = array<i32>} : memref<128x128xf32, #tpu.memory_space<vmem>>, vector<16xf32>,
        %mul3A_836 = arith.mulf %get3A_835, %broadcast_in_dim3A_808 : vector<16xf32>
        %add3A_837 = arith.addf %mul3A_836, %get3A_19 : vector<16xf32>
        %swap3A_838 = arith.index_cast %add3A_805 : i32 to index
        %swap3A_839 = arith.constant 48 : index
        %swap3A_840 = tpu.vector_load %arg11[%swap3A_838, %swap3A_839] {strides = array<i32>} : memref<128x128xf32, #tpu.memory_space<vmem>>, vector<16xf32>,
        tpu.vector_store %arg11[%swap3A_838, %swap3A_839], %add3A_837 {strides = array<i32>} : memref<128x128xf32, #tpu.memory_space<vmem>>, vector<16xf32>,
        %get3A_841 = arith.index_cast %add3A_805 : i32 to index
        %get3A_842 = arith.constant 64 : index
        %get3A_843 = tpu.vector_load %arg11[%get3A_841, %get3A_842] {strides = array<i32>} : memref<128x128xf32, #tpu.memory_space<vmem>>, vector<16xf32>,
        %mul3A_844 = arith.mulf %get3A_843, %broadcast_in_dim3A_808 : vector<16xf32>
        %add3A_845 = arith.addf %mul3A_844, %get3A_21 : vector<16xf32>
        %swap3A_846 = arith.index_cast %add3A_805 : i32 to index
        %swap3A_847 = arith.constant 64 : index
        %swap3A_848 = tpu.vector_load %arg11[%swap3A_846, %swap3A_847] {strides = array<i32>} : memref<128x128xf32, #tpu.memory_space<vmem>>, vector<16xf32>,
        tpu.vector_store %arg11[%swap3A_846, %swap3A_847], %add3A_845 {strides = array<i32>} : memref<128x128xf32, #tpu.memory_space<vmem>>, vector<16xf32>,
        %get3A_849 = arith.index_cast %add3A_805 : i32 to index
        %get3A_850 = arith.constant 80 : index
        %get3A_851 = tpu.vector_load %arg11[%get3A_849, %get3A_850] {strides = array<i32>} : memref<128x128xf32, #tpu.memory_space<vmem>>, vector<16xf32>,
        %mul3A_852 = arith.mulf %get3A_851, %broadcast_in_dim3A_808 : vector<16xf32>
        %add3A_853 = arith.addf %mul3A_852, %get3A_23 : vector<16xf32>
        %swap3A_854 = arith.index_cast %add3A_805 : i32 to index
        %swap3A_855 = arith.constant 80 : index
        %swap3A_856 = tpu.vector_load %arg11[%swap3A_854, %swap3A_855] {strides = array<i32>} : memref<128x128xf32, #tpu.memory_space<vmem>>, vector<16xf32>,
        tpu.vector_store %arg11[%swap3A_854, %swap3A_855], %add3A_853 {strides = array<i32>} : memref<128x128xf32, #tpu.memory_space<vmem>>, vector<16xf32>,
        %get3A_857 = arith.index_cast %add3A_805 : i32 to index
        %get3A_858 = arith.constant 96 : index
        %get3A_859 = tpu.vector_load %arg11[%get3A_857, %get3A_858] {strides = array<i32>} : memref<128x128xf32, #tpu.memory_space<vmem>>, vector<16xf32>,
        %mul3A_860 = arith.mulf %get3A_859, %broadcast_in_dim3A_808 : vector<16xf32>
        %add3A_861 = arith.addf %mul3A_860, %get3A_25 : vector<16xf32>
        %swap3A_862 = arith.index_cast %add3A_805 : i32 to index
        %swap3A_863 = arith.constant 96 : index
        %swap3A_864 = tpu.vector_load %arg11[%swap3A_862, %swap3A_863] {strides = array<i32>} : memref<128x128xf32, #tpu.memory_space<vmem>>, vector<16xf32>,
        tpu.vector_store %arg11[%swap3A_862, %swap3A_863], %add3A_861 {strides = array<i32>} : memref<128x128xf32, #tpu.memory_space<vmem>>, vector<16xf32>,
        %get3A_865 = arith.index_cast %add3A_805 : i32 to index
        %get3A_866 = arith.constant 112 : index
        %get3A_867 = tpu.vector_load %arg11[%get3A_865, %get3A_866] {strides = array<i32>} : memref<128x128xf32, #tpu.memory_space<vmem>>, vector<16xf32>,
        %mul3A_868 = arith.mulf %get3A_867, %broadcast_in_dim3A_808 : vector<16xf32>
        %add3A_869 = arith.addf %mul3A_868, %get3A_27 : vector<16xf32>
        %swap3A_870 = arith.index_cast %add3A_805 : i32 to index
        %swap3A_871 = arith.constant 112 : index
        %swap3A_872 = tpu.vector_load %arg11[%swap3A_870, %swap3A_871] {strides = array<i32>} : memref<128x128xf32, #tpu.memory_space<vmem>>, vector<16xf32>,
        tpu.vector_store %arg11[%swap3A_870, %swap3A_871], %add3A_869 {strides = array<i32>} : memref<128x128xf32, #tpu.memory_space<vmem>>, vector<16xf32>,
        %mul3A_873 = arith.constant 16 : i32
        %mul3A_874 = arith.muli %scan3A_159, %mul3A_873 : i32
        %add3A_875 = arith.constant 10 : i32
        %add3A_876 = arith.addi %mul3A_874, %add3A_875 : i32
        %slice3A_877 = vector.extract_strided_slice %gather3A {offsets = [10], sizes = [1], strides = [1]} : vector<16xf32> to vector<1xf32>
        %squeeze3A_878 = vector.extract %slice3A_877[0] : f32 from vector<1xf32>
        %broadcast_in_dim3A_879 = vector.broadcast %squeeze3A_878 : f32 to vector<16xf32>
        %get3A_880 = arith.index_cast %add3A_876 : i32 to index
        %get3A_881 = arith.constant 0 : index
        %get3A_882 = tpu.vector_load %arg11[%get3A_880, %get3A_881] {strides = array<i32>} : memref<128x128xf32, #tpu.memory_space<vmem>>, vector<16xf32>,
        %mul3A_883 = arith.mulf %get3A_882, %broadcast_in_dim3A_879 : vector<16xf32>
        %add3A_884 = arith.addf %mul3A_883, %get3A_13 : vector<16xf32>
        %swap3A_885 = arith.index_cast %add3A_876 : i32 to index
        %swap3A_886 = arith.constant 0 : index
        %swap3A_887 = tpu.vector_load %arg11[%swap3A_885, %swap3A_886] {strides = array<i32>} : memref<128x128xf32, #tpu.memory_space<vmem>>, vector<16xf32>,
        tpu.vector_store %arg11[%swap3A_885, %swap3A_886], %add3A_884 {strides = array<i32>} : memref<128x128xf32, #tpu.memory_space<vmem>>, vector<16xf32>,
        %get3A_888 = arith.index_cast %add3A_876 : i32 to index
        %get3A_889 = arith.constant 16 : index
        %get3A_890 = tpu.vector_load %arg11[%get3A_888, %get3A_889] {strides = array<i32>} : memref<128x128xf32, #tpu.memory_space<vmem>>, vector<16xf32>,
        %mul3A_891 = arith.mulf %get3A_890, %broadcast_in_dim3A_879 : vector<16xf32>
        %add3A_892 = arith.addf %mul3A_891, %get3A_15 : vector<16xf32>
        %swap3A_893 = arith.index_cast %add3A_876 : i32 to index
        %swap3A_894 = arith.constant 16 : index
        %swap3A_895 = tpu.vector_load %arg11[%swap3A_893, %swap3A_894] {strides = array<i32>} : memref<128x128xf32, #tpu.memory_space<vmem>>, vector<16xf32>,
        tpu.vector_store %arg11[%swap3A_893, %swap3A_894], %add3A_892 {strides = array<i32>} : memref<128x128xf32, #tpu.memory_space<vmem>>, vector<16xf32>,
        %get3A_896 = arith.index_cast %add3A_876 : i32 to index
        %get3A_897 = arith.constant 32 : index
        %get3A_898 = tpu.vector_load %arg11[%get3A_896, %get3A_897] {strides = array<i32>} : memref<128x128xf32, #tpu.memory_space<vmem>>, vector<16xf32>,
        %mul3A_899 = arith.mulf %get3A_898, %broadcast_in_dim3A_879 : vector<16xf32>
        %add3A_900 = arith.addf %mul3A_899, %get3A_17 : vector<16xf32>
        %swap3A_901 = arith.index_cast %add3A_876 : i32 to index
        %swap3A_902 = arith.constant 32 : index
        %swap3A_903 = tpu.vector_load %arg11[%swap3A_901, %swap3A_902] {strides = array<i32>} : memref<128x128xf32, #tpu.memory_space<vmem>>, vector<16xf32>,
        tpu.vector_store %arg11[%swap3A_901, %swap3A_902], %add3A_900 {strides = array<i32>} : memref<128x128xf32, #tpu.memory_space<vmem>>, vector<16xf32>,
        %get3A_904 = arith.index_cast %add3A_876 : i32 to index
        %get3A_905 = arith.constant 48 : index
        %get3A_906 = tpu.vector_load %arg11[%get3A_904, %get3A_905] {strides = array<i32>} : memref<128x128xf32, #tpu.memory_space<vmem>>, vector<16xf32>,
        %mul3A_907 = arith.mulf %get3A_906, %broadcast_in_dim3A_879 : vector<16xf32>
        %add3A_908 = arith.addf %mul3A_907, %get3A_19 : vector<16xf32>
        %swap3A_909 = arith.index_cast %add3A_876 : i32 to index
        %swap3A_910 = arith.constant 48 : index
        %swap3A_911 = tpu.vector_load %arg11[%swap3A_909, %swap3A_910] {strides = array<i32>} : memref<128x128xf32, #tpu.memory_space<vmem>>, vector<16xf32>,
        tpu.vector_store %arg11[%swap3A_909, %swap3A_910], %add3A_908 {strides = array<i32>} : memref<128x128xf32, #tpu.memory_space<vmem>>, vector<16xf32>,
        %get3A_912 = arith.index_cast %add3A_876 : i32 to index
        %get3A_913 = arith.constant 64 : index
        %get3A_914 = tpu.vector_load %arg11[%get3A_912, %get3A_913] {strides = array<i32>} : memref<128x128xf32, #tpu.memory_space<vmem>>, vector<16xf32>,
        %mul3A_915 = arith.mulf %get3A_914, %broadcast_in_dim3A_879 : vector<16xf32>
        %add3A_916 = arith.addf %mul3A_915, %get3A_21 : vector<16xf32>
        %swap3A_917 = arith.index_cast %add3A_876 : i32 to index
        %swap3A_918 = arith.constant 64 : index
        %swap3A_919 = tpu.vector_load %arg11[%swap3A_917, %swap3A_918] {strides = array<i32>} : memref<128x128xf32, #tpu.memory_space<vmem>>, vector<16xf32>,
        tpu.vector_store %arg11[%swap3A_917, %swap3A_918], %add3A_916 {strides = array<i32>} : memref<128x128xf32, #tpu.memory_space<vmem>>, vector<16xf32>,
        %get3A_920 = arith.index_cast %add3A_876 : i32 to index
        %get3A_921 = arith.constant 80 : index
        %get3A_922 = tpu.vector_load %arg11[%get3A_920, %get3A_921] {strides = array<i32>} : memref<128x128xf32, #tpu.memory_space<vmem>>, vector<16xf32>,
        %mul3A_923 = arith.mulf %get3A_922, %broadcast_in_dim3A_879 : vector<16xf32>
        %add3A_924 = arith.addf %mul3A_923, %get3A_23 : vector<16xf32>
        %swap3A_925 = arith.index_cast %add3A_876 : i32 to index
        %swap3A_926 = arith.constant 80 : index
        %swap3A_927 = tpu.vector_load %arg11[%swap3A_925, %swap3A_926] {strides = array<i32>} : memref<128x128xf32, #tpu.memory_space<vmem>>, vector<16xf32>,
        tpu.vector_store %arg11[%swap3A_925, %swap3A_926], %add3A_924 {strides = array<i32>} : memref<128x128xf32, #tpu.memory_space<vmem>>, vector<16xf32>,
        %get3A_928 = arith.index_cast %add3A_876 : i32 to index
        %get3A_929 = arith.constant 96 : index
        %get3A_930 = tpu.vector_load %arg11[%get3A_928, %get3A_929] {strides = array<i32>} : memref<128x128xf32, #tpu.memory_space<vmem>>, vector<16xf32>,
        %mul3A_931 = arith.mulf %get3A_930, %broadcast_in_dim3A_879 : vector<16xf32>
        %add3A_932 = arith.addf %mul3A_931, %get3A_25 : vector<16xf32>
        %swap3A_933 = arith.index_cast %add3A_876 : i32 to index
        %swap3A_934 = arith.constant 96 : index
        %swap3A_935 = tpu.vector_load %arg11[%swap3A_933, %swap3A_934] {strides = array<i32>} : memref<128x128xf32, #tpu.memory_space<vmem>>, vector<16xf32>,
        tpu.vector_store %arg11[%swap3A_933, %swap3A_934], %add3A_932 {strides = array<i32>} : memref<128x128xf32, #tpu.memory_space<vmem>>, vector<16xf32>,
        %get3A_936 = arith.index_cast %add3A_876 : i32 to index
        %get3A_937 = arith.constant 112 : index
        %get3A_938 = tpu.vector_load %arg11[%get3A_936, %get3A_937] {strides = array<i32>} : memref<128x128xf32, #tpu.memory_space<vmem>>, vector<16xf32>,
        %mul3A_939 = arith.mulf %get3A_938, %broadcast_in_dim3A_879 : vector<16xf32>
        %add3A_940 = arith.addf %mul3A_939, %get3A_27 : vector<16xf32>
        %swap3A_941 = arith.index_cast %add3A_876 : i32 to index
        %swap3A_942 = arith.constant 112 : index
        %swap3A_943 = tpu.vector_load %arg11[%swap3A_941, %swap3A_942] {strides = array<i32>} : memref<128x128xf32, #tpu.memory_space<vmem>>, vector<16xf32>,
        tpu.vector_store %arg11[%swap3A_941, %swap3A_942], %add3A_940 {strides = array<i32>} : memref<128x128xf32, #tpu.memory_space<vmem>>, vector<16xf32>,
        %mul3A_944 = arith.constant 16 : i32
        %mul3A_945 = arith.muli %scan3A_159, %mul3A_944 : i32
        %add3A_946 = arith.constant 11 : i32
        %add3A_947 = arith.addi %mul3A_945, %add3A_946 : i32
        %slice3A_948 = vector.extract_strided_slice %gather3A {offsets = [11], sizes = [1], strides = [1]} : vector<16xf32> to vector<1xf32>
        %squeeze3A_949 = vector.extract %slice3A_948[0] : f32 from vector<1xf32>
        %broadcast_in_dim3A_950 = vector.broadcast %squeeze3A_949 : f32 to vector<16xf32>
        %get3A_951 = arith.index_cast %add3A_947 : i32 to index
        %get3A_952 = arith.constant 0 : index
        %get3A_953 = tpu.vector_load %arg11[%get3A_951, %get3A_952] {strides = array<i32>} : memref<128x128xf32, #tpu.memory_space<vmem>>, vector<16xf32>,
        %mul3A_954 = arith.mulf %get3A_953, %broadcast_in_dim3A_950 : vector<16xf32>
        %add3A_955 = arith.addf %mul3A_954, %get3A_13 : vector<16xf32>
        %swap3A_956 = arith.index_cast %add3A_947 : i32 to index
        %swap3A_957 = arith.constant 0 : index
        %swap3A_958 = tpu.vector_load %arg11[%swap3A_956, %swap3A_957] {strides = array<i32>} : memref<128x128xf32, #tpu.memory_space<vmem>>, vector<16xf32>,
        tpu.vector_store %arg11[%swap3A_956, %swap3A_957], %add3A_955 {strides = array<i32>} : memref<128x128xf32, #tpu.memory_space<vmem>>, vector<16xf32>,
        %get3A_959 = arith.index_cast %add3A_947 : i32 to index
        %get3A_960 = arith.constant 16 : index
        %get3A_961 = tpu.vector_load %arg11[%get3A_959, %get3A_960] {strides = array<i32>} : memref<128x128xf32, #tpu.memory_space<vmem>>, vector<16xf32>,
        %mul3A_962 = arith.mulf %get3A_961, %broadcast_in_dim3A_950 : vector<16xf32>
        %add3A_963 = arith.addf %mul3A_962, %get3A_15 : vector<16xf32>
        %swap3A_964 = arith.index_cast %add3A_947 : i32 to index
        %swap3A_965 = arith.constant 16 : index
        %swap3A_966 = tpu.vector_load %arg11[%swap3A_964, %swap3A_965] {strides = array<i32>} : memref<128x128xf32, #tpu.memory_space<vmem>>, vector<16xf32>,
        tpu.vector_store %arg11[%swap3A_964, %swap3A_965], %add3A_963 {strides = array<i32>} : memref<128x128xf32, #tpu.memory_space<vmem>>, vector<16xf32>,
        %get3A_967 = arith.index_cast %add3A_947 : i32 to index
        %get3A_968 = arith.constant 32 : index
        %get3A_969 = tpu.vector_load %arg11[%get3A_967, %get3A_968] {strides = array<i32>} : memref<128x128xf32, #tpu.memory_space<vmem>>, vector<16xf32>,
        %mul3A_970 = arith.mulf %get3A_969, %broadcast_in_dim3A_950 : vector<16xf32>
        %add3A_971 = arith.addf %mul3A_970, %get3A_17 : vector<16xf32>
        %swap3A_972 = arith.index_cast %add3A_947 : i32 to index
        %swap3A_973 = arith.constant 32 : index
        %swap3A_974 = tpu.vector_load %arg11[%swap3A_972, %swap3A_973] {strides = array<i32>} : memref<128x128xf32, #tpu.memory_space<vmem>>, vector<16xf32>,
        tpu.vector_store %arg11[%swap3A_972, %swap3A_973], %add3A_971 {strides = array<i32>} : memref<128x128xf32, #tpu.memory_space<vmem>>, vector<16xf32>,
        %get3A_975 = arith.index_cast %add3A_947 : i32 to index
        %get3A_976 = arith.constant 48 : index
        %get3A_977 = tpu.vector_load %arg11[%get3A_975, %get3A_976] {strides = array<i32>} : memref<128x128xf32, #tpu.memory_space<vmem>>, vector<16xf32>,
        %mul3A_978 = arith.mulf %get3A_977, %broadcast_in_dim3A_950 : vector<16xf32>
        %add3A_979 = arith.addf %mul3A_978, %get3A_19 : vector<16xf32>
        %swap3A_980 = arith.index_cast %add3A_947 : i32 to index
        %swap3A_981 = arith.constant 48 : index
        %swap3A_982 = tpu.vector_load %arg11[%swap3A_980, %swap3A_981] {strides = array<i32>} : memref<128x128xf32, #tpu.memory_space<vmem>>, vector<16xf32>,
        tpu.vector_store %arg11[%swap3A_980, %swap3A_981], %add3A_979 {strides = array<i32>} : memref<128x128xf32, #tpu.memory_space<vmem>>, vector<16xf32>,
        %get3A_983 = arith.index_cast %add3A_947 : i32 to index
        %get3A_984 = arith.constant 64 : index
        %get3A_985 = tpu.vector_load %arg11[%get3A_983, %get3A_984] {strides = array<i32>} : memref<128x128xf32, #tpu.memory_space<vmem>>, vector<16xf32>,
        %mul3A_986 = arith.mulf %get3A_985, %broadcast_in_dim3A_950 : vector<16xf32>
        %add3A_987 = arith.addf %mul3A_986, %get3A_21 : vector<16xf32>
        %swap3A_988 = arith.index_cast %add3A_947 : i32 to index
        %swap3A_989 = arith.constant 64 : index
        %swap3A_990 = tpu.vector_load %arg11[%swap3A_988, %swap3A_989] {strides = array<i32>} : memref<128x128xf32, #tpu.memory_space<vmem>>, vector<16xf32>,
        tpu.vector_store %arg11[%swap3A_988, %swap3A_989], %add3A_987 {strides = array<i32>} : memref<128x128xf32, #tpu.memory_space<vmem>>, vector<16xf32>,
        %get3A_991 = arith.index_cast %add3A_947 : i32 to index
        %get3A_992 = arith.constant 80 : index
        %get3A_993 = tpu.vector_load %arg11[%get3A_991, %get3A_992] {strides = array<i32>} : memref<128x128xf32, #tpu.memory_space<vmem>>, vector<16xf32>,
        %mul3A_994 = arith.mulf %get3A_993, %broadcast_in_dim3A_950 : vector<16xf32>
        %add3A_995 = arith.addf %mul3A_994, %get3A_23 : vector<16xf32>
        %swap3A_996 = arith.index_cast %add3A_947 : i32 to index
        %swap3A_997 = arith.constant 80 : index
        %swap3A_998 = tpu.vector_load %arg11[%swap3A_996, %swap3A_997] {strides = array<i32>} : memref<128x128xf32, #tpu.memory_space<vmem>>, vector<16xf32>,
        tpu.vector_store %arg11[%swap3A_996, %swap3A_997], %add3A_995 {strides = array<i32>} : memref<128x128xf32, #tpu.memory_space<vmem>>, vector<16xf32>,
        %get3A_999 = arith.index_cast %add3A_947 : i32 to index
        %get3A_1000 = arith.constant 96 : index
        %get3A_1001 = tpu.vector_load %arg11[%get3A_999, %get3A_1000] {strides = array<i32>} : memref<128x128xf32, #tpu.memory_space<vmem>>, vector<16xf32>,
        %mul3A_1002 = arith.mulf %get3A_1001, %broadcast_in_dim3A_950 : vector<16xf32>
        %add3A_1003 = arith.addf %mul3A_1002, %get3A_25 : vector<16xf32>
        %swap3A_1004 = arith.index_cast %add3A_947 : i32 to index
        %swap3A_1005 = arith.constant 96 : index
        %swap3A_1006 = tpu.vector_load %arg11[%swap3A_1004, %swap3A_1005] {strides = array<i32>} : memref<128x128xf32, #tpu.memory_space<vmem>>, vector<16xf32>,
        tpu.vector_store %arg11[%swap3A_1004, %swap3A_1005], %add3A_1003 {strides = array<i32>} : memref<128x128xf32, #tpu.memory_space<vmem>>, vector<16xf32>,
        %get3A_1007 = arith.index_cast %add3A_947 : i32 to index
        %get3A_1008 = arith.constant 112 : index
        %get3A_1009 = tpu.vector_load %arg11[%get3A_1007, %get3A_1008] {strides = array<i32>} : memref<128x128xf32, #tpu.memory_space<vmem>>, vector<16xf32>,
        %mul3A_1010 = arith.mulf %get3A_1009, %broadcast_in_dim3A_950 : vector<16xf32>
        %add3A_1011 = arith.addf %mul3A_1010, %get3A_27 : vector<16xf32>
        %swap3A_1012 = arith.index_cast %add3A_947 : i32 to index
        %swap3A_1013 = arith.constant 112 : index
        %swap3A_1014 = tpu.vector_load %arg11[%swap3A_1012, %swap3A_1013] {strides = array<i32>} : memref<128x128xf32, #tpu.memory_space<vmem>>, vector<16xf32>,
        tpu.vector_store %arg11[%swap3A_1012, %swap3A_1013], %add3A_1011 {strides = array<i32>} : memref<128x128xf32, #tpu.memory_space<vmem>>, vector<16xf32>,
        %mul3A_1015 = arith.constant 16 : i32
        %mul3A_1016 = arith.muli %scan3A_159, %mul3A_1015 : i32
        %add3A_1017 = arith.constant 12 : i32
        %add3A_1018 = arith.addi %mul3A_1016, %add3A_1017 : i32
        %slice3A_1019 = vector.extract_strided_slice %gather3A {offsets = [12], sizes = [1], strides = [1]} : vector<16xf32> to vector<1xf32>
        %squeeze3A_1020 = vector.extract %slice3A_1019[0] : f32 from vector<1xf32>
        %broadcast_in_dim3A_1021 = vector.broadcast %squeeze3A_1020 : f32 to vector<16xf32>
        %get3A_1022 = arith.index_cast %add3A_1018 : i32 to index
        %get3A_1023 = arith.constant 0 : index
        %get3A_1024 = tpu.vector_load %arg11[%get3A_1022, %get3A_1023] {strides = array<i32>} : memref<128x128xf32, #tpu.memory_space<vmem>>, vector<16xf32>,
        %mul3A_1025 = arith.mulf %get3A_1024, %broadcast_in_dim3A_1021 : vector<16xf32>
        %add3A_1026 = arith.addf %mul3A_1025, %get3A_13 : vector<16xf32>
        %swap3A_1027 = arith.index_cast %add3A_1018 : i32 to index
        %swap3A_1028 = arith.constant 0 : index
        %swap3A_1029 = tpu.vector_load %arg11[%swap3A_1027, %swap3A_1028] {strides = array<i32>} : memref<128x128xf32, #tpu.memory_space<vmem>>, vector<16xf32>,
        tpu.vector_store %arg11[%swap3A_1027, %swap3A_1028], %add3A_1026 {strides = array<i32>} : memref<128x128xf32, #tpu.memory_space<vmem>>, vector<16xf32>,
        %get3A_1030 = arith.index_cast %add3A_1018 : i32 to index
        %get3A_1031 = arith.constant 16 : index
        %get3A_1032 = tpu.vector_load %arg11[%get3A_1030, %get3A_1031] {strides = array<i32>} : memref<128x128xf32, #tpu.memory_space<vmem>>, vector<16xf32>,
        %mul3A_1033 = arith.mulf %get3A_1032, %broadcast_in_dim3A_1021 : vector<16xf32>
        %add3A_1034 = arith.addf %mul3A_1033, %get3A_15 : vector<16xf32>
        %swap3A_1035 = arith.index_cast %add3A_1018 : i32 to index
        %swap3A_1036 = arith.constant 16 : index
        %swap3A_1037 = tpu.vector_load %arg11[%swap3A_1035, %swap3A_1036] {strides = array<i32>} : memref<128x128xf32, #tpu.memory_space<vmem>>, vector<16xf32>,
        tpu.vector_store %arg11[%swap3A_1035, %swap3A_1036], %add3A_1034 {strides = array<i32>} : memref<128x128xf32, #tpu.memory_space<vmem>>, vector<16xf32>,
        %get3A_1038 = arith.index_cast %add3A_1018 : i32 to index
        %get3A_1039 = arith.constant 32 : index
        %get3A_1040 = tpu.vector_load %arg11[%get3A_1038, %get3A_1039] {strides = array<i32>} : memref<128x128xf32, #tpu.memory_space<vmem>>, vector<16xf32>,
        %mul3A_1041 = arith.mulf %get3A_1040, %broadcast_in_dim3A_1021 : vector<16xf32>
        %add3A_1042 = arith.addf %mul3A_1041, %get3A_17 : vector<16xf32>
        %swap3A_1043 = arith.index_cast %add3A_1018 : i32 to index
        %swap3A_1044 = arith.constant 32 : index
        %swap3A_1045 = tpu.vector_load %arg11[%swap3A_1043, %swap3A_1044] {strides = array<i32>} : memref<128x128xf32, #tpu.memory_space<vmem>>, vector<16xf32>,
        tpu.vector_store %arg11[%swap3A_1043, %swap3A_1044], %add3A_1042 {strides = array<i32>} : memref<128x128xf32, #tpu.memory_space<vmem>>, vector<16xf32>,
        %get3A_1046 = arith.index_cast %add3A_1018 : i32 to index
        %get3A_1047 = arith.constant 48 : index
        %get3A_1048 = tpu.vector_load %arg11[%get3A_1046, %get3A_1047] {strides = array<i32>} : memref<128x128xf32, #tpu.memory_space<vmem>>, vector<16xf32>,
        %mul3A_1049 = arith.mulf %get3A_1048, %broadcast_in_dim3A_1021 : vector<16xf32>
        %add3A_1050 = arith.addf %mul3A_1049, %get3A_19 : vector<16xf32>
        %swap3A_1051 = arith.index_cast %add3A_1018 : i32 to index
        %swap3A_1052 = arith.constant 48 : index
        %swap3A_1053 = tpu.vector_load %arg11[%swap3A_1051, %swap3A_1052] {strides = array<i32>} : memref<128x128xf32, #tpu.memory_space<vmem>>, vector<16xf32>,
        tpu.vector_store %arg11[%swap3A_1051, %swap3A_1052], %add3A_1050 {strides = array<i32>} : memref<128x128xf32, #tpu.memory_space<vmem>>, vector<16xf32>,
        %get3A_1054 = arith.index_cast %add3A_1018 : i32 to index
        %get3A_1055 = arith.constant 64 : index
        %get3A_1056 = tpu.vector_load %arg11[%get3A_1054, %get3A_1055] {strides = array<i32>} : memref<128x128xf32, #tpu.memory_space<vmem>>, vector<16xf32>,
        %mul3A_1057 = arith.mulf %get3A_1056, %broadcast_in_dim3A_1021 : vector<16xf32>
        %add3A_1058 = arith.addf %mul3A_1057, %get3A_21 : vector<16xf32>
        %swap3A_1059 = arith.index_cast %add3A_1018 : i32 to index
        %swap3A_1060 = arith.constant 64 : index
        %swap3A_1061 = tpu.vector_load %arg11[%swap3A_1059, %swap3A_1060] {strides = array<i32>} : memref<128x128xf32, #tpu.memory_space<vmem>>, vector<16xf32>,
        tpu.vector_store %arg11[%swap3A_1059, %swap3A_1060], %add3A_1058 {strides = array<i32>} : memref<128x128xf32, #tpu.memory_space<vmem>>, vector<16xf32>,
        %get3A_1062 = arith.index_cast %add3A_1018 : i32 to index
        %get3A_1063 = arith.constant 80 : index
        %get3A_1064 = tpu.vector_load %arg11[%get3A_1062, %get3A_1063] {strides = array<i32>} : memref<128x128xf32, #tpu.memory_space<vmem>>, vector<16xf32>,
        %mul3A_1065 = arith.mulf %get3A_1064, %broadcast_in_dim3A_1021 : vector<16xf32>
        %add3A_1066 = arith.addf %mul3A_1065, %get3A_23 : vector<16xf32>
        %swap3A_1067 = arith.index_cast %add3A_1018 : i32 to index
        %swap3A_1068 = arith.constant 80 : index
        %swap3A_1069 = tpu.vector_load %arg11[%swap3A_1067, %swap3A_1068] {strides = array<i32>} : memref<128x128xf32, #tpu.memory_space<vmem>>, vector<16xf32>,
        tpu.vector_store %arg11[%swap3A_1067, %swap3A_1068], %add3A_1066 {strides = array<i32>} : memref<128x128xf32, #tpu.memory_space<vmem>>, vector<16xf32>,
        %get3A_1070 = arith.index_cast %add3A_1018 : i32 to index
        %get3A_1071 = arith.constant 96 : index
        %get3A_1072 = tpu.vector_load %arg11[%get3A_1070, %get3A_1071] {strides = array<i32>} : memref<128x128xf32, #tpu.memory_space<vmem>>, vector<16xf32>,
        %mul3A_1073 = arith.mulf %get3A_1072, %broadcast_in_dim3A_1021 : vector<16xf32>
        %add3A_1074 = arith.addf %mul3A_1073, %get3A_25 : vector<16xf32>
        %swap3A_1075 = arith.index_cast %add3A_1018 : i32 to index
        %swap3A_1076 = arith.constant 96 : index
        %swap3A_1077 = tpu.vector_load %arg11[%swap3A_1075, %swap3A_1076] {strides = array<i32>} : memref<128x128xf32, #tpu.memory_space<vmem>>, vector<16xf32>,
        tpu.vector_store %arg11[%swap3A_1075, %swap3A_1076], %add3A_1074 {strides = array<i32>} : memref<128x128xf32, #tpu.memory_space<vmem>>, vector<16xf32>,
        %get3A_1078 = arith.index_cast %add3A_1018 : i32 to index
        %get3A_1079 = arith.constant 112 : index
        %get3A_1080 = tpu.vector_load %arg11[%get3A_1078, %get3A_1079] {strides = array<i32>} : memref<128x128xf32, #tpu.memory_space<vmem>>, vector<16xf32>,
        %mul3A_1081 = arith.mulf %get3A_1080, %broadcast_in_dim3A_1021 : vector<16xf32>
        %add3A_1082 = arith.addf %mul3A_1081, %get3A_27 : vector<16xf32>
        %swap3A_1083 = arith.index_cast %add3A_1018 : i32 to index
        %swap3A_1084 = arith.constant 112 : index
        %swap3A_1085 = tpu.vector_load %arg11[%swap3A_1083, %swap3A_1084] {strides = array<i32>} : memref<128x128xf32, #tpu.memory_space<vmem>>, vector<16xf32>,
        tpu.vector_store %arg11[%swap3A_1083, %swap3A_1084], %add3A_1082 {strides = array<i32>} : memref<128x128xf32, #tpu.memory_space<vmem>>, vector<16xf32>,
        %mul3A_1086 = arith.constant 16 : i32
        %mul3A_1087 = arith.muli %scan3A_159, %mul3A_1086 : i32
        %add3A_1088 = arith.constant 13 : i32
        %add3A_1089 = arith.addi %mul3A_1087, %add3A_1088 : i32
        %slice3A_1090 = vector.extract_strided_slice %gather3A {offsets = [13], sizes = [1], strides = [1]} : vector<16xf32> to vector<1xf32>
        %squeeze3A_1091 = vector.extract %slice3A_1090[0] : f32 from vector<1xf32>
        %broadcast_in_dim3A_1092 = vector.broadcast %squeeze3A_1091 : f32 to vector<16xf32>
        %get3A_1093 = arith.index_cast %add3A_1089 : i32 to index
        %get3A_1094 = arith.constant 0 : index
        %get3A_1095 = tpu.vector_load %arg11[%get3A_1093, %get3A_1094] {strides = array<i32>} : memref<128x128xf32, #tpu.memory_space<vmem>>, vector<16xf32>,
        %mul3A_1096 = arith.mulf %get3A_1095, %broadcast_in_dim3A_1092 : vector<16xf32>
        %add3A_1097 = arith.addf %mul3A_1096, %get3A_13 : vector<16xf32>
        %swap3A_1098 = arith.index_cast %add3A_1089 : i32 to index
        %swap3A_1099 = arith.constant 0 : index
        %swap3A_1100 = tpu.vector_load %arg11[%swap3A_1098, %swap3A_1099] {strides = array<i32>} : memref<128x128xf32, #tpu.memory_space<vmem>>, vector<16xf32>,
        tpu.vector_store %arg11[%swap3A_1098, %swap3A_1099], %add3A_1097 {strides = array<i32>} : memref<128x128xf32, #tpu.memory_space<vmem>>, vector<16xf32>,
        %get3A_1101 = arith.index_cast %add3A_1089 : i32 to index
        %get3A_1102 = arith.constant 16 : index
        %get3A_1103 = tpu.vector_load %arg11[%get3A_1101, %get3A_1102] {strides = array<i32>} : memref<128x128xf32, #tpu.memory_space<vmem>>, vector<16xf32>,
        %mul3A_1104 = arith.mulf %get3A_1103, %broadcast_in_dim3A_1092 : vector<16xf32>
        %add3A_1105 = arith.addf %mul3A_1104, %get3A_15 : vector<16xf32>
        %swap3A_1106 = arith.index_cast %add3A_1089 : i32 to index
        %swap3A_1107 = arith.constant 16 : index
        %swap3A_1108 = tpu.vector_load %arg11[%swap3A_1106, %swap3A_1107] {strides = array<i32>} : memref<128x128xf32, #tpu.memory_space<vmem>>, vector<16xf32>,
        tpu.vector_store %arg11[%swap3A_1106, %swap3A_1107], %add3A_1105 {strides = array<i32>} : memref<128x128xf32, #tpu.memory_space<vmem>>, vector<16xf32>,
        %get3A_1109 = arith.index_cast %add3A_1089 : i32 to index
        %get3A_1110 = arith.constant 32 : index
        %get3A_1111 = tpu.vector_load %arg11[%get3A_1109, %get3A_1110] {strides = array<i32>} : memref<128x128xf32, #tpu.memory_space<vmem>>, vector<16xf32>,
        %mul3A_1112 = arith.mulf %get3A_1111, %broadcast_in_dim3A_1092 : vector<16xf32>
        %add3A_1113 = arith.addf %mul3A_1112, %get3A_17 : vector<16xf32>
        %swap3A_1114 = arith.index_cast %add3A_1089 : i32 to index
        %swap3A_1115 = arith.constant 32 : index
        %swap3A_1116 = tpu.vector_load %arg11[%swap3A_1114, %swap3A_1115] {strides = array<i32>} : memref<128x128xf32, #tpu.memory_space<vmem>>, vector<16xf32>,
        tpu.vector_store %arg11[%swap3A_1114, %swap3A_1115], %add3A_1113 {strides = array<i32>} : memref<128x128xf32, #tpu.memory_space<vmem>>, vector<16xf32>,
        %get3A_1117 = arith.index_cast %add3A_1089 : i32 to index
        %get3A_1118 = arith.constant 48 : index
        %get3A_1119 = tpu.vector_load %arg11[%get3A_1117, %get3A_1118] {strides = array<i32>} : memref<128x128xf32, #tpu.memory_space<vmem>>, vector<16xf32>,
        %mul3A_1120 = arith.mulf %get3A_1119, %broadcast_in_dim3A_1092 : vector<16xf32>
        %add3A_1121 = arith.addf %mul3A_1120, %get3A_19 : vector<16xf32>
        %swap3A_1122 = arith.index_cast %add3A_1089 : i32 to index
        %swap3A_1123 = arith.constant 48 : index
        %swap3A_1124 = tpu.vector_load %arg11[%swap3A_1122, %swap3A_1123] {strides = array<i32>} : memref<128x128xf32, #tpu.memory_space<vmem>>, vector<16xf32>,
        tpu.vector_store %arg11[%swap3A_1122, %swap3A_1123], %add3A_1121 {strides = array<i32>} : memref<128x128xf32, #tpu.memory_space<vmem>>, vector<16xf32>,
        %get3A_1125 = arith.index_cast %add3A_1089 : i32 to index
        %get3A_1126 = arith.constant 64 : index
        %get3A_1127 = tpu.vector_load %arg11[%get3A_1125, %get3A_1126] {strides = array<i32>} : memref<128x128xf32, #tpu.memory_space<vmem>>, vector<16xf32>,
        %mul3A_1128 = arith.mulf %get3A_1127, %broadcast_in_dim3A_1092 : vector<16xf32>
        %add3A_1129 = arith.addf %mul3A_1128, %get3A_21 : vector<16xf32>
        %swap3A_1130 = arith.index_cast %add3A_1089 : i32 to index
        %swap3A_1131 = arith.constant 64 : index
        %swap3A_1132 = tpu.vector_load %arg11[%swap3A_1130, %swap3A_1131] {strides = array<i32>} : memref<128x128xf32, #tpu.memory_space<vmem>>, vector<16xf32>,
        tpu.vector_store %arg11[%swap3A_1130, %swap3A_1131], %add3A_1129 {strides = array<i32>} : memref<128x128xf32, #tpu.memory_space<vmem>>, vector<16xf32>,
        %get3A_1133 = arith.index_cast %add3A_1089 : i32 to index
        %get3A_1134 = arith.constant 80 : index
        %get3A_1135 = tpu.vector_load %arg11[%get3A_1133, %get3A_1134] {strides = array<i32>} : memref<128x128xf32, #tpu.memory_space<vmem>>, vector<16xf32>,
        %mul3A_1136 = arith.mulf %get3A_1135, %broadcast_in_dim3A_1092 : vector<16xf32>
        %add3A_1137 = arith.addf %mul3A_1136, %get3A_23 : vector<16xf32>
        %swap3A_1138 = arith.index_cast %add3A_1089 : i32 to index
        %swap3A_1139 = arith.constant 80 : index
        %swap3A_1140 = tpu.vector_load %arg11[%swap3A_1138, %swap3A_1139] {strides = array<i32>} : memref<128x128xf32, #tpu.memory_space<vmem>>, vector<16xf32>,
        tpu.vector_store %arg11[%swap3A_1138, %swap3A_1139], %add3A_1137 {strides = array<i32>} : memref<128x128xf32, #tpu.memory_space<vmem>>, vector<16xf32>,
        %get3A_1141 = arith.index_cast %add3A_1089 : i32 to index
        %get3A_1142 = arith.constant 96 : index
        %get3A_1143 = tpu.vector_load %arg11[%get3A_1141, %get3A_1142] {strides = array<i32>} : memref<128x128xf32, #tpu.memory_space<vmem>>, vector<16xf32>,
        %mul3A_1144 = arith.mulf %get3A_1143, %broadcast_in_dim3A_1092 : vector<16xf32>
        %add3A_1145 = arith.addf %mul3A_1144, %get3A_25 : vector<16xf32>
        %swap3A_1146 = arith.index_cast %add3A_1089 : i32 to index
        %swap3A_1147 = arith.constant 96 : index
        %swap3A_1148 = tpu.vector_load %arg11[%swap3A_1146, %swap3A_1147] {strides = array<i32>} : memref<128x128xf32, #tpu.memory_space<vmem>>, vector<16xf32>,
        tpu.vector_store %arg11[%swap3A_1146, %swap3A_1147], %add3A_1145 {strides = array<i32>} : memref<128x128xf32, #tpu.memory_space<vmem>>, vector<16xf32>,
        %get3A_1149 = arith.index_cast %add3A_1089 : i32 to index
        %get3A_1150 = arith.constant 112 : index
        %get3A_1151 = tpu.vector_load %arg11[%get3A_1149, %get3A_1150] {strides = array<i32>} : memref<128x128xf32, #tpu.memory_space<vmem>>, vector<16xf32>,
        %mul3A_1152 = arith.mulf %get3A_1151, %broadcast_in_dim3A_1092 : vector<16xf32>
        %add3A_1153 = arith.addf %mul3A_1152, %get3A_27 : vector<16xf32>
        %swap3A_1154 = arith.index_cast %add3A_1089 : i32 to index
        %swap3A_1155 = arith.constant 112 : index
        %swap3A_1156 = tpu.vector_load %arg11[%swap3A_1154, %swap3A_1155] {strides = array<i32>} : memref<128x128xf32, #tpu.memory_space<vmem>>, vector<16xf32>,
        tpu.vector_store %arg11[%swap3A_1154, %swap3A_1155], %add3A_1153 {strides = array<i32>} : memref<128x128xf32, #tpu.memory_space<vmem>>, vector<16xf32>,
        %mul3A_1157 = arith.constant 16 : i32
        %mul3A_1158 = arith.muli %scan3A_159, %mul3A_1157 : i32
        %add3A_1159 = arith.constant 14 : i32
        %add3A_1160 = arith.addi %mul3A_1158, %add3A_1159 : i32
        %slice3A_1161 = vector.extract_strided_slice %gather3A {offsets = [14], sizes = [1], strides = [1]} : vector<16xf32> to vector<1xf32>
        %squeeze3A_1162 = vector.extract %slice3A_1161[0] : f32 from vector<1xf32>
        %broadcast_in_dim3A_1163 = vector.broadcast %squeeze3A_1162 : f32 to vector<16xf32>
        %get3A_1164 = arith.index_cast %add3A_1160 : i32 to index
        %get3A_1165 = arith.constant 0 : index
        %get3A_1166 = tpu.vector_load %arg11[%get3A_1164, %get3A_1165] {strides = array<i32>} : memref<128x128xf32, #tpu.memory_space<vmem>>, vector<16xf32>,
        %mul3A_1167 = arith.mulf %get3A_1166, %broadcast_in_dim3A_1163 : vector<16xf32>
        %add3A_1168 = arith.addf %mul3A_1167, %get3A_13 : vector<16xf32>
        %swap3A_1169 = arith.index_cast %add3A_1160 : i32 to index
        %swap3A_1170 = arith.constant 0 : index
        %swap3A_1171 = tpu.vector_load %arg11[%swap3A_1169, %swap3A_1170] {strides = array<i32>} : memref<128x128xf32, #tpu.memory_space<vmem>>, vector<16xf32>,
        tpu.vector_store %arg11[%swap3A_1169, %swap3A_1170], %add3A_1168 {strides = array<i32>} : memref<128x128xf32, #tpu.memory_space<vmem>>, vector<16xf32>,
        %get3A_1172 = arith.index_cast %add3A_1160 : i32 to index
        %get3A_1173 = arith.constant 16 : index
        %get3A_1174 = tpu.vector_load %arg11[%get3A_1172, %get3A_1173] {strides = array<i32>} : memref<128x128xf32, #tpu.memory_space<vmem>>, vector<16xf32>,
        %mul3A_1175 = arith.mulf %get3A_1174, %broadcast_in_dim3A_1163 : vector<16xf32>
        %add3A_1176 = arith.addf %mul3A_1175, %get3A_15 : vector<16xf32>
        %swap3A_1177 = arith.index_cast %add3A_1160 : i32 to index
        %swap3A_1178 = arith.constant 16 : index
        %swap3A_1179 = tpu.vector_load %arg11[%swap3A_1177, %swap3A_1178] {strides = array<i32>} : memref<128x128xf32, #tpu.memory_space<vmem>>, vector<16xf32>,
        tpu.vector_store %arg11[%swap3A_1177, %swap3A_1178], %add3A_1176 {strides = array<i32>} : memref<128x128xf32, #tpu.memory_space<vmem>>, vector<16xf32>,
        %get3A_1180 = arith.index_cast %add3A_1160 : i32 to index
        %get3A_1181 = arith.constant 32 : index
        %get3A_1182 = tpu.vector_load %arg11[%get3A_1180, %get3A_1181] {strides = array<i32>} : memref<128x128xf32, #tpu.memory_space<vmem>>, vector<16xf32>,
        %mul3A_1183 = arith.mulf %get3A_1182, %broadcast_in_dim3A_1163 : vector<16xf32>
        %add3A_1184 = arith.addf %mul3A_1183, %get3A_17 : vector<16xf32>
        %swap3A_1185 = arith.index_cast %add3A_1160 : i32 to index
        %swap3A_1186 = arith.constant 32 : index
        %swap3A_1187 = tpu.vector_load %arg11[%swap3A_1185, %swap3A_1186] {strides = array<i32>} : memref<128x128xf32, #tpu.memory_space<vmem>>, vector<16xf32>,
        tpu.vector_store %arg11[%swap3A_1185, %swap3A_1186], %add3A_1184 {strides = array<i32>} : memref<128x128xf32, #tpu.memory_space<vmem>>, vector<16xf32>,
        %get3A_1188 = arith.index_cast %add3A_1160 : i32 to index
        %get3A_1189 = arith.constant 48 : index
        %get3A_1190 = tpu.vector_load %arg11[%get3A_1188, %get3A_1189] {strides = array<i32>} : memref<128x128xf32, #tpu.memory_space<vmem>>, vector<16xf32>,
        %mul3A_1191 = arith.mulf %get3A_1190, %broadcast_in_dim3A_1163 : vector<16xf32>
        %add3A_1192 = arith.addf %mul3A_1191, %get3A_19 : vector<16xf32>
        %swap3A_1193 = arith.index_cast %add3A_1160 : i32 to index
        %swap3A_1194 = arith.constant 48 : index
        %swap3A_1195 = tpu.vector_load %arg11[%swap3A_1193, %swap3A_1194] {strides = array<i32>} : memref<128x128xf32, #tpu.memory_space<vmem>>, vector<16xf32>,
        tpu.vector_store %arg11[%swap3A_1193, %swap3A_1194], %add3A_1192 {strides = array<i32>} : memref<128x128xf32, #tpu.memory_space<vmem>>, vector<16xf32>,
        %get3A_1196 = arith.index_cast %add3A_1160 : i32 to index
        %get3A_1197 = arith.constant 64 : index
        %get3A_1198 = tpu.vector_load %arg11[%get3A_1196, %get3A_1197] {strides = array<i32>} : memref<128x128xf32, #tpu.memory_space<vmem>>, vector<16xf32>,
        %mul3A_1199 = arith.mulf %get3A_1198, %broadcast_in_dim3A_1163 : vector<16xf32>
        %add3A_1200 = arith.addf %mul3A_1199, %get3A_21 : vector<16xf32>
        %swap3A_1201 = arith.index_cast %add3A_1160 : i32 to index
        %swap3A_1202 = arith.constant 64 : index
        %swap3A_1203 = tpu.vector_load %arg11[%swap3A_1201, %swap3A_1202] {strides = array<i32>} : memref<128x128xf32, #tpu.memory_space<vmem>>, vector<16xf32>,
        tpu.vector_store %arg11[%swap3A_1201, %swap3A_1202], %add3A_1200 {strides = array<i32>} : memref<128x128xf32, #tpu.memory_space<vmem>>, vector<16xf32>,
        %get3A_1204 = arith.index_cast %add3A_1160 : i32 to index
        %get3A_1205 = arith.constant 80 : index
        %get3A_1206 = tpu.vector_load %arg11[%get3A_1204, %get3A_1205] {strides = array<i32>} : memref<128x128xf32, #tpu.memory_space<vmem>>, vector<16xf32>,
        %mul3A_1207 = arith.mulf %get3A_1206, %broadcast_in_dim3A_1163 : vector<16xf32>
        %add3A_1208 = arith.addf %mul3A_1207, %get3A_23 : vector<16xf32>
        %swap3A_1209 = arith.index_cast %add3A_1160 : i32 to index
        %swap3A_1210 = arith.constant 80 : index
        %swap3A_1211 = tpu.vector_load %arg11[%swap3A_1209, %swap3A_1210] {strides = array<i32>} : memref<128x128xf32, #tpu.memory_space<vmem>>, vector<16xf32>,
        tpu.vector_store %arg11[%swap3A_1209, %swap3A_1210], %add3A_1208 {strides = array<i32>} : memref<128x128xf32, #tpu.memory_space<vmem>>, vector<16xf32>,
        %get3A_1212 = arith.index_cast %add3A_1160 : i32 to index
        %get3A_1213 = arith.constant 96 : index
        %get3A_1214 = tpu.vector_load %arg11[%get3A_1212, %get3A_1213] {strides = array<i32>} : memref<128x128xf32, #tpu.memory_space<vmem>>, vector<16xf32>,
        %mul3A_1215 = arith.mulf %get3A_1214, %broadcast_in_dim3A_1163 : vector<16xf32>
        %add3A_1216 = arith.addf %mul3A_1215, %get3A_25 : vector<16xf32>
        %swap3A_1217 = arith.index_cast %add3A_1160 : i32 to index
        %swap3A_1218 = arith.constant 96 : index
        %swap3A_1219 = tpu.vector_load %arg11[%swap3A_1217, %swap3A_1218] {strides = array<i32>} : memref<128x128xf32, #tpu.memory_space<vmem>>, vector<16xf32>,
        tpu.vector_store %arg11[%swap3A_1217, %swap3A_1218], %add3A_1216 {strides = array<i32>} : memref<128x128xf32, #tpu.memory_space<vmem>>, vector<16xf32>,
        %get3A_1220 = arith.index_cast %add3A_1160 : i32 to index
        %get3A_1221 = arith.constant 112 : index
        %get3A_1222 = tpu.vector_load %arg11[%get3A_1220, %get3A_1221] {strides = array<i32>} : memref<128x128xf32, #tpu.memory_space<vmem>>, vector<16xf32>,
        %mul3A_1223 = arith.mulf %get3A_1222, %broadcast_in_dim3A_1163 : vector<16xf32>
        %add3A_1224 = arith.addf %mul3A_1223, %get3A_27 : vector<16xf32>
        %swap3A_1225 = arith.index_cast %add3A_1160 : i32 to index
        %swap3A_1226 = arith.constant 112 : index
        %swap3A_1227 = tpu.vector_load %arg11[%swap3A_1225, %swap3A_1226] {strides = array<i32>} : memref<128x128xf32, #tpu.memory_space<vmem>>, vector<16xf32>,
        tpu.vector_store %arg11[%swap3A_1225, %swap3A_1226], %add3A_1224 {strides = array<i32>} : memref<128x128xf32, #tpu.memory_space<vmem>>, vector<16xf32>,
        %mul3A_1228 = arith.constant 16 : i32
        %mul3A_1229 = arith.muli %scan3A_159, %mul3A_1228 : i32
        %add3A_1230 = arith.constant 15 : i32
        %add3A_1231 = arith.addi %mul3A_1229, %add3A_1230 : i32
        %slice3A_1232 = vector.extract_strided_slice %gather3A {offsets = [15], sizes = [1], strides = [1]} : vector<16xf32> to vector<1xf32>
        %squeeze3A_1233 = vector.extract %slice3A_1232[0] : f32 from vector<1xf32>
        %broadcast_in_dim3A_1234 = vector.broadcast %squeeze3A_1233 : f32 to vector<16xf32>
        %get3A_1235 = arith.index_cast %add3A_1231 : i32 to index
        %get3A_1236 = arith.constant 0 : index
        %get3A_1237 = tpu.vector_load %arg11[%get3A_1235, %get3A_1236] {strides = array<i32>} : memref<128x128xf32, #tpu.memory_space<vmem>>, vector<16xf32>,
        %mul3A_1238 = arith.mulf %get3A_1237, %broadcast_in_dim3A_1234 : vector<16xf32>
        %add3A_1239 = arith.addf %mul3A_1238, %get3A_13 : vector<16xf32>
        %swap3A_1240 = arith.index_cast %add3A_1231 : i32 to index
        %swap3A_1241 = arith.constant 0 : index
        %swap3A_1242 = tpu.vector_load %arg11[%swap3A_1240, %swap3A_1241] {strides = array<i32>} : memref<128x128xf32, #tpu.memory_space<vmem>>, vector<16xf32>,
        tpu.vector_store %arg11[%swap3A_1240, %swap3A_1241], %add3A_1239 {strides = array<i32>} : memref<128x128xf32, #tpu.memory_space<vmem>>, vector<16xf32>,
        %get3A_1243 = arith.index_cast %add3A_1231 : i32 to index
        %get3A_1244 = arith.constant 16 : index
        %get3A_1245 = tpu.vector_load %arg11[%get3A_1243, %get3A_1244] {strides = array<i32>} : memref<128x128xf32, #tpu.memory_space<vmem>>, vector<16xf32>,
        %mul3A_1246 = arith.mulf %get3A_1245, %broadcast_in_dim3A_1234 : vector<16xf32>
        %add3A_1247 = arith.addf %mul3A_1246, %get3A_15 : vector<16xf32>
        %swap3A_1248 = arith.index_cast %add3A_1231 : i32 to index
        %swap3A_1249 = arith.constant 16 : index
        %swap3A_1250 = tpu.vector_load %arg11[%swap3A_1248, %swap3A_1249] {strides = array<i32>} : memref<128x128xf32, #tpu.memory_space<vmem>>, vector<16xf32>,
        tpu.vector_store %arg11[%swap3A_1248, %swap3A_1249], %add3A_1247 {strides = array<i32>} : memref<128x128xf32, #tpu.memory_space<vmem>>, vector<16xf32>,
        %get3A_1251 = arith.index_cast %add3A_1231 : i32 to index
        %get3A_1252 = arith.constant 32 : index
        %get3A_1253 = tpu.vector_load %arg11[%get3A_1251, %get3A_1252] {strides = array<i32>} : memref<128x128xf32, #tpu.memory_space<vmem>>, vector<16xf32>,
        %mul3A_1254 = arith.mulf %get3A_1253, %broadcast_in_dim3A_1234 : vector<16xf32>
        %add3A_1255 = arith.addf %mul3A_1254, %get3A_17 : vector<16xf32>
        %swap3A_1256 = arith.index_cast %add3A_1231 : i32 to index
        %swap3A_1257 = arith.constant 32 : index
        %swap3A_1258 = tpu.vector_load %arg11[%swap3A_1256, %swap3A_1257] {strides = array<i32>} : memref<128x128xf32, #tpu.memory_space<vmem>>, vector<16xf32>,
        tpu.vector_store %arg11[%swap3A_1256, %swap3A_1257], %add3A_1255 {strides = array<i32>} : memref<128x128xf32, #tpu.memory_space<vmem>>, vector<16xf32>,
        %get3A_1259 = arith.index_cast %add3A_1231 : i32 to index
        %get3A_1260 = arith.constant 48 : index
        %get3A_1261 = tpu.vector_load %arg11[%get3A_1259, %get3A_1260] {strides = array<i32>} : memref<128x128xf32, #tpu.memory_space<vmem>>, vector<16xf32>,
        %mul3A_1262 = arith.mulf %get3A_1261, %broadcast_in_dim3A_1234 : vector<16xf32>
        %add3A_1263 = arith.addf %mul3A_1262, %get3A_19 : vector<16xf32>
        %swap3A_1264 = arith.index_cast %add3A_1231 : i32 to index
        %swap3A_1265 = arith.constant 48 : index
        %swap3A_1266 = tpu.vector_load %arg11[%swap3A_1264, %swap3A_1265] {strides = array<i32>} : memref<128x128xf32, #tpu.memory_space<vmem>>, vector<16xf32>,
        tpu.vector_store %arg11[%swap3A_1264, %swap3A_1265], %add3A_1263 {strides = array<i32>} : memref<128x128xf32, #tpu.memory_space<vmem>>, vector<16xf32>,
        %get3A_1267 = arith.index_cast %add3A_1231 : i32 to index
        %get3A_1268 = arith.constant 64 : index
        %get3A_1269 = tpu.vector_load %arg11[%get3A_1267, %get3A_1268] {strides = array<i32>} : memref<128x128xf32, #tpu.memory_space<vmem>>, vector<16xf32>,
        %mul3A_1270 = arith.mulf %get3A_1269, %broadcast_in_dim3A_1234 : vector<16xf32>
        %add3A_1271 = arith.addf %mul3A_1270, %get3A_21 : vector<16xf32>
        %swap3A_1272 = arith.index_cast %add3A_1231 : i32 to index
        %swap3A_1273 = arith.constant 64 : index
        %swap3A_1274 = tpu.vector_load %arg11[%swap3A_1272, %swap3A_1273] {strides = array<i32>} : memref<128x128xf32, #tpu.memory_space<vmem>>, vector<16xf32>,
        tpu.vector_store %arg11[%swap3A_1272, %swap3A_1273], %add3A_1271 {strides = array<i32>} : memref<128x128xf32, #tpu.memory_space<vmem>>, vector<16xf32>,
        %get3A_1275 = arith.index_cast %add3A_1231 : i32 to index
        %get3A_1276 = arith.constant 80 : index
        %get3A_1277 = tpu.vector_load %arg11[%get3A_1275, %get3A_1276] {strides = array<i32>} : memref<128x128xf32, #tpu.memory_space<vmem>>, vector<16xf32>,
        %mul3A_1278 = arith.mulf %get3A_1277, %broadcast_in_dim3A_1234 : vector<16xf32>
        %add3A_1279 = arith.addf %mul3A_1278, %get3A_23 : vector<16xf32>
        %swap3A_1280 = arith.index_cast %add3A_1231 : i32 to index
        %swap3A_1281 = arith.constant 80 : index
        %swap3A_1282 = tpu.vector_load %arg11[%swap3A_1280, %swap3A_1281] {strides = array<i32>} : memref<128x128xf32, #tpu.memory_space<vmem>>, vector<16xf32>,
        tpu.vector_store %arg11[%swap3A_1280, %swap3A_1281], %add3A_1279 {strides = array<i32>} : memref<128x128xf32, #tpu.memory_space<vmem>>, vector<16xf32>,
        %get3A_1283 = arith.index_cast %add3A_1231 : i32 to index
        %get3A_1284 = arith.constant 96 : index
        %get3A_1285 = tpu.vector_load %arg11[%get3A_1283, %get3A_1284] {strides = array<i32>} : memref<128x128xf32, #tpu.memory_space<vmem>>, vector<16xf32>,
        %mul3A_1286 = arith.mulf %get3A_1285, %broadcast_in_dim3A_1234 : vector<16xf32>
        %add3A_1287 = arith.addf %mul3A_1286, %get3A_25 : vector<16xf32>
        %swap3A_1288 = arith.index_cast %add3A_1231 : i32 to index
        %swap3A_1289 = arith.constant 96 : index
        %swap3A_1290 = tpu.vector_load %arg11[%swap3A_1288, %swap3A_1289] {strides = array<i32>} : memref<128x128xf32, #tpu.memory_space<vmem>>, vector<16xf32>,
        tpu.vector_store %arg11[%swap3A_1288, %swap3A_1289], %add3A_1287 {strides = array<i32>} : memref<128x128xf32, #tpu.memory_space<vmem>>, vector<16xf32>,
        %get3A_1291 = arith.index_cast %add3A_1231 : i32 to index
        %get3A_1292 = arith.constant 112 : index
        %get3A_1293 = tpu.vector_load %arg11[%get3A_1291, %get3A_1292] {strides = array<i32>} : memref<128x128xf32, #tpu.memory_space<vmem>>, vector<16xf32>,
        %mul3A_1294 = arith.mulf %get3A_1293, %broadcast_in_dim3A_1234 : vector<16xf32>
        %add3A_1295 = arith.addf %mul3A_1294, %get3A_27 : vector<16xf32>
        %swap3A_1296 = arith.index_cast %add3A_1231 : i32 to index
        %swap3A_1297 = arith.constant 112 : index
        %swap3A_1298 = tpu.vector_load %arg11[%swap3A_1296, %swap3A_1297] {strides = array<i32>} : memref<128x128xf32, #tpu.memory_space<vmem>>, vector<16xf32>,
        tpu.vector_store %arg11[%swap3A_1296, %swap3A_1297], %add3A_1295 {strides = array<i32>} : memref<128x128xf32, #tpu.memory_space<vmem>>, vector<16xf32>,
      }
      %scan3A_104 = arith.constant 8 : i32
      %run_scoped3A_105 = arith.constant 2 : i32
      "tpu.region"() ({
        %run_scoped3A_159 = tpu.sem_alloc : memref<!tpu.dma_semaphore, #tpu.memory_space<semaphore_mem>>
        %dma_start3A_160 = arith.constant 0 : i32
        %dma_start3A_161 = tpu.memref_slice %arg7[%run_scoped3A_105, %dma_start3A_160] : memref<3x128xi32, #tpu.memory_space<vmem>> -> memref<1x128xi32, #tpu.memory_space<vmem>>
        %dma_start3A_162 = tpu.memref_squeeze %dma_start3A_161 : memref<1x128xi32, #tpu.memory_space<vmem>> -> memref<128xi32, #tpu.memory_space<vmem>>
        %dma_start3A_163 = arith.constant 0 : i32
        %dma_start3A_164 = arith.constant 0 : i32
        %dma_start3A_165 = tpu.memref_slice %arg14[%dma_start3A_163, %dma_start3A_164] : memref<10008x128xf32, #tpu.memory_space<vmem_shared>> -> memref<10008x128xf32, #tpu.memory_space<vmem_shared>>
        tpu.enqueue_indirect_dma source(%arg11 : memref<128x128xf32, #tpu.memory_space<vmem>>) target(%dma_start3A_165 : memref<10008x128xf32, #tpu.memory_space<vmem_shared>>) offsets(%dma_start3A_162 : memref<128xi32, #tpu.memory_space<vmem>>) semaphore(%run_scoped3A_159 : memref<!tpu.dma_semaphore, #tpu.memory_space<semaphore_mem>>) {add = true}
        %dma_wait3A_166 = arith.constant 0 : i32
        %dma_wait3A_167 = tpu.memref_slice %arg7[%run_scoped3A_105, %dma_wait3A_166] : memref<3x128xi32, #tpu.memory_space<vmem>> -> memref<1x128xi32, #tpu.memory_space<vmem>>
        %dma_wait3A_168 = tpu.memref_squeeze %dma_wait3A_167 : memref<1x128xi32, #tpu.memory_space<vmem>> -> memref<128xi32, #tpu.memory_space<vmem>>
        %dma_wait3A_169 = arith.constant 0 : i32
        %dma_wait3A_170 = arith.constant 0 : i32
        %dma_wait3A_171 = tpu.memref_slice %arg14[%dma_wait3A_169, %dma_wait3A_170] : memref<10008x128xf32, #tpu.memory_space<vmem_shared>> -> memref<10008x128xf32, #tpu.memory_space<vmem_shared>>
        tpu.wait_indirect_dma semaphore(%run_scoped3A_159 : memref<!tpu.dma_semaphore, #tpu.memory_space<semaphore_mem>>) src(%arg11 : memref<128x128xf32, #tpu.memory_space<vmem>>) dst(%dma_wait3A_171 : memref<10008x128xf32, #tpu.memory_space<vmem_shared>>)
        tpu.yield
      }) : () -> ()
      %mul3A_106 = arith.constant 2 : i32
      %mul3A_107 = arith.muli %mul3A_106, %scan3A_76 : i32
      %add3A_108 = arith.constant 2 : i32
      %add3A_109 = arith.addi %mul3A_107, %add3A_108 : i32
      %dma_start3A_110 = arith.constant 0 : i32
      %dma_start3A_111 = arith.constant 0 : i32
      %dma_start3A_112 = tpu.memref_slice %arg2[%add3A, %add3A_109, %dma_start3A_110, %dma_start3A_111] : memref<32x80x3x128xi32, #tpu.memory_space<hbm>> -> memref<1x1x3x128xi32, #tpu.memory_space<hbm>>
      %dma_start3A_113 = tpu.memref_squeeze %dma_start3A_112 : memref<1x1x3x128xi32, #tpu.memory_space<hbm>> -> memref<3x128xi32, #tpu.memory_space<hbm>>
      %dma_start3A_114 = arith.constant 0 : i32
      %dma_start3A_115 = arith.constant 0 : i32
      %dma_start3A_116 = tpu.memref_slice %arg2[%add3A, %add3A_109, %dma_start3A_114, %dma_start3A_115] : memref<32x80x3x128xi32, #tpu.memory_space<hbm>> -> memref<1x1x3x128xi32, #tpu.memory_space<hbm>>
      %dma_start3A_117 = tpu.memref_squeeze %dma_start3A_116 : memref<1x1x3x128xi32, #tpu.memory_space<hbm>> -> memref<3x128xi32, #tpu.memory_space<hbm>>
      tpu.enqueue_dma source(%dma_start3A_117 : memref<3x128xi32, #tpu.memory_space<hbm>>) target(%arg7 : memref<3x128xi32, #tpu.memory_space<vmem>>) target_semaphore(%arg17 : memref<!tpu.dma_semaphore, #tpu.memory_space<semaphore_mem>>)
      %dma_wait3A_118 = arith.constant 0 : i32
      %dma_wait3A_119 = arith.constant 0 : i32
      %dma_wait3A_120 = tpu.memref_slice %arg5[%dma_wait3A_118, %dma_wait3A_119] : memref<10000x128xf32, #tpu.memory_space<hbm>> -> memref<128x128xf32, #tpu.memory_space<hbm>>
      %dma_wait3A_121 = arith.constant 0 : i32
      %dma_wait3A_122 = arith.constant 0 : i32
      %dma_wait3A_123 = tpu.memref_slice %arg5[%dma_wait3A_121, %dma_wait3A_122] : memref<10000x128xf32, #tpu.memory_space<hbm>> -> memref<128x128xf32, #tpu.memory_space<hbm>>
      tpu.wait_dma2 semaphore(%arg16 : memref<!tpu.dma_semaphore, #tpu.memory_space<semaphore_mem>>) src(%dma_wait3A_123 : memref<128x128xf32, #tpu.memory_space<hbm>>) dst(%arg12 : memref<128x128xf32, #tpu.memory_space<vmem>>)
      %dma_wait3A_124 = arith.constant 0 : i32
      %dma_wait3A_125 = arith.constant 0 : i32
      %dma_wait3A_126 = arith.constant 0 : i32
      %dma_wait3A_127 = tpu.memref_slice %arg2[%add3A, %dma_wait3A_124, %dma_wait3A_125, %dma_wait3A_126] : memref<32x80x3x128xi32, #tpu.memory_space<hbm>> -> memref<1x1x3x128xi32, #tpu.memory_space<hbm>>
      %dma_wait3A_128 = tpu.memref_squeeze %dma_wait3A_127 : memref<1x1x3x128xi32, #tpu.memory_space<hbm>> -> memref<3x128xi32, #tpu.memory_space<hbm>>
      %dma_wait3A_129 = arith.constant 0 : i32
      %dma_wait3A_130 = arith.constant 0 : i32
      %dma_wait3A_131 = tpu.memref_slice %arg2[%add3A, %dma_wait3A_124, %dma_wait3A_129, %dma_wait3A_130] : memref<32x80x3x128xi32, #tpu.memory_space<hbm>> -> memref<1x1x3x128xi32, #tpu.memory_space<hbm>>
      %dma_wait3A_132 = tpu.memref_squeeze %dma_wait3A_131 : memref<1x1x3x128xi32, #tpu.memory_space<hbm>> -> memref<3x128xi32, #tpu.memory_space<hbm>>
      tpu.wait_dma2 semaphore(%arg17 : memref<!tpu.dma_semaphore, #tpu.memory_space<semaphore_mem>>) src(%dma_wait3A_132 : memref<3x128xi32, #tpu.memory_space<hbm>>) dst(%arg7 : memref<3x128xi32, #tpu.memory_space<vmem>>)
      %dma_start3A_133 = arith.constant 0 : i32
      %dma_start3A_134 = arith.constant 0 : i32
      %dma_start3A_135 = tpu.memref_slice %arg7[%dma_start3A_133, %dma_start3A_134] : memref<3x128xi32, #tpu.memory_space<vmem>> -> memref<1x128xi32, #tpu.memory_space<vmem>>
      %dma_start3A_136 = tpu.memref_squeeze %dma_start3A_135 : memref<1x128xi32, #tpu.memory_space<vmem>> -> memref<128xi32, #tpu.memory_space<vmem>>
      %dma_start3A_137 = arith.constant 0 : i32
      %dma_start3A_138 = arith.constant 0 : i32
      %dma_start3A_139 = tpu.memref_slice %arg5[%dma_start3A_137, %dma_start3A_138] : memref<10000x128xf32, #tpu.memory_space<hbm>> -> memref<10000x128xf32, #tpu.memory_space<hbm>>
      tpu.enqueue_indirect_dma source(%dma_start3A_139 : memref<10000x128xf32, #tpu.memory_space<hbm>>) target(%arg11 : memref<128x128xf32, #tpu.memory_space<vmem>>) offsets(%dma_start3A_136 : memref<128xi32, #tpu.memory_space<vmem>>) semaphore(%arg15 : memref<!tpu.dma_semaphore, #tpu.memory_space<semaphore_mem>>)
      %scan3A_140 = arith.constant 0 : i32
      %scan3A_141 = arith.constant 0 : i32
      %scan3A_142 = arith.constant 8 : i32
      %scan3A_143 = arith.addi %scan3A_141, %scan3A_142 : i32
      %scan3A_144 = arith.constant 1 : i32
      scf.for %scan3A_159 = %scan3A_141 to %scan3A_143 step %scan3A_144  : i32 {
        %mul3A_160 = arith.constant 16 : i32
        %mul3A_161 = arith.muli %scan3A_159, %mul3A_160 : i32
        %get3A_162 = arith.constant 1 : i32
        %get3A_163 = arith.index_cast %get3A_162 : i32 to index
        %get3A_164 = arith.index_cast %mul3A_161 : i32 to index
        %get3A_165 = tpu.vector_load %arg8[%get3A_163, %get3A_164] {strides = array<i32>} : memref<3x128xi32, #tpu.memory_space<vmem>>, vector<16xi32>,
        %gather3A = tpu.vector_load_idx %arg9[%get3A_165] : memref<10000xf32, #tpu.memory_space<vmem>>[vector<16xi32>], vector<16xf32>,
        %mul3A_166 = arith.constant 16 : i32
        %mul3A_167 = arith.muli %scan3A_159, %mul3A_166 : i32
        %add3A_168 = arith.constant 0 : i32
        %add3A_169 = arith.addi %mul3A_167, %add3A_168 : i32
        %slice3A = vector.extract_strided_slice %gather3A {offsets = [0], sizes = [1], strides = [1]} : vector<16xf32> to vector<1xf32>
        %squeeze3A = vector.extract %slice3A[0] : f32 from vector<1xf32>
        %broadcast_in_dim3A_170 = vector.broadcast %squeeze3A : f32 to vector<16xf32>
        %get3A_171 = arith.index_cast %add3A_169 : i32 to index
        %get3A_172 = arith.constant 0 : index
        %get3A_173 = tpu.vector_load %arg12[%get3A_171, %get3A_172] {strides = array<i32>} : memref<128x128xf32, #tpu.memory_space<vmem>>, vector<16xf32>,
        %mul3A_174 = arith.mulf %get3A_173, %broadcast_in_dim3A_170 : vector<16xf32>
        %add3A_175 = arith.addf %mul3A_174, %get3A_13 : vector<16xf32>
        %swap3A = arith.index_cast %add3A_169 : i32 to index
        %swap3A_176 = arith.constant 0 : index
        %swap3A_177 = tpu.vector_load %arg12[%swap3A, %swap3A_176] {strides = array<i32>} : memref<128x128xf32, #tpu.memory_space<vmem>>, vector<16xf32>,
        tpu.vector_store %arg12[%swap3A, %swap3A_176], %add3A_175 {strides = array<i32>} : memref<128x128xf32, #tpu.memory_space<vmem>>, vector<16xf32>,
        %get3A_178 = arith.index_cast %add3A_169 : i32 to index
        %get3A_179 = arith.constant 16 : index
        %get3A_180 = tpu.vector_load %arg12[%get3A_178, %get3A_179] {strides = array<i32>} : memref<128x128xf32, #tpu.memory_space<vmem>>, vector<16xf32>,
        %mul3A_181 = arith.mulf %get3A_180, %broadcast_in_dim3A_170 : vector<16xf32>
        %add3A_182 = arith.addf %mul3A_181, %get3A_15 : vector<16xf32>
        %swap3A_183 = arith.index_cast %add3A_169 : i32 to index
        %swap3A_184 = arith.constant 16 : index
        %swap3A_185 = tpu.vector_load %arg12[%swap3A_183, %swap3A_184] {strides = array<i32>} : memref<128x128xf32, #tpu.memory_space<vmem>>, vector<16xf32>,
        tpu.vector_store %arg12[%swap3A_183, %swap3A_184], %add3A_182 {strides = array<i32>} : memref<128x128xf32, #tpu.memory_space<vmem>>, vector<16xf32>,
        %get3A_186 = arith.index_cast %add3A_169 : i32 to index
        %get3A_187 = arith.constant 32 : index
        %get3A_188 = tpu.vector_load %arg12[%get3A_186, %get3A_187] {strides = array<i32>} : memref<128x128xf32, #tpu.memory_space<vmem>>, vector<16xf32>,
        %mul3A_189 = arith.mulf %get3A_188, %broadcast_in_dim3A_170 : vector<16xf32>
        %add3A_190 = arith.addf %mul3A_189, %get3A_17 : vector<16xf32>
        %swap3A_191 = arith.index_cast %add3A_169 : i32 to index
        %swap3A_192 = arith.constant 32 : index
        %swap3A_193 = tpu.vector_load %arg12[%swap3A_191, %swap3A_192] {strides = array<i32>} : memref<128x128xf32, #tpu.memory_space<vmem>>, vector<16xf32>,
        tpu.vector_store %arg12[%swap3A_191, %swap3A_192], %add3A_190 {strides = array<i32>} : memref<128x128xf32, #tpu.memory_space<vmem>>, vector<16xf32>,
        %get3A_194 = arith.index_cast %add3A_169 : i32 to index
        %get3A_195 = arith.constant 48 : index
        %get3A_196 = tpu.vector_load %arg12[%get3A_194, %get3A_195] {strides = array<i32>} : memref<128x128xf32, #tpu.memory_space<vmem>>, vector<16xf32>,
        %mul3A_197 = arith.mulf %get3A_196, %broadcast_in_dim3A_170 : vector<16xf32>
        %add3A_198 = arith.addf %mul3A_197, %get3A_19 : vector<16xf32>
        %swap3A_199 = arith.index_cast %add3A_169 : i32 to index
        %swap3A_200 = arith.constant 48 : index
        %swap3A_201 = tpu.vector_load %arg12[%swap3A_199, %swap3A_200] {strides = array<i32>} : memref<128x128xf32, #tpu.memory_space<vmem>>, vector<16xf32>,
        tpu.vector_store %arg12[%swap3A_199, %swap3A_200], %add3A_198 {strides = array<i32>} : memref<128x128xf32, #tpu.memory_space<vmem>>, vector<16xf32>,
        %get3A_202 = arith.index_cast %add3A_169 : i32 to index
        %get3A_203 = arith.constant 64 : index
        %get3A_204 = tpu.vector_load %arg12[%get3A_202, %get3A_203] {strides = array<i32>} : memref<128x128xf32, #tpu.memory_space<vmem>>, vector<16xf32>,
        %mul3A_205 = arith.mulf %get3A_204, %broadcast_in_dim3A_170 : vector<16xf32>
        %add3A_206 = arith.addf %mul3A_205, %get3A_21 : vector<16xf32>
        %swap3A_207 = arith.index_cast %add3A_169 : i32 to index
        %swap3A_208 = arith.constant 64 : index
        %swap3A_209 = tpu.vector_load %arg12[%swap3A_207, %swap3A_208] {strides = array<i32>} : memref<128x128xf32, #tpu.memory_space<vmem>>, vector<16xf32>,
        tpu.vector_store %arg12[%swap3A_207, %swap3A_208], %add3A_206 {strides = array<i32>} : memref<128x128xf32, #tpu.memory_space<vmem>>, vector<16xf32>,
        %get3A_210 = arith.index_cast %add3A_169 : i32 to index
        %get3A_211 = arith.constant 80 : index
        %get3A_212 = tpu.vector_load %arg12[%get3A_210, %get3A_211] {strides = array<i32>} : memref<128x128xf32, #tpu.memory_space<vmem>>, vector<16xf32>,
        %mul3A_213 = arith.mulf %get3A_212, %broadcast_in_dim3A_170 : vector<16xf32>
        %add3A_214 = arith.addf %mul3A_213, %get3A_23 : vector<16xf32>
        %swap3A_215 = arith.index_cast %add3A_169 : i32 to index
        %swap3A_216 = arith.constant 80 : index
        %swap3A_217 = tpu.vector_load %arg12[%swap3A_215, %swap3A_216] {strides = array<i32>} : memref<128x128xf32, #tpu.memory_space<vmem>>, vector<16xf32>,
        tpu.vector_store %arg12[%swap3A_215, %swap3A_216], %add3A_214 {strides = array<i32>} : memref<128x128xf32, #tpu.memory_space<vmem>>, vector<16xf32>,
        %get3A_218 = arith.index_cast %add3A_169 : i32 to index
        %get3A_219 = arith.constant 96 : index
        %get3A_220 = tpu.vector_load %arg12[%get3A_218, %get3A_219] {strides = array<i32>} : memref<128x128xf32, #tpu.memory_space<vmem>>, vector<16xf32>,
        %mul3A_221 = arith.mulf %get3A_220, %broadcast_in_dim3A_170 : vector<16xf32>
        %add3A_222 = arith.addf %mul3A_221, %get3A_25 : vector<16xf32>
        %swap3A_223 = arith.index_cast %add3A_169 : i32 to index
        %swap3A_224 = arith.constant 96 : index
        %swap3A_225 = tpu.vector_load %arg12[%swap3A_223, %swap3A_224] {strides = array<i32>} : memref<128x128xf32, #tpu.memory_space<vmem>>, vector<16xf32>,
        tpu.vector_store %arg12[%swap3A_223, %swap3A_224], %add3A_222 {strides = array<i32>} : memref<128x128xf32, #tpu.memory_space<vmem>>, vector<16xf32>,
        %get3A_226 = arith.index_cast %add3A_169 : i32 to index
        %get3A_227 = arith.constant 112 : index
        %get3A_228 = tpu.vector_load %arg12[%get3A_226, %get3A_227] {strides = array<i32>} : memref<128x128xf32, #tpu.memory_space<vmem>>, vector<16xf32>,
        %mul3A_229 = arith.mulf %get3A_228, %broadcast_in_dim3A_170 : vector<16xf32>
        %add3A_230 = arith.addf %mul3A_229, %get3A_27 : vector<16xf32>
        %swap3A_231 = arith.index_cast %add3A_169 : i32 to index
        %swap3A_232 = arith.constant 112 : index
        %swap3A_233 = tpu.vector_load %arg12[%swap3A_231, %swap3A_232] {strides = array<i32>} : memref<128x128xf32, #tpu.memory_space<vmem>>, vector<16xf32>,
        tpu.vector_store %arg12[%swap3A_231, %swap3A_232], %add3A_230 {strides = array<i32>} : memref<128x128xf32, #tpu.memory_space<vmem>>, vector<16xf32>,
        %mul3A_234 = arith.constant 16 : i32
        %mul3A_235 = arith.muli %scan3A_159, %mul3A_234 : i32
        %add3A_236 = arith.constant 1 : i32
        %add3A_237 = arith.addi %mul3A_235, %add3A_236 : i32
        %slice3A_238 = vector.extract_strided_slice %gather3A {offsets = [1], sizes = [1], strides = [1]} : vector<16xf32> to vector<1xf32>
        %squeeze3A_239 = vector.extract %slice3A_238[0] : f32 from vector<1xf32>
        %broadcast_in_dim3A_240 = vector.broadcast %squeeze3A_239 : f32 to vector<16xf32>
        %get3A_241 = arith.index_cast %add3A_237 : i32 to index
        %get3A_242 = arith.constant 0 : index
        %get3A_243 = tpu.vector_load %arg12[%get3A_241, %get3A_242] {strides = array<i32>} : memref<128x128xf32, #tpu.memory_space<vmem>>, vector<16xf32>,
        %mul3A_244 = arith.mulf %get3A_243, %broadcast_in_dim3A_240 : vector<16xf32>
        %add3A_245 = arith.addf %mul3A_244, %get3A_13 : vector<16xf32>
        %swap3A_246 = arith.index_cast %add3A_237 : i32 to index
        %swap3A_247 = arith.constant 0 : index
        %swap3A_248 = tpu.vector_load %arg12[%swap3A_246, %swap3A_247] {strides = array<i32>} : memref<128x128xf32, #tpu.memory_space<vmem>>, vector<16xf32>,
        tpu.vector_store %arg12[%swap3A_246, %swap3A_247], %add3A_245 {strides = array<i32>} : memref<128x128xf32, #tpu.memory_space<vmem>>, vector<16xf32>,
        %get3A_249 = arith.index_cast %add3A_237 : i32 to index
        %get3A_250 = arith.constant 16 : index
        %get3A_251 = tpu.vector_load %arg12[%get3A_249, %get3A_250] {strides = array<i32>} : memref<128x128xf32, #tpu.memory_space<vmem>>, vector<16xf32>,
        %mul3A_252 = arith.mulf %get3A_251, %broadcast_in_dim3A_240 : vector<16xf32>
        %add3A_253 = arith.addf %mul3A_252, %get3A_15 : vector<16xf32>
        %swap3A_254 = arith.index_cast %add3A_237 : i32 to index
        %swap3A_255 = arith.constant 16 : index
        %swap3A_256 = tpu.vector_load %arg12[%swap3A_254, %swap3A_255] {strides = array<i32>} : memref<128x128xf32, #tpu.memory_space<vmem>>, vector<16xf32>,
        tpu.vector_store %arg12[%swap3A_254, %swap3A_255], %add3A_253 {strides = array<i32>} : memref<128x128xf32, #tpu.memory_space<vmem>>, vector<16xf32>,
        %get3A_257 = arith.index_cast %add3A_237 : i32 to index
        %get3A_258 = arith.constant 32 : index
        %get3A_259 = tpu.vector_load %arg12[%get3A_257, %get3A_258] {strides = array<i32>} : memref<128x128xf32, #tpu.memory_space<vmem>>, vector<16xf32>,
        %mul3A_260 = arith.mulf %get3A_259, %broadcast_in_dim3A_240 : vector<16xf32>
        %add3A_261 = arith.addf %mul3A_260, %get3A_17 : vector<16xf32>
        %swap3A_262 = arith.index_cast %add3A_237 : i32 to index
        %swap3A_263 = arith.constant 32 : index
        %swap3A_264 = tpu.vector_load %arg12[%swap3A_262, %swap3A_263] {strides = array<i32>} : memref<128x128xf32, #tpu.memory_space<vmem>>, vector<16xf32>,
        tpu.vector_store %arg12[%swap3A_262, %swap3A_263], %add3A_261 {strides = array<i32>} : memref<128x128xf32, #tpu.memory_space<vmem>>, vector<16xf32>,
        %get3A_265 = arith.index_cast %add3A_237 : i32 to index
        %get3A_266 = arith.constant 48 : index
        %get3A_267 = tpu.vector_load %arg12[%get3A_265, %get3A_266] {strides = array<i32>} : memref<128x128xf32, #tpu.memory_space<vmem>>, vector<16xf32>,
        %mul3A_268 = arith.mulf %get3A_267, %broadcast_in_dim3A_240 : vector<16xf32>
        %add3A_269 = arith.addf %mul3A_268, %get3A_19 : vector<16xf32>
        %swap3A_270 = arith.index_cast %add3A_237 : i32 to index
        %swap3A_271 = arith.constant 48 : index
        %swap3A_272 = tpu.vector_load %arg12[%swap3A_270, %swap3A_271] {strides = array<i32>} : memref<128x128xf32, #tpu.memory_space<vmem>>, vector<16xf32>,
        tpu.vector_store %arg12[%swap3A_270, %swap3A_271], %add3A_269 {strides = array<i32>} : memref<128x128xf32, #tpu.memory_space<vmem>>, vector<16xf32>,
        %get3A_273 = arith.index_cast %add3A_237 : i32 to index
        %get3A_274 = arith.constant 64 : index
        %get3A_275 = tpu.vector_load %arg12[%get3A_273, %get3A_274] {strides = array<i32>} : memref<128x128xf32, #tpu.memory_space<vmem>>, vector<16xf32>,
        %mul3A_276 = arith.mulf %get3A_275, %broadcast_in_dim3A_240 : vector<16xf32>
        %add3A_277 = arith.addf %mul3A_276, %get3A_21 : vector<16xf32>
        %swap3A_278 = arith.index_cast %add3A_237 : i32 to index
        %swap3A_279 = arith.constant 64 : index
        %swap3A_280 = tpu.vector_load %arg12[%swap3A_278, %swap3A_279] {strides = array<i32>} : memref<128x128xf32, #tpu.memory_space<vmem>>, vector<16xf32>,
        tpu.vector_store %arg12[%swap3A_278, %swap3A_279], %add3A_277 {strides = array<i32>} : memref<128x128xf32, #tpu.memory_space<vmem>>, vector<16xf32>,
        %get3A_281 = arith.index_cast %add3A_237 : i32 to index
        %get3A_282 = arith.constant 80 : index
        %get3A_283 = tpu.vector_load %arg12[%get3A_281, %get3A_282] {strides = array<i32>} : memref<128x128xf32, #tpu.memory_space<vmem>>, vector<16xf32>,
        %mul3A_284 = arith.mulf %get3A_283, %broadcast_in_dim3A_240 : vector<16xf32>
        %add3A_285 = arith.addf %mul3A_284, %get3A_23 : vector<16xf32>
        %swap3A_286 = arith.index_cast %add3A_237 : i32 to index
        %swap3A_287 = arith.constant 80 : index
        %swap3A_288 = tpu.vector_load %arg12[%swap3A_286, %swap3A_287] {strides = array<i32>} : memref<128x128xf32, #tpu.memory_space<vmem>>, vector<16xf32>,
        tpu.vector_store %arg12[%swap3A_286, %swap3A_287], %add3A_285 {strides = array<i32>} : memref<128x128xf32, #tpu.memory_space<vmem>>, vector<16xf32>,
        %get3A_289 = arith.index_cast %add3A_237 : i32 to index
        %get3A_290 = arith.constant 96 : index
        %get3A_291 = tpu.vector_load %arg12[%get3A_289, %get3A_290] {strides = array<i32>} : memref<128x128xf32, #tpu.memory_space<vmem>>, vector<16xf32>,
        %mul3A_292 = arith.mulf %get3A_291, %broadcast_in_dim3A_240 : vector<16xf32>
        %add3A_293 = arith.addf %mul3A_292, %get3A_25 : vector<16xf32>
        %swap3A_294 = arith.index_cast %add3A_237 : i32 to index
        %swap3A_295 = arith.constant 96 : index
        %swap3A_296 = tpu.vector_load %arg12[%swap3A_294, %swap3A_295] {strides = array<i32>} : memref<128x128xf32, #tpu.memory_space<vmem>>, vector<16xf32>,
        tpu.vector_store %arg12[%swap3A_294, %swap3A_295], %add3A_293 {strides = array<i32>} : memref<128x128xf32, #tpu.memory_space<vmem>>, vector<16xf32>,
        %get3A_297 = arith.index_cast %add3A_237 : i32 to index
        %get3A_298 = arith.constant 112 : index
        %get3A_299 = tpu.vector_load %arg12[%get3A_297, %get3A_298] {strides = array<i32>} : memref<128x128xf32, #tpu.memory_space<vmem>>, vector<16xf32>,
        %mul3A_300 = arith.mulf %get3A_299, %broadcast_in_dim3A_240 : vector<16xf32>
        %add3A_301 = arith.addf %mul3A_300, %get3A_27 : vector<16xf32>
        %swap3A_302 = arith.index_cast %add3A_237 : i32 to index
        %swap3A_303 = arith.constant 112 : index
        %swap3A_304 = tpu.vector_load %arg12[%swap3A_302, %swap3A_303] {strides = array<i32>} : memref<128x128xf32, #tpu.memory_space<vmem>>, vector<16xf32>,
        tpu.vector_store %arg12[%swap3A_302, %swap3A_303], %add3A_301 {strides = array<i32>} : memref<128x128xf32, #tpu.memory_space<vmem>>, vector<16xf32>,
        %mul3A_305 = arith.constant 16 : i32
        %mul3A_306 = arith.muli %scan3A_159, %mul3A_305 : i32
        %add3A_307 = arith.constant 2 : i32
        %add3A_308 = arith.addi %mul3A_306, %add3A_307 : i32
        %slice3A_309 = vector.extract_strided_slice %gather3A {offsets = [2], sizes = [1], strides = [1]} : vector<16xf32> to vector<1xf32>
        %squeeze3A_310 = vector.extract %slice3A_309[0] : f32 from vector<1xf32>
        %broadcast_in_dim3A_311 = vector.broadcast %squeeze3A_310 : f32 to vector<16xf32>
        %get3A_312 = arith.index_cast %add3A_308 : i32 to index
        %get3A_313 = arith.constant 0 : index
        %get3A_314 = tpu.vector_load %arg12[%get3A_312, %get3A_313] {strides = array<i32>} : memref<128x128xf32, #tpu.memory_space<vmem>>, vector<16xf32>,
        %mul3A_315 = arith.mulf %get3A_314, %broadcast_in_dim3A_311 : vector<16xf32>
        %add3A_316 = arith.addf %mul3A_315, %get3A_13 : vector<16xf32>
        %swap3A_317 = arith.index_cast %add3A_308 : i32 to index
        %swap3A_318 = arith.constant 0 : index
        %swap3A_319 = tpu.vector_load %arg12[%swap3A_317, %swap3A_318] {strides = array<i32>} : memref<128x128xf32, #tpu.memory_space<vmem>>, vector<16xf32>,
        tpu.vector_store %arg12[%swap3A_317, %swap3A_318], %add3A_316 {strides = array<i32>} : memref<128x128xf32, #tpu.memory_space<vmem>>, vector<16xf32>,
        %get3A_320 = arith.index_cast %add3A_308 : i32 to index
        %get3A_321 = arith.constant 16 : index
        %get3A_322 = tpu.vector_load %arg12[%get3A_320, %get3A_321] {strides = array<i32>} : memref<128x128xf32, #tpu.memory_space<vmem>>, vector<16xf32>,
        %mul3A_323 = arith.mulf %get3A_322, %broadcast_in_dim3A_311 : vector<16xf32>
        %add3A_324 = arith.addf %mul3A_323, %get3A_15 : vector<16xf32>
        %swap3A_325 = arith.index_cast %add3A_308 : i32 to index
        %swap3A_326 = arith.constant 16 : index
        %swap3A_327 = tpu.vector_load %arg12[%swap3A_325, %swap3A_326] {strides = array<i32>} : memref<128x128xf32, #tpu.memory_space<vmem>>, vector<16xf32>,
        tpu.vector_store %arg12[%swap3A_325, %swap3A_326], %add3A_324 {strides = array<i32>} : memref<128x128xf32, #tpu.memory_space<vmem>>, vector<16xf32>,
        %get3A_328 = arith.index_cast %add3A_308 : i32 to index
        %get3A_329 = arith.constant 32 : index
        %get3A_330 = tpu.vector_load %arg12[%get3A_328, %get3A_329] {strides = array<i32>} : memref<128x128xf32, #tpu.memory_space<vmem>>, vector<16xf32>,
        %mul3A_331 = arith.mulf %get3A_330, %broadcast_in_dim3A_311 : vector<16xf32>
        %add3A_332 = arith.addf %mul3A_331, %get3A_17 : vector<16xf32>
        %swap3A_333 = arith.index_cast %add3A_308 : i32 to index
        %swap3A_334 = arith.constant 32 : index
        %swap3A_335 = tpu.vector_load %arg12[%swap3A_333, %swap3A_334] {strides = array<i32>} : memref<128x128xf32, #tpu.memory_space<vmem>>, vector<16xf32>,
        tpu.vector_store %arg12[%swap3A_333, %swap3A_334], %add3A_332 {strides = array<i32>} : memref<128x128xf32, #tpu.memory_space<vmem>>, vector<16xf32>,
        %get3A_336 = arith.index_cast %add3A_308 : i32 to index
        %get3A_337 = arith.constant 48 : index
        %get3A_338 = tpu.vector_load %arg12[%get3A_336, %get3A_337] {strides = array<i32>} : memref<128x128xf32, #tpu.memory_space<vmem>>, vector<16xf32>,
        %mul3A_339 = arith.mulf %get3A_338, %broadcast_in_dim3A_311 : vector<16xf32>
        %add3A_340 = arith.addf %mul3A_339, %get3A_19 : vector<16xf32>
        %swap3A_341 = arith.index_cast %add3A_308 : i32 to index
        %swap3A_342 = arith.constant 48 : index
        %swap3A_343 = tpu.vector_load %arg12[%swap3A_341, %swap3A_342] {strides = array<i32>} : memref<128x128xf32, #tpu.memory_space<vmem>>, vector<16xf32>,
        tpu.vector_store %arg12[%swap3A_341, %swap3A_342], %add3A_340 {strides = array<i32>} : memref<128x128xf32, #tpu.memory_space<vmem>>, vector<16xf32>,
        %get3A_344 = arith.index_cast %add3A_308 : i32 to index
        %get3A_345 = arith.constant 64 : index
        %get3A_346 = tpu.vector_load %arg12[%get3A_344, %get3A_345] {strides = array<i32>} : memref<128x128xf32, #tpu.memory_space<vmem>>, vector<16xf32>,
        %mul3A_347 = arith.mulf %get3A_346, %broadcast_in_dim3A_311 : vector<16xf32>
        %add3A_348 = arith.addf %mul3A_347, %get3A_21 : vector<16xf32>
        %swap3A_349 = arith.index_cast %add3A_308 : i32 to index
        %swap3A_350 = arith.constant 64 : index
        %swap3A_351 = tpu.vector_load %arg12[%swap3A_349, %swap3A_350] {strides = array<i32>} : memref<128x128xf32, #tpu.memory_space<vmem>>, vector<16xf32>,
        tpu.vector_store %arg12[%swap3A_349, %swap3A_350], %add3A_348 {strides = array<i32>} : memref<128x128xf32, #tpu.memory_space<vmem>>, vector<16xf32>,
        %get3A_352 = arith.index_cast %add3A_308 : i32 to index
        %get3A_353 = arith.constant 80 : index
        %get3A_354 = tpu.vector_load %arg12[%get3A_352, %get3A_353] {strides = array<i32>} : memref<128x128xf32, #tpu.memory_space<vmem>>, vector<16xf32>,
        %mul3A_355 = arith.mulf %get3A_354, %broadcast_in_dim3A_311 : vector<16xf32>
        %add3A_356 = arith.addf %mul3A_355, %get3A_23 : vector<16xf32>
        %swap3A_357 = arith.index_cast %add3A_308 : i32 to index
        %swap3A_358 = arith.constant 80 : index
        %swap3A_359 = tpu.vector_load %arg12[%swap3A_357, %swap3A_358] {strides = array<i32>} : memref<128x128xf32, #tpu.memory_space<vmem>>, vector<16xf32>,
        tpu.vector_store %arg12[%swap3A_357, %swap3A_358], %add3A_356 {strides = array<i32>} : memref<128x128xf32, #tpu.memory_space<vmem>>, vector<16xf32>,
        %get3A_360 = arith.index_cast %add3A_308 : i32 to index
        %get3A_361 = arith.constant 96 : index
        %get3A_362 = tpu.vector_load %arg12[%get3A_360, %get3A_361] {strides = array<i32>} : memref<128x128xf32, #tpu.memory_space<vmem>>, vector<16xf32>,
        %mul3A_363 = arith.mulf %get3A_362, %broadcast_in_dim3A_311 : vector<16xf32>
        %add3A_364 = arith.addf %mul3A_363, %get3A_25 : vector<16xf32>
        %swap3A_365 = arith.index_cast %add3A_308 : i32 to index
        %swap3A_366 = arith.constant 96 : index
        %swap3A_367 = tpu.vector_load %arg12[%swap3A_365, %swap3A_366] {strides = array<i32>} : memref<128x128xf32, #tpu.memory_space<vmem>>, vector<16xf32>,
        tpu.vector_store %arg12[%swap3A_365, %swap3A_366], %add3A_364 {strides = array<i32>} : memref<128x128xf32, #tpu.memory_space<vmem>>, vector<16xf32>,
        %get3A_368 = arith.index_cast %add3A_308 : i32 to index
        %get3A_369 = arith.constant 112 : index
        %get3A_370 = tpu.vector_load %arg12[%get3A_368, %get3A_369] {strides = array<i32>} : memref<128x128xf32, #tpu.memory_space<vmem>>, vector<16xf32>,
        %mul3A_371 = arith.mulf %get3A_370, %broadcast_in_dim3A_311 : vector<16xf32>
        %add3A_372 = arith.addf %mul3A_371, %get3A_27 : vector<16xf32>
        %swap3A_373 = arith.index_cast %add3A_308 : i32 to index
        %swap3A_374 = arith.constant 112 : index
        %swap3A_375 = tpu.vector_load %arg12[%swap3A_373, %swap3A_374] {strides = array<i32>} : memref<128x128xf32, #tpu.memory_space<vmem>>, vector<16xf32>,
        tpu.vector_store %arg12[%swap3A_373, %swap3A_374], %add3A_372 {strides = array<i32>} : memref<128x128xf32, #tpu.memory_space<vmem>>, vector<16xf32>,
        %mul3A_376 = arith.constant 16 : i32
        %mul3A_377 = arith.muli %scan3A_159, %mul3A_376 : i32
        %add3A_378 = arith.constant 3 : i32
        %add3A_379 = arith.addi %mul3A_377, %add3A_378 : i32
        %slice3A_380 = vector.extract_strided_slice %gather3A {offsets = [3], sizes = [1], strides = [1]} : vector<16xf32> to vector<1xf32>
        %squeeze3A_381 = vector.extract %slice3A_380[0] : f32 from vector<1xf32>
        %broadcast_in_dim3A_382 = vector.broadcast %squeeze3A_381 : f32 to vector<16xf32>
        %get3A_383 = arith.index_cast %add3A_379 : i32 to index
        %get3A_384 = arith.constant 0 : index
        %get3A_385 = tpu.vector_load %arg12[%get3A_383, %get3A_384] {strides = array<i32>} : memref<128x128xf32, #tpu.memory_space<vmem>>, vector<16xf32>,
        %mul3A_386 = arith.mulf %get3A_385, %broadcast_in_dim3A_382 : vector<16xf32>
        %add3A_387 = arith.addf %mul3A_386, %get3A_13 : vector<16xf32>
        %swap3A_388 = arith.index_cast %add3A_379 : i32 to index
        %swap3A_389 = arith.constant 0 : index
        %swap3A_390 = tpu.vector_load %arg12[%swap3A_388, %swap3A_389] {strides = array<i32>} : memref<128x128xf32, #tpu.memory_space<vmem>>, vector<16xf32>,
        tpu.vector_store %arg12[%swap3A_388, %swap3A_389], %add3A_387 {strides = array<i32>} : memref<128x128xf32, #tpu.memory_space<vmem>>, vector<16xf32>,
        %get3A_391 = arith.index_cast %add3A_379 : i32 to index
        %get3A_392 = arith.constant 16 : index
        %get3A_393 = tpu.vector_load %arg12[%get3A_391, %get3A_392] {strides = array<i32>} : memref<128x128xf32, #tpu.memory_space<vmem>>, vector<16xf32>,
        %mul3A_394 = arith.mulf %get3A_393, %broadcast_in_dim3A_382 : vector<16xf32>
        %add3A_395 = arith.addf %mul3A_394, %get3A_15 : vector<16xf32>
        %swap3A_396 = arith.index_cast %add3A_379 : i32 to index
        %swap3A_397 = arith.constant 16 : index
        %swap3A_398 = tpu.vector_load %arg12[%swap3A_396, %swap3A_397] {strides = array<i32>} : memref<128x128xf32, #tpu.memory_space<vmem>>, vector<16xf32>,
        tpu.vector_store %arg12[%swap3A_396, %swap3A_397], %add3A_395 {strides = array<i32>} : memref<128x128xf32, #tpu.memory_space<vmem>>, vector<16xf32>,
        %get3A_399 = arith.index_cast %add3A_379 : i32 to index
        %get3A_400 = arith.constant 32 : index
        %get3A_401 = tpu.vector_load %arg12[%get3A_399, %get3A_400] {strides = array<i32>} : memref<128x128xf32, #tpu.memory_space<vmem>>, vector<16xf32>,
        %mul3A_402 = arith.mulf %get3A_401, %broadcast_in_dim3A_382 : vector<16xf32>
        %add3A_403 = arith.addf %mul3A_402, %get3A_17 : vector<16xf32>
        %swap3A_404 = arith.index_cast %add3A_379 : i32 to index
        %swap3A_405 = arith.constant 32 : index
        %swap3A_406 = tpu.vector_load %arg12[%swap3A_404, %swap3A_405] {strides = array<i32>} : memref<128x128xf32, #tpu.memory_space<vmem>>, vector<16xf32>,
        tpu.vector_store %arg12[%swap3A_404, %swap3A_405], %add3A_403 {strides = array<i32>} : memref<128x128xf32, #tpu.memory_space<vmem>>, vector<16xf32>,
        %get3A_407 = arith.index_cast %add3A_379 : i32 to index
        %get3A_408 = arith.constant 48 : index
        %get3A_409 = tpu.vector_load %arg12[%get3A_407, %get3A_408] {strides = array<i32>} : memref<128x128xf32, #tpu.memory_space<vmem>>, vector<16xf32>,
        %mul3A_410 = arith.mulf %get3A_409, %broadcast_in_dim3A_382 : vector<16xf32>
        %add3A_411 = arith.addf %mul3A_410, %get3A_19 : vector<16xf32>
        %swap3A_412 = arith.index_cast %add3A_379 : i32 to index
        %swap3A_413 = arith.constant 48 : index
        %swap3A_414 = tpu.vector_load %arg12[%swap3A_412, %swap3A_413] {strides = array<i32>} : memref<128x128xf32, #tpu.memory_space<vmem>>, vector<16xf32>,
        tpu.vector_store %arg12[%swap3A_412, %swap3A_413], %add3A_411 {strides = array<i32>} : memref<128x128xf32, #tpu.memory_space<vmem>>, vector<16xf32>,
        %get3A_415 = arith.index_cast %add3A_379 : i32 to index
        %get3A_416 = arith.constant 64 : index
        %get3A_417 = tpu.vector_load %arg12[%get3A_415, %get3A_416] {strides = array<i32>} : memref<128x128xf32, #tpu.memory_space<vmem>>, vector<16xf32>,
        %mul3A_418 = arith.mulf %get3A_417, %broadcast_in_dim3A_382 : vector<16xf32>
        %add3A_419 = arith.addf %mul3A_418, %get3A_21 : vector<16xf32>
        %swap3A_420 = arith.index_cast %add3A_379 : i32 to index
        %swap3A_421 = arith.constant 64 : index
        %swap3A_422 = tpu.vector_load %arg12[%swap3A_420, %swap3A_421] {strides = array<i32>} : memref<128x128xf32, #tpu.memory_space<vmem>>, vector<16xf32>,
        tpu.vector_store %arg12[%swap3A_420, %swap3A_421], %add3A_419 {strides = array<i32>} : memref<128x128xf32, #tpu.memory_space<vmem>>, vector<16xf32>,
        %get3A_423 = arith.index_cast %add3A_379 : i32 to index
        %get3A_424 = arith.constant 80 : index
        %get3A_425 = tpu.vector_load %arg12[%get3A_423, %get3A_424] {strides = array<i32>} : memref<128x128xf32, #tpu.memory_space<vmem>>, vector<16xf32>,
        %mul3A_426 = arith.mulf %get3A_425, %broadcast_in_dim3A_382 : vector<16xf32>
        %add3A_427 = arith.addf %mul3A_426, %get3A_23 : vector<16xf32>
        %swap3A_428 = arith.index_cast %add3A_379 : i32 to index
        %swap3A_429 = arith.constant 80 : index
        %swap3A_430 = tpu.vector_load %arg12[%swap3A_428, %swap3A_429] {strides = array<i32>} : memref<128x128xf32, #tpu.memory_space<vmem>>, vector<16xf32>,
        tpu.vector_store %arg12[%swap3A_428, %swap3A_429], %add3A_427 {strides = array<i32>} : memref<128x128xf32, #tpu.memory_space<vmem>>, vector<16xf32>,
        %get3A_431 = arith.index_cast %add3A_379 : i32 to index
        %get3A_432 = arith.constant 96 : index
        %get3A_433 = tpu.vector_load %arg12[%get3A_431, %get3A_432] {strides = array<i32>} : memref<128x128xf32, #tpu.memory_space<vmem>>, vector<16xf32>,
        %mul3A_434 = arith.mulf %get3A_433, %broadcast_in_dim3A_382 : vector<16xf32>
        %add3A_435 = arith.addf %mul3A_434, %get3A_25 : vector<16xf32>
        %swap3A_436 = arith.index_cast %add3A_379 : i32 to index
        %swap3A_437 = arith.constant 96 : index
        %swap3A_438 = tpu.vector_load %arg12[%swap3A_436, %swap3A_437] {strides = array<i32>} : memref<128x128xf32, #tpu.memory_space<vmem>>, vector<16xf32>,
        tpu.vector_store %arg12[%swap3A_436, %swap3A_437], %add3A_435 {strides = array<i32>} : memref<128x128xf32, #tpu.memory_space<vmem>>, vector<16xf32>,
        %get3A_439 = arith.index_cast %add3A_379 : i32 to index
        %get3A_440 = arith.constant 112 : index
        %get3A_441 = tpu.vector_load %arg12[%get3A_439, %get3A_440] {strides = array<i32>} : memref<128x128xf32, #tpu.memory_space<vmem>>, vector<16xf32>,
        %mul3A_442 = arith.mulf %get3A_441, %broadcast_in_dim3A_382 : vector<16xf32>
        %add3A_443 = arith.addf %mul3A_442, %get3A_27 : vector<16xf32>
        %swap3A_444 = arith.index_cast %add3A_379 : i32 to index
        %swap3A_445 = arith.constant 112 : index
        %swap3A_446 = tpu.vector_load %arg12[%swap3A_444, %swap3A_445] {strides = array<i32>} : memref<128x128xf32, #tpu.memory_space<vmem>>, vector<16xf32>,
        tpu.vector_store %arg12[%swap3A_444, %swap3A_445], %add3A_443 {strides = array<i32>} : memref<128x128xf32, #tpu.memory_space<vmem>>, vector<16xf32>,
        %mul3A_447 = arith.constant 16 : i32
        %mul3A_448 = arith.muli %scan3A_159, %mul3A_447 : i32
        %add3A_449 = arith.constant 4 : i32
        %add3A_450 = arith.addi %mul3A_448, %add3A_449 : i32
        %slice3A_451 = vector.extract_strided_slice %gather3A {offsets = [4], sizes = [1], strides = [1]} : vector<16xf32> to vector<1xf32>
        %squeeze3A_452 = vector.extract %slice3A_451[0] : f32 from vector<1xf32>
        %broadcast_in_dim3A_453 = vector.broadcast %squeeze3A_452 : f32 to vector<16xf32>
        %get3A_454 = arith.index_cast %add3A_450 : i32 to index
        %get3A_455 = arith.constant 0 : index
        %get3A_456 = tpu.vector_load %arg12[%get3A_454, %get3A_455] {strides = array<i32>} : memref<128x128xf32, #tpu.memory_space<vmem>>, vector<16xf32>,
        %mul3A_457 = arith.mulf %get3A_456, %broadcast_in_dim3A_453 : vector<16xf32>
        %add3A_458 = arith.addf %mul3A_457, %get3A_13 : vector<16xf32>
        %swap3A_459 = arith.index_cast %add3A_450 : i32 to index
        %swap3A_460 = arith.constant 0 : index
        %swap3A_461 = tpu.vector_load %arg12[%swap3A_459, %swap3A_460] {strides = array<i32>} : memref<128x128xf32, #tpu.memory_space<vmem>>, vector<16xf32>,
        tpu.vector_store %arg12[%swap3A_459, %swap3A_460], %add3A_458 {strides = array<i32>} : memref<128x128xf32, #tpu.memory_space<vmem>>, vector<16xf32>,
        %get3A_462 = arith.index_cast %add3A_450 : i32 to index
        %get3A_463 = arith.constant 16 : index
        %get3A_464 = tpu.vector_load %arg12[%get3A_462, %get3A_463] {strides = array<i32>} : memref<128x128xf32, #tpu.memory_space<vmem>>, vector<16xf32>,
        %mul3A_465 = arith.mulf %get3A_464, %broadcast_in_dim3A_453 : vector<16xf32>
        %add3A_466 = arith.addf %mul3A_465, %get3A_15 : vector<16xf32>
        %swap3A_467 = arith.index_cast %add3A_450 : i32 to index
        %swap3A_468 = arith.constant 16 : index
        %swap3A_469 = tpu.vector_load %arg12[%swap3A_467, %swap3A_468] {strides = array<i32>} : memref<128x128xf32, #tpu.memory_space<vmem>>, vector<16xf32>,
        tpu.vector_store %arg12[%swap3A_467, %swap3A_468], %add3A_466 {strides = array<i32>} : memref<128x128xf32, #tpu.memory_space<vmem>>, vector<16xf32>,
        %get3A_470 = arith.index_cast %add3A_450 : i32 to index
        %get3A_471 = arith.constant 32 : index
        %get3A_472 = tpu.vector_load %arg12[%get3A_470, %get3A_471] {strides = array<i32>} : memref<128x128xf32, #tpu.memory_space<vmem>>, vector<16xf32>,
        %mul3A_473 = arith.mulf %get3A_472, %broadcast_in_dim3A_453 : vector<16xf32>
        %add3A_474 = arith.addf %mul3A_473, %get3A_17 : vector<16xf32>
        %swap3A_475 = arith.index_cast %add3A_450 : i32 to index
        %swap3A_476 = arith.constant 32 : index
        %swap3A_477 = tpu.vector_load %arg12[%swap3A_475, %swap3A_476] {strides = array<i32>} : memref<128x128xf32, #tpu.memory_space<vmem>>, vector<16xf32>,
        tpu.vector_store %arg12[%swap3A_475, %swap3A_476], %add3A_474 {strides = array<i32>} : memref<128x128xf32, #tpu.memory_space<vmem>>, vector<16xf32>,
        %get3A_478 = arith.index_cast %add3A_450 : i32 to index
        %get3A_479 = arith.constant 48 : index
        %get3A_480 = tpu.vector_load %arg12[%get3A_478, %get3A_479] {strides = array<i32>} : memref<128x128xf32, #tpu.memory_space<vmem>>, vector<16xf32>,
        %mul3A_481 = arith.mulf %get3A_480, %broadcast_in_dim3A_453 : vector<16xf32>
        %add3A_482 = arith.addf %mul3A_481, %get3A_19 : vector<16xf32>
        %swap3A_483 = arith.index_cast %add3A_450 : i32 to index
        %swap3A_484 = arith.constant 48 : index
        %swap3A_485 = tpu.vector_load %arg12[%swap3A_483, %swap3A_484] {strides = array<i32>} : memref<128x128xf32, #tpu.memory_space<vmem>>, vector<16xf32>,
        tpu.vector_store %arg12[%swap3A_483, %swap3A_484], %add3A_482 {strides = array<i32>} : memref<128x128xf32, #tpu.memory_space<vmem>>, vector<16xf32>,
        %get3A_486 = arith.index_cast %add3A_450 : i32 to index
        %get3A_487 = arith.constant 64 : index
        %get3A_488 = tpu.vector_load %arg12[%get3A_486, %get3A_487] {strides = array<i32>} : memref<128x128xf32, #tpu.memory_space<vmem>>, vector<16xf32>,
        %mul3A_489 = arith.mulf %get3A_488, %broadcast_in_dim3A_453 : vector<16xf32>
        %add3A_490 = arith.addf %mul3A_489, %get3A_21 : vector<16xf32>
        %swap3A_491 = arith.index_cast %add3A_450 : i32 to index
        %swap3A_492 = arith.constant 64 : index
        %swap3A_493 = tpu.vector_load %arg12[%swap3A_491, %swap3A_492] {strides = array<i32>} : memref<128x128xf32, #tpu.memory_space<vmem>>, vector<16xf32>,
        tpu.vector_store %arg12[%swap3A_491, %swap3A_492], %add3A_490 {strides = array<i32>} : memref<128x128xf32, #tpu.memory_space<vmem>>, vector<16xf32>,
        %get3A_494 = arith.index_cast %add3A_450 : i32 to index
        %get3A_495 = arith.constant 80 : index
        %get3A_496 = tpu.vector_load %arg12[%get3A_494, %get3A_495] {strides = array<i32>} : memref<128x128xf32, #tpu.memory_space<vmem>>, vector<16xf32>,
        %mul3A_497 = arith.mulf %get3A_496, %broadcast_in_dim3A_453 : vector<16xf32>
        %add3A_498 = arith.addf %mul3A_497, %get3A_23 : vector<16xf32>
        %swap3A_499 = arith.index_cast %add3A_450 : i32 to index
        %swap3A_500 = arith.constant 80 : index
        %swap3A_501 = tpu.vector_load %arg12[%swap3A_499, %swap3A_500] {strides = array<i32>} : memref<128x128xf32, #tpu.memory_space<vmem>>, vector<16xf32>,
        tpu.vector_store %arg12[%swap3A_499, %swap3A_500], %add3A_498 {strides = array<i32>} : memref<128x128xf32, #tpu.memory_space<vmem>>, vector<16xf32>,
        %get3A_502 = arith.index_cast %add3A_450 : i32 to index
        %get3A_503 = arith.constant 96 : index
        %get3A_504 = tpu.vector_load %arg12[%get3A_502, %get3A_503] {strides = array<i32>} : memref<128x128xf32, #tpu.memory_space<vmem>>, vector<16xf32>,
        %mul3A_505 = arith.mulf %get3A_504, %broadcast_in_dim3A_453 : vector<16xf32>
        %add3A_506 = arith.addf %mul3A_505, %get3A_25 : vector<16xf32>
        %swap3A_507 = arith.index_cast %add3A_450 : i32 to index
        %swap3A_508 = arith.constant 96 : index
        %swap3A_509 = tpu.vector_load %arg12[%swap3A_507, %swap3A_508] {strides = array<i32>} : memref<128x128xf32, #tpu.memory_space<vmem>>, vector<16xf32>,
        tpu.vector_store %arg12[%swap3A_507, %swap3A_508], %add3A_506 {strides = array<i32>} : memref<128x128xf32, #tpu.memory_space<vmem>>, vector<16xf32>,
        %get3A_510 = arith.index_cast %add3A_450 : i32 to index
        %get3A_511 = arith.constant 112 : index
        %get3A_512 = tpu.vector_load %arg12[%get3A_510, %get3A_511] {strides = array<i32>} : memref<128x128xf32, #tpu.memory_space<vmem>>, vector<16xf32>,
        %mul3A_513 = arith.mulf %get3A_512, %broadcast_in_dim3A_453 : vector<16xf32>
        %add3A_514 = arith.addf %mul3A_513, %get3A_27 : vector<16xf32>
        %swap3A_515 = arith.index_cast %add3A_450 : i32 to index
        %swap3A_516 = arith.constant 112 : index
        %swap3A_517 = tpu.vector_load %arg12[%swap3A_515, %swap3A_516] {strides = array<i32>} : memref<128x128xf32, #tpu.memory_space<vmem>>, vector<16xf32>,
        tpu.vector_store %arg12[%swap3A_515, %swap3A_516], %add3A_514 {strides = array<i32>} : memref<128x128xf32, #tpu.memory_space<vmem>>, vector<16xf32>,
        %mul3A_518 = arith.constant 16 : i32
        %mul3A_519 = arith.muli %scan3A_159, %mul3A_518 : i32
        %add3A_520 = arith.constant 5 : i32
        %add3A_521 = arith.addi %mul3A_519, %add3A_520 : i32
        %slice3A_522 = vector.extract_strided_slice %gather3A {offsets = [5], sizes = [1], strides = [1]} : vector<16xf32> to vector<1xf32>
        %squeeze3A_523 = vector.extract %slice3A_522[0] : f32 from vector<1xf32>
        %broadcast_in_dim3A_524 = vector.broadcast %squeeze3A_523 : f32 to vector<16xf32>
        %get3A_525 = arith.index_cast %add3A_521 : i32 to index
        %get3A_526 = arith.constant 0 : index
        %get3A_527 = tpu.vector_load %arg12[%get3A_525, %get3A_526] {strides = array<i32>} : memref<128x128xf32, #tpu.memory_space<vmem>>, vector<16xf32>,
        %mul3A_528 = arith.mulf %get3A_527, %broadcast_in_dim3A_524 : vector<16xf32>
        %add3A_529 = arith.addf %mul3A_528, %get3A_13 : vector<16xf32>
        %swap3A_530 = arith.index_cast %add3A_521 : i32 to index
        %swap3A_531 = arith.constant 0 : index
        %swap3A_532 = tpu.vector_load %arg12[%swap3A_530, %swap3A_531] {strides = array<i32>} : memref<128x128xf32, #tpu.memory_space<vmem>>, vector<16xf32>,
        tpu.vector_store %arg12[%swap3A_530, %swap3A_531], %add3A_529 {strides = array<i32>} : memref<128x128xf32, #tpu.memory_space<vmem>>, vector<16xf32>,
        %get3A_533 = arith.index_cast %add3A_521 : i32 to index
        %get3A_534 = arith.constant 16 : index
        %get3A_535 = tpu.vector_load %arg12[%get3A_533, %get3A_534] {strides = array<i32>} : memref<128x128xf32, #tpu.memory_space<vmem>>, vector<16xf32>,
        %mul3A_536 = arith.mulf %get3A_535, %broadcast_in_dim3A_524 : vector<16xf32>
        %add3A_537 = arith.addf %mul3A_536, %get3A_15 : vector<16xf32>
        %swap3A_538 = arith.index_cast %add3A_521 : i32 to index
        %swap3A_539 = arith.constant 16 : index
        %swap3A_540 = tpu.vector_load %arg12[%swap3A_538, %swap3A_539] {strides = array<i32>} : memref<128x128xf32, #tpu.memory_space<vmem>>, vector<16xf32>,
        tpu.vector_store %arg12[%swap3A_538, %swap3A_539], %add3A_537 {strides = array<i32>} : memref<128x128xf32, #tpu.memory_space<vmem>>, vector<16xf32>,
        %get3A_541 = arith.index_cast %add3A_521 : i32 to index
        %get3A_542 = arith.constant 32 : index
        %get3A_543 = tpu.vector_load %arg12[%get3A_541, %get3A_542] {strides = array<i32>} : memref<128x128xf32, #tpu.memory_space<vmem>>, vector<16xf32>,
        %mul3A_544 = arith.mulf %get3A_543, %broadcast_in_dim3A_524 : vector<16xf32>
        %add3A_545 = arith.addf %mul3A_544, %get3A_17 : vector<16xf32>
        %swap3A_546 = arith.index_cast %add3A_521 : i32 to index
        %swap3A_547 = arith.constant 32 : index
        %swap3A_548 = tpu.vector_load %arg12[%swap3A_546, %swap3A_547] {strides = array<i32>} : memref<128x128xf32, #tpu.memory_space<vmem>>, vector<16xf32>,
        tpu.vector_store %arg12[%swap3A_546, %swap3A_547], %add3A_545 {strides = array<i32>} : memref<128x128xf32, #tpu.memory_space<vmem>>, vector<16xf32>,
        %get3A_549 = arith.index_cast %add3A_521 : i32 to index
        %get3A_550 = arith.constant 48 : index
        %get3A_551 = tpu.vector_load %arg12[%get3A_549, %get3A_550] {strides = array<i32>} : memref<128x128xf32, #tpu.memory_space<vmem>>, vector<16xf32>,
        %mul3A_552 = arith.mulf %get3A_551, %broadcast_in_dim3A_524 : vector<16xf32>
        %add3A_553 = arith.addf %mul3A_552, %get3A_19 : vector<16xf32>
        %swap3A_554 = arith.index_cast %add3A_521 : i32 to index
        %swap3A_555 = arith.constant 48 : index
        %swap3A_556 = tpu.vector_load %arg12[%swap3A_554, %swap3A_555] {strides = array<i32>} : memref<128x128xf32, #tpu.memory_space<vmem>>, vector<16xf32>,
        tpu.vector_store %arg12[%swap3A_554, %swap3A_555], %add3A_553 {strides = array<i32>} : memref<128x128xf32, #tpu.memory_space<vmem>>, vector<16xf32>,
        %get3A_557 = arith.index_cast %add3A_521 : i32 to index
        %get3A_558 = arith.constant 64 : index
        %get3A_559 = tpu.vector_load %arg12[%get3A_557, %get3A_558] {strides = array<i32>} : memref<128x128xf32, #tpu.memory_space<vmem>>, vector<16xf32>,
        %mul3A_560 = arith.mulf %get3A_559, %broadcast_in_dim3A_524 : vector<16xf32>
        %add3A_561 = arith.addf %mul3A_560, %get3A_21 : vector<16xf32>
        %swap3A_562 = arith.index_cast %add3A_521 : i32 to index
        %swap3A_563 = arith.constant 64 : index
        %swap3A_564 = tpu.vector_load %arg12[%swap3A_562, %swap3A_563] {strides = array<i32>} : memref<128x128xf32, #tpu.memory_space<vmem>>, vector<16xf32>,
        tpu.vector_store %arg12[%swap3A_562, %swap3A_563], %add3A_561 {strides = array<i32>} : memref<128x128xf32, #tpu.memory_space<vmem>>, vector<16xf32>,
        %get3A_565 = arith.index_cast %add3A_521 : i32 to index
        %get3A_566 = arith.constant 80 : index
        %get3A_567 = tpu.vector_load %arg12[%get3A_565, %get3A_566] {strides = array<i32>} : memref<128x128xf32, #tpu.memory_space<vmem>>, vector<16xf32>,
        %mul3A_568 = arith.mulf %get3A_567, %broadcast_in_dim3A_524 : vector<16xf32>
        %add3A_569 = arith.addf %mul3A_568, %get3A_23 : vector<16xf32>
        %swap3A_570 = arith.index_cast %add3A_521 : i32 to index
        %swap3A_571 = arith.constant 80 : index
        %swap3A_572 = tpu.vector_load %arg12[%swap3A_570, %swap3A_571] {strides = array<i32>} : memref<128x128xf32, #tpu.memory_space<vmem>>, vector<16xf32>,
        tpu.vector_store %arg12[%swap3A_570, %swap3A_571], %add3A_569 {strides = array<i32>} : memref<128x128xf32, #tpu.memory_space<vmem>>, vector<16xf32>,
        %get3A_573 = arith.index_cast %add3A_521 : i32 to index
        %get3A_574 = arith.constant 96 : index
        %get3A_575 = tpu.vector_load %arg12[%get3A_573, %get3A_574] {strides = array<i32>} : memref<128x128xf32, #tpu.memory_space<vmem>>, vector<16xf32>,
        %mul3A_576 = arith.mulf %get3A_575, %broadcast_in_dim3A_524 : vector<16xf32>
        %add3A_577 = arith.addf %mul3A_576, %get3A_25 : vector<16xf32>
        %swap3A_578 = arith.index_cast %add3A_521 : i32 to index
        %swap3A_579 = arith.constant 96 : index
        %swap3A_580 = tpu.vector_load %arg12[%swap3A_578, %swap3A_579] {strides = array<i32>} : memref<128x128xf32, #tpu.memory_space<vmem>>, vector<16xf32>,
        tpu.vector_store %arg12[%swap3A_578, %swap3A_579], %add3A_577 {strides = array<i32>} : memref<128x128xf32, #tpu.memory_space<vmem>>, vector<16xf32>,
        %get3A_581 = arith.index_cast %add3A_521 : i32 to index
        %get3A_582 = arith.constant 112 : index
        %get3A_583 = tpu.vector_load %arg12[%get3A_581, %get3A_582] {strides = array<i32>} : memref<128x128xf32, #tpu.memory_space<vmem>>, vector<16xf32>,
        %mul3A_584 = arith.mulf %get3A_583, %broadcast_in_dim3A_524 : vector<16xf32>
        %add3A_585 = arith.addf %mul3A_584, %get3A_27 : vector<16xf32>
        %swap3A_586 = arith.index_cast %add3A_521 : i32 to index
        %swap3A_587 = arith.constant 112 : index
        %swap3A_588 = tpu.vector_load %arg12[%swap3A_586, %swap3A_587] {strides = array<i32>} : memref<128x128xf32, #tpu.memory_space<vmem>>, vector<16xf32>,
        tpu.vector_store %arg12[%swap3A_586, %swap3A_587], %add3A_585 {strides = array<i32>} : memref<128x128xf32, #tpu.memory_space<vmem>>, vector<16xf32>,
        %mul3A_589 = arith.constant 16 : i32
        %mul3A_590 = arith.muli %scan3A_159, %mul3A_589 : i32
        %add3A_591 = arith.constant 6 : i32
        %add3A_592 = arith.addi %mul3A_590, %add3A_591 : i32
        %slice3A_593 = vector.extract_strided_slice %gather3A {offsets = [6], sizes = [1], strides = [1]} : vector<16xf32> to vector<1xf32>
        %squeeze3A_594 = vector.extract %slice3A_593[0] : f32 from vector<1xf32>
        %broadcast_in_dim3A_595 = vector.broadcast %squeeze3A_594 : f32 to vector<16xf32>
        %get3A_596 = arith.index_cast %add3A_592 : i32 to index
        %get3A_597 = arith.constant 0 : index
        %get3A_598 = tpu.vector_load %arg12[%get3A_596, %get3A_597] {strides = array<i32>} : memref<128x128xf32, #tpu.memory_space<vmem>>, vector<16xf32>,
        %mul3A_599 = arith.mulf %get3A_598, %broadcast_in_dim3A_595 : vector<16xf32>
        %add3A_600 = arith.addf %mul3A_599, %get3A_13 : vector<16xf32>
        %swap3A_601 = arith.index_cast %add3A_592 : i32 to index
        %swap3A_602 = arith.constant 0 : index
        %swap3A_603 = tpu.vector_load %arg12[%swap3A_601, %swap3A_602] {strides = array<i32>} : memref<128x128xf32, #tpu.memory_space<vmem>>, vector<16xf32>,
        tpu.vector_store %arg12[%swap3A_601, %swap3A_602], %add3A_600 {strides = array<i32>} : memref<128x128xf32, #tpu.memory_space<vmem>>, vector<16xf32>,
        %get3A_604 = arith.index_cast %add3A_592 : i32 to index
        %get3A_605 = arith.constant 16 : index
        %get3A_606 = tpu.vector_load %arg12[%get3A_604, %get3A_605] {strides = array<i32>} : memref<128x128xf32, #tpu.memory_space<vmem>>, vector<16xf32>,
        %mul3A_607 = arith.mulf %get3A_606, %broadcast_in_dim3A_595 : vector<16xf32>
        %add3A_608 = arith.addf %mul3A_607, %get3A_15 : vector<16xf32>
        %swap3A_609 = arith.index_cast %add3A_592 : i32 to index
        %swap3A_610 = arith.constant 16 : index
        %swap3A_611 = tpu.vector_load %arg12[%swap3A_609, %swap3A_610] {strides = array<i32>} : memref<128x128xf32, #tpu.memory_space<vmem>>, vector<16xf32>,
        tpu.vector_store %arg12[%swap3A_609, %swap3A_610], %add3A_608 {strides = array<i32>} : memref<128x128xf32, #tpu.memory_space<vmem>>, vector<16xf32>,
        %get3A_612 = arith.index_cast %add3A_592 : i32 to index
        %get3A_613 = arith.constant 32 : index
        %get3A_614 = tpu.vector_load %arg12[%get3A_612, %get3A_613] {strides = array<i32>} : memref<128x128xf32, #tpu.memory_space<vmem>>, vector<16xf32>,
        %mul3A_615 = arith.mulf %get3A_614, %broadcast_in_dim3A_595 : vector<16xf32>
        %add3A_616 = arith.addf %mul3A_615, %get3A_17 : vector<16xf32>
        %swap3A_617 = arith.index_cast %add3A_592 : i32 to index
        %swap3A_618 = arith.constant 32 : index
        %swap3A_619 = tpu.vector_load %arg12[%swap3A_617, %swap3A_618] {strides = array<i32>} : memref<128x128xf32, #tpu.memory_space<vmem>>, vector<16xf32>,
        tpu.vector_store %arg12[%swap3A_617, %swap3A_618], %add3A_616 {strides = array<i32>} : memref<128x128xf32, #tpu.memory_space<vmem>>, vector<16xf32>,
        %get3A_620 = arith.index_cast %add3A_592 : i32 to index
        %get3A_621 = arith.constant 48 : index
        %get3A_622 = tpu.vector_load %arg12[%get3A_620, %get3A_621] {strides = array<i32>} : memref<128x128xf32, #tpu.memory_space<vmem>>, vector<16xf32>,
        %mul3A_623 = arith.mulf %get3A_622, %broadcast_in_dim3A_595 : vector<16xf32>
        %add3A_624 = arith.addf %mul3A_623, %get3A_19 : vector<16xf32>
        %swap3A_625 = arith.index_cast %add3A_592 : i32 to index
        %swap3A_626 = arith.constant 48 : index
        %swap3A_627 = tpu.vector_load %arg12[%swap3A_625, %swap3A_626] {strides = array<i32>} : memref<128x128xf32, #tpu.memory_space<vmem>>, vector<16xf32>,
        tpu.vector_store %arg12[%swap3A_625, %swap3A_626], %add3A_624 {strides = array<i32>} : memref<128x128xf32, #tpu.memory_space<vmem>>, vector<16xf32>,
        %get3A_628 = arith.index_cast %add3A_592 : i32 to index
        %get3A_629 = arith.constant 64 : index
        %get3A_630 = tpu.vector_load %arg12[%get3A_628, %get3A_629] {strides = array<i32>} : memref<128x128xf32, #tpu.memory_space<vmem>>, vector<16xf32>,
        %mul3A_631 = arith.mulf %get3A_630, %broadcast_in_dim3A_595 : vector<16xf32>
        %add3A_632 = arith.addf %mul3A_631, %get3A_21 : vector<16xf32>
        %swap3A_633 = arith.index_cast %add3A_592 : i32 to index
        %swap3A_634 = arith.constant 64 : index
        %swap3A_635 = tpu.vector_load %arg12[%swap3A_633, %swap3A_634] {strides = array<i32>} : memref<128x128xf32, #tpu.memory_space<vmem>>, vector<16xf32>,
        tpu.vector_store %arg12[%swap3A_633, %swap3A_634], %add3A_632 {strides = array<i32>} : memref<128x128xf32, #tpu.memory_space<vmem>>, vector<16xf32>,
        %get3A_636 = arith.index_cast %add3A_592 : i32 to index
        %get3A_637 = arith.constant 80 : index
        %get3A_638 = tpu.vector_load %arg12[%get3A_636, %get3A_637] {strides = array<i32>} : memref<128x128xf32, #tpu.memory_space<vmem>>, vector<16xf32>,
        %mul3A_639 = arith.mulf %get3A_638, %broadcast_in_dim3A_595 : vector<16xf32>
        %add3A_640 = arith.addf %mul3A_639, %get3A_23 : vector<16xf32>
        %swap3A_641 = arith.index_cast %add3A_592 : i32 to index
        %swap3A_642 = arith.constant 80 : index
        %swap3A_643 = tpu.vector_load %arg12[%swap3A_641, %swap3A_642] {strides = array<i32>} : memref<128x128xf32, #tpu.memory_space<vmem>>, vector<16xf32>,
        tpu.vector_store %arg12[%swap3A_641, %swap3A_642], %add3A_640 {strides = array<i32>} : memref<128x128xf32, #tpu.memory_space<vmem>>, vector<16xf32>,
        %get3A_644 = arith.index_cast %add3A_592 : i32 to index
        %get3A_645 = arith.constant 96 : index
        %get3A_646 = tpu.vector_load %arg12[%get3A_644, %get3A_645] {strides = array<i32>} : memref<128x128xf32, #tpu.memory_space<vmem>>, vector<16xf32>,
        %mul3A_647 = arith.mulf %get3A_646, %broadcast_in_dim3A_595 : vector<16xf32>
        %add3A_648 = arith.addf %mul3A_647, %get3A_25 : vector<16xf32>
        %swap3A_649 = arith.index_cast %add3A_592 : i32 to index
        %swap3A_650 = arith.constant 96 : index
        %swap3A_651 = tpu.vector_load %arg12[%swap3A_649, %swap3A_650] {strides = array<i32>} : memref<128x128xf32, #tpu.memory_space<vmem>>, vector<16xf32>,
        tpu.vector_store %arg12[%swap3A_649, %swap3A_650], %add3A_648 {strides = array<i32>} : memref<128x128xf32, #tpu.memory_space<vmem>>, vector<16xf32>,
        %get3A_652 = arith.index_cast %add3A_592 : i32 to index
        %get3A_653 = arith.constant 112 : index
        %get3A_654 = tpu.vector_load %arg12[%get3A_652, %get3A_653] {strides = array<i32>} : memref<128x128xf32, #tpu.memory_space<vmem>>, vector<16xf32>,
        %mul3A_655 = arith.mulf %get3A_654, %broadcast_in_dim3A_595 : vector<16xf32>
        %add3A_656 = arith.addf %mul3A_655, %get3A_27 : vector<16xf32>
        %swap3A_657 = arith.index_cast %add3A_592 : i32 to index
        %swap3A_658 = arith.constant 112 : index
        %swap3A_659 = tpu.vector_load %arg12[%swap3A_657, %swap3A_658] {strides = array<i32>} : memref<128x128xf32, #tpu.memory_space<vmem>>, vector<16xf32>,
        tpu.vector_store %arg12[%swap3A_657, %swap3A_658], %add3A_656 {strides = array<i32>} : memref<128x128xf32, #tpu.memory_space<vmem>>, vector<16xf32>,
        %mul3A_660 = arith.constant 16 : i32
        %mul3A_661 = arith.muli %scan3A_159, %mul3A_660 : i32
        %add3A_662 = arith.constant 7 : i32
        %add3A_663 = arith.addi %mul3A_661, %add3A_662 : i32
        %slice3A_664 = vector.extract_strided_slice %gather3A {offsets = [7], sizes = [1], strides = [1]} : vector<16xf32> to vector<1xf32>
        %squeeze3A_665 = vector.extract %slice3A_664[0] : f32 from vector<1xf32>
        %broadcast_in_dim3A_666 = vector.broadcast %squeeze3A_665 : f32 to vector<16xf32>
        %get3A_667 = arith.index_cast %add3A_663 : i32 to index
        %get3A_668 = arith.constant 0 : index
        %get3A_669 = tpu.vector_load %arg12[%get3A_667, %get3A_668] {strides = array<i32>} : memref<128x128xf32, #tpu.memory_space<vmem>>, vector<16xf32>,
        %mul3A_670 = arith.mulf %get3A_669, %broadcast_in_dim3A_666 : vector<16xf32>
        %add3A_671 = arith.addf %mul3A_670, %get3A_13 : vector<16xf32>
        %swap3A_672 = arith.index_cast %add3A_663 : i32 to index
        %swap3A_673 = arith.constant 0 : index
        %swap3A_674 = tpu.vector_load %arg12[%swap3A_672, %swap3A_673] {strides = array<i32>} : memref<128x128xf32, #tpu.memory_space<vmem>>, vector<16xf32>,
        tpu.vector_store %arg12[%swap3A_672, %swap3A_673], %add3A_671 {strides = array<i32>} : memref<128x128xf32, #tpu.memory_space<vmem>>, vector<16xf32>,
        %get3A_675 = arith.index_cast %add3A_663 : i32 to index
        %get3A_676 = arith.constant 16 : index
        %get3A_677 = tpu.vector_load %arg12[%get3A_675, %get3A_676] {strides = array<i32>} : memref<128x128xf32, #tpu.memory_space<vmem>>, vector<16xf32>,
        %mul3A_678 = arith.mulf %get3A_677, %broadcast_in_dim3A_666 : vector<16xf32>
        %add3A_679 = arith.addf %mul3A_678, %get3A_15 : vector<16xf32>
        %swap3A_680 = arith.index_cast %add3A_663 : i32 to index
        %swap3A_681 = arith.constant 16 : index
        %swap3A_682 = tpu.vector_load %arg12[%swap3A_680, %swap3A_681] {strides = array<i32>} : memref<128x128xf32, #tpu.memory_space<vmem>>, vector<16xf32>,
        tpu.vector_store %arg12[%swap3A_680, %swap3A_681], %add3A_679 {strides = array<i32>} : memref<128x128xf32, #tpu.memory_space<vmem>>, vector<16xf32>,
        %get3A_683 = arith.index_cast %add3A_663 : i32 to index
        %get3A_684 = arith.constant 32 : index
        %get3A_685 = tpu.vector_load %arg12[%get3A_683, %get3A_684] {strides = array<i32>} : memref<128x128xf32, #tpu.memory_space<vmem>>, vector<16xf32>,
        %mul3A_686 = arith.mulf %get3A_685, %broadcast_in_dim3A_666 : vector<16xf32>
        %add3A_687 = arith.addf %mul3A_686, %get3A_17 : vector<16xf32>
        %swap3A_688 = arith.index_cast %add3A_663 : i32 to index
        %swap3A_689 = arith.constant 32 : index
        %swap3A_690 = tpu.vector_load %arg12[%swap3A_688, %swap3A_689] {strides = array<i32>} : memref<128x128xf32, #tpu.memory_space<vmem>>, vector<16xf32>,
        tpu.vector_store %arg12[%swap3A_688, %swap3A_689], %add3A_687 {strides = array<i32>} : memref<128x128xf32, #tpu.memory_space<vmem>>, vector<16xf32>,
        %get3A_691 = arith.index_cast %add3A_663 : i32 to index
        %get3A_692 = arith.constant 48 : index
        %get3A_693 = tpu.vector_load %arg12[%get3A_691, %get3A_692] {strides = array<i32>} : memref<128x128xf32, #tpu.memory_space<vmem>>, vector<16xf32>,
        %mul3A_694 = arith.mulf %get3A_693, %broadcast_in_dim3A_666 : vector<16xf32>
        %add3A_695 = arith.addf %mul3A_694, %get3A_19 : vector<16xf32>
        %swap3A_696 = arith.index_cast %add3A_663 : i32 to index
        %swap3A_697 = arith.constant 48 : index
        %swap3A_698 = tpu.vector_load %arg12[%swap3A_696, %swap3A_697] {strides = array<i32>} : memref<128x128xf32, #tpu.memory_space<vmem>>, vector<16xf32>,
        tpu.vector_store %arg12[%swap3A_696, %swap3A_697], %add3A_695 {strides = array<i32>} : memref<128x128xf32, #tpu.memory_space<vmem>>, vector<16xf32>,
        %get3A_699 = arith.index_cast %add3A_663 : i32 to index
        %get3A_700 = arith.constant 64 : index
        %get3A_701 = tpu.vector_load %arg12[%get3A_699, %get3A_700] {strides = array<i32>} : memref<128x128xf32, #tpu.memory_space<vmem>>, vector<16xf32>,
        %mul3A_702 = arith.mulf %get3A_701, %broadcast_in_dim3A_666 : vector<16xf32>
        %add3A_703 = arith.addf %mul3A_702, %get3A_21 : vector<16xf32>
        %swap3A_704 = arith.index_cast %add3A_663 : i32 to index
        %swap3A_705 = arith.constant 64 : index
        %swap3A_706 = tpu.vector_load %arg12[%swap3A_704, %swap3A_705] {strides = array<i32>} : memref<128x128xf32, #tpu.memory_space<vmem>>, vector<16xf32>,
        tpu.vector_store %arg12[%swap3A_704, %swap3A_705], %add3A_703 {strides = array<i32>} : memref<128x128xf32, #tpu.memory_space<vmem>>, vector<16xf32>,
        %get3A_707 = arith.index_cast %add3A_663 : i32 to index
        %get3A_708 = arith.constant 80 : index
        %get3A_709 = tpu.vector_load %arg12[%get3A_707, %get3A_708] {strides = array<i32>} : memref<128x128xf32, #tpu.memory_space<vmem>>, vector<16xf32>,
        %mul3A_710 = arith.mulf %get3A_709, %broadcast_in_dim3A_666 : vector<16xf32>
        %add3A_711 = arith.addf %mul3A_710, %get3A_23 : vector<16xf32>
        %swap3A_712 = arith.index_cast %add3A_663 : i32 to index
        %swap3A_713 = arith.constant 80 : index
        %swap3A_714 = tpu.vector_load %arg12[%swap3A_712, %swap3A_713] {strides = array<i32>} : memref<128x128xf32, #tpu.memory_space<vmem>>, vector<16xf32>,
        tpu.vector_store %arg12[%swap3A_712, %swap3A_713], %add3A_711 {strides = array<i32>} : memref<128x128xf32, #tpu.memory_space<vmem>>, vector<16xf32>,
        %get3A_715 = arith.index_cast %add3A_663 : i32 to index
        %get3A_716 = arith.constant 96 : index
        %get3A_717 = tpu.vector_load %arg12[%get3A_715, %get3A_716] {strides = array<i32>} : memref<128x128xf32, #tpu.memory_space<vmem>>, vector<16xf32>,
        %mul3A_718 = arith.mulf %get3A_717, %broadcast_in_dim3A_666 : vector<16xf32>
        %add3A_719 = arith.addf %mul3A_718, %get3A_25 : vector<16xf32>
        %swap3A_720 = arith.index_cast %add3A_663 : i32 to index
        %swap3A_721 = arith.constant 96 : index
        %swap3A_722 = tpu.vector_load %arg12[%swap3A_720, %swap3A_721] {strides = array<i32>} : memref<128x128xf32, #tpu.memory_space<vmem>>, vector<16xf32>,
        tpu.vector_store %arg12[%swap3A_720, %swap3A_721], %add3A_719 {strides = array<i32>} : memref<128x128xf32, #tpu.memory_space<vmem>>, vector<16xf32>,
        %get3A_723 = arith.index_cast %add3A_663 : i32 to index
        %get3A_724 = arith.constant 112 : index
        %get3A_725 = tpu.vector_load %arg12[%get3A_723, %get3A_724] {strides = array<i32>} : memref<128x128xf32, #tpu.memory_space<vmem>>, vector<16xf32>,
        %mul3A_726 = arith.mulf %get3A_725, %broadcast_in_dim3A_666 : vector<16xf32>
        %add3A_727 = arith.addf %mul3A_726, %get3A_27 : vector<16xf32>
        %swap3A_728 = arith.index_cast %add3A_663 : i32 to index
        %swap3A_729 = arith.constant 112 : index
        %swap3A_730 = tpu.vector_load %arg12[%swap3A_728, %swap3A_729] {strides = array<i32>} : memref<128x128xf32, #tpu.memory_space<vmem>>, vector<16xf32>,
        tpu.vector_store %arg12[%swap3A_728, %swap3A_729], %add3A_727 {strides = array<i32>} : memref<128x128xf32, #tpu.memory_space<vmem>>, vector<16xf32>,
        %mul3A_731 = arith.constant 16 : i32
        %mul3A_732 = arith.muli %scan3A_159, %mul3A_731 : i32
        %add3A_733 = arith.constant 8 : i32
        %add3A_734 = arith.addi %mul3A_732, %add3A_733 : i32
        %slice3A_735 = vector.extract_strided_slice %gather3A {offsets = [8], sizes = [1], strides = [1]} : vector<16xf32> to vector<1xf32>
        %squeeze3A_736 = vector.extract %slice3A_735[0] : f32 from vector<1xf32>
        %broadcast_in_dim3A_737 = vector.broadcast %squeeze3A_736 : f32 to vector<16xf32>
        %get3A_738 = arith.index_cast %add3A_734 : i32 to index
        %get3A_739 = arith.constant 0 : index
        %get3A_740 = tpu.vector_load %arg12[%get3A_738, %get3A_739] {strides = array<i32>} : memref<128x128xf32, #tpu.memory_space<vmem>>, vector<16xf32>,
        %mul3A_741 = arith.mulf %get3A_740, %broadcast_in_dim3A_737 : vector<16xf32>
        %add3A_742 = arith.addf %mul3A_741, %get3A_13 : vector<16xf32>
        %swap3A_743 = arith.index_cast %add3A_734 : i32 to index
        %swap3A_744 = arith.constant 0 : index
        %swap3A_745 = tpu.vector_load %arg12[%swap3A_743, %swap3A_744] {strides = array<i32>} : memref<128x128xf32, #tpu.memory_space<vmem>>, vector<16xf32>,
        tpu.vector_store %arg12[%swap3A_743, %swap3A_744], %add3A_742 {strides = array<i32>} : memref<128x128xf32, #tpu.memory_space<vmem>>, vector<16xf32>,
        %get3A_746 = arith.index_cast %add3A_734 : i32 to index
        %get3A_747 = arith.constant 16 : index
        %get3A_748 = tpu.vector_load %arg12[%get3A_746, %get3A_747] {strides = array<i32>} : memref<128x128xf32, #tpu.memory_space<vmem>>, vector<16xf32>,
        %mul3A_749 = arith.mulf %get3A_748, %broadcast_in_dim3A_737 : vector<16xf32>
        %add3A_750 = arith.addf %mul3A_749, %get3A_15 : vector<16xf32>
        %swap3A_751 = arith.index_cast %add3A_734 : i32 to index
        %swap3A_752 = arith.constant 16 : index
        %swap3A_753 = tpu.vector_load %arg12[%swap3A_751, %swap3A_752] {strides = array<i32>} : memref<128x128xf32, #tpu.memory_space<vmem>>, vector<16xf32>,
        tpu.vector_store %arg12[%swap3A_751, %swap3A_752], %add3A_750 {strides = array<i32>} : memref<128x128xf32, #tpu.memory_space<vmem>>, vector<16xf32>,
        %get3A_754 = arith.index_cast %add3A_734 : i32 to index
        %get3A_755 = arith.constant 32 : index
        %get3A_756 = tpu.vector_load %arg12[%get3A_754, %get3A_755] {strides = array<i32>} : memref<128x128xf32, #tpu.memory_space<vmem>>, vector<16xf32>,
        %mul3A_757 = arith.mulf %get3A_756, %broadcast_in_dim3A_737 : vector<16xf32>
        %add3A_758 = arith.addf %mul3A_757, %get3A_17 : vector<16xf32>
        %swap3A_759 = arith.index_cast %add3A_734 : i32 to index
        %swap3A_760 = arith.constant 32 : index
        %swap3A_761 = tpu.vector_load %arg12[%swap3A_759, %swap3A_760] {strides = array<i32>} : memref<128x128xf32, #tpu.memory_space<vmem>>, vector<16xf32>,
        tpu.vector_store %arg12[%swap3A_759, %swap3A_760], %add3A_758 {strides = array<i32>} : memref<128x128xf32, #tpu.memory_space<vmem>>, vector<16xf32>,
        %get3A_762 = arith.index_cast %add3A_734 : i32 to index
        %get3A_763 = arith.constant 48 : index
        %get3A_764 = tpu.vector_load %arg12[%get3A_762, %get3A_763] {strides = array<i32>} : memref<128x128xf32, #tpu.memory_space<vmem>>, vector<16xf32>,
        %mul3A_765 = arith.mulf %get3A_764, %broadcast_in_dim3A_737 : vector<16xf32>
        %add3A_766 = arith.addf %mul3A_765, %get3A_19 : vector<16xf32>
        %swap3A_767 = arith.index_cast %add3A_734 : i32 to index
        %swap3A_768 = arith.constant 48 : index
        %swap3A_769 = tpu.vector_load %arg12[%swap3A_767, %swap3A_768] {strides = array<i32>} : memref<128x128xf32, #tpu.memory_space<vmem>>, vector<16xf32>,
        tpu.vector_store %arg12[%swap3A_767, %swap3A_768], %add3A_766 {strides = array<i32>} : memref<128x128xf32, #tpu.memory_space<vmem>>, vector<16xf32>,
        %get3A_770 = arith.index_cast %add3A_734 : i32 to index
        %get3A_771 = arith.constant 64 : index
        %get3A_772 = tpu.vector_load %arg12[%get3A_770, %get3A_771] {strides = array<i32>} : memref<128x128xf32, #tpu.memory_space<vmem>>, vector<16xf32>,
        %mul3A_773 = arith.mulf %get3A_772, %broadcast_in_dim3A_737 : vector<16xf32>
        %add3A_774 = arith.addf %mul3A_773, %get3A_21 : vector<16xf32>
        %swap3A_775 = arith.index_cast %add3A_734 : i32 to index
        %swap3A_776 = arith.constant 64 : index
        %swap3A_777 = tpu.vector_load %arg12[%swap3A_775, %swap3A_776] {strides = array<i32>} : memref<128x128xf32, #tpu.memory_space<vmem>>, vector<16xf32>,
        tpu.vector_store %arg12[%swap3A_775, %swap3A_776], %add3A_774 {strides = array<i32>} : memref<128x128xf32, #tpu.memory_space<vmem>>, vector<16xf32>,
        %get3A_778 = arith.index_cast %add3A_734 : i32 to index
        %get3A_779 = arith.constant 80 : index
        %get3A_780 = tpu.vector_load %arg12[%get3A_778, %get3A_779] {strides = array<i32>} : memref<128x128xf32, #tpu.memory_space<vmem>>, vector<16xf32>,
        %mul3A_781 = arith.mulf %get3A_780, %broadcast_in_dim3A_737 : vector<16xf32>
        %add3A_782 = arith.addf %mul3A_781, %get3A_23 : vector<16xf32>
        %swap3A_783 = arith.index_cast %add3A_734 : i32 to index
        %swap3A_784 = arith.constant 80 : index
        %swap3A_785 = tpu.vector_load %arg12[%swap3A_783, %swap3A_784] {strides = array<i32>} : memref<128x128xf32, #tpu.memory_space<vmem>>, vector<16xf32>,
        tpu.vector_store %arg12[%swap3A_783, %swap3A_784], %add3A_782 {strides = array<i32>} : memref<128x128xf32, #tpu.memory_space<vmem>>, vector<16xf32>,
        %get3A_786 = arith.index_cast %add3A_734 : i32 to index
        %get3A_787 = arith.constant 96 : index
        %get3A_788 = tpu.vector_load %arg12[%get3A_786, %get3A_787] {strides = array<i32>} : memref<128x128xf32, #tpu.memory_space<vmem>>, vector<16xf32>,
        %mul3A_789 = arith.mulf %get3A_788, %broadcast_in_dim3A_737 : vector<16xf32>
        %add3A_790 = arith.addf %mul3A_789, %get3A_25 : vector<16xf32>
        %swap3A_791 = arith.index_cast %add3A_734 : i32 to index
        %swap3A_792 = arith.constant 96 : index
        %swap3A_793 = tpu.vector_load %arg12[%swap3A_791, %swap3A_792] {strides = array<i32>} : memref<128x128xf32, #tpu.memory_space<vmem>>, vector<16xf32>,
        tpu.vector_store %arg12[%swap3A_791, %swap3A_792], %add3A_790 {strides = array<i32>} : memref<128x128xf32, #tpu.memory_space<vmem>>, vector<16xf32>,
        %get3A_794 = arith.index_cast %add3A_734 : i32 to index
        %get3A_795 = arith.constant 112 : index
        %get3A_796 = tpu.vector_load %arg12[%get3A_794, %get3A_795] {strides = array<i32>} : memref<128x128xf32, #tpu.memory_space<vmem>>, vector<16xf32>,
        %mul3A_797 = arith.mulf %get3A_796, %broadcast_in_dim3A_737 : vector<16xf32>
        %add3A_798 = arith.addf %mul3A_797, %get3A_27 : vector<16xf32>
        %swap3A_799 = arith.index_cast %add3A_734 : i32 to index
        %swap3A_800 = arith.constant 112 : index
        %swap3A_801 = tpu.vector_load %arg12[%swap3A_799, %swap3A_800] {strides = array<i32>} : memref<128x128xf32, #tpu.memory_space<vmem>>, vector<16xf32>,
        tpu.vector_store %arg12[%swap3A_799, %swap3A_800], %add3A_798 {strides = array<i32>} : memref<128x128xf32, #tpu.memory_space<vmem>>, vector<16xf32>,
        %mul3A_802 = arith.constant 16 : i32
        %mul3A_803 = arith.muli %scan3A_159, %mul3A_802 : i32
        %add3A_804 = arith.constant 9 : i32
        %add3A_805 = arith.addi %mul3A_803, %add3A_804 : i32
        %slice3A_806 = vector.extract_strided_slice %gather3A {offsets = [9], sizes = [1], strides = [1]} : vector<16xf32> to vector<1xf32>
        %squeeze3A_807 = vector.extract %slice3A_806[0] : f32 from vector<1xf32>
        %broadcast_in_dim3A_808 = vector.broadcast %squeeze3A_807 : f32 to vector<16xf32>
        %get3A_809 = arith.index_cast %add3A_805 : i32 to index
        %get3A_810 = arith.constant 0 : index
        %get3A_811 = tpu.vector_load %arg12[%get3A_809, %get3A_810] {strides = array<i32>} : memref<128x128xf32, #tpu.memory_space<vmem>>, vector<16xf32>,
        %mul3A_812 = arith.mulf %get3A_811, %broadcast_in_dim3A_808 : vector<16xf32>
        %add3A_813 = arith.addf %mul3A_812, %get3A_13 : vector<16xf32>
        %swap3A_814 = arith.index_cast %add3A_805 : i32 to index
        %swap3A_815 = arith.constant 0 : index
        %swap3A_816 = tpu.vector_load %arg12[%swap3A_814, %swap3A_815] {strides = array<i32>} : memref<128x128xf32, #tpu.memory_space<vmem>>, vector<16xf32>,
        tpu.vector_store %arg12[%swap3A_814, %swap3A_815], %add3A_813 {strides = array<i32>} : memref<128x128xf32, #tpu.memory_space<vmem>>, vector<16xf32>,
        %get3A_817 = arith.index_cast %add3A_805 : i32 to index
        %get3A_818 = arith.constant 16 : index
        %get3A_819 = tpu.vector_load %arg12[%get3A_817, %get3A_818] {strides = array<i32>} : memref<128x128xf32, #tpu.memory_space<vmem>>, vector<16xf32>,
        %mul3A_820 = arith.mulf %get3A_819, %broadcast_in_dim3A_808 : vector<16xf32>
        %add3A_821 = arith.addf %mul3A_820, %get3A_15 : vector<16xf32>
        %swap3A_822 = arith.index_cast %add3A_805 : i32 to index
        %swap3A_823 = arith.constant 16 : index
        %swap3A_824 = tpu.vector_load %arg12[%swap3A_822, %swap3A_823] {strides = array<i32>} : memref<128x128xf32, #tpu.memory_space<vmem>>, vector<16xf32>,
        tpu.vector_store %arg12[%swap3A_822, %swap3A_823], %add3A_821 {strides = array<i32>} : memref<128x128xf32, #tpu.memory_space<vmem>>, vector<16xf32>,
        %get3A_825 = arith.index_cast %add3A_805 : i32 to index
        %get3A_826 = arith.constant 32 : index
        %get3A_827 = tpu.vector_load %arg12[%get3A_825, %get3A_826] {strides = array<i32>} : memref<128x128xf32, #tpu.memory_space<vmem>>, vector<16xf32>,
        %mul3A_828 = arith.mulf %get3A_827, %broadcast_in_dim3A_808 : vector<16xf32>
        %add3A_829 = arith.addf %mul3A_828, %get3A_17 : vector<16xf32>
        %swap3A_830 = arith.index_cast %add3A_805 : i32 to index
        %swap3A_831 = arith.constant 32 : index
        %swap3A_832 = tpu.vector_load %arg12[%swap3A_830, %swap3A_831] {strides = array<i32>} : memref<128x128xf32, #tpu.memory_space<vmem>>, vector<16xf32>,
        tpu.vector_store %arg12[%swap3A_830, %swap3A_831], %add3A_829 {strides = array<i32>} : memref<128x128xf32, #tpu.memory_space<vmem>>, vector<16xf32>,
        %get3A_833 = arith.index_cast %add3A_805 : i32 to index
        %get3A_834 = arith.constant 48 : index
        %get3A_835 = tpu.vector_load %arg12[%get3A_833, %get3A_834] {strides = array<i32>} : memref<128x128xf32, #tpu.memory_space<vmem>>, vector<16xf32>,
        %mul3A_836 = arith.mulf %get3A_835, %broadcast_in_dim3A_808 : vector<16xf32>
        %add3A_837 = arith.addf %mul3A_836, %get3A_19 : vector<16xf32>
        %swap3A_838 = arith.index_cast %add3A_805 : i32 to index
        %swap3A_839 = arith.constant 48 : index
        %swap3A_840 = tpu.vector_load %arg12[%swap3A_838, %swap3A_839] {strides = array<i32>} : memref<128x128xf32, #tpu.memory_space<vmem>>, vector<16xf32>,
        tpu.vector_store %arg12[%swap3A_838, %swap3A_839], %add3A_837 {strides = array<i32>} : memref<128x128xf32, #tpu.memory_space<vmem>>, vector<16xf32>,
        %get3A_841 = arith.index_cast %add3A_805 : i32 to index
        %get3A_842 = arith.constant 64 : index
        %get3A_843 = tpu.vector_load %arg12[%get3A_841, %get3A_842] {strides = array<i32>} : memref<128x128xf32, #tpu.memory_space<vmem>>, vector<16xf32>,
        %mul3A_844 = arith.mulf %get3A_843, %broadcast_in_dim3A_808 : vector<16xf32>
        %add3A_845 = arith.addf %mul3A_844, %get3A_21 : vector<16xf32>
        %swap3A_846 = arith.index_cast %add3A_805 : i32 to index
        %swap3A_847 = arith.constant 64 : index
        %swap3A_848 = tpu.vector_load %arg12[%swap3A_846, %swap3A_847] {strides = array<i32>} : memref<128x128xf32, #tpu.memory_space<vmem>>, vector<16xf32>,
        tpu.vector_store %arg12[%swap3A_846, %swap3A_847], %add3A_845 {strides = array<i32>} : memref<128x128xf32, #tpu.memory_space<vmem>>, vector<16xf32>,
        %get3A_849 = arith.index_cast %add3A_805 : i32 to index
        %get3A_850 = arith.constant 80 : index
        %get3A_851 = tpu.vector_load %arg12[%get3A_849, %get3A_850] {strides = array<i32>} : memref<128x128xf32, #tpu.memory_space<vmem>>, vector<16xf32>,
        %mul3A_852 = arith.mulf %get3A_851, %broadcast_in_dim3A_808 : vector<16xf32>
        %add3A_853 = arith.addf %mul3A_852, %get3A_23 : vector<16xf32>
        %swap3A_854 = arith.index_cast %add3A_805 : i32 to index
        %swap3A_855 = arith.constant 80 : index
        %swap3A_856 = tpu.vector_load %arg12[%swap3A_854, %swap3A_855] {strides = array<i32>} : memref<128x128xf32, #tpu.memory_space<vmem>>, vector<16xf32>,
        tpu.vector_store %arg12[%swap3A_854, %swap3A_855], %add3A_853 {strides = array<i32>} : memref<128x128xf32, #tpu.memory_space<vmem>>, vector<16xf32>,
        %get3A_857 = arith.index_cast %add3A_805 : i32 to index
        %get3A_858 = arith.constant 96 : index
        %get3A_859 = tpu.vector_load %arg12[%get3A_857, %get3A_858] {strides = array<i32>} : memref<128x128xf32, #tpu.memory_space<vmem>>, vector<16xf32>,
        %mul3A_860 = arith.mulf %get3A_859, %broadcast_in_dim3A_808 : vector<16xf32>
        %add3A_861 = arith.addf %mul3A_860, %get3A_25 : vector<16xf32>
        %swap3A_862 = arith.index_cast %add3A_805 : i32 to index
        %swap3A_863 = arith.constant 96 : index
        %swap3A_864 = tpu.vector_load %arg12[%swap3A_862, %swap3A_863] {strides = array<i32>} : memref<128x128xf32, #tpu.memory_space<vmem>>, vector<16xf32>,
        tpu.vector_store %arg12[%swap3A_862, %swap3A_863], %add3A_861 {strides = array<i32>} : memref<128x128xf32, #tpu.memory_space<vmem>>, vector<16xf32>,
        %get3A_865 = arith.index_cast %add3A_805 : i32 to index
        %get3A_866 = arith.constant 112 : index
        %get3A_867 = tpu.vector_load %arg12[%get3A_865, %get3A_866] {strides = array<i32>} : memref<128x128xf32, #tpu.memory_space<vmem>>, vector<16xf32>,
        %mul3A_868 = arith.mulf %get3A_867, %broadcast_in_dim3A_808 : vector<16xf32>
        %add3A_869 = arith.addf %mul3A_868, %get3A_27 : vector<16xf32>
        %swap3A_870 = arith.index_cast %add3A_805 : i32 to index
        %swap3A_871 = arith.constant 112 : index
        %swap3A_872 = tpu.vector_load %arg12[%swap3A_870, %swap3A_871] {strides = array<i32>} : memref<128x128xf32, #tpu.memory_space<vmem>>, vector<16xf32>,
        tpu.vector_store %arg12[%swap3A_870, %swap3A_871], %add3A_869 {strides = array<i32>} : memref<128x128xf32, #tpu.memory_space<vmem>>, vector<16xf32>,
        %mul3A_873 = arith.constant 16 : i32
        %mul3A_874 = arith.muli %scan3A_159, %mul3A_873 : i32
        %add3A_875 = arith.constant 10 : i32
        %add3A_876 = arith.addi %mul3A_874, %add3A_875 : i32
        %slice3A_877 = vector.extract_strided_slice %gather3A {offsets = [10], sizes = [1], strides = [1]} : vector<16xf32> to vector<1xf32>
        %squeeze3A_878 = vector.extract %slice3A_877[0] : f32 from vector<1xf32>
        %broadcast_in_dim3A_879 = vector.broadcast %squeeze3A_878 : f32 to vector<16xf32>
        %get3A_880 = arith.index_cast %add3A_876 : i32 to index
        %get3A_881 = arith.constant 0 : index
        %get3A_882 = tpu.vector_load %arg12[%get3A_880, %get3A_881] {strides = array<i32>} : memref<128x128xf32, #tpu.memory_space<vmem>>, vector<16xf32>,
        %mul3A_883 = arith.mulf %get3A_882, %broadcast_in_dim3A_879 : vector<16xf32>
        %add3A_884 = arith.addf %mul3A_883, %get3A_13 : vector<16xf32>
        %swap3A_885 = arith.index_cast %add3A_876 : i32 to index
        %swap3A_886 = arith.constant 0 : index
        %swap3A_887 = tpu.vector_load %arg12[%swap3A_885, %swap3A_886] {strides = array<i32>} : memref<128x128xf32, #tpu.memory_space<vmem>>, vector<16xf32>,
        tpu.vector_store %arg12[%swap3A_885, %swap3A_886], %add3A_884 {strides = array<i32>} : memref<128x128xf32, #tpu.memory_space<vmem>>, vector<16xf32>,
        %get3A_888 = arith.index_cast %add3A_876 : i32 to index
        %get3A_889 = arith.constant 16 : index
        %get3A_890 = tpu.vector_load %arg12[%get3A_888, %get3A_889] {strides = array<i32>} : memref<128x128xf32, #tpu.memory_space<vmem>>, vector<16xf32>,
        %mul3A_891 = arith.mulf %get3A_890, %broadcast_in_dim3A_879 : vector<16xf32>
        %add3A_892 = arith.addf %mul3A_891, %get3A_15 : vector<16xf32>
        %swap3A_893 = arith.index_cast %add3A_876 : i32 to index
        %swap3A_894 = arith.constant 16 : index
        %swap3A_895 = tpu.vector_load %arg12[%swap3A_893, %swap3A_894] {strides = array<i32>} : memref<128x128xf32, #tpu.memory_space<vmem>>, vector<16xf32>,
        tpu.vector_store %arg12[%swap3A_893, %swap3A_894], %add3A_892 {strides = array<i32>} : memref<128x128xf32, #tpu.memory_space<vmem>>, vector<16xf32>,
        %get3A_896 = arith.index_cast %add3A_876 : i32 to index
        %get3A_897 = arith.constant 32 : index
        %get3A_898 = tpu.vector_load %arg12[%get3A_896, %get3A_897] {strides = array<i32>} : memref<128x128xf32, #tpu.memory_space<vmem>>, vector<16xf32>,
        %mul3A_899 = arith.mulf %get3A_898, %broadcast_in_dim3A_879 : vector<16xf32>
        %add3A_900 = arith.addf %mul3A_899, %get3A_17 : vector<16xf32>
        %swap3A_901 = arith.index_cast %add3A_876 : i32 to index
        %swap3A_902 = arith.constant 32 : index
        %swap3A_903 = tpu.vector_load %arg12[%swap3A_901, %swap3A_902] {strides = array<i32>} : memref<128x128xf32, #tpu.memory_space<vmem>>, vector<16xf32>,
        tpu.vector_store %arg12[%swap3A_901, %swap3A_902], %add3A_900 {strides = array<i32>} : memref<128x128xf32, #tpu.memory_space<vmem>>, vector<16xf32>,
        %get3A_904 = arith.index_cast %add3A_876 : i32 to index
        %get3A_905 = arith.constant 48 : index
        %get3A_906 = tpu.vector_load %arg12[%get3A_904, %get3A_905] {strides = array<i32>} : memref<128x128xf32, #tpu.memory_space<vmem>>, vector<16xf32>,
        %mul3A_907 = arith.mulf %get3A_906, %broadcast_in_dim3A_879 : vector<16xf32>
        %add3A_908 = arith.addf %mul3A_907, %get3A_19 : vector<16xf32>
        %swap3A_909 = arith.index_cast %add3A_876 : i32 to index
        %swap3A_910 = arith.constant 48 : index
        %swap3A_911 = tpu.vector_load %arg12[%swap3A_909, %swap3A_910] {strides = array<i32>} : memref<128x128xf32, #tpu.memory_space<vmem>>, vector<16xf32>,
        tpu.vector_store %arg12[%swap3A_909, %swap3A_910], %add3A_908 {strides = array<i32>} : memref<128x128xf32, #tpu.memory_space<vmem>>, vector<16xf32>,
        %get3A_912 = arith.index_cast %add3A_876 : i32 to index
        %get3A_913 = arith.constant 64 : index
        %get3A_914 = tpu.vector_load %arg12[%get3A_912, %get3A_913] {strides = array<i32>} : memref<128x128xf32, #tpu.memory_space<vmem>>, vector<16xf32>,
        %mul3A_915 = arith.mulf %get3A_914, %broadcast_in_dim3A_879 : vector<16xf32>
        %add3A_916 = arith.addf %mul3A_915, %get3A_21 : vector<16xf32>
        %swap3A_917 = arith.index_cast %add3A_876 : i32 to index
        %swap3A_918 = arith.constant 64 : index
        %swap3A_919 = tpu.vector_load %arg12[%swap3A_917, %swap3A_918] {strides = array<i32>} : memref<128x128xf32, #tpu.memory_space<vmem>>, vector<16xf32>,
        tpu.vector_store %arg12[%swap3A_917, %swap3A_918], %add3A_916 {strides = array<i32>} : memref<128x128xf32, #tpu.memory_space<vmem>>, vector<16xf32>,
        %get3A_920 = arith.index_cast %add3A_876 : i32 to index
        %get3A_921 = arith.constant 80 : index
        %get3A_922 = tpu.vector_load %arg12[%get3A_920, %get3A_921] {strides = array<i32>} : memref<128x128xf32, #tpu.memory_space<vmem>>, vector<16xf32>,
        %mul3A_923 = arith.mulf %get3A_922, %broadcast_in_dim3A_879 : vector<16xf32>
        %add3A_924 = arith.addf %mul3A_923, %get3A_23 : vector<16xf32>
        %swap3A_925 = arith.index_cast %add3A_876 : i32 to index
        %swap3A_926 = arith.constant 80 : index
        %swap3A_927 = tpu.vector_load %arg12[%swap3A_925, %swap3A_926] {strides = array<i32>} : memref<128x128xf32, #tpu.memory_space<vmem>>, vector<16xf32>,
        tpu.vector_store %arg12[%swap3A_925, %swap3A_926], %add3A_924 {strides = array<i32>} : memref<128x128xf32, #tpu.memory_space<vmem>>, vector<16xf32>,
        %get3A_928 = arith.index_cast %add3A_876 : i32 to index
        %get3A_929 = arith.constant 96 : index
        %get3A_930 = tpu.vector_load %arg12[%get3A_928, %get3A_929] {strides = array<i32>} : memref<128x128xf32, #tpu.memory_space<vmem>>, vector<16xf32>,
        %mul3A_931 = arith.mulf %get3A_930, %broadcast_in_dim3A_879 : vector<16xf32>
        %add3A_932 = arith.addf %mul3A_931, %get3A_25 : vector<16xf32>
        %swap3A_933 = arith.index_cast %add3A_876 : i32 to index
        %swap3A_934 = arith.constant 96 : index
        %swap3A_935 = tpu.vector_load %arg12[%swap3A_933, %swap3A_934] {strides = array<i32>} : memref<128x128xf32, #tpu.memory_space<vmem>>, vector<16xf32>,
        tpu.vector_store %arg12[%swap3A_933, %swap3A_934], %add3A_932 {strides = array<i32>} : memref<128x128xf32, #tpu.memory_space<vmem>>, vector<16xf32>,
        %get3A_936 = arith.index_cast %add3A_876 : i32 to index
        %get3A_937 = arith.constant 112 : index
        %get3A_938 = tpu.vector_load %arg12[%get3A_936, %get3A_937] {strides = array<i32>} : memref<128x128xf32, #tpu.memory_space<vmem>>, vector<16xf32>,
        %mul3A_939 = arith.mulf %get3A_938, %broadcast_in_dim3A_879 : vector<16xf32>
        %add3A_940 = arith.addf %mul3A_939, %get3A_27 : vector<16xf32>
        %swap3A_941 = arith.index_cast %add3A_876 : i32 to index
        %swap3A_942 = arith.constant 112 : index
        %swap3A_943 = tpu.vector_load %arg12[%swap3A_941, %swap3A_942] {strides = array<i32>} : memref<128x128xf32, #tpu.memory_space<vmem>>, vector<16xf32>,
        tpu.vector_store %arg12[%swap3A_941, %swap3A_942], %add3A_940 {strides = array<i32>} : memref<128x128xf32, #tpu.memory_space<vmem>>, vector<16xf32>,
        %mul3A_944 = arith.constant 16 : i32
        %mul3A_945 = arith.muli %scan3A_159, %mul3A_944 : i32
        %add3A_946 = arith.constant 11 : i32
        %add3A_947 = arith.addi %mul3A_945, %add3A_946 : i32
        %slice3A_948 = vector.extract_strided_slice %gather3A {offsets = [11], sizes = [1], strides = [1]} : vector<16xf32> to vector<1xf32>
        %squeeze3A_949 = vector.extract %slice3A_948[0] : f32 from vector<1xf32>
        %broadcast_in_dim3A_950 = vector.broadcast %squeeze3A_949 : f32 to vector<16xf32>
        %get3A_951 = arith.index_cast %add3A_947 : i32 to index
        %get3A_952 = arith.constant 0 : index
        %get3A_953 = tpu.vector_load %arg12[%get3A_951, %get3A_952] {strides = array<i32>} : memref<128x128xf32, #tpu.memory_space<vmem>>, vector<16xf32>,
        %mul3A_954 = arith.mulf %get3A_953, %broadcast_in_dim3A_950 : vector<16xf32>
        %add3A_955 = arith.addf %mul3A_954, %get3A_13 : vector<16xf32>
        %swap3A_956 = arith.index_cast %add3A_947 : i32 to index
        %swap3A_957 = arith.constant 0 : index
        %swap3A_958 = tpu.vector_load %arg12[%swap3A_956, %swap3A_957] {strides = array<i32>} : memref<128x128xf32, #tpu.memory_space<vmem>>, vector<16xf32>,
        tpu.vector_store %arg12[%swap3A_956, %swap3A_957], %add3A_955 {strides = array<i32>} : memref<128x128xf32, #tpu.memory_space<vmem>>, vector<16xf32>,
        %get3A_959 = arith.index_cast %add3A_947 : i32 to index
        %get3A_960 = arith.constant 16 : index
        %get3A_961 = tpu.vector_load %arg12[%get3A_959, %get3A_960] {strides = array<i32>} : memref<128x128xf32, #tpu.memory_space<vmem>>, vector<16xf32>,
        %mul3A_962 = arith.mulf %get3A_961, %broadcast_in_dim3A_950 : vector<16xf32>
        %add3A_963 = arith.addf %mul3A_962, %get3A_15 : vector<16xf32>
        %swap3A_964 = arith.index_cast %add3A_947 : i32 to index
        %swap3A_965 = arith.constant 16 : index
        %swap3A_966 = tpu.vector_load %arg12[%swap3A_964, %swap3A_965] {strides = array<i32>} : memref<128x128xf32, #tpu.memory_space<vmem>>, vector<16xf32>,
        tpu.vector_store %arg12[%swap3A_964, %swap3A_965], %add3A_963 {strides = array<i32>} : memref<128x128xf32, #tpu.memory_space<vmem>>, vector<16xf32>,
        %get3A_967 = arith.index_cast %add3A_947 : i32 to index
        %get3A_968 = arith.constant 32 : index
        %get3A_969 = tpu.vector_load %arg12[%get3A_967, %get3A_968] {strides = array<i32>} : memref<128x128xf32, #tpu.memory_space<vmem>>, vector<16xf32>,
        %mul3A_970 = arith.mulf %get3A_969, %broadcast_in_dim3A_950 : vector<16xf32>
        %add3A_971 = arith.addf %mul3A_970, %get3A_17 : vector<16xf32>
        %swap3A_972 = arith.index_cast %add3A_947 : i32 to index
        %swap3A_973 = arith.constant 32 : index
        %swap3A_974 = tpu.vector_load %arg12[%swap3A_972, %swap3A_973] {strides = array<i32>} : memref<128x128xf32, #tpu.memory_space<vmem>>, vector<16xf32>,
        tpu.vector_store %arg12[%swap3A_972, %swap3A_973], %add3A_971 {strides = array<i32>} : memref<128x128xf32, #tpu.memory_space<vmem>>, vector<16xf32>,
        %get3A_975 = arith.index_cast %add3A_947 : i32 to index
        %get3A_976 = arith.constant 48 : index
        %get3A_977 = tpu.vector_load %arg12[%get3A_975, %get3A_976] {strides = array<i32>} : memref<128x128xf32, #tpu.memory_space<vmem>>, vector<16xf32>,
        %mul3A_978 = arith.mulf %get3A_977, %broadcast_in_dim3A_950 : vector<16xf32>
        %add3A_979 = arith.addf %mul3A_978, %get3A_19 : vector<16xf32>
        %swap3A_980 = arith.index_cast %add3A_947 : i32 to index
        %swap3A_981 = arith.constant 48 : index
        %swap3A_982 = tpu.vector_load %arg12[%swap3A_980, %swap3A_981] {strides = array<i32>} : memref<128x128xf32, #tpu.memory_space<vmem>>, vector<16xf32>,
        tpu.vector_store %arg12[%swap3A_980, %swap3A_981], %add3A_979 {strides = array<i32>} : memref<128x128xf32, #tpu.memory_space<vmem>>, vector<16xf32>,
        %get3A_983 = arith.index_cast %add3A_947 : i32 to index
        %get3A_984 = arith.constant 64 : index
        %get3A_985 = tpu.vector_load %arg12[%get3A_983, %get3A_984] {strides = array<i32>} : memref<128x128xf32, #tpu.memory_space<vmem>>, vector<16xf32>,
        %mul3A_986 = arith.mulf %get3A_985, %broadcast_in_dim3A_950 : vector<16xf32>
        %add3A_987 = arith.addf %mul3A_986, %get3A_21 : vector<16xf32>
        %swap3A_988 = arith.index_cast %add3A_947 : i32 to index
        %swap3A_989 = arith.constant 64 : index
        %swap3A_990 = tpu.vector_load %arg12[%swap3A_988, %swap3A_989] {strides = array<i32>} : memref<128x128xf32, #tpu.memory_space<vmem>>, vector<16xf32>,
        tpu.vector_store %arg12[%swap3A_988, %swap3A_989], %add3A_987 {strides = array<i32>} : memref<128x128xf32, #tpu.memory_space<vmem>>, vector<16xf32>,
        %get3A_991 = arith.index_cast %add3A_947 : i32 to index
        %get3A_992 = arith.constant 80 : index
        %get3A_993 = tpu.vector_load %arg12[%get3A_991, %get3A_992] {strides = array<i32>} : memref<128x128xf32, #tpu.memory_space<vmem>>, vector<16xf32>,
        %mul3A_994 = arith.mulf %get3A_993, %broadcast_in_dim3A_950 : vector<16xf32>
        %add3A_995 = arith.addf %mul3A_994, %get3A_23 : vector<16xf32>
        %swap3A_996 = arith.index_cast %add3A_947 : i32 to index
        %swap3A_997 = arith.constant 80 : index
        %swap3A_998 = tpu.vector_load %arg12[%swap3A_996, %swap3A_997] {strides = array<i32>} : memref<128x128xf32, #tpu.memory_space<vmem>>, vector<16xf32>,
        tpu.vector_store %arg12[%swap3A_996, %swap3A_997], %add3A_995 {strides = array<i32>} : memref<128x128xf32, #tpu.memory_space<vmem>>, vector<16xf32>,
        %get3A_999 = arith.index_cast %add3A_947 : i32 to index
        %get3A_1000 = arith.constant 96 : index
        %get3A_1001 = tpu.vector_load %arg12[%get3A_999, %get3A_1000] {strides = array<i32>} : memref<128x128xf32, #tpu.memory_space<vmem>>, vector<16xf32>,
        %mul3A_1002 = arith.mulf %get3A_1001, %broadcast_in_dim3A_950 : vector<16xf32>
        %add3A_1003 = arith.addf %mul3A_1002, %get3A_25 : vector<16xf32>
        %swap3A_1004 = arith.index_cast %add3A_947 : i32 to index
        %swap3A_1005 = arith.constant 96 : index
        %swap3A_1006 = tpu.vector_load %arg12[%swap3A_1004, %swap3A_1005] {strides = array<i32>} : memref<128x128xf32, #tpu.memory_space<vmem>>, vector<16xf32>,
        tpu.vector_store %arg12[%swap3A_1004, %swap3A_1005], %add3A_1003 {strides = array<i32>} : memref<128x128xf32, #tpu.memory_space<vmem>>, vector<16xf32>,
        %get3A_1007 = arith.index_cast %add3A_947 : i32 to index
        %get3A_1008 = arith.constant 112 : index
        %get3A_1009 = tpu.vector_load %arg12[%get3A_1007, %get3A_1008] {strides = array<i32>} : memref<128x128xf32, #tpu.memory_space<vmem>>, vector<16xf32>,
        %mul3A_1010 = arith.mulf %get3A_1009, %broadcast_in_dim3A_950 : vector<16xf32>
        %add3A_1011 = arith.addf %mul3A_1010, %get3A_27 : vector<16xf32>
        %swap3A_1012 = arith.index_cast %add3A_947 : i32 to index
        %swap3A_1013 = arith.constant 112 : index
        %swap3A_1014 = tpu.vector_load %arg12[%swap3A_1012, %swap3A_1013] {strides = array<i32>} : memref<128x128xf32, #tpu.memory_space<vmem>>, vector<16xf32>,
        tpu.vector_store %arg12[%swap3A_1012, %swap3A_1013], %add3A_1011 {strides = array<i32>} : memref<128x128xf32, #tpu.memory_space<vmem>>, vector<16xf32>,
        %mul3A_1015 = arith.constant 16 : i32
        %mul3A_1016 = arith.muli %scan3A_159, %mul3A_1015 : i32
        %add3A_1017 = arith.constant 12 : i32
        %add3A_1018 = arith.addi %mul3A_1016, %add3A_1017 : i32
        %slice3A_1019 = vector.extract_strided_slice %gather3A {offsets = [12], sizes = [1], strides = [1]} : vector<16xf32> to vector<1xf32>
        %squeeze3A_1020 = vector.extract %slice3A_1019[0] : f32 from vector<1xf32>
        %broadcast_in_dim3A_1021 = vector.broadcast %squeeze3A_1020 : f32 to vector<16xf32>
        %get3A_1022 = arith.index_cast %add3A_1018 : i32 to index
        %get3A_1023 = arith.constant 0 : index
        %get3A_1024 = tpu.vector_load %arg12[%get3A_1022, %get3A_1023] {strides = array<i32>} : memref<128x128xf32, #tpu.memory_space<vmem>>, vector<16xf32>,
        %mul3A_1025 = arith.mulf %get3A_1024, %broadcast_in_dim3A_1021 : vector<16xf32>
        %add3A_1026 = arith.addf %mul3A_1025, %get3A_13 : vector<16xf32>
        %swap3A_1027 = arith.index_cast %add3A_1018 : i32 to index
        %swap3A_1028 = arith.constant 0 : index
        %swap3A_1029 = tpu.vector_load %arg12[%swap3A_1027, %swap3A_1028] {strides = array<i32>} : memref<128x128xf32, #tpu.memory_space<vmem>>, vector<16xf32>,
        tpu.vector_store %arg12[%swap3A_1027, %swap3A_1028], %add3A_1026 {strides = array<i32>} : memref<128x128xf32, #tpu.memory_space<vmem>>, vector<16xf32>,
        %get3A_1030 = arith.index_cast %add3A_1018 : i32 to index
        %get3A_1031 = arith.constant 16 : index
        %get3A_1032 = tpu.vector_load %arg12[%get3A_1030, %get3A_1031] {strides = array<i32>} : memref<128x128xf32, #tpu.memory_space<vmem>>, vector<16xf32>,
        %mul3A_1033 = arith.mulf %get3A_1032, %broadcast_in_dim3A_1021 : vector<16xf32>
        %add3A_1034 = arith.addf %mul3A_1033, %get3A_15 : vector<16xf32>
        %swap3A_1035 = arith.index_cast %add3A_1018 : i32 to index
        %swap3A_1036 = arith.constant 16 : index
        %swap3A_1037 = tpu.vector_load %arg12[%swap3A_1035, %swap3A_1036] {strides = array<i32>} : memref<128x128xf32, #tpu.memory_space<vmem>>, vector<16xf32>,
        tpu.vector_store %arg12[%swap3A_1035, %swap3A_1036], %add3A_1034 {strides = array<i32>} : memref<128x128xf32, #tpu.memory_space<vmem>>, vector<16xf32>,
        %get3A_1038 = arith.index_cast %add3A_1018 : i32 to index
        %get3A_1039 = arith.constant 32 : index
        %get3A_1040 = tpu.vector_load %arg12[%get3A_1038, %get3A_1039] {strides = array<i32>} : memref<128x128xf32, #tpu.memory_space<vmem>>, vector<16xf32>,
        %mul3A_1041 = arith.mulf %get3A_1040, %broadcast_in_dim3A_1021 : vector<16xf32>
        %add3A_1042 = arith.addf %mul3A_1041, %get3A_17 : vector<16xf32>
        %swap3A_1043 = arith.index_cast %add3A_1018 : i32 to index
        %swap3A_1044 = arith.constant 32 : index
        %swap3A_1045 = tpu.vector_load %arg12[%swap3A_1043, %swap3A_1044] {strides = array<i32>} : memref<128x128xf32, #tpu.memory_space<vmem>>, vector<16xf32>,
        tpu.vector_store %arg12[%swap3A_1043, %swap3A_1044], %add3A_1042 {strides = array<i32>} : memref<128x128xf32, #tpu.memory_space<vmem>>, vector<16xf32>,
        %get3A_1046 = arith.index_cast %add3A_1018 : i32 to index
        %get3A_1047 = arith.constant 48 : index
        %get3A_1048 = tpu.vector_load %arg12[%get3A_1046, %get3A_1047] {strides = array<i32>} : memref<128x128xf32, #tpu.memory_space<vmem>>, vector<16xf32>,
        %mul3A_1049 = arith.mulf %get3A_1048, %broadcast_in_dim3A_1021 : vector<16xf32>
        %add3A_1050 = arith.addf %mul3A_1049, %get3A_19 : vector<16xf32>
        %swap3A_1051 = arith.index_cast %add3A_1018 : i32 to index
        %swap3A_1052 = arith.constant 48 : index
        %swap3A_1053 = tpu.vector_load %arg12[%swap3A_1051, %swap3A_1052] {strides = array<i32>} : memref<128x128xf32, #tpu.memory_space<vmem>>, vector<16xf32>,
        tpu.vector_store %arg12[%swap3A_1051, %swap3A_1052], %add3A_1050 {strides = array<i32>} : memref<128x128xf32, #tpu.memory_space<vmem>>, vector<16xf32>,
        %get3A_1054 = arith.index_cast %add3A_1018 : i32 to index
        %get3A_1055 = arith.constant 64 : index
        %get3A_1056 = tpu.vector_load %arg12[%get3A_1054, %get3A_1055] {strides = array<i32>} : memref<128x128xf32, #tpu.memory_space<vmem>>, vector<16xf32>,
        %mul3A_1057 = arith.mulf %get3A_1056, %broadcast_in_dim3A_1021 : vector<16xf32>
        %add3A_1058 = arith.addf %mul3A_1057, %get3A_21 : vector<16xf32>
        %swap3A_1059 = arith.index_cast %add3A_1018 : i32 to index
        %swap3A_1060 = arith.constant 64 : index
        %swap3A_1061 = tpu.vector_load %arg12[%swap3A_1059, %swap3A_1060] {strides = array<i32>} : memref<128x128xf32, #tpu.memory_space<vmem>>, vector<16xf32>,
        tpu.vector_store %arg12[%swap3A_1059, %swap3A_1060], %add3A_1058 {strides = array<i32>} : memref<128x128xf32, #tpu.memory_space<vmem>>, vector<16xf32>,
        %get3A_1062 = arith.index_cast %add3A_1018 : i32 to index
        %get3A_1063 = arith.constant 80 : index
        %get3A_1064 = tpu.vector_load %arg12[%get3A_1062, %get3A_1063] {strides = array<i32>} : memref<128x128xf32, #tpu.memory_space<vmem>>, vector<16xf32>,
        %mul3A_1065 = arith.mulf %get3A_1064, %broadcast_in_dim3A_1021 : vector<16xf32>
        %add3A_1066 = arith.addf %mul3A_1065, %get3A_23 : vector<16xf32>
        %swap3A_1067 = arith.index_cast %add3A_1018 : i32 to index
        %swap3A_1068 = arith.constant 80 : index
        %swap3A_1069 = tpu.vector_load %arg12[%swap3A_1067, %swap3A_1068] {strides = array<i32>} : memref<128x128xf32, #tpu.memory_space<vmem>>, vector<16xf32>,
        tpu.vector_store %arg12[%swap3A_1067, %swap3A_1068], %add3A_1066 {strides = array<i32>} : memref<128x128xf32, #tpu.memory_space<vmem>>, vector<16xf32>,
        %get3A_1070 = arith.index_cast %add3A_1018 : i32 to index
        %get3A_1071 = arith.constant 96 : index
        %get3A_1072 = tpu.vector_load %arg12[%get3A_1070, %get3A_1071] {strides = array<i32>} : memref<128x128xf32, #tpu.memory_space<vmem>>, vector<16xf32>,
        %mul3A_1073 = arith.mulf %get3A_1072, %broadcast_in_dim3A_1021 : vector<16xf32>
        %add3A_1074 = arith.addf %mul3A_1073, %get3A_25 : vector<16xf32>
        %swap3A_1075 = arith.index_cast %add3A_1018 : i32 to index
        %swap3A_1076 = arith.constant 96 : index
        %swap3A_1077 = tpu.vector_load %arg12[%swap3A_1075, %swap3A_1076] {strides = array<i32>} : memref<128x128xf32, #tpu.memory_space<vmem>>, vector<16xf32>,
        tpu.vector_store %arg12[%swap3A_1075, %swap3A_1076], %add3A_1074 {strides = array<i32>} : memref<128x128xf32, #tpu.memory_space<vmem>>, vector<16xf32>,
        %get3A_1078 = arith.index_cast %add3A_1018 : i32 to index
        %get3A_1079 = arith.constant 112 : index
        %get3A_1080 = tpu.vector_load %arg12[%get3A_1078, %get3A_1079] {strides = array<i32>} : memref<128x128xf32, #tpu.memory_space<vmem>>, vector<16xf32>,
        %mul3A_1081 = arith.mulf %get3A_1080, %broadcast_in_dim3A_1021 : vector<16xf32>
        %add3A_1082 = arith.addf %mul3A_1081, %get3A_27 : vector<16xf32>
        %swap3A_1083 = arith.index_cast %add3A_1018 : i32 to index
        %swap3A_1084 = arith.constant 112 : index
        %swap3A_1085 = tpu.vector_load %arg12[%swap3A_1083, %swap3A_1084] {strides = array<i32>} : memref<128x128xf32, #tpu.memory_space<vmem>>, vector<16xf32>,
        tpu.vector_store %arg12[%swap3A_1083, %swap3A_1084], %add3A_1082 {strides = array<i32>} : memref<128x128xf32, #tpu.memory_space<vmem>>, vector<16xf32>,
        %mul3A_1086 = arith.constant 16 : i32
        %mul3A_1087 = arith.muli %scan3A_159, %mul3A_1086 : i32
        %add3A_1088 = arith.constant 13 : i32
        %add3A_1089 = arith.addi %mul3A_1087, %add3A_1088 : i32
        %slice3A_1090 = vector.extract_strided_slice %gather3A {offsets = [13], sizes = [1], strides = [1]} : vector<16xf32> to vector<1xf32>
        %squeeze3A_1091 = vector.extract %slice3A_1090[0] : f32 from vector<1xf32>
        %broadcast_in_dim3A_1092 = vector.broadcast %squeeze3A_1091 : f32 to vector<16xf32>
        %get3A_1093 = arith.index_cast %add3A_1089 : i32 to index
        %get3A_1094 = arith.constant 0 : index
        %get3A_1095 = tpu.vector_load %arg12[%get3A_1093, %get3A_1094] {strides = array<i32>} : memref<128x128xf32, #tpu.memory_space<vmem>>, vector<16xf32>,
        %mul3A_1096 = arith.mulf %get3A_1095, %broadcast_in_dim3A_1092 : vector<16xf32>
        %add3A_1097 = arith.addf %mul3A_1096, %get3A_13 : vector<16xf32>
        %swap3A_1098 = arith.index_cast %add3A_1089 : i32 to index
        %swap3A_1099 = arith.constant 0 : index
        %swap3A_1100 = tpu.vector_load %arg12[%swap3A_1098, %swap3A_1099] {strides = array<i32>} : memref<128x128xf32, #tpu.memory_space<vmem>>, vector<16xf32>,
        tpu.vector_store %arg12[%swap3A_1098, %swap3A_1099], %add3A_1097 {strides = array<i32>} : memref<128x128xf32, #tpu.memory_space<vmem>>, vector<16xf32>,
        %get3A_1101 = arith.index_cast %add3A_1089 : i32 to index
        %get3A_1102 = arith.constant 16 : index
        %get3A_1103 = tpu.vector_load %arg12[%get3A_1101, %get3A_1102] {strides = array<i32>} : memref<128x128xf32, #tpu.memory_space<vmem>>, vector<16xf32>,
        %mul3A_1104 = arith.mulf %get3A_1103, %broadcast_in_dim3A_1092 : vector<16xf32>
        %add3A_1105 = arith.addf %mul3A_1104, %get3A_15 : vector<16xf32>
        %swap3A_1106 = arith.index_cast %add3A_1089 : i32 to index
        %swap3A_1107 = arith.constant 16 : index
        %swap3A_1108 = tpu.vector_load %arg12[%swap3A_1106, %swap3A_1107] {strides = array<i32>} : memref<128x128xf32, #tpu.memory_space<vmem>>, vector<16xf32>,
        tpu.vector_store %arg12[%swap3A_1106, %swap3A_1107], %add3A_1105 {strides = array<i32>} : memref<128x128xf32, #tpu.memory_space<vmem>>, vector<16xf32>,
        %get3A_1109 = arith.index_cast %add3A_1089 : i32 to index
        %get3A_1110 = arith.constant 32 : index
        %get3A_1111 = tpu.vector_load %arg12[%get3A_1109, %get3A_1110] {strides = array<i32>} : memref<128x128xf32, #tpu.memory_space<vmem>>, vector<16xf32>,
        %mul3A_1112 = arith.mulf %get3A_1111, %broadcast_in_dim3A_1092 : vector<16xf32>
        %add3A_1113 = arith.addf %mul3A_1112, %get3A_17 : vector<16xf32>
        %swap3A_1114 = arith.index_cast %add3A_1089 : i32 to index
        %swap3A_1115 = arith.constant 32 : index
        %swap3A_1116 = tpu.vector_load %arg12[%swap3A_1114, %swap3A_1115] {strides = array<i32>} : memref<128x128xf32, #tpu.memory_space<vmem>>, vector<16xf32>,
        tpu.vector_store %arg12[%swap3A_1114, %swap3A_1115], %add3A_1113 {strides = array<i32>} : memref<128x128xf32, #tpu.memory_space<vmem>>, vector<16xf32>,
        %get3A_1117 = arith.index_cast %add3A_1089 : i32 to index
        %get3A_1118 = arith.constant 48 : index
        %get3A_1119 = tpu.vector_load %arg12[%get3A_1117, %get3A_1118] {strides = array<i32>} : memref<128x128xf32, #tpu.memory_space<vmem>>, vector<16xf32>,
        %mul3A_1120 = arith.mulf %get3A_1119, %broadcast_in_dim3A_1092 : vector<16xf32>
        %add3A_1121 = arith.addf %mul3A_1120, %get3A_19 : vector<16xf32>
        %swap3A_1122 = arith.index_cast %add3A_1089 : i32 to index
        %swap3A_1123 = arith.constant 48 : index
        %swap3A_1124 = tpu.vector_load %arg12[%swap3A_1122, %swap3A_1123] {strides = array<i32>} : memref<128x128xf32, #tpu.memory_space<vmem>>, vector<16xf32>,
        tpu.vector_store %arg12[%swap3A_1122, %swap3A_1123], %add3A_1121 {strides = array<i32>} : memref<128x128xf32, #tpu.memory_space<vmem>>, vector<16xf32>,
        %get3A_1125 = arith.index_cast %add3A_1089 : i32 to index
        %get3A_1126 = arith.constant 64 : index
        %get3A_1127 = tpu.vector_load %arg12[%get3A_1125, %get3A_1126] {strides = array<i32>} : memref<128x128xf32, #tpu.memory_space<vmem>>, vector<16xf32>,
        %mul3A_1128 = arith.mulf %get3A_1127, %broadcast_in_dim3A_1092 : vector<16xf32>
        %add3A_1129 = arith.addf %mul3A_1128, %get3A_21 : vector<16xf32>
        %swap3A_1130 = arith.index_cast %add3A_1089 : i32 to index
        %swap3A_1131 = arith.constant 64 : index
        %swap3A_1132 = tpu.vector_load %arg12[%swap3A_1130, %swap3A_1131] {strides = array<i32>} : memref<128x128xf32, #tpu.memory_space<vmem>>, vector<16xf32>,
        tpu.vector_store %arg12[%swap3A_1130, %swap3A_1131], %add3A_1129 {strides = array<i32>} : memref<128x128xf32, #tpu.memory_space<vmem>>, vector<16xf32>,
        %get3A_1133 = arith.index_cast %add3A_1089 : i32 to index
        %get3A_1134 = arith.constant 80 : index
        %get3A_1135 = tpu.vector_load %arg12[%get3A_1133, %get3A_1134] {strides = array<i32>} : memref<128x128xf32, #tpu.memory_space<vmem>>, vector<16xf32>,
        %mul3A_1136 = arith.mulf %get3A_1135, %broadcast_in_dim3A_1092 : vector<16xf32>
        %add3A_1137 = arith.addf %mul3A_1136, %get3A_23 : vector<16xf32>
        %swap3A_1138 = arith.index_cast %add3A_1089 : i32 to index
        %swap3A_1139 = arith.constant 80 : index
        %swap3A_1140 = tpu.vector_load %arg12[%swap3A_1138, %swap3A_1139] {strides = array<i32>} : memref<128x128xf32, #tpu.memory_space<vmem>>, vector<16xf32>,
        tpu.vector_store %arg12[%swap3A_1138, %swap3A_1139], %add3A_1137 {strides = array<i32>} : memref<128x128xf32, #tpu.memory_space<vmem>>, vector<16xf32>,
        %get3A_1141 = arith.index_cast %add3A_1089 : i32 to index
        %get3A_1142 = arith.constant 96 : index
        %get3A_1143 = tpu.vector_load %arg12[%get3A_1141, %get3A_1142] {strides = array<i32>} : memref<128x128xf32, #tpu.memory_space<vmem>>, vector<16xf32>,
        %mul3A_1144 = arith.mulf %get3A_1143, %broadcast_in_dim3A_1092 : vector<16xf32>
        %add3A_1145 = arith.addf %mul3A_1144, %get3A_25 : vector<16xf32>
        %swap3A_1146 = arith.index_cast %add3A_1089 : i32 to index
        %swap3A_1147 = arith.constant 96 : index
        %swap3A_1148 = tpu.vector_load %arg12[%swap3A_1146, %swap3A_1147] {strides = array<i32>} : memref<128x128xf32, #tpu.memory_space<vmem>>, vector<16xf32>,
        tpu.vector_store %arg12[%swap3A_1146, %swap3A_1147], %add3A_1145 {strides = array<i32>} : memref<128x128xf32, #tpu.memory_space<vmem>>, vector<16xf32>,
        %get3A_1149 = arith.index_cast %add3A_1089 : i32 to index
        %get3A_1150 = arith.constant 112 : index
        %get3A_1151 = tpu.vector_load %arg12[%get3A_1149, %get3A_1150] {strides = array<i32>} : memref<128x128xf32, #tpu.memory_space<vmem>>, vector<16xf32>,
        %mul3A_1152 = arith.mulf %get3A_1151, %broadcast_in_dim3A_1092 : vector<16xf32>
        %add3A_1153 = arith.addf %mul3A_1152, %get3A_27 : vector<16xf32>
        %swap3A_1154 = arith.index_cast %add3A_1089 : i32 to index
        %swap3A_1155 = arith.constant 112 : index
        %swap3A_1156 = tpu.vector_load %arg12[%swap3A_1154, %swap3A_1155] {strides = array<i32>} : memref<128x128xf32, #tpu.memory_space<vmem>>, vector<16xf32>,
        tpu.vector_store %arg12[%swap3A_1154, %swap3A_1155], %add3A_1153 {strides = array<i32>} : memref<128x128xf32, #tpu.memory_space<vmem>>, vector<16xf32>,
        %mul3A_1157 = arith.constant 16 : i32
        %mul3A_1158 = arith.muli %scan3A_159, %mul3A_1157 : i32
        %add3A_1159 = arith.constant 14 : i32
        %add3A_1160 = arith.addi %mul3A_1158, %add3A_1159 : i32
        %slice3A_1161 = vector.extract_strided_slice %gather3A {offsets = [14], sizes = [1], strides = [1]} : vector<16xf32> to vector<1xf32>
        %squeeze3A_1162 = vector.extract %slice3A_1161[0] : f32 from vector<1xf32>
        %broadcast_in_dim3A_1163 = vector.broadcast %squeeze3A_1162 : f32 to vector<16xf32>
        %get3A_1164 = arith.index_cast %add3A_1160 : i32 to index
        %get3A_1165 = arith.constant 0 : index
        %get3A_1166 = tpu.vector_load %arg12[%get3A_1164, %get3A_1165] {strides = array<i32>} : memref<128x128xf32, #tpu.memory_space<vmem>>, vector<16xf32>,
        %mul3A_1167 = arith.mulf %get3A_1166, %broadcast_in_dim3A_1163 : vector<16xf32>
        %add3A_1168 = arith.addf %mul3A_1167, %get3A_13 : vector<16xf32>
        %swap3A_1169 = arith.index_cast %add3A_1160 : i32 to index
        %swap3A_1170 = arith.constant 0 : index
        %swap3A_1171 = tpu.vector_load %arg12[%swap3A_1169, %swap3A_1170] {strides = array<i32>} : memref<128x128xf32, #tpu.memory_space<vmem>>, vector<16xf32>,
        tpu.vector_store %arg12[%swap3A_1169, %swap3A_1170], %add3A_1168 {strides = array<i32>} : memref<128x128xf32, #tpu.memory_space<vmem>>, vector<16xf32>,
        %get3A_1172 = arith.index_cast %add3A_1160 : i32 to index
        %get3A_1173 = arith.constant 16 : index
        %get3A_1174 = tpu.vector_load %arg12[%get3A_1172, %get3A_1173] {strides = array<i32>} : memref<128x128xf32, #tpu.memory_space<vmem>>, vector<16xf32>,
        %mul3A_1175 = arith.mulf %get3A_1174, %broadcast_in_dim3A_1163 : vector<16xf32>
        %add3A_1176 = arith.addf %mul3A_1175, %get3A_15 : vector<16xf32>
        %swap3A_1177 = arith.index_cast %add3A_1160 : i32 to index
        %swap3A_1178 = arith.constant 16 : index
        %swap3A_1179 = tpu.vector_load %arg12[%swap3A_1177, %swap3A_1178] {strides = array<i32>} : memref<128x128xf32, #tpu.memory_space<vmem>>, vector<16xf32>,
        tpu.vector_store %arg12[%swap3A_1177, %swap3A_1178], %add3A_1176 {strides = array<i32>} : memref<128x128xf32, #tpu.memory_space<vmem>>, vector<16xf32>,
        %get3A_1180 = arith.index_cast %add3A_1160 : i32 to index
        %get3A_1181 = arith.constant 32 : index
        %get3A_1182 = tpu.vector_load %arg12[%get3A_1180, %get3A_1181] {strides = array<i32>} : memref<128x128xf32, #tpu.memory_space<vmem>>, vector<16xf32>,
        %mul3A_1183 = arith.mulf %get3A_1182, %broadcast_in_dim3A_1163 : vector<16xf32>
        %add3A_1184 = arith.addf %mul3A_1183, %get3A_17 : vector<16xf32>
        %swap3A_1185 = arith.index_cast %add3A_1160 : i32 to index
        %swap3A_1186 = arith.constant 32 : index
        %swap3A_1187 = tpu.vector_load %arg12[%swap3A_1185, %swap3A_1186] {strides = array<i32>} : memref<128x128xf32, #tpu.memory_space<vmem>>, vector<16xf32>,
        tpu.vector_store %arg12[%swap3A_1185, %swap3A_1186], %add3A_1184 {strides = array<i32>} : memref<128x128xf32, #tpu.memory_space<vmem>>, vector<16xf32>,
        %get3A_1188 = arith.index_cast %add3A_1160 : i32 to index
        %get3A_1189 = arith.constant 48 : index
        %get3A_1190 = tpu.vector_load %arg12[%get3A_1188, %get3A_1189] {strides = array<i32>} : memref<128x128xf32, #tpu.memory_space<vmem>>, vector<16xf32>,
        %mul3A_1191 = arith.mulf %get3A_1190, %broadcast_in_dim3A_1163 : vector<16xf32>
        %add3A_1192 = arith.addf %mul3A_1191, %get3A_19 : vector<16xf32>
        %swap3A_1193 = arith.index_cast %add3A_1160 : i32 to index
        %swap3A_1194 = arith.constant 48 : index
        %swap3A_1195 = tpu.vector_load %arg12[%swap3A_1193, %swap3A_1194] {strides = array<i32>} : memref<128x128xf32, #tpu.memory_space<vmem>>, vector<16xf32>,
        tpu.vector_store %arg12[%swap3A_1193, %swap3A_1194], %add3A_1192 {strides = array<i32>} : memref<128x128xf32, #tpu.memory_space<vmem>>, vector<16xf32>,
        %get3A_1196 = arith.index_cast %add3A_1160 : i32 to index
        %get3A_1197 = arith.constant 64 : index
        %get3A_1198 = tpu.vector_load %arg12[%get3A_1196, %get3A_1197] {strides = array<i32>} : memref<128x128xf32, #tpu.memory_space<vmem>>, vector<16xf32>,
        %mul3A_1199 = arith.mulf %get3A_1198, %broadcast_in_dim3A_1163 : vector<16xf32>
        %add3A_1200 = arith.addf %mul3A_1199, %get3A_21 : vector<16xf32>
        %swap3A_1201 = arith.index_cast %add3A_1160 : i32 to index
        %swap3A_1202 = arith.constant 64 : index
        %swap3A_1203 = tpu.vector_load %arg12[%swap3A_1201, %swap3A_1202] {strides = array<i32>} : memref<128x128xf32, #tpu.memory_space<vmem>>, vector<16xf32>,
        tpu.vector_store %arg12[%swap3A_1201, %swap3A_1202], %add3A_1200 {strides = array<i32>} : memref<128x128xf32, #tpu.memory_space<vmem>>, vector<16xf32>,
        %get3A_1204 = arith.index_cast %add3A_1160 : i32 to index
        %get3A_1205 = arith.constant 80 : index
        %get3A_1206 = tpu.vector_load %arg12[%get3A_1204, %get3A_1205] {strides = array<i32>} : memref<128x128xf32, #tpu.memory_space<vmem>>, vector<16xf32>,
        %mul3A_1207 = arith.mulf %get3A_1206, %broadcast_in_dim3A_1163 : vector<16xf32>
        %add3A_1208 = arith.addf %mul3A_1207, %get3A_23 : vector<16xf32>
        %swap3A_1209 = arith.index_cast %add3A_1160 : i32 to index
        %swap3A_1210 = arith.constant 80 : index
        %swap3A_1211 = tpu.vector_load %arg12[%swap3A_1209, %swap3A_1210] {strides = array<i32>} : memref<128x128xf32, #tpu.memory_space<vmem>>, vector<16xf32>,
        tpu.vector_store %arg12[%swap3A_1209, %swap3A_1210], %add3A_1208 {strides = array<i32>} : memref<128x128xf32, #tpu.memory_space<vmem>>, vector<16xf32>,
        %get3A_1212 = arith.index_cast %add3A_1160 : i32 to index
        %get3A_1213 = arith.constant 96 : index
        %get3A_1214 = tpu.vector_load %arg12[%get3A_1212, %get3A_1213] {strides = array<i32>} : memref<128x128xf32, #tpu.memory_space<vmem>>, vector<16xf32>,
        %mul3A_1215 = arith.mulf %get3A_1214, %broadcast_in_dim3A_1163 : vector<16xf32>
        %add3A_1216 = arith.addf %mul3A_1215, %get3A_25 : vector<16xf32>
        %swap3A_1217 = arith.index_cast %add3A_1160 : i32 to index
        %swap3A_1218 = arith.constant 96 : index
        %swap3A_1219 = tpu.vector_load %arg12[%swap3A_1217, %swap3A_1218] {strides = array<i32>} : memref<128x128xf32, #tpu.memory_space<vmem>>, vector<16xf32>,
        tpu.vector_store %arg12[%swap3A_1217, %swap3A_1218], %add3A_1216 {strides = array<i32>} : memref<128x128xf32, #tpu.memory_space<vmem>>, vector<16xf32>,
        %get3A_1220 = arith.index_cast %add3A_1160 : i32 to index
        %get3A_1221 = arith.constant 112 : index
        %get3A_1222 = tpu.vector_load %arg12[%get3A_1220, %get3A_1221] {strides = array<i32>} : memref<128x128xf32, #tpu.memory_space<vmem>>, vector<16xf32>,
        %mul3A_1223 = arith.mulf %get3A_1222, %broadcast_in_dim3A_1163 : vector<16xf32>
        %add3A_1224 = arith.addf %mul3A_1223, %get3A_27 : vector<16xf32>
        %swap3A_1225 = arith.index_cast %add3A_1160 : i32 to index
        %swap3A_1226 = arith.constant 112 : index
        %swap3A_1227 = tpu.vector_load %arg12[%swap3A_1225, %swap3A_1226] {strides = array<i32>} : memref<128x128xf32, #tpu.memory_space<vmem>>, vector<16xf32>,
        tpu.vector_store %arg12[%swap3A_1225, %swap3A_1226], %add3A_1224 {strides = array<i32>} : memref<128x128xf32, #tpu.memory_space<vmem>>, vector<16xf32>,
        %mul3A_1228 = arith.constant 16 : i32
        %mul3A_1229 = arith.muli %scan3A_159, %mul3A_1228 : i32
        %add3A_1230 = arith.constant 15 : i32
        %add3A_1231 = arith.addi %mul3A_1229, %add3A_1230 : i32
        %slice3A_1232 = vector.extract_strided_slice %gather3A {offsets = [15], sizes = [1], strides = [1]} : vector<16xf32> to vector<1xf32>
        %squeeze3A_1233 = vector.extract %slice3A_1232[0] : f32 from vector<1xf32>
        %broadcast_in_dim3A_1234 = vector.broadcast %squeeze3A_1233 : f32 to vector<16xf32>
        %get3A_1235 = arith.index_cast %add3A_1231 : i32 to index
        %get3A_1236 = arith.constant 0 : index
        %get3A_1237 = tpu.vector_load %arg12[%get3A_1235, %get3A_1236] {strides = array<i32>} : memref<128x128xf32, #tpu.memory_space<vmem>>, vector<16xf32>,
        %mul3A_1238 = arith.mulf %get3A_1237, %broadcast_in_dim3A_1234 : vector<16xf32>
        %add3A_1239 = arith.addf %mul3A_1238, %get3A_13 : vector<16xf32>
        %swap3A_1240 = arith.index_cast %add3A_1231 : i32 to index
        %swap3A_1241 = arith.constant 0 : index
        %swap3A_1242 = tpu.vector_load %arg12[%swap3A_1240, %swap3A_1241] {strides = array<i32>} : memref<128x128xf32, #tpu.memory_space<vmem>>, vector<16xf32>,
        tpu.vector_store %arg12[%swap3A_1240, %swap3A_1241], %add3A_1239 {strides = array<i32>} : memref<128x128xf32, #tpu.memory_space<vmem>>, vector<16xf32>,
        %get3A_1243 = arith.index_cast %add3A_1231 : i32 to index
        %get3A_1244 = arith.constant 16 : index
        %get3A_1245 = tpu.vector_load %arg12[%get3A_1243, %get3A_1244] {strides = array<i32>} : memref<128x128xf32, #tpu.memory_space<vmem>>, vector<16xf32>,
        %mul3A_1246 = arith.mulf %get3A_1245, %broadcast_in_dim3A_1234 : vector<16xf32>
        %add3A_1247 = arith.addf %mul3A_1246, %get3A_15 : vector<16xf32>
        %swap3A_1248 = arith.index_cast %add3A_1231 : i32 to index
        %swap3A_1249 = arith.constant 16 : index
        %swap3A_1250 = tpu.vector_load %arg12[%swap3A_1248, %swap3A_1249] {strides = array<i32>} : memref<128x128xf32, #tpu.memory_space<vmem>>, vector<16xf32>,
        tpu.vector_store %arg12[%swap3A_1248, %swap3A_1249], %add3A_1247 {strides = array<i32>} : memref<128x128xf32, #tpu.memory_space<vmem>>, vector<16xf32>,
        %get3A_1251 = arith.index_cast %add3A_1231 : i32 to index
        %get3A_1252 = arith.constant 32 : index
        %get3A_1253 = tpu.vector_load %arg12[%get3A_1251, %get3A_1252] {strides = array<i32>} : memref<128x128xf32, #tpu.memory_space<vmem>>, vector<16xf32>,
        %mul3A_1254 = arith.mulf %get3A_1253, %broadcast_in_dim3A_1234 : vector<16xf32>
        %add3A_1255 = arith.addf %mul3A_1254, %get3A_17 : vector<16xf32>
        %swap3A_1256 = arith.index_cast %add3A_1231 : i32 to index
        %swap3A_1257 = arith.constant 32 : index
        %swap3A_1258 = tpu.vector_load %arg12[%swap3A_1256, %swap3A_1257] {strides = array<i32>} : memref<128x128xf32, #tpu.memory_space<vmem>>, vector<16xf32>,
        tpu.vector_store %arg12[%swap3A_1256, %swap3A_1257], %add3A_1255 {strides = array<i32>} : memref<128x128xf32, #tpu.memory_space<vmem>>, vector<16xf32>,
        %get3A_1259 = arith.index_cast %add3A_1231 : i32 to index
        %get3A_1260 = arith.constant 48 : index
        %get3A_1261 = tpu.vector_load %arg12[%get3A_1259, %get3A_1260] {strides = array<i32>} : memref<128x128xf32, #tpu.memory_space<vmem>>, vector<16xf32>,
        %mul3A_1262 = arith.mulf %get3A_1261, %broadcast_in_dim3A_1234 : vector<16xf32>
        %add3A_1263 = arith.addf %mul3A_1262, %get3A_19 : vector<16xf32>
        %swap3A_1264 = arith.index_cast %add3A_1231 : i32 to index
        %swap3A_1265 = arith.constant 48 : index
        %swap3A_1266 = tpu.vector_load %arg12[%swap3A_1264, %swap3A_1265] {strides = array<i32>} : memref<128x128xf32, #tpu.memory_space<vmem>>, vector<16xf32>,
        tpu.vector_store %arg12[%swap3A_1264, %swap3A_1265], %add3A_1263 {strides = array<i32>} : memref<128x128xf32, #tpu.memory_space<vmem>>, vector<16xf32>,
        %get3A_1267 = arith.index_cast %add3A_1231 : i32 to index
        %get3A_1268 = arith.constant 64 : index
        %get3A_1269 = tpu.vector_load %arg12[%get3A_1267, %get3A_1268] {strides = array<i32>} : memref<128x128xf32, #tpu.memory_space<vmem>>, vector<16xf32>,
        %mul3A_1270 = arith.mulf %get3A_1269, %broadcast_in_dim3A_1234 : vector<16xf32>
        %add3A_1271 = arith.addf %mul3A_1270, %get3A_21 : vector<16xf32>
        %swap3A_1272 = arith.index_cast %add3A_1231 : i32 to index
        %swap3A_1273 = arith.constant 64 : index
        %swap3A_1274 = tpu.vector_load %arg12[%swap3A_1272, %swap3A_1273] {strides = array<i32>} : memref<128x128xf32, #tpu.memory_space<vmem>>, vector<16xf32>,
        tpu.vector_store %arg12[%swap3A_1272, %swap3A_1273], %add3A_1271 {strides = array<i32>} : memref<128x128xf32, #tpu.memory_space<vmem>>, vector<16xf32>,
        %get3A_1275 = arith.index_cast %add3A_1231 : i32 to index
        %get3A_1276 = arith.constant 80 : index
        %get3A_1277 = tpu.vector_load %arg12[%get3A_1275, %get3A_1276] {strides = array<i32>} : memref<128x128xf32, #tpu.memory_space<vmem>>, vector<16xf32>,
        %mul3A_1278 = arith.mulf %get3A_1277, %broadcast_in_dim3A_1234 : vector<16xf32>
        %add3A_1279 = arith.addf %mul3A_1278, %get3A_23 : vector<16xf32>
        %swap3A_1280 = arith.index_cast %add3A_1231 : i32 to index
        %swap3A_1281 = arith.constant 80 : index
        %swap3A_1282 = tpu.vector_load %arg12[%swap3A_1280, %swap3A_1281] {strides = array<i32>} : memref<128x128xf32, #tpu.memory_space<vmem>>, vector<16xf32>,
        tpu.vector_store %arg12[%swap3A_1280, %swap3A_1281], %add3A_1279 {strides = array<i32>} : memref<128x128xf32, #tpu.memory_space<vmem>>, vector<16xf32>,
        %get3A_1283 = arith.index_cast %add3A_1231 : i32 to index
        %get3A_1284 = arith.constant 96 : index
        %get3A_1285 = tpu.vector_load %arg12[%get3A_1283, %get3A_1284] {strides = array<i32>} : memref<128x128xf32, #tpu.memory_space<vmem>>, vector<16xf32>,
        %mul3A_1286 = arith.mulf %get3A_1285, %broadcast_in_dim3A_1234 : vector<16xf32>
        %add3A_1287 = arith.addf %mul3A_1286, %get3A_25 : vector<16xf32>
        %swap3A_1288 = arith.index_cast %add3A_1231 : i32 to index
        %swap3A_1289 = arith.constant 96 : index
        %swap3A_1290 = tpu.vector_load %arg12[%swap3A_1288, %swap3A_1289] {strides = array<i32>} : memref<128x128xf32, #tpu.memory_space<vmem>>, vector<16xf32>,
        tpu.vector_store %arg12[%swap3A_1288, %swap3A_1289], %add3A_1287 {strides = array<i32>} : memref<128x128xf32, #tpu.memory_space<vmem>>, vector<16xf32>,
        %get3A_1291 = arith.index_cast %add3A_1231 : i32 to index
        %get3A_1292 = arith.constant 112 : index
        %get3A_1293 = tpu.vector_load %arg12[%get3A_1291, %get3A_1292] {strides = array<i32>} : memref<128x128xf32, #tpu.memory_space<vmem>>, vector<16xf32>,
        %mul3A_1294 = arith.mulf %get3A_1293, %broadcast_in_dim3A_1234 : vector<16xf32>
        %add3A_1295 = arith.addf %mul3A_1294, %get3A_27 : vector<16xf32>
        %swap3A_1296 = arith.index_cast %add3A_1231 : i32 to index
        %swap3A_1297 = arith.constant 112 : index
        %swap3A_1298 = tpu.vector_load %arg12[%swap3A_1296, %swap3A_1297] {strides = array<i32>} : memref<128x128xf32, #tpu.memory_space<vmem>>, vector<16xf32>,
        tpu.vector_store %arg12[%swap3A_1296, %swap3A_1297], %add3A_1295 {strides = array<i32>} : memref<128x128xf32, #tpu.memory_space<vmem>>, vector<16xf32>,
      }
      %scan3A_145 = arith.constant 8 : i32
      %run_scoped3A_146 = arith.constant 2 : i32
      "tpu.region"() ({
        %run_scoped3A_159 = tpu.sem_alloc : memref<!tpu.dma_semaphore, #tpu.memory_space<semaphore_mem>>
        %dma_start3A_160 = arith.constant 0 : i32
        %dma_start3A_161 = tpu.memref_slice %arg8[%run_scoped3A_146, %dma_start3A_160] : memref<3x128xi32, #tpu.memory_space<vmem>> -> memref<1x128xi32, #tpu.memory_space<vmem>>
        %dma_start3A_162 = tpu.memref_squeeze %dma_start3A_161 : memref<1x128xi32, #tpu.memory_space<vmem>> -> memref<128xi32, #tpu.memory_space<vmem>>
        %dma_start3A_163 = arith.constant 0 : i32
        %dma_start3A_164 = arith.constant 0 : i32
        %dma_start3A_165 = tpu.memref_slice %arg14[%dma_start3A_163, %dma_start3A_164] : memref<10008x128xf32, #tpu.memory_space<vmem_shared>> -> memref<10008x128xf32, #tpu.memory_space<vmem_shared>>
        tpu.enqueue_indirect_dma source(%arg12 : memref<128x128xf32, #tpu.memory_space<vmem>>) target(%dma_start3A_165 : memref<10008x128xf32, #tpu.memory_space<vmem_shared>>) offsets(%dma_start3A_162 : memref<128xi32, #tpu.memory_space<vmem>>) semaphore(%run_scoped3A_159 : memref<!tpu.dma_semaphore, #tpu.memory_space<semaphore_mem>>) {add = true}
        %dma_wait3A_166 = arith.constant 0 : i32
        %dma_wait3A_167 = tpu.memref_slice %arg8[%run_scoped3A_146, %dma_wait3A_166] : memref<3x128xi32, #tpu.memory_space<vmem>> -> memref<1x128xi32, #tpu.memory_space<vmem>>
        %dma_wait3A_168 = tpu.memref_squeeze %dma_wait3A_167 : memref<1x128xi32, #tpu.memory_space<vmem>> -> memref<128xi32, #tpu.memory_space<vmem>>
        %dma_wait3A_169 = arith.constant 0 : i32
        %dma_wait3A_170 = arith.constant 0 : i32
        %dma_wait3A_171 = tpu.memref_slice %arg14[%dma_wait3A_169, %dma_wait3A_170] : memref<10008x128xf32, #tpu.memory_space<vmem_shared>> -> memref<10008x128xf32, #tpu.memory_space<vmem_shared>>
        tpu.wait_indirect_dma semaphore(%run_scoped3A_159 : memref<!tpu.dma_semaphore, #tpu.memory_space<semaphore_mem>>) src(%arg12 : memref<128x128xf32, #tpu.memory_space<vmem>>) dst(%dma_wait3A_171 : memref<10008x128xf32, #tpu.memory_space<vmem_shared>>)
        tpu.yield
      }) : () -> ()
      %mul3A_147 = arith.constant 2 : i32
      %mul3A_148 = arith.muli %mul3A_147, %scan3A_76 : i32
      %add3A_149 = arith.constant 3 : i32
      %add3A_150 = arith.addi %mul3A_148, %add3A_149 : i32
      %dma_start3A_151 = arith.constant 0 : i32
      %dma_start3A_152 = arith.constant 0 : i32
      %dma_start3A_153 = tpu.memref_slice %arg2[%add3A, %add3A_150, %dma_start3A_151, %dma_start3A_152] : memref<32x80x3x128xi32, #tpu.memory_space<hbm>> -> memref<1x1x3x128xi32, #tpu.memory_space<hbm>>
      %dma_start3A_154 = tpu.memref_squeeze %dma_start3A_153 : memref<1x1x3x128xi32, #tpu.memory_space<hbm>> -> memref<3x128xi32, #tpu.memory_space<hbm>>
      %dma_start3A_155 = arith.constant 0 : i32
      %dma_start3A_156 = arith.constant 0 : i32
      %dma_start3A_157 = tpu.memref_slice %arg2[%add3A, %add3A_150, %dma_start3A_155, %dma_start3A_156] : memref<32x80x3x128xi32, #tpu.memory_space<hbm>> -> memref<1x1x3x128xi32, #tpu.memory_space<hbm>>
      %dma_start3A_158 = tpu.memref_squeeze %dma_start3A_157 : memref<1x1x3x128xi32, #tpu.memory_space<hbm>> -> memref<3x128xi32, #tpu.memory_space<hbm>>
      tpu.enqueue_dma source(%dma_start3A_158 : memref<3x128xi32, #tpu.memory_space<hbm>>) target(%arg8 : memref<3x128xi32, #tpu.memory_space<vmem>>) target_semaphore(%arg18 : memref<!tpu.dma_semaphore, #tpu.memory_space<semaphore_mem>>)
    }
    %scan3A_48 = arith.constant 39 : i32
    %dma_wait3A = arith.constant 0 : i32
    %dma_wait3A_49 = arith.constant 0 : i32
    %dma_wait3A_50 = tpu.memref_slice %arg5[%dma_wait3A, %dma_wait3A_49] : memref<10000x128xf32, #tpu.memory_space<hbm>> -> memref<128x128xf32, #tpu.memory_space<hbm>>
    %dma_wait3A_51 = arith.constant 0 : i32
    %dma_wait3A_52 = arith.constant 0 : i32
    %dma_wait3A_53 = tpu.memref_slice %arg5[%dma_wait3A_51, %dma_wait3A_52] : memref<10000x128xf32, #tpu.memory_space<hbm>> -> memref<128x128xf32, #tpu.memory_space<hbm>>
    tpu.wait_dma2 semaphore(%arg15 : memref<!tpu.dma_semaphore, #tpu.memory_space<semaphore_mem>>) src(%dma_wait3A_53 : memref<128x128xf32, #tpu.memory_space<hbm>>) dst(%arg11 : memref<128x128xf32, #tpu.memory_space<vmem>>)
    %scan3A_54 = arith.constant 0 : i32
    %scan3A_55 = arith.constant 0 : i32
    %scan3A_56 = arith.constant 8 : i32
    %scan3A_57 = arith.addi %scan3A_55, %scan3A_56 : i32
    %scan3A_58 = arith.constant 1 : i32
    scf.for %scan3A_76 = %scan3A_55 to %scan3A_57 step %scan3A_58  : i32 {
      %mul3A_77 = arith.constant 16 : i32
      %mul3A_78 = arith.muli %scan3A_76, %mul3A_77 : i32
      %get3A_79 = arith.constant 1 : i32
      %get3A_80 = arith.index_cast %get3A_79 : i32 to index
      %get3A_81 = arith.index_cast %mul3A_78 : i32 to index
      %get3A_82 = tpu.vector_load %arg7[%get3A_80, %get3A_81] {strides = array<i32>} : memref<3x128xi32, #tpu.memory_space<vmem>>, vector<16xi32>,
      %gather3A = tpu.vector_load_idx %arg9[%get3A_82] : memref<10000xf32, #tpu.memory_space<vmem>>[vector<16xi32>], vector<16xf32>,
      %mul3A_83 = arith.constant 16 : i32
      %mul3A_84 = arith.muli %scan3A_76, %mul3A_83 : i32
      %add3A_85 = arith.constant 0 : i32
      %add3A_86 = arith.addi %mul3A_84, %add3A_85 : i32
      %slice3A = vector.extract_strided_slice %gather3A {offsets = [0], sizes = [1], strides = [1]} : vector<16xf32> to vector<1xf32>
      %squeeze3A = vector.extract %slice3A[0] : f32 from vector<1xf32>
      %broadcast_in_dim3A_87 = vector.broadcast %squeeze3A : f32 to vector<16xf32>
      %get3A_88 = arith.index_cast %add3A_86 : i32 to index
      %get3A_89 = arith.constant 0 : index
      %get3A_90 = tpu.vector_load %arg11[%get3A_88, %get3A_89] {strides = array<i32>} : memref<128x128xf32, #tpu.memory_space<vmem>>, vector<16xf32>,
      %mul3A_91 = arith.mulf %get3A_90, %broadcast_in_dim3A_87 : vector<16xf32>
      %add3A_92 = arith.addf %mul3A_91, %get3A_13 : vector<16xf32>
      %swap3A = arith.index_cast %add3A_86 : i32 to index
      %swap3A_93 = arith.constant 0 : index
      %swap3A_94 = tpu.vector_load %arg11[%swap3A, %swap3A_93] {strides = array<i32>} : memref<128x128xf32, #tpu.memory_space<vmem>>, vector<16xf32>,
      tpu.vector_store %arg11[%swap3A, %swap3A_93], %add3A_92 {strides = array<i32>} : memref<128x128xf32, #tpu.memory_space<vmem>>, vector<16xf32>,
      %get3A_95 = arith.index_cast %add3A_86 : i32 to index
      %get3A_96 = arith.constant 16 : index
      %get3A_97 = tpu.vector_load %arg11[%get3A_95, %get3A_96] {strides = array<i32>} : memref<128x128xf32, #tpu.memory_space<vmem>>, vector<16xf32>,
      %mul3A_98 = arith.mulf %get3A_97, %broadcast_in_dim3A_87 : vector<16xf32>
      %add3A_99 = arith.addf %mul3A_98, %get3A_15 : vector<16xf32>
      %swap3A_100 = arith.index_cast %add3A_86 : i32 to index
      %swap3A_101 = arith.constant 16 : index
      %swap3A_102 = tpu.vector_load %arg11[%swap3A_100, %swap3A_101] {strides = array<i32>} : memref<128x128xf32, #tpu.memory_space<vmem>>, vector<16xf32>,
      tpu.vector_store %arg11[%swap3A_100, %swap3A_101], %add3A_99 {strides = array<i32>} : memref<128x128xf32, #tpu.memory_space<vmem>>, vector<16xf32>,
      %get3A_103 = arith.index_cast %add3A_86 : i32 to index
      %get3A_104 = arith.constant 32 : index
      %get3A_105 = tpu.vector_load %arg11[%get3A_103, %get3A_104] {strides = array<i32>} : memref<128x128xf32, #tpu.memory_space<vmem>>, vector<16xf32>,
      %mul3A_106 = arith.mulf %get3A_105, %broadcast_in_dim3A_87 : vector<16xf32>
      %add3A_107 = arith.addf %mul3A_106, %get3A_17 : vector<16xf32>
      %swap3A_108 = arith.index_cast %add3A_86 : i32 to index
      %swap3A_109 = arith.constant 32 : index
      %swap3A_110 = tpu.vector_load %arg11[%swap3A_108, %swap3A_109] {strides = array<i32>} : memref<128x128xf32, #tpu.memory_space<vmem>>, vector<16xf32>,
      tpu.vector_store %arg11[%swap3A_108, %swap3A_109], %add3A_107 {strides = array<i32>} : memref<128x128xf32, #tpu.memory_space<vmem>>, vector<16xf32>,
      %get3A_111 = arith.index_cast %add3A_86 : i32 to index
      %get3A_112 = arith.constant 48 : index
      %get3A_113 = tpu.vector_load %arg11[%get3A_111, %get3A_112] {strides = array<i32>} : memref<128x128xf32, #tpu.memory_space<vmem>>, vector<16xf32>,
      %mul3A_114 = arith.mulf %get3A_113, %broadcast_in_dim3A_87 : vector<16xf32>
      %add3A_115 = arith.addf %mul3A_114, %get3A_19 : vector<16xf32>
      %swap3A_116 = arith.index_cast %add3A_86 : i32 to index
      %swap3A_117 = arith.constant 48 : index
      %swap3A_118 = tpu.vector_load %arg11[%swap3A_116, %swap3A_117] {strides = array<i32>} : memref<128x128xf32, #tpu.memory_space<vmem>>, vector<16xf32>,
      tpu.vector_store %arg11[%swap3A_116, %swap3A_117], %add3A_115 {strides = array<i32>} : memref<128x128xf32, #tpu.memory_space<vmem>>, vector<16xf32>,
      %get3A_119 = arith.index_cast %add3A_86 : i32 to index
      %get3A_120 = arith.constant 64 : index
      %get3A_121 = tpu.vector_load %arg11[%get3A_119, %get3A_120] {strides = array<i32>} : memref<128x128xf32, #tpu.memory_space<vmem>>, vector<16xf32>,
      %mul3A_122 = arith.mulf %get3A_121, %broadcast_in_dim3A_87 : vector<16xf32>
      %add3A_123 = arith.addf %mul3A_122, %get3A_21 : vector<16xf32>
      %swap3A_124 = arith.index_cast %add3A_86 : i32 to index
      %swap3A_125 = arith.constant 64 : index
      %swap3A_126 = tpu.vector_load %arg11[%swap3A_124, %swap3A_125] {strides = array<i32>} : memref<128x128xf32, #tpu.memory_space<vmem>>, vector<16xf32>,
      tpu.vector_store %arg11[%swap3A_124, %swap3A_125], %add3A_123 {strides = array<i32>} : memref<128x128xf32, #tpu.memory_space<vmem>>, vector<16xf32>,
      %get3A_127 = arith.index_cast %add3A_86 : i32 to index
      %get3A_128 = arith.constant 80 : index
      %get3A_129 = tpu.vector_load %arg11[%get3A_127, %get3A_128] {strides = array<i32>} : memref<128x128xf32, #tpu.memory_space<vmem>>, vector<16xf32>,
      %mul3A_130 = arith.mulf %get3A_129, %broadcast_in_dim3A_87 : vector<16xf32>
      %add3A_131 = arith.addf %mul3A_130, %get3A_23 : vector<16xf32>
      %swap3A_132 = arith.index_cast %add3A_86 : i32 to index
      %swap3A_133 = arith.constant 80 : index
      %swap3A_134 = tpu.vector_load %arg11[%swap3A_132, %swap3A_133] {strides = array<i32>} : memref<128x128xf32, #tpu.memory_space<vmem>>, vector<16xf32>,
      tpu.vector_store %arg11[%swap3A_132, %swap3A_133], %add3A_131 {strides = array<i32>} : memref<128x128xf32, #tpu.memory_space<vmem>>, vector<16xf32>,
      %get3A_135 = arith.index_cast %add3A_86 : i32 to index
      %get3A_136 = arith.constant 96 : index
      %get3A_137 = tpu.vector_load %arg11[%get3A_135, %get3A_136] {strides = array<i32>} : memref<128x128xf32, #tpu.memory_space<vmem>>, vector<16xf32>,
      %mul3A_138 = arith.mulf %get3A_137, %broadcast_in_dim3A_87 : vector<16xf32>
      %add3A_139 = arith.addf %mul3A_138, %get3A_25 : vector<16xf32>
      %swap3A_140 = arith.index_cast %add3A_86 : i32 to index
      %swap3A_141 = arith.constant 96 : index
      %swap3A_142 = tpu.vector_load %arg11[%swap3A_140, %swap3A_141] {strides = array<i32>} : memref<128x128xf32, #tpu.memory_space<vmem>>, vector<16xf32>,
      tpu.vector_store %arg11[%swap3A_140, %swap3A_141], %add3A_139 {strides = array<i32>} : memref<128x128xf32, #tpu.memory_space<vmem>>, vector<16xf32>,
      %get3A_143 = arith.index_cast %add3A_86 : i32 to index
      %get3A_144 = arith.constant 112 : index
      %get3A_145 = tpu.vector_load %arg11[%get3A_143, %get3A_144] {strides = array<i32>} : memref<128x128xf32, #tpu.memory_space<vmem>>, vector<16xf32>,
      %mul3A_146 = arith.mulf %get3A_145, %broadcast_in_dim3A_87 : vector<16xf32>
      %add3A_147 = arith.addf %mul3A_146, %get3A_27 : vector<16xf32>
      %swap3A_148 = arith.index_cast %add3A_86 : i32 to index
      %swap3A_149 = arith.constant 112 : index
      %swap3A_150 = tpu.vector_load %arg11[%swap3A_148, %swap3A_149] {strides = array<i32>} : memref<128x128xf32, #tpu.memory_space<vmem>>, vector<16xf32>,
      tpu.vector_store %arg11[%swap3A_148, %swap3A_149], %add3A_147 {strides = array<i32>} : memref<128x128xf32, #tpu.memory_space<vmem>>, vector<16xf32>,
      %mul3A_151 = arith.constant 16 : i32
      %mul3A_152 = arith.muli %scan3A_76, %mul3A_151 : i32
      %add3A_153 = arith.constant 1 : i32
      %add3A_154 = arith.addi %mul3A_152, %add3A_153 : i32
      %slice3A_155 = vector.extract_strided_slice %gather3A {offsets = [1], sizes = [1], strides = [1]} : vector<16xf32> to vector<1xf32>
      %squeeze3A_156 = vector.extract %slice3A_155[0] : f32 from vector<1xf32>
      %broadcast_in_dim3A_157 = vector.broadcast %squeeze3A_156 : f32 to vector<16xf32>
      %get3A_158 = arith.index_cast %add3A_154 : i32 to index
      %get3A_159 = arith.constant 0 : index
      %get3A_160 = tpu.vector_load %arg11[%get3A_158, %get3A_159] {strides = array<i32>} : memref<128x128xf32, #tpu.memory_space<vmem>>, vector<16xf32>,
      %mul3A_161 = arith.mulf %get3A_160, %broadcast_in_dim3A_157 : vector<16xf32>
      %add3A_162 = arith.addf %mul3A_161, %get3A_13 : vector<16xf32>
      %swap3A_163 = arith.index_cast %add3A_154 : i32 to index
      %swap3A_164 = arith.constant 0 : index
      %swap3A_165 = tpu.vector_load %arg11[%swap3A_163, %swap3A_164] {strides = array<i32>} : memref<128x128xf32, #tpu.memory_space<vmem>>, vector<16xf32>,
      tpu.vector_store %arg11[%swap3A_163, %swap3A_164], %add3A_162 {strides = array<i32>} : memref<128x128xf32, #tpu.memory_space<vmem>>, vector<16xf32>,
      %get3A_166 = arith.index_cast %add3A_154 : i32 to index
      %get3A_167 = arith.constant 16 : index
      %get3A_168 = tpu.vector_load %arg11[%get3A_166, %get3A_167] {strides = array<i32>} : memref<128x128xf32, #tpu.memory_space<vmem>>, vector<16xf32>,
      %mul3A_169 = arith.mulf %get3A_168, %broadcast_in_dim3A_157 : vector<16xf32>
      %add3A_170 = arith.addf %mul3A_169, %get3A_15 : vector<16xf32>
      %swap3A_171 = arith.index_cast %add3A_154 : i32 to index
      %swap3A_172 = arith.constant 16 : index
      %swap3A_173 = tpu.vector_load %arg11[%swap3A_171, %swap3A_172] {strides = array<i32>} : memref<128x128xf32, #tpu.memory_space<vmem>>, vector<16xf32>,
      tpu.vector_store %arg11[%swap3A_171, %swap3A_172], %add3A_170 {strides = array<i32>} : memref<128x128xf32, #tpu.memory_space<vmem>>, vector<16xf32>,
      %get3A_174 = arith.index_cast %add3A_154 : i32 to index
      %get3A_175 = arith.constant 32 : index
      %get3A_176 = tpu.vector_load %arg11[%get3A_174, %get3A_175] {strides = array<i32>} : memref<128x128xf32, #tpu.memory_space<vmem>>, vector<16xf32>,
      %mul3A_177 = arith.mulf %get3A_176, %broadcast_in_dim3A_157 : vector<16xf32>
      %add3A_178 = arith.addf %mul3A_177, %get3A_17 : vector<16xf32>
      %swap3A_179 = arith.index_cast %add3A_154 : i32 to index
      %swap3A_180 = arith.constant 32 : index
      %swap3A_181 = tpu.vector_load %arg11[%swap3A_179, %swap3A_180] {strides = array<i32>} : memref<128x128xf32, #tpu.memory_space<vmem>>, vector<16xf32>,
      tpu.vector_store %arg11[%swap3A_179, %swap3A_180], %add3A_178 {strides = array<i32>} : memref<128x128xf32, #tpu.memory_space<vmem>>, vector<16xf32>,
      %get3A_182 = arith.index_cast %add3A_154 : i32 to index
      %get3A_183 = arith.constant 48 : index
      %get3A_184 = tpu.vector_load %arg11[%get3A_182, %get3A_183] {strides = array<i32>} : memref<128x128xf32, #tpu.memory_space<vmem>>, vector<16xf32>,
      %mul3A_185 = arith.mulf %get3A_184, %broadcast_in_dim3A_157 : vector<16xf32>
      %add3A_186 = arith.addf %mul3A_185, %get3A_19 : vector<16xf32>
      %swap3A_187 = arith.index_cast %add3A_154 : i32 to index
      %swap3A_188 = arith.constant 48 : index
      %swap3A_189 = tpu.vector_load %arg11[%swap3A_187, %swap3A_188] {strides = array<i32>} : memref<128x128xf32, #tpu.memory_space<vmem>>, vector<16xf32>,
      tpu.vector_store %arg11[%swap3A_187, %swap3A_188], %add3A_186 {strides = array<i32>} : memref<128x128xf32, #tpu.memory_space<vmem>>, vector<16xf32>,
      %get3A_190 = arith.index_cast %add3A_154 : i32 to index
      %get3A_191 = arith.constant 64 : index
      %get3A_192 = tpu.vector_load %arg11[%get3A_190, %get3A_191] {strides = array<i32>} : memref<128x128xf32, #tpu.memory_space<vmem>>, vector<16xf32>,
      %mul3A_193 = arith.mulf %get3A_192, %broadcast_in_dim3A_157 : vector<16xf32>
      %add3A_194 = arith.addf %mul3A_193, %get3A_21 : vector<16xf32>
      %swap3A_195 = arith.index_cast %add3A_154 : i32 to index
      %swap3A_196 = arith.constant 64 : index
      %swap3A_197 = tpu.vector_load %arg11[%swap3A_195, %swap3A_196] {strides = array<i32>} : memref<128x128xf32, #tpu.memory_space<vmem>>, vector<16xf32>,
      tpu.vector_store %arg11[%swap3A_195, %swap3A_196], %add3A_194 {strides = array<i32>} : memref<128x128xf32, #tpu.memory_space<vmem>>, vector<16xf32>,
      %get3A_198 = arith.index_cast %add3A_154 : i32 to index
      %get3A_199 = arith.constant 80 : index
      %get3A_200 = tpu.vector_load %arg11[%get3A_198, %get3A_199] {strides = array<i32>} : memref<128x128xf32, #tpu.memory_space<vmem>>, vector<16xf32>,
      %mul3A_201 = arith.mulf %get3A_200, %broadcast_in_dim3A_157 : vector<16xf32>
      %add3A_202 = arith.addf %mul3A_201, %get3A_23 : vector<16xf32>
      %swap3A_203 = arith.index_cast %add3A_154 : i32 to index
      %swap3A_204 = arith.constant 80 : index
      %swap3A_205 = tpu.vector_load %arg11[%swap3A_203, %swap3A_204] {strides = array<i32>} : memref<128x128xf32, #tpu.memory_space<vmem>>, vector<16xf32>,
      tpu.vector_store %arg11[%swap3A_203, %swap3A_204], %add3A_202 {strides = array<i32>} : memref<128x128xf32, #tpu.memory_space<vmem>>, vector<16xf32>,
      %get3A_206 = arith.index_cast %add3A_154 : i32 to index
      %get3A_207 = arith.constant 96 : index
      %get3A_208 = tpu.vector_load %arg11[%get3A_206, %get3A_207] {strides = array<i32>} : memref<128x128xf32, #tpu.memory_space<vmem>>, vector<16xf32>,
      %mul3A_209 = arith.mulf %get3A_208, %broadcast_in_dim3A_157 : vector<16xf32>
      %add3A_210 = arith.addf %mul3A_209, %get3A_25 : vector<16xf32>
      %swap3A_211 = arith.index_cast %add3A_154 : i32 to index
      %swap3A_212 = arith.constant 96 : index
      %swap3A_213 = tpu.vector_load %arg11[%swap3A_211, %swap3A_212] {strides = array<i32>} : memref<128x128xf32, #tpu.memory_space<vmem>>, vector<16xf32>,
      tpu.vector_store %arg11[%swap3A_211, %swap3A_212], %add3A_210 {strides = array<i32>} : memref<128x128xf32, #tpu.memory_space<vmem>>, vector<16xf32>,
      %get3A_214 = arith.index_cast %add3A_154 : i32 to index
      %get3A_215 = arith.constant 112 : index
      %get3A_216 = tpu.vector_load %arg11[%get3A_214, %get3A_215] {strides = array<i32>} : memref<128x128xf32, #tpu.memory_space<vmem>>, vector<16xf32>,
      %mul3A_217 = arith.mulf %get3A_216, %broadcast_in_dim3A_157 : vector<16xf32>
      %add3A_218 = arith.addf %mul3A_217, %get3A_27 : vector<16xf32>
      %swap3A_219 = arith.index_cast %add3A_154 : i32 to index
      %swap3A_220 = arith.constant 112 : index
      %swap3A_221 = tpu.vector_load %arg11[%swap3A_219, %swap3A_220] {strides = array<i32>} : memref<128x128xf32, #tpu.memory_space<vmem>>, vector<16xf32>,
      tpu.vector_store %arg11[%swap3A_219, %swap3A_220], %add3A_218 {strides = array<i32>} : memref<128x128xf32, #tpu.memory_space<vmem>>, vector<16xf32>,
      %mul3A_222 = arith.constant 16 : i32
      %mul3A_223 = arith.muli %scan3A_76, %mul3A_222 : i32
      %add3A_224 = arith.constant 2 : i32
      %add3A_225 = arith.addi %mul3A_223, %add3A_224 : i32
      %slice3A_226 = vector.extract_strided_slice %gather3A {offsets = [2], sizes = [1], strides = [1]} : vector<16xf32> to vector<1xf32>
      %squeeze3A_227 = vector.extract %slice3A_226[0] : f32 from vector<1xf32>
      %broadcast_in_dim3A_228 = vector.broadcast %squeeze3A_227 : f32 to vector<16xf32>
      %get3A_229 = arith.index_cast %add3A_225 : i32 to index
      %get3A_230 = arith.constant 0 : index
      %get3A_231 = tpu.vector_load %arg11[%get3A_229, %get3A_230] {strides = array<i32>} : memref<128x128xf32, #tpu.memory_space<vmem>>, vector<16xf32>,
      %mul3A_232 = arith.mulf %get3A_231, %broadcast_in_dim3A_228 : vector<16xf32>
      %add3A_233 = arith.addf %mul3A_232, %get3A_13 : vector<16xf32>
      %swap3A_234 = arith.index_cast %add3A_225 : i32 to index
      %swap3A_235 = arith.constant 0 : index
      %swap3A_236 = tpu.vector_load %arg11[%swap3A_234, %swap3A_235] {strides = array<i32>} : memref<128x128xf32, #tpu.memory_space<vmem>>, vector<16xf32>,
      tpu.vector_store %arg11[%swap3A_234, %swap3A_235], %add3A_233 {strides = array<i32>} : memref<128x128xf32, #tpu.memory_space<vmem>>, vector<16xf32>,
      %get3A_237 = arith.index_cast %add3A_225 : i32 to index
      %get3A_238 = arith.constant 16 : index
      %get3A_239 = tpu.vector_load %arg11[%get3A_237, %get3A_238] {strides = array<i32>} : memref<128x128xf32, #tpu.memory_space<vmem>>, vector<16xf32>,
      %mul3A_240 = arith.mulf %get3A_239, %broadcast_in_dim3A_228 : vector<16xf32>
      %add3A_241 = arith.addf %mul3A_240, %get3A_15 : vector<16xf32>
      %swap3A_242 = arith.index_cast %add3A_225 : i32 to index
      %swap3A_243 = arith.constant 16 : index
      %swap3A_244 = tpu.vector_load %arg11[%swap3A_242, %swap3A_243] {strides = array<i32>} : memref<128x128xf32, #tpu.memory_space<vmem>>, vector<16xf32>,
      tpu.vector_store %arg11[%swap3A_242, %swap3A_243], %add3A_241 {strides = array<i32>} : memref<128x128xf32, #tpu.memory_space<vmem>>, vector<16xf32>,
      %get3A_245 = arith.index_cast %add3A_225 : i32 to index
      %get3A_246 = arith.constant 32 : index
      %get3A_247 = tpu.vector_load %arg11[%get3A_245, %get3A_246] {strides = array<i32>} : memref<128x128xf32, #tpu.memory_space<vmem>>, vector<16xf32>,
      %mul3A_248 = arith.mulf %get3A_247, %broadcast_in_dim3A_228 : vector<16xf32>
      %add3A_249 = arith.addf %mul3A_248, %get3A_17 : vector<16xf32>
      %swap3A_250 = arith.index_cast %add3A_225 : i32 to index
      %swap3A_251 = arith.constant 32 : index
      %swap3A_252 = tpu.vector_load %arg11[%swap3A_250, %swap3A_251] {strides = array<i32>} : memref<128x128xf32, #tpu.memory_space<vmem>>, vector<16xf32>,
      tpu.vector_store %arg11[%swap3A_250, %swap3A_251], %add3A_249 {strides = array<i32>} : memref<128x128xf32, #tpu.memory_space<vmem>>, vector<16xf32>,
      %get3A_253 = arith.index_cast %add3A_225 : i32 to index
      %get3A_254 = arith.constant 48 : index
      %get3A_255 = tpu.vector_load %arg11[%get3A_253, %get3A_254] {strides = array<i32>} : memref<128x128xf32, #tpu.memory_space<vmem>>, vector<16xf32>,
      %mul3A_256 = arith.mulf %get3A_255, %broadcast_in_dim3A_228 : vector<16xf32>
      %add3A_257 = arith.addf %mul3A_256, %get3A_19 : vector<16xf32>
      %swap3A_258 = arith.index_cast %add3A_225 : i32 to index
      %swap3A_259 = arith.constant 48 : index
      %swap3A_260 = tpu.vector_load %arg11[%swap3A_258, %swap3A_259] {strides = array<i32>} : memref<128x128xf32, #tpu.memory_space<vmem>>, vector<16xf32>,
      tpu.vector_store %arg11[%swap3A_258, %swap3A_259], %add3A_257 {strides = array<i32>} : memref<128x128xf32, #tpu.memory_space<vmem>>, vector<16xf32>,
      %get3A_261 = arith.index_cast %add3A_225 : i32 to index
      %get3A_262 = arith.constant 64 : index
      %get3A_263 = tpu.vector_load %arg11[%get3A_261, %get3A_262] {strides = array<i32>} : memref<128x128xf32, #tpu.memory_space<vmem>>, vector<16xf32>,
      %mul3A_264 = arith.mulf %get3A_263, %broadcast_in_dim3A_228 : vector<16xf32>
      %add3A_265 = arith.addf %mul3A_264, %get3A_21 : vector<16xf32>
      %swap3A_266 = arith.index_cast %add3A_225 : i32 to index
      %swap3A_267 = arith.constant 64 : index
      %swap3A_268 = tpu.vector_load %arg11[%swap3A_266, %swap3A_267] {strides = array<i32>} : memref<128x128xf32, #tpu.memory_space<vmem>>, vector<16xf32>,
      tpu.vector_store %arg11[%swap3A_266, %swap3A_267], %add3A_265 {strides = array<i32>} : memref<128x128xf32, #tpu.memory_space<vmem>>, vector<16xf32>,
      %get3A_269 = arith.index_cast %add3A_225 : i32 to index
      %get3A_270 = arith.constant 80 : index
      %get3A_271 = tpu.vector_load %arg11[%get3A_269, %get3A_270] {strides = array<i32>} : memref<128x128xf32, #tpu.memory_space<vmem>>, vector<16xf32>,
      %mul3A_272 = arith.mulf %get3A_271, %broadcast_in_dim3A_228 : vector<16xf32>
      %add3A_273 = arith.addf %mul3A_272, %get3A_23 : vector<16xf32>
      %swap3A_274 = arith.index_cast %add3A_225 : i32 to index
      %swap3A_275 = arith.constant 80 : index
      %swap3A_276 = tpu.vector_load %arg11[%swap3A_274, %swap3A_275] {strides = array<i32>} : memref<128x128xf32, #tpu.memory_space<vmem>>, vector<16xf32>,
      tpu.vector_store %arg11[%swap3A_274, %swap3A_275], %add3A_273 {strides = array<i32>} : memref<128x128xf32, #tpu.memory_space<vmem>>, vector<16xf32>,
      %get3A_277 = arith.index_cast %add3A_225 : i32 to index
      %get3A_278 = arith.constant 96 : index
      %get3A_279 = tpu.vector_load %arg11[%get3A_277, %get3A_278] {strides = array<i32>} : memref<128x128xf32, #tpu.memory_space<vmem>>, vector<16xf32>,
      %mul3A_280 = arith.mulf %get3A_279, %broadcast_in_dim3A_228 : vector<16xf32>
      %add3A_281 = arith.addf %mul3A_280, %get3A_25 : vector<16xf32>
      %swap3A_282 = arith.index_cast %add3A_225 : i32 to index
      %swap3A_283 = arith.constant 96 : index
      %swap3A_284 = tpu.vector_load %arg11[%swap3A_282, %swap3A_283] {strides = array<i32>} : memref<128x128xf32, #tpu.memory_space<vmem>>, vector<16xf32>,
      tpu.vector_store %arg11[%swap3A_282, %swap3A_283], %add3A_281 {strides = array<i32>} : memref<128x128xf32, #tpu.memory_space<vmem>>, vector<16xf32>,
      %get3A_285 = arith.index_cast %add3A_225 : i32 to index
      %get3A_286 = arith.constant 112 : index
      %get3A_287 = tpu.vector_load %arg11[%get3A_285, %get3A_286] {strides = array<i32>} : memref<128x128xf32, #tpu.memory_space<vmem>>, vector<16xf32>,
      %mul3A_288 = arith.mulf %get3A_287, %broadcast_in_dim3A_228 : vector<16xf32>
      %add3A_289 = arith.addf %mul3A_288, %get3A_27 : vector<16xf32>
      %swap3A_290 = arith.index_cast %add3A_225 : i32 to index
      %swap3A_291 = arith.constant 112 : index
      %swap3A_292 = tpu.vector_load %arg11[%swap3A_290, %swap3A_291] {strides = array<i32>} : memref<128x128xf32, #tpu.memory_space<vmem>>, vector<16xf32>,
      tpu.vector_store %arg11[%swap3A_290, %swap3A_291], %add3A_289 {strides = array<i32>} : memref<128x128xf32, #tpu.memory_space<vmem>>, vector<16xf32>,
      %mul3A_293 = arith.constant 16 : i32
      %mul3A_294 = arith.muli %scan3A_76, %mul3A_293 : i32
      %add3A_295 = arith.constant 3 : i32
      %add3A_296 = arith.addi %mul3A_294, %add3A_295 : i32
      %slice3A_297 = vector.extract_strided_slice %gather3A {offsets = [3], sizes = [1], strides = [1]} : vector<16xf32> to vector<1xf32>
      %squeeze3A_298 = vector.extract %slice3A_297[0] : f32 from vector<1xf32>
      %broadcast_in_dim3A_299 = vector.broadcast %squeeze3A_298 : f32 to vector<16xf32>
      %get3A_300 = arith.index_cast %add3A_296 : i32 to index
      %get3A_301 = arith.constant 0 : index
      %get3A_302 = tpu.vector_load %arg11[%get3A_300, %get3A_301] {strides = array<i32>} : memref<128x128xf32, #tpu.memory_space<vmem>>, vector<16xf32>,
      %mul3A_303 = arith.mulf %get3A_302, %broadcast_in_dim3A_299 : vector<16xf32>
      %add3A_304 = arith.addf %mul3A_303, %get3A_13 : vector<16xf32>
      %swap3A_305 = arith.index_cast %add3A_296 : i32 to index
      %swap3A_306 = arith.constant 0 : index
      %swap3A_307 = tpu.vector_load %arg11[%swap3A_305, %swap3A_306] {strides = array<i32>} : memref<128x128xf32, #tpu.memory_space<vmem>>, vector<16xf32>,
      tpu.vector_store %arg11[%swap3A_305, %swap3A_306], %add3A_304 {strides = array<i32>} : memref<128x128xf32, #tpu.memory_space<vmem>>, vector<16xf32>,
      %get3A_308 = arith.index_cast %add3A_296 : i32 to index
      %get3A_309 = arith.constant 16 : index
      %get3A_310 = tpu.vector_load %arg11[%get3A_308, %get3A_309] {strides = array<i32>} : memref<128x128xf32, #tpu.memory_space<vmem>>, vector<16xf32>,
      %mul3A_311 = arith.mulf %get3A_310, %broadcast_in_dim3A_299 : vector<16xf32>
      %add3A_312 = arith.addf %mul3A_311, %get3A_15 : vector<16xf32>
      %swap3A_313 = arith.index_cast %add3A_296 : i32 to index
      %swap3A_314 = arith.constant 16 : index
      %swap3A_315 = tpu.vector_load %arg11[%swap3A_313, %swap3A_314] {strides = array<i32>} : memref<128x128xf32, #tpu.memory_space<vmem>>, vector<16xf32>,
      tpu.vector_store %arg11[%swap3A_313, %swap3A_314], %add3A_312 {strides = array<i32>} : memref<128x128xf32, #tpu.memory_space<vmem>>, vector<16xf32>,
      %get3A_316 = arith.index_cast %add3A_296 : i32 to index
      %get3A_317 = arith.constant 32 : index
      %get3A_318 = tpu.vector_load %arg11[%get3A_316, %get3A_317] {strides = array<i32>} : memref<128x128xf32, #tpu.memory_space<vmem>>, vector<16xf32>,
      %mul3A_319 = arith.mulf %get3A_318, %broadcast_in_dim3A_299 : vector<16xf32>
      %add3A_320 = arith.addf %mul3A_319, %get3A_17 : vector<16xf32>
      %swap3A_321 = arith.index_cast %add3A_296 : i32 to index
      %swap3A_322 = arith.constant 32 : index
      %swap3A_323 = tpu.vector_load %arg11[%swap3A_321, %swap3A_322] {strides = array<i32>} : memref<128x128xf32, #tpu.memory_space<vmem>>, vector<16xf32>,
      tpu.vector_store %arg11[%swap3A_321, %swap3A_322], %add3A_320 {strides = array<i32>} : memref<128x128xf32, #tpu.memory_space<vmem>>, vector<16xf32>,
      %get3A_324 = arith.index_cast %add3A_296 : i32 to index
      %get3A_325 = arith.constant 48 : index
      %get3A_326 = tpu.vector_load %arg11[%get3A_324, %get3A_325] {strides = array<i32>} : memref<128x128xf32, #tpu.memory_space<vmem>>, vector<16xf32>,
      %mul3A_327 = arith.mulf %get3A_326, %broadcast_in_dim3A_299 : vector<16xf32>
      %add3A_328 = arith.addf %mul3A_327, %get3A_19 : vector<16xf32>
      %swap3A_329 = arith.index_cast %add3A_296 : i32 to index
      %swap3A_330 = arith.constant 48 : index
      %swap3A_331 = tpu.vector_load %arg11[%swap3A_329, %swap3A_330] {strides = array<i32>} : memref<128x128xf32, #tpu.memory_space<vmem>>, vector<16xf32>,
      tpu.vector_store %arg11[%swap3A_329, %swap3A_330], %add3A_328 {strides = array<i32>} : memref<128x128xf32, #tpu.memory_space<vmem>>, vector<16xf32>,
      %get3A_332 = arith.index_cast %add3A_296 : i32 to index
      %get3A_333 = arith.constant 64 : index
      %get3A_334 = tpu.vector_load %arg11[%get3A_332, %get3A_333] {strides = array<i32>} : memref<128x128xf32, #tpu.memory_space<vmem>>, vector<16xf32>,
      %mul3A_335 = arith.mulf %get3A_334, %broadcast_in_dim3A_299 : vector<16xf32>
      %add3A_336 = arith.addf %mul3A_335, %get3A_21 : vector<16xf32>
      %swap3A_337 = arith.index_cast %add3A_296 : i32 to index
      %swap3A_338 = arith.constant 64 : index
      %swap3A_339 = tpu.vector_load %arg11[%swap3A_337, %swap3A_338] {strides = array<i32>} : memref<128x128xf32, #tpu.memory_space<vmem>>, vector<16xf32>,
      tpu.vector_store %arg11[%swap3A_337, %swap3A_338], %add3A_336 {strides = array<i32>} : memref<128x128xf32, #tpu.memory_space<vmem>>, vector<16xf32>,
      %get3A_340 = arith.index_cast %add3A_296 : i32 to index
      %get3A_341 = arith.constant 80 : index
      %get3A_342 = tpu.vector_load %arg11[%get3A_340, %get3A_341] {strides = array<i32>} : memref<128x128xf32, #tpu.memory_space<vmem>>, vector<16xf32>,
      %mul3A_343 = arith.mulf %get3A_342, %broadcast_in_dim3A_299 : vector<16xf32>
      %add3A_344 = arith.addf %mul3A_343, %get3A_23 : vector<16xf32>
      %swap3A_345 = arith.index_cast %add3A_296 : i32 to index
      %swap3A_346 = arith.constant 80 : index
      %swap3A_347 = tpu.vector_load %arg11[%swap3A_345, %swap3A_346] {strides = array<i32>} : memref<128x128xf32, #tpu.memory_space<vmem>>, vector<16xf32>,
      tpu.vector_store %arg11[%swap3A_345, %swap3A_346], %add3A_344 {strides = array<i32>} : memref<128x128xf32, #tpu.memory_space<vmem>>, vector<16xf32>,
      %get3A_348 = arith.index_cast %add3A_296 : i32 to index
      %get3A_349 = arith.constant 96 : index
      %get3A_350 = tpu.vector_load %arg11[%get3A_348, %get3A_349] {strides = array<i32>} : memref<128x128xf32, #tpu.memory_space<vmem>>, vector<16xf32>,
      %mul3A_351 = arith.mulf %get3A_350, %broadcast_in_dim3A_299 : vector<16xf32>
      %add3A_352 = arith.addf %mul3A_351, %get3A_25 : vector<16xf32>
      %swap3A_353 = arith.index_cast %add3A_296 : i32 to index
      %swap3A_354 = arith.constant 96 : index
      %swap3A_355 = tpu.vector_load %arg11[%swap3A_353, %swap3A_354] {strides = array<i32>} : memref<128x128xf32, #tpu.memory_space<vmem>>, vector<16xf32>,
      tpu.vector_store %arg11[%swap3A_353, %swap3A_354], %add3A_352 {strides = array<i32>} : memref<128x128xf32, #tpu.memory_space<vmem>>, vector<16xf32>,
      %get3A_356 = arith.index_cast %add3A_296 : i32 to index
      %get3A_357 = arith.constant 112 : index
      %get3A_358 = tpu.vector_load %arg11[%get3A_356, %get3A_357] {strides = array<i32>} : memref<128x128xf32, #tpu.memory_space<vmem>>, vector<16xf32>,
      %mul3A_359 = arith.mulf %get3A_358, %broadcast_in_dim3A_299 : vector<16xf32>
      %add3A_360 = arith.addf %mul3A_359, %get3A_27 : vector<16xf32>
      %swap3A_361 = arith.index_cast %add3A_296 : i32 to index
      %swap3A_362 = arith.constant 112 : index
      %swap3A_363 = tpu.vector_load %arg11[%swap3A_361, %swap3A_362] {strides = array<i32>} : memref<128x128xf32, #tpu.memory_space<vmem>>, vector<16xf32>,
      tpu.vector_store %arg11[%swap3A_361, %swap3A_362], %add3A_360 {strides = array<i32>} : memref<128x128xf32, #tpu.memory_space<vmem>>, vector<16xf32>,
      %mul3A_364 = arith.constant 16 : i32
      %mul3A_365 = arith.muli %scan3A_76, %mul3A_364 : i32
      %add3A_366 = arith.constant 4 : i32
      %add3A_367 = arith.addi %mul3A_365, %add3A_366 : i32
      %slice3A_368 = vector.extract_strided_slice %gather3A {offsets = [4], sizes = [1], strides = [1]} : vector<16xf32> to vector<1xf32>
      %squeeze3A_369 = vector.extract %slice3A_368[0] : f32 from vector<1xf32>
      %broadcast_in_dim3A_370 = vector.broadcast %squeeze3A_369 : f32 to vector<16xf32>
      %get3A_371 = arith.index_cast %add3A_367 : i32 to index
      %get3A_372 = arith.constant 0 : index
      %get3A_373 = tpu.vector_load %arg11[%get3A_371, %get3A_372] {strides = array<i32>} : memref<128x128xf32, #tpu.memory_space<vmem>>, vector<16xf32>,
      %mul3A_374 = arith.mulf %get3A_373, %broadcast_in_dim3A_370 : vector<16xf32>
      %add3A_375 = arith.addf %mul3A_374, %get3A_13 : vector<16xf32>
      %swap3A_376 = arith.index_cast %add3A_367 : i32 to index
      %swap3A_377 = arith.constant 0 : index
      %swap3A_378 = tpu.vector_load %arg11[%swap3A_376, %swap3A_377] {strides = array<i32>} : memref<128x128xf32, #tpu.memory_space<vmem>>, vector<16xf32>,
      tpu.vector_store %arg11[%swap3A_376, %swap3A_377], %add3A_375 {strides = array<i32>} : memref<128x128xf32, #tpu.memory_space<vmem>>, vector<16xf32>,
      %get3A_379 = arith.index_cast %add3A_367 : i32 to index
      %get3A_380 = arith.constant 16 : index
      %get3A_381 = tpu.vector_load %arg11[%get3A_379, %get3A_380] {strides = array<i32>} : memref<128x128xf32, #tpu.memory_space<vmem>>, vector<16xf32>,
      %mul3A_382 = arith.mulf %get3A_381, %broadcast_in_dim3A_370 : vector<16xf32>
      %add3A_383 = arith.addf %mul3A_382, %get3A_15 : vector<16xf32>
      %swap3A_384 = arith.index_cast %add3A_367 : i32 to index
      %swap3A_385 = arith.constant 16 : index
      %swap3A_386 = tpu.vector_load %arg11[%swap3A_384, %swap3A_385] {strides = array<i32>} : memref<128x128xf32, #tpu.memory_space<vmem>>, vector<16xf32>,
      tpu.vector_store %arg11[%swap3A_384, %swap3A_385], %add3A_383 {strides = array<i32>} : memref<128x128xf32, #tpu.memory_space<vmem>>, vector<16xf32>,
      %get3A_387 = arith.index_cast %add3A_367 : i32 to index
      %get3A_388 = arith.constant 32 : index
      %get3A_389 = tpu.vector_load %arg11[%get3A_387, %get3A_388] {strides = array<i32>} : memref<128x128xf32, #tpu.memory_space<vmem>>, vector<16xf32>,
      %mul3A_390 = arith.mulf %get3A_389, %broadcast_in_dim3A_370 : vector<16xf32>
      %add3A_391 = arith.addf %mul3A_390, %get3A_17 : vector<16xf32>
      %swap3A_392 = arith.index_cast %add3A_367 : i32 to index
      %swap3A_393 = arith.constant 32 : index
      %swap3A_394 = tpu.vector_load %arg11[%swap3A_392, %swap3A_393] {strides = array<i32>} : memref<128x128xf32, #tpu.memory_space<vmem>>, vector<16xf32>,
      tpu.vector_store %arg11[%swap3A_392, %swap3A_393], %add3A_391 {strides = array<i32>} : memref<128x128xf32, #tpu.memory_space<vmem>>, vector<16xf32>,
      %get3A_395 = arith.index_cast %add3A_367 : i32 to index
      %get3A_396 = arith.constant 48 : index
      %get3A_397 = tpu.vector_load %arg11[%get3A_395, %get3A_396] {strides = array<i32>} : memref<128x128xf32, #tpu.memory_space<vmem>>, vector<16xf32>,
      %mul3A_398 = arith.mulf %get3A_397, %broadcast_in_dim3A_370 : vector<16xf32>
      %add3A_399 = arith.addf %mul3A_398, %get3A_19 : vector<16xf32>
      %swap3A_400 = arith.index_cast %add3A_367 : i32 to index
      %swap3A_401 = arith.constant 48 : index
      %swap3A_402 = tpu.vector_load %arg11[%swap3A_400, %swap3A_401] {strides = array<i32>} : memref<128x128xf32, #tpu.memory_space<vmem>>, vector<16xf32>,
      tpu.vector_store %arg11[%swap3A_400, %swap3A_401], %add3A_399 {strides = array<i32>} : memref<128x128xf32, #tpu.memory_space<vmem>>, vector<16xf32>,
      %get3A_403 = arith.index_cast %add3A_367 : i32 to index
      %get3A_404 = arith.constant 64 : index
      %get3A_405 = tpu.vector_load %arg11[%get3A_403, %get3A_404] {strides = array<i32>} : memref<128x128xf32, #tpu.memory_space<vmem>>, vector<16xf32>,
      %mul3A_406 = arith.mulf %get3A_405, %broadcast_in_dim3A_370 : vector<16xf32>
      %add3A_407 = arith.addf %mul3A_406, %get3A_21 : vector<16xf32>
      %swap3A_408 = arith.index_cast %add3A_367 : i32 to index
      %swap3A_409 = arith.constant 64 : index
      %swap3A_410 = tpu.vector_load %arg11[%swap3A_408, %swap3A_409] {strides = array<i32>} : memref<128x128xf32, #tpu.memory_space<vmem>>, vector<16xf32>,
      tpu.vector_store %arg11[%swap3A_408, %swap3A_409], %add3A_407 {strides = array<i32>} : memref<128x128xf32, #tpu.memory_space<vmem>>, vector<16xf32>,
      %get3A_411 = arith.index_cast %add3A_367 : i32 to index
      %get3A_412 = arith.constant 80 : index
      %get3A_413 = tpu.vector_load %arg11[%get3A_411, %get3A_412] {strides = array<i32>} : memref<128x128xf32, #tpu.memory_space<vmem>>, vector<16xf32>,
      %mul3A_414 = arith.mulf %get3A_413, %broadcast_in_dim3A_370 : vector<16xf32>
      %add3A_415 = arith.addf %mul3A_414, %get3A_23 : vector<16xf32>
      %swap3A_416 = arith.index_cast %add3A_367 : i32 to index
      %swap3A_417 = arith.constant 80 : index
      %swap3A_418 = tpu.vector_load %arg11[%swap3A_416, %swap3A_417] {strides = array<i32>} : memref<128x128xf32, #tpu.memory_space<vmem>>, vector<16xf32>,
      tpu.vector_store %arg11[%swap3A_416, %swap3A_417], %add3A_415 {strides = array<i32>} : memref<128x128xf32, #tpu.memory_space<vmem>>, vector<16xf32>,
      %get3A_419 = arith.index_cast %add3A_367 : i32 to index
      %get3A_420 = arith.constant 96 : index
      %get3A_421 = tpu.vector_load %arg11[%get3A_419, %get3A_420] {strides = array<i32>} : memref<128x128xf32, #tpu.memory_space<vmem>>, vector<16xf32>,
      %mul3A_422 = arith.mulf %get3A_421, %broadcast_in_dim3A_370 : vector<16xf32>
      %add3A_423 = arith.addf %mul3A_422, %get3A_25 : vector<16xf32>
      %swap3A_424 = arith.index_cast %add3A_367 : i32 to index
      %swap3A_425 = arith.constant 96 : index
      %swap3A_426 = tpu.vector_load %arg11[%swap3A_424, %swap3A_425] {strides = array<i32>} : memref<128x128xf32, #tpu.memory_space<vmem>>, vector<16xf32>,
      tpu.vector_store %arg11[%swap3A_424, %swap3A_425], %add3A_423 {strides = array<i32>} : memref<128x128xf32, #tpu.memory_space<vmem>>, vector<16xf32>,
      %get3A_427 = arith.index_cast %add3A_367 : i32 to index
      %get3A_428 = arith.constant 112 : index
      %get3A_429 = tpu.vector_load %arg11[%get3A_427, %get3A_428] {strides = array<i32>} : memref<128x128xf32, #tpu.memory_space<vmem>>, vector<16xf32>,
      %mul3A_430 = arith.mulf %get3A_429, %broadcast_in_dim3A_370 : vector<16xf32>
      %add3A_431 = arith.addf %mul3A_430, %get3A_27 : vector<16xf32>
      %swap3A_432 = arith.index_cast %add3A_367 : i32 to index
      %swap3A_433 = arith.constant 112 : index
      %swap3A_434 = tpu.vector_load %arg11[%swap3A_432, %swap3A_433] {strides = array<i32>} : memref<128x128xf32, #tpu.memory_space<vmem>>, vector<16xf32>,
      tpu.vector_store %arg11[%swap3A_432, %swap3A_433], %add3A_431 {strides = array<i32>} : memref<128x128xf32, #tpu.memory_space<vmem>>, vector<16xf32>,
      %mul3A_435 = arith.constant 16 : i32
      %mul3A_436 = arith.muli %scan3A_76, %mul3A_435 : i32
      %add3A_437 = arith.constant 5 : i32
      %add3A_438 = arith.addi %mul3A_436, %add3A_437 : i32
      %slice3A_439 = vector.extract_strided_slice %gather3A {offsets = [5], sizes = [1], strides = [1]} : vector<16xf32> to vector<1xf32>
      %squeeze3A_440 = vector.extract %slice3A_439[0] : f32 from vector<1xf32>
      %broadcast_in_dim3A_441 = vector.broadcast %squeeze3A_440 : f32 to vector<16xf32>
      %get3A_442 = arith.index_cast %add3A_438 : i32 to index
      %get3A_443 = arith.constant 0 : index
      %get3A_444 = tpu.vector_load %arg11[%get3A_442, %get3A_443] {strides = array<i32>} : memref<128x128xf32, #tpu.memory_space<vmem>>, vector<16xf32>,
      %mul3A_445 = arith.mulf %get3A_444, %broadcast_in_dim3A_441 : vector<16xf32>
      %add3A_446 = arith.addf %mul3A_445, %get3A_13 : vector<16xf32>
      %swap3A_447 = arith.index_cast %add3A_438 : i32 to index
      %swap3A_448 = arith.constant 0 : index
      %swap3A_449 = tpu.vector_load %arg11[%swap3A_447, %swap3A_448] {strides = array<i32>} : memref<128x128xf32, #tpu.memory_space<vmem>>, vector<16xf32>,
      tpu.vector_store %arg11[%swap3A_447, %swap3A_448], %add3A_446 {strides = array<i32>} : memref<128x128xf32, #tpu.memory_space<vmem>>, vector<16xf32>,
      %get3A_450 = arith.index_cast %add3A_438 : i32 to index
      %get3A_451 = arith.constant 16 : index
      %get3A_452 = tpu.vector_load %arg11[%get3A_450, %get3A_451] {strides = array<i32>} : memref<128x128xf32, #tpu.memory_space<vmem>>, vector<16xf32>,
      %mul3A_453 = arith.mulf %get3A_452, %broadcast_in_dim3A_441 : vector<16xf32>
      %add3A_454 = arith.addf %mul3A_453, %get3A_15 : vector<16xf32>
      %swap3A_455 = arith.index_cast %add3A_438 : i32 to index
      %swap3A_456 = arith.constant 16 : index
      %swap3A_457 = tpu.vector_load %arg11[%swap3A_455, %swap3A_456] {strides = array<i32>} : memref<128x128xf32, #tpu.memory_space<vmem>>, vector<16xf32>,
      tpu.vector_store %arg11[%swap3A_455, %swap3A_456], %add3A_454 {strides = array<i32>} : memref<128x128xf32, #tpu.memory_space<vmem>>, vector<16xf32>,
      %get3A_458 = arith.index_cast %add3A_438 : i32 to index
      %get3A_459 = arith.constant 32 : index
      %get3A_460 = tpu.vector_load %arg11[%get3A_458, %get3A_459] {strides = array<i32>} : memref<128x128xf32, #tpu.memory_space<vmem>>, vector<16xf32>,
      %mul3A_461 = arith.mulf %get3A_460, %broadcast_in_dim3A_441 : vector<16xf32>
      %add3A_462 = arith.addf %mul3A_461, %get3A_17 : vector<16xf32>
      %swap3A_463 = arith.index_cast %add3A_438 : i32 to index
      %swap3A_464 = arith.constant 32 : index
      %swap3A_465 = tpu.vector_load %arg11[%swap3A_463, %swap3A_464] {strides = array<i32>} : memref<128x128xf32, #tpu.memory_space<vmem>>, vector<16xf32>,
      tpu.vector_store %arg11[%swap3A_463, %swap3A_464], %add3A_462 {strides = array<i32>} : memref<128x128xf32, #tpu.memory_space<vmem>>, vector<16xf32>,
      %get3A_466 = arith.index_cast %add3A_438 : i32 to index
      %get3A_467 = arith.constant 48 : index
      %get3A_468 = tpu.vector_load %arg11[%get3A_466, %get3A_467] {strides = array<i32>} : memref<128x128xf32, #tpu.memory_space<vmem>>, vector<16xf32>,
      %mul3A_469 = arith.mulf %get3A_468, %broadcast_in_dim3A_441 : vector<16xf32>
      %add3A_470 = arith.addf %mul3A_469, %get3A_19 : vector<16xf32>
      %swap3A_471 = arith.index_cast %add3A_438 : i32 to index
      %swap3A_472 = arith.constant 48 : index
      %swap3A_473 = tpu.vector_load %arg11[%swap3A_471, %swap3A_472] {strides = array<i32>} : memref<128x128xf32, #tpu.memory_space<vmem>>, vector<16xf32>,
      tpu.vector_store %arg11[%swap3A_471, %swap3A_472], %add3A_470 {strides = array<i32>} : memref<128x128xf32, #tpu.memory_space<vmem>>, vector<16xf32>,
      %get3A_474 = arith.index_cast %add3A_438 : i32 to index
      %get3A_475 = arith.constant 64 : index
      %get3A_476 = tpu.vector_load %arg11[%get3A_474, %get3A_475] {strides = array<i32>} : memref<128x128xf32, #tpu.memory_space<vmem>>, vector<16xf32>,
      %mul3A_477 = arith.mulf %get3A_476, %broadcast_in_dim3A_441 : vector<16xf32>
      %add3A_478 = arith.addf %mul3A_477, %get3A_21 : vector<16xf32>
      %swap3A_479 = arith.index_cast %add3A_438 : i32 to index
      %swap3A_480 = arith.constant 64 : index
      %swap3A_481 = tpu.vector_load %arg11[%swap3A_479, %swap3A_480] {strides = array<i32>} : memref<128x128xf32, #tpu.memory_space<vmem>>, vector<16xf32>,
      tpu.vector_store %arg11[%swap3A_479, %swap3A_480], %add3A_478 {strides = array<i32>} : memref<128x128xf32, #tpu.memory_space<vmem>>, vector<16xf32>,
      %get3A_482 = arith.index_cast %add3A_438 : i32 to index
      %get3A_483 = arith.constant 80 : index
      %get3A_484 = tpu.vector_load %arg11[%get3A_482, %get3A_483] {strides = array<i32>} : memref<128x128xf32, #tpu.memory_space<vmem>>, vector<16xf32>,
      %mul3A_485 = arith.mulf %get3A_484, %broadcast_in_dim3A_441 : vector<16xf32>
      %add3A_486 = arith.addf %mul3A_485, %get3A_23 : vector<16xf32>
      %swap3A_487 = arith.index_cast %add3A_438 : i32 to index
      %swap3A_488 = arith.constant 80 : index
      %swap3A_489 = tpu.vector_load %arg11[%swap3A_487, %swap3A_488] {strides = array<i32>} : memref<128x128xf32, #tpu.memory_space<vmem>>, vector<16xf32>,
      tpu.vector_store %arg11[%swap3A_487, %swap3A_488], %add3A_486 {strides = array<i32>} : memref<128x128xf32, #tpu.memory_space<vmem>>, vector<16xf32>,
      %get3A_490 = arith.index_cast %add3A_438 : i32 to index
      %get3A_491 = arith.constant 96 : index
      %get3A_492 = tpu.vector_load %arg11[%get3A_490, %get3A_491] {strides = array<i32>} : memref<128x128xf32, #tpu.memory_space<vmem>>, vector<16xf32>,
      %mul3A_493 = arith.mulf %get3A_492, %broadcast_in_dim3A_441 : vector<16xf32>
      %add3A_494 = arith.addf %mul3A_493, %get3A_25 : vector<16xf32>
      %swap3A_495 = arith.index_cast %add3A_438 : i32 to index
      %swap3A_496 = arith.constant 96 : index
      %swap3A_497 = tpu.vector_load %arg11[%swap3A_495, %swap3A_496] {strides = array<i32>} : memref<128x128xf32, #tpu.memory_space<vmem>>, vector<16xf32>,
      tpu.vector_store %arg11[%swap3A_495, %swap3A_496], %add3A_494 {strides = array<i32>} : memref<128x128xf32, #tpu.memory_space<vmem>>, vector<16xf32>,
      %get3A_498 = arith.index_cast %add3A_438 : i32 to index
      %get3A_499 = arith.constant 112 : index
      %get3A_500 = tpu.vector_load %arg11[%get3A_498, %get3A_499] {strides = array<i32>} : memref<128x128xf32, #tpu.memory_space<vmem>>, vector<16xf32>,
      %mul3A_501 = arith.mulf %get3A_500, %broadcast_in_dim3A_441 : vector<16xf32>
      %add3A_502 = arith.addf %mul3A_501, %get3A_27 : vector<16xf32>
      %swap3A_503 = arith.index_cast %add3A_438 : i32 to index
      %swap3A_504 = arith.constant 112 : index
      %swap3A_505 = tpu.vector_load %arg11[%swap3A_503, %swap3A_504] {strides = array<i32>} : memref<128x128xf32, #tpu.memory_space<vmem>>, vector<16xf32>,
      tpu.vector_store %arg11[%swap3A_503, %swap3A_504], %add3A_502 {strides = array<i32>} : memref<128x128xf32, #tpu.memory_space<vmem>>, vector<16xf32>,
      %mul3A_506 = arith.constant 16 : i32
      %mul3A_507 = arith.muli %scan3A_76, %mul3A_506 : i32
      %add3A_508 = arith.constant 6 : i32
      %add3A_509 = arith.addi %mul3A_507, %add3A_508 : i32
      %slice3A_510 = vector.extract_strided_slice %gather3A {offsets = [6], sizes = [1], strides = [1]} : vector<16xf32> to vector<1xf32>
      %squeeze3A_511 = vector.extract %slice3A_510[0] : f32 from vector<1xf32>
      %broadcast_in_dim3A_512 = vector.broadcast %squeeze3A_511 : f32 to vector<16xf32>
      %get3A_513 = arith.index_cast %add3A_509 : i32 to index
      %get3A_514 = arith.constant 0 : index
      %get3A_515 = tpu.vector_load %arg11[%get3A_513, %get3A_514] {strides = array<i32>} : memref<128x128xf32, #tpu.memory_space<vmem>>, vector<16xf32>,
      %mul3A_516 = arith.mulf %get3A_515, %broadcast_in_dim3A_512 : vector<16xf32>
      %add3A_517 = arith.addf %mul3A_516, %get3A_13 : vector<16xf32>
      %swap3A_518 = arith.index_cast %add3A_509 : i32 to index
      %swap3A_519 = arith.constant 0 : index
      %swap3A_520 = tpu.vector_load %arg11[%swap3A_518, %swap3A_519] {strides = array<i32>} : memref<128x128xf32, #tpu.memory_space<vmem>>, vector<16xf32>,
      tpu.vector_store %arg11[%swap3A_518, %swap3A_519], %add3A_517 {strides = array<i32>} : memref<128x128xf32, #tpu.memory_space<vmem>>, vector<16xf32>,
      %get3A_521 = arith.index_cast %add3A_509 : i32 to index
      %get3A_522 = arith.constant 16 : index
      %get3A_523 = tpu.vector_load %arg11[%get3A_521, %get3A_522] {strides = array<i32>} : memref<128x128xf32, #tpu.memory_space<vmem>>, vector<16xf32>,
      %mul3A_524 = arith.mulf %get3A_523, %broadcast_in_dim3A_512 : vector<16xf32>
      %add3A_525 = arith.addf %mul3A_524, %get3A_15 : vector<16xf32>
      %swap3A_526 = arith.index_cast %add3A_509 : i32 to index
      %swap3A_527 = arith.constant 16 : index
      %swap3A_528 = tpu.vector_load %arg11[%swap3A_526, %swap3A_527] {strides = array<i32>} : memref<128x128xf32, #tpu.memory_space<vmem>>, vector<16xf32>,
      tpu.vector_store %arg11[%swap3A_526, %swap3A_527], %add3A_525 {strides = array<i32>} : memref<128x128xf32, #tpu.memory_space<vmem>>, vector<16xf32>,
      %get3A_529 = arith.index_cast %add3A_509 : i32 to index
      %get3A_530 = arith.constant 32 : index
      %get3A_531 = tpu.vector_load %arg11[%get3A_529, %get3A_530] {strides = array<i32>} : memref<128x128xf32, #tpu.memory_space<vmem>>, vector<16xf32>,
      %mul3A_532 = arith.mulf %get3A_531, %broadcast_in_dim3A_512 : vector<16xf32>
      %add3A_533 = arith.addf %mul3A_532, %get3A_17 : vector<16xf32>
      %swap3A_534 = arith.index_cast %add3A_509 : i32 to index
      %swap3A_535 = arith.constant 32 : index
      %swap3A_536 = tpu.vector_load %arg11[%swap3A_534, %swap3A_535] {strides = array<i32>} : memref<128x128xf32, #tpu.memory_space<vmem>>, vector<16xf32>,
      tpu.vector_store %arg11[%swap3A_534, %swap3A_535], %add3A_533 {strides = array<i32>} : memref<128x128xf32, #tpu.memory_space<vmem>>, vector<16xf32>,
      %get3A_537 = arith.index_cast %add3A_509 : i32 to index
      %get3A_538 = arith.constant 48 : index
      %get3A_539 = tpu.vector_load %arg11[%get3A_537, %get3A_538] {strides = array<i32>} : memref<128x128xf32, #tpu.memory_space<vmem>>, vector<16xf32>,
      %mul3A_540 = arith.mulf %get3A_539, %broadcast_in_dim3A_512 : vector<16xf32>
      %add3A_541 = arith.addf %mul3A_540, %get3A_19 : vector<16xf32>
      %swap3A_542 = arith.index_cast %add3A_509 : i32 to index
      %swap3A_543 = arith.constant 48 : index
      %swap3A_544 = tpu.vector_load %arg11[%swap3A_542, %swap3A_543] {strides = array<i32>} : memref<128x128xf32, #tpu.memory_space<vmem>>, vector<16xf32>,
      tpu.vector_store %arg11[%swap3A_542, %swap3A_543], %add3A_541 {strides = array<i32>} : memref<128x128xf32, #tpu.memory_space<vmem>>, vector<16xf32>,
      %get3A_545 = arith.index_cast %add3A_509 : i32 to index
      %get3A_546 = arith.constant 64 : index
      %get3A_547 = tpu.vector_load %arg11[%get3A_545, %get3A_546] {strides = array<i32>} : memref<128x128xf32, #tpu.memory_space<vmem>>, vector<16xf32>,
      %mul3A_548 = arith.mulf %get3A_547, %broadcast_in_dim3A_512 : vector<16xf32>
      %add3A_549 = arith.addf %mul3A_548, %get3A_21 : vector<16xf32>
      %swap3A_550 = arith.index_cast %add3A_509 : i32 to index
      %swap3A_551 = arith.constant 64 : index
      %swap3A_552 = tpu.vector_load %arg11[%swap3A_550, %swap3A_551] {strides = array<i32>} : memref<128x128xf32, #tpu.memory_space<vmem>>, vector<16xf32>,
      tpu.vector_store %arg11[%swap3A_550, %swap3A_551], %add3A_549 {strides = array<i32>} : memref<128x128xf32, #tpu.memory_space<vmem>>, vector<16xf32>,
      %get3A_553 = arith.index_cast %add3A_509 : i32 to index
      %get3A_554 = arith.constant 80 : index
      %get3A_555 = tpu.vector_load %arg11[%get3A_553, %get3A_554] {strides = array<i32>} : memref<128x128xf32, #tpu.memory_space<vmem>>, vector<16xf32>,
      %mul3A_556 = arith.mulf %get3A_555, %broadcast_in_dim3A_512 : vector<16xf32>
      %add3A_557 = arith.addf %mul3A_556, %get3A_23 : vector<16xf32>
      %swap3A_558 = arith.index_cast %add3A_509 : i32 to index
      %swap3A_559 = arith.constant 80 : index
      %swap3A_560 = tpu.vector_load %arg11[%swap3A_558, %swap3A_559] {strides = array<i32>} : memref<128x128xf32, #tpu.memory_space<vmem>>, vector<16xf32>,
      tpu.vector_store %arg11[%swap3A_558, %swap3A_559], %add3A_557 {strides = array<i32>} : memref<128x128xf32, #tpu.memory_space<vmem>>, vector<16xf32>,
      %get3A_561 = arith.index_cast %add3A_509 : i32 to index
      %get3A_562 = arith.constant 96 : index
      %get3A_563 = tpu.vector_load %arg11[%get3A_561, %get3A_562] {strides = array<i32>} : memref<128x128xf32, #tpu.memory_space<vmem>>, vector<16xf32>,
      %mul3A_564 = arith.mulf %get3A_563, %broadcast_in_dim3A_512 : vector<16xf32>
      %add3A_565 = arith.addf %mul3A_564, %get3A_25 : vector<16xf32>
      %swap3A_566 = arith.index_cast %add3A_509 : i32 to index
      %swap3A_567 = arith.constant 96 : index
      %swap3A_568 = tpu.vector_load %arg11[%swap3A_566, %swap3A_567] {strides = array<i32>} : memref<128x128xf32, #tpu.memory_space<vmem>>, vector<16xf32>,
      tpu.vector_store %arg11[%swap3A_566, %swap3A_567], %add3A_565 {strides = array<i32>} : memref<128x128xf32, #tpu.memory_space<vmem>>, vector<16xf32>,
      %get3A_569 = arith.index_cast %add3A_509 : i32 to index
      %get3A_570 = arith.constant 112 : index
      %get3A_571 = tpu.vector_load %arg11[%get3A_569, %get3A_570] {strides = array<i32>} : memref<128x128xf32, #tpu.memory_space<vmem>>, vector<16xf32>,
      %mul3A_572 = arith.mulf %get3A_571, %broadcast_in_dim3A_512 : vector<16xf32>
      %add3A_573 = arith.addf %mul3A_572, %get3A_27 : vector<16xf32>
      %swap3A_574 = arith.index_cast %add3A_509 : i32 to index
      %swap3A_575 = arith.constant 112 : index
      %swap3A_576 = tpu.vector_load %arg11[%swap3A_574, %swap3A_575] {strides = array<i32>} : memref<128x128xf32, #tpu.memory_space<vmem>>, vector<16xf32>,
      tpu.vector_store %arg11[%swap3A_574, %swap3A_575], %add3A_573 {strides = array<i32>} : memref<128x128xf32, #tpu.memory_space<vmem>>, vector<16xf32>,
      %mul3A_577 = arith.constant 16 : i32
      %mul3A_578 = arith.muli %scan3A_76, %mul3A_577 : i32
      %add3A_579 = arith.constant 7 : i32
      %add3A_580 = arith.addi %mul3A_578, %add3A_579 : i32
      %slice3A_581 = vector.extract_strided_slice %gather3A {offsets = [7], sizes = [1], strides = [1]} : vector<16xf32> to vector<1xf32>
      %squeeze3A_582 = vector.extract %slice3A_581[0] : f32 from vector<1xf32>
      %broadcast_in_dim3A_583 = vector.broadcast %squeeze3A_582 : f32 to vector<16xf32>
      %get3A_584 = arith.index_cast %add3A_580 : i32 to index
      %get3A_585 = arith.constant 0 : index
      %get3A_586 = tpu.vector_load %arg11[%get3A_584, %get3A_585] {strides = array<i32>} : memref<128x128xf32, #tpu.memory_space<vmem>>, vector<16xf32>,
      %mul3A_587 = arith.mulf %get3A_586, %broadcast_in_dim3A_583 : vector<16xf32>
      %add3A_588 = arith.addf %mul3A_587, %get3A_13 : vector<16xf32>
      %swap3A_589 = arith.index_cast %add3A_580 : i32 to index
      %swap3A_590 = arith.constant 0 : index
      %swap3A_591 = tpu.vector_load %arg11[%swap3A_589, %swap3A_590] {strides = array<i32>} : memref<128x128xf32, #tpu.memory_space<vmem>>, vector<16xf32>,
      tpu.vector_store %arg11[%swap3A_589, %swap3A_590], %add3A_588 {strides = array<i32>} : memref<128x128xf32, #tpu.memory_space<vmem>>, vector<16xf32>,
      %get3A_592 = arith.index_cast %add3A_580 : i32 to index
      %get3A_593 = arith.constant 16 : index
      %get3A_594 = tpu.vector_load %arg11[%get3A_592, %get3A_593] {strides = array<i32>} : memref<128x128xf32, #tpu.memory_space<vmem>>, vector<16xf32>,
      %mul3A_595 = arith.mulf %get3A_594, %broadcast_in_dim3A_583 : vector<16xf32>
      %add3A_596 = arith.addf %mul3A_595, %get3A_15 : vector<16xf32>
      %swap3A_597 = arith.index_cast %add3A_580 : i32 to index
      %swap3A_598 = arith.constant 16 : index
      %swap3A_599 = tpu.vector_load %arg11[%swap3A_597, %swap3A_598] {strides = array<i32>} : memref<128x128xf32, #tpu.memory_space<vmem>>, vector<16xf32>,
      tpu.vector_store %arg11[%swap3A_597, %swap3A_598], %add3A_596 {strides = array<i32>} : memref<128x128xf32, #tpu.memory_space<vmem>>, vector<16xf32>,
      %get3A_600 = arith.index_cast %add3A_580 : i32 to index
      %get3A_601 = arith.constant 32 : index
      %get3A_602 = tpu.vector_load %arg11[%get3A_600, %get3A_601] {strides = array<i32>} : memref<128x128xf32, #tpu.memory_space<vmem>>, vector<16xf32>,
      %mul3A_603 = arith.mulf %get3A_602, %broadcast_in_dim3A_583 : vector<16xf32>
      %add3A_604 = arith.addf %mul3A_603, %get3A_17 : vector<16xf32>
      %swap3A_605 = arith.index_cast %add3A_580 : i32 to index
      %swap3A_606 = arith.constant 32 : index
      %swap3A_607 = tpu.vector_load %arg11[%swap3A_605, %swap3A_606] {strides = array<i32>} : memref<128x128xf32, #tpu.memory_space<vmem>>, vector<16xf32>,
      tpu.vector_store %arg11[%swap3A_605, %swap3A_606], %add3A_604 {strides = array<i32>} : memref<128x128xf32, #tpu.memory_space<vmem>>, vector<16xf32>,
      %get3A_608 = arith.index_cast %add3A_580 : i32 to index
      %get3A_609 = arith.constant 48 : index
      %get3A_610 = tpu.vector_load %arg11[%get3A_608, %get3A_609] {strides = array<i32>} : memref<128x128xf32, #tpu.memory_space<vmem>>, vector<16xf32>,
      %mul3A_611 = arith.mulf %get3A_610, %broadcast_in_dim3A_583 : vector<16xf32>
      %add3A_612 = arith.addf %mul3A_611, %get3A_19 : vector<16xf32>
      %swap3A_613 = arith.index_cast %add3A_580 : i32 to index
      %swap3A_614 = arith.constant 48 : index
      %swap3A_615 = tpu.vector_load %arg11[%swap3A_613, %swap3A_614] {strides = array<i32>} : memref<128x128xf32, #tpu.memory_space<vmem>>, vector<16xf32>,
      tpu.vector_store %arg11[%swap3A_613, %swap3A_614], %add3A_612 {strides = array<i32>} : memref<128x128xf32, #tpu.memory_space<vmem>>, vector<16xf32>,
      %get3A_616 = arith.index_cast %add3A_580 : i32 to index
      %get3A_617 = arith.constant 64 : index
      %get3A_618 = tpu.vector_load %arg11[%get3A_616, %get3A_617] {strides = array<i32>} : memref<128x128xf32, #tpu.memory_space<vmem>>, vector<16xf32>,
      %mul3A_619 = arith.mulf %get3A_618, %broadcast_in_dim3A_583 : vector<16xf32>
      %add3A_620 = arith.addf %mul3A_619, %get3A_21 : vector<16xf32>
      %swap3A_621 = arith.index_cast %add3A_580 : i32 to index
      %swap3A_622 = arith.constant 64 : index
      %swap3A_623 = tpu.vector_load %arg11[%swap3A_621, %swap3A_622] {strides = array<i32>} : memref<128x128xf32, #tpu.memory_space<vmem>>, vector<16xf32>,
      tpu.vector_store %arg11[%swap3A_621, %swap3A_622], %add3A_620 {strides = array<i32>} : memref<128x128xf32, #tpu.memory_space<vmem>>, vector<16xf32>,
      %get3A_624 = arith.index_cast %add3A_580 : i32 to index
      %get3A_625 = arith.constant 80 : index
      %get3A_626 = tpu.vector_load %arg11[%get3A_624, %get3A_625] {strides = array<i32>} : memref<128x128xf32, #tpu.memory_space<vmem>>, vector<16xf32>,
      %mul3A_627 = arith.mulf %get3A_626, %broadcast_in_dim3A_583 : vector<16xf32>
      %add3A_628 = arith.addf %mul3A_627, %get3A_23 : vector<16xf32>
      %swap3A_629 = arith.index_cast %add3A_580 : i32 to index
      %swap3A_630 = arith.constant 80 : index
      %swap3A_631 = tpu.vector_load %arg11[%swap3A_629, %swap3A_630] {strides = array<i32>} : memref<128x128xf32, #tpu.memory_space<vmem>>, vector<16xf32>,
      tpu.vector_store %arg11[%swap3A_629, %swap3A_630], %add3A_628 {strides = array<i32>} : memref<128x128xf32, #tpu.memory_space<vmem>>, vector<16xf32>,
      %get3A_632 = arith.index_cast %add3A_580 : i32 to index
      %get3A_633 = arith.constant 96 : index
      %get3A_634 = tpu.vector_load %arg11[%get3A_632, %get3A_633] {strides = array<i32>} : memref<128x128xf32, #tpu.memory_space<vmem>>, vector<16xf32>,
      %mul3A_635 = arith.mulf %get3A_634, %broadcast_in_dim3A_583 : vector<16xf32>
      %add3A_636 = arith.addf %mul3A_635, %get3A_25 : vector<16xf32>
      %swap3A_637 = arith.index_cast %add3A_580 : i32 to index
      %swap3A_638 = arith.constant 96 : index
      %swap3A_639 = tpu.vector_load %arg11[%swap3A_637, %swap3A_638] {strides = array<i32>} : memref<128x128xf32, #tpu.memory_space<vmem>>, vector<16xf32>,
      tpu.vector_store %arg11[%swap3A_637, %swap3A_638], %add3A_636 {strides = array<i32>} : memref<128x128xf32, #tpu.memory_space<vmem>>, vector<16xf32>,
      %get3A_640 = arith.index_cast %add3A_580 : i32 to index
      %get3A_641 = arith.constant 112 : index
      %get3A_642 = tpu.vector_load %arg11[%get3A_640, %get3A_641] {strides = array<i32>} : memref<128x128xf32, #tpu.memory_space<vmem>>, vector<16xf32>,
      %mul3A_643 = arith.mulf %get3A_642, %broadcast_in_dim3A_583 : vector<16xf32>
      %add3A_644 = arith.addf %mul3A_643, %get3A_27 : vector<16xf32>
      %swap3A_645 = arith.index_cast %add3A_580 : i32 to index
      %swap3A_646 = arith.constant 112 : index
      %swap3A_647 = tpu.vector_load %arg11[%swap3A_645, %swap3A_646] {strides = array<i32>} : memref<128x128xf32, #tpu.memory_space<vmem>>, vector<16xf32>,
      tpu.vector_store %arg11[%swap3A_645, %swap3A_646], %add3A_644 {strides = array<i32>} : memref<128x128xf32, #tpu.memory_space<vmem>>, vector<16xf32>,
      %mul3A_648 = arith.constant 16 : i32
      %mul3A_649 = arith.muli %scan3A_76, %mul3A_648 : i32
      %add3A_650 = arith.constant 8 : i32
      %add3A_651 = arith.addi %mul3A_649, %add3A_650 : i32
      %slice3A_652 = vector.extract_strided_slice %gather3A {offsets = [8], sizes = [1], strides = [1]} : vector<16xf32> to vector<1xf32>
      %squeeze3A_653 = vector.extract %slice3A_652[0] : f32 from vector<1xf32>
      %broadcast_in_dim3A_654 = vector.broadcast %squeeze3A_653 : f32 to vector<16xf32>
      %get3A_655 = arith.index_cast %add3A_651 : i32 to index
      %get3A_656 = arith.constant 0 : index
      %get3A_657 = tpu.vector_load %arg11[%get3A_655, %get3A_656] {strides = array<i32>} : memref<128x128xf32, #tpu.memory_space<vmem>>, vector<16xf32>,
      %mul3A_658 = arith.mulf %get3A_657, %broadcast_in_dim3A_654 : vector<16xf32>
      %add3A_659 = arith.addf %mul3A_658, %get3A_13 : vector<16xf32>
      %swap3A_660 = arith.index_cast %add3A_651 : i32 to index
      %swap3A_661 = arith.constant 0 : index
      %swap3A_662 = tpu.vector_load %arg11[%swap3A_660, %swap3A_661] {strides = array<i32>} : memref<128x128xf32, #tpu.memory_space<vmem>>, vector<16xf32>,
      tpu.vector_store %arg11[%swap3A_660, %swap3A_661], %add3A_659 {strides = array<i32>} : memref<128x128xf32, #tpu.memory_space<vmem>>, vector<16xf32>,
      %get3A_663 = arith.index_cast %add3A_651 : i32 to index
      %get3A_664 = arith.constant 16 : index
      %get3A_665 = tpu.vector_load %arg11[%get3A_663, %get3A_664] {strides = array<i32>} : memref<128x128xf32, #tpu.memory_space<vmem>>, vector<16xf32>,
      %mul3A_666 = arith.mulf %get3A_665, %broadcast_in_dim3A_654 : vector<16xf32>
      %add3A_667 = arith.addf %mul3A_666, %get3A_15 : vector<16xf32>
      %swap3A_668 = arith.index_cast %add3A_651 : i32 to index
      %swap3A_669 = arith.constant 16 : index
      %swap3A_670 = tpu.vector_load %arg11[%swap3A_668, %swap3A_669] {strides = array<i32>} : memref<128x128xf32, #tpu.memory_space<vmem>>, vector<16xf32>,
      tpu.vector_store %arg11[%swap3A_668, %swap3A_669], %add3A_667 {strides = array<i32>} : memref<128x128xf32, #tpu.memory_space<vmem>>, vector<16xf32>,
      %get3A_671 = arith.index_cast %add3A_651 : i32 to index
      %get3A_672 = arith.constant 32 : index
      %get3A_673 = tpu.vector_load %arg11[%get3A_671, %get3A_672] {strides = array<i32>} : memref<128x128xf32, #tpu.memory_space<vmem>>, vector<16xf32>,
      %mul3A_674 = arith.mulf %get3A_673, %broadcast_in_dim3A_654 : vector<16xf32>
      %add3A_675 = arith.addf %mul3A_674, %get3A_17 : vector<16xf32>
      %swap3A_676 = arith.index_cast %add3A_651 : i32 to index
      %swap3A_677 = arith.constant 32 : index
      %swap3A_678 = tpu.vector_load %arg11[%swap3A_676, %swap3A_677] {strides = array<i32>} : memref<128x128xf32, #tpu.memory_space<vmem>>, vector<16xf32>,
      tpu.vector_store %arg11[%swap3A_676, %swap3A_677], %add3A_675 {strides = array<i32>} : memref<128x128xf32, #tpu.memory_space<vmem>>, vector<16xf32>,
      %get3A_679 = arith.index_cast %add3A_651 : i32 to index
      %get3A_680 = arith.constant 48 : index
      %get3A_681 = tpu.vector_load %arg11[%get3A_679, %get3A_680] {strides = array<i32>} : memref<128x128xf32, #tpu.memory_space<vmem>>, vector<16xf32>,
      %mul3A_682 = arith.mulf %get3A_681, %broadcast_in_dim3A_654 : vector<16xf32>
      %add3A_683 = arith.addf %mul3A_682, %get3A_19 : vector<16xf32>
      %swap3A_684 = arith.index_cast %add3A_651 : i32 to index
      %swap3A_685 = arith.constant 48 : index
      %swap3A_686 = tpu.vector_load %arg11[%swap3A_684, %swap3A_685] {strides = array<i32>} : memref<128x128xf32, #tpu.memory_space<vmem>>, vector<16xf32>,
      tpu.vector_store %arg11[%swap3A_684, %swap3A_685], %add3A_683 {strides = array<i32>} : memref<128x128xf32, #tpu.memory_space<vmem>>, vector<16xf32>,
      %get3A_687 = arith.index_cast %add3A_651 : i32 to index
      %get3A_688 = arith.constant 64 : index
      %get3A_689 = tpu.vector_load %arg11[%get3A_687, %get3A_688] {strides = array<i32>} : memref<128x128xf32, #tpu.memory_space<vmem>>, vector<16xf32>,
      %mul3A_690 = arith.mulf %get3A_689, %broadcast_in_dim3A_654 : vector<16xf32>
      %add3A_691 = arith.addf %mul3A_690, %get3A_21 : vector<16xf32>
      %swap3A_692 = arith.index_cast %add3A_651 : i32 to index
      %swap3A_693 = arith.constant 64 : index
      %swap3A_694 = tpu.vector_load %arg11[%swap3A_692, %swap3A_693] {strides = array<i32>} : memref<128x128xf32, #tpu.memory_space<vmem>>, vector<16xf32>,
      tpu.vector_store %arg11[%swap3A_692, %swap3A_693], %add3A_691 {strides = array<i32>} : memref<128x128xf32, #tpu.memory_space<vmem>>, vector<16xf32>,
      %get3A_695 = arith.index_cast %add3A_651 : i32 to index
      %get3A_696 = arith.constant 80 : index
      %get3A_697 = tpu.vector_load %arg11[%get3A_695, %get3A_696] {strides = array<i32>} : memref<128x128xf32, #tpu.memory_space<vmem>>, vector<16xf32>,
      %mul3A_698 = arith.mulf %get3A_697, %broadcast_in_dim3A_654 : vector<16xf32>
      %add3A_699 = arith.addf %mul3A_698, %get3A_23 : vector<16xf32>
      %swap3A_700 = arith.index_cast %add3A_651 : i32 to index
      %swap3A_701 = arith.constant 80 : index
      %swap3A_702 = tpu.vector_load %arg11[%swap3A_700, %swap3A_701] {strides = array<i32>} : memref<128x128xf32, #tpu.memory_space<vmem>>, vector<16xf32>,
      tpu.vector_store %arg11[%swap3A_700, %swap3A_701], %add3A_699 {strides = array<i32>} : memref<128x128xf32, #tpu.memory_space<vmem>>, vector<16xf32>,
      %get3A_703 = arith.index_cast %add3A_651 : i32 to index
      %get3A_704 = arith.constant 96 : index
      %get3A_705 = tpu.vector_load %arg11[%get3A_703, %get3A_704] {strides = array<i32>} : memref<128x128xf32, #tpu.memory_space<vmem>>, vector<16xf32>,
      %mul3A_706 = arith.mulf %get3A_705, %broadcast_in_dim3A_654 : vector<16xf32>
      %add3A_707 = arith.addf %mul3A_706, %get3A_25 : vector<16xf32>
      %swap3A_708 = arith.index_cast %add3A_651 : i32 to index
      %swap3A_709 = arith.constant 96 : index
      %swap3A_710 = tpu.vector_load %arg11[%swap3A_708, %swap3A_709] {strides = array<i32>} : memref<128x128xf32, #tpu.memory_space<vmem>>, vector<16xf32>,
      tpu.vector_store %arg11[%swap3A_708, %swap3A_709], %add3A_707 {strides = array<i32>} : memref<128x128xf32, #tpu.memory_space<vmem>>, vector<16xf32>,
      %get3A_711 = arith.index_cast %add3A_651 : i32 to index
      %get3A_712 = arith.constant 112 : index
      %get3A_713 = tpu.vector_load %arg11[%get3A_711, %get3A_712] {strides = array<i32>} : memref<128x128xf32, #tpu.memory_space<vmem>>, vector<16xf32>,
      %mul3A_714 = arith.mulf %get3A_713, %broadcast_in_dim3A_654 : vector<16xf32>
      %add3A_715 = arith.addf %mul3A_714, %get3A_27 : vector<16xf32>
      %swap3A_716 = arith.index_cast %add3A_651 : i32 to index
      %swap3A_717 = arith.constant 112 : index
      %swap3A_718 = tpu.vector_load %arg11[%swap3A_716, %swap3A_717] {strides = array<i32>} : memref<128x128xf32, #tpu.memory_space<vmem>>, vector<16xf32>,
      tpu.vector_store %arg11[%swap3A_716, %swap3A_717], %add3A_715 {strides = array<i32>} : memref<128x128xf32, #tpu.memory_space<vmem>>, vector<16xf32>,
      %mul3A_719 = arith.constant 16 : i32
      %mul3A_720 = arith.muli %scan3A_76, %mul3A_719 : i32
      %add3A_721 = arith.constant 9 : i32
      %add3A_722 = arith.addi %mul3A_720, %add3A_721 : i32
      %slice3A_723 = vector.extract_strided_slice %gather3A {offsets = [9], sizes = [1], strides = [1]} : vector<16xf32> to vector<1xf32>
      %squeeze3A_724 = vector.extract %slice3A_723[0] : f32 from vector<1xf32>
      %broadcast_in_dim3A_725 = vector.broadcast %squeeze3A_724 : f32 to vector<16xf32>
      %get3A_726 = arith.index_cast %add3A_722 : i32 to index
      %get3A_727 = arith.constant 0 : index
      %get3A_728 = tpu.vector_load %arg11[%get3A_726, %get3A_727] {strides = array<i32>} : memref<128x128xf32, #tpu.memory_space<vmem>>, vector<16xf32>,
      %mul3A_729 = arith.mulf %get3A_728, %broadcast_in_dim3A_725 : vector<16xf32>
      %add3A_730 = arith.addf %mul3A_729, %get3A_13 : vector<16xf32>
      %swap3A_731 = arith.index_cast %add3A_722 : i32 to index
      %swap3A_732 = arith.constant 0 : index
      %swap3A_733 = tpu.vector_load %arg11[%swap3A_731, %swap3A_732] {strides = array<i32>} : memref<128x128xf32, #tpu.memory_space<vmem>>, vector<16xf32>,
      tpu.vector_store %arg11[%swap3A_731, %swap3A_732], %add3A_730 {strides = array<i32>} : memref<128x128xf32, #tpu.memory_space<vmem>>, vector<16xf32>,
      %get3A_734 = arith.index_cast %add3A_722 : i32 to index
      %get3A_735 = arith.constant 16 : index
      %get3A_736 = tpu.vector_load %arg11[%get3A_734, %get3A_735] {strides = array<i32>} : memref<128x128xf32, #tpu.memory_space<vmem>>, vector<16xf32>,
      %mul3A_737 = arith.mulf %get3A_736, %broadcast_in_dim3A_725 : vector<16xf32>
      %add3A_738 = arith.addf %mul3A_737, %get3A_15 : vector<16xf32>
      %swap3A_739 = arith.index_cast %add3A_722 : i32 to index
      %swap3A_740 = arith.constant 16 : index
      %swap3A_741 = tpu.vector_load %arg11[%swap3A_739, %swap3A_740] {strides = array<i32>} : memref<128x128xf32, #tpu.memory_space<vmem>>, vector<16xf32>,
      tpu.vector_store %arg11[%swap3A_739, %swap3A_740], %add3A_738 {strides = array<i32>} : memref<128x128xf32, #tpu.memory_space<vmem>>, vector<16xf32>,
      %get3A_742 = arith.index_cast %add3A_722 : i32 to index
      %get3A_743 = arith.constant 32 : index
      %get3A_744 = tpu.vector_load %arg11[%get3A_742, %get3A_743] {strides = array<i32>} : memref<128x128xf32, #tpu.memory_space<vmem>>, vector<16xf32>,
      %mul3A_745 = arith.mulf %get3A_744, %broadcast_in_dim3A_725 : vector<16xf32>
      %add3A_746 = arith.addf %mul3A_745, %get3A_17 : vector<16xf32>
      %swap3A_747 = arith.index_cast %add3A_722 : i32 to index
      %swap3A_748 = arith.constant 32 : index
      %swap3A_749 = tpu.vector_load %arg11[%swap3A_747, %swap3A_748] {strides = array<i32>} : memref<128x128xf32, #tpu.memory_space<vmem>>, vector<16xf32>,
      tpu.vector_store %arg11[%swap3A_747, %swap3A_748], %add3A_746 {strides = array<i32>} : memref<128x128xf32, #tpu.memory_space<vmem>>, vector<16xf32>,
      %get3A_750 = arith.index_cast %add3A_722 : i32 to index
      %get3A_751 = arith.constant 48 : index
      %get3A_752 = tpu.vector_load %arg11[%get3A_750, %get3A_751] {strides = array<i32>} : memref<128x128xf32, #tpu.memory_space<vmem>>, vector<16xf32>,
      %mul3A_753 = arith.mulf %get3A_752, %broadcast_in_dim3A_725 : vector<16xf32>
      %add3A_754 = arith.addf %mul3A_753, %get3A_19 : vector<16xf32>
      %swap3A_755 = arith.index_cast %add3A_722 : i32 to index
      %swap3A_756 = arith.constant 48 : index
      %swap3A_757 = tpu.vector_load %arg11[%swap3A_755, %swap3A_756] {strides = array<i32>} : memref<128x128xf32, #tpu.memory_space<vmem>>, vector<16xf32>,
      tpu.vector_store %arg11[%swap3A_755, %swap3A_756], %add3A_754 {strides = array<i32>} : memref<128x128xf32, #tpu.memory_space<vmem>>, vector<16xf32>,
      %get3A_758 = arith.index_cast %add3A_722 : i32 to index
      %get3A_759 = arith.constant 64 : index
      %get3A_760 = tpu.vector_load %arg11[%get3A_758, %get3A_759] {strides = array<i32>} : memref<128x128xf32, #tpu.memory_space<vmem>>, vector<16xf32>,
      %mul3A_761 = arith.mulf %get3A_760, %broadcast_in_dim3A_725 : vector<16xf32>
      %add3A_762 = arith.addf %mul3A_761, %get3A_21 : vector<16xf32>
      %swap3A_763 = arith.index_cast %add3A_722 : i32 to index
      %swap3A_764 = arith.constant 64 : index
      %swap3A_765 = tpu.vector_load %arg11[%swap3A_763, %swap3A_764] {strides = array<i32>} : memref<128x128xf32, #tpu.memory_space<vmem>>, vector<16xf32>,
      tpu.vector_store %arg11[%swap3A_763, %swap3A_764], %add3A_762 {strides = array<i32>} : memref<128x128xf32, #tpu.memory_space<vmem>>, vector<16xf32>,
      %get3A_766 = arith.index_cast %add3A_722 : i32 to index
      %get3A_767 = arith.constant 80 : index
      %get3A_768 = tpu.vector_load %arg11[%get3A_766, %get3A_767] {strides = array<i32>} : memref<128x128xf32, #tpu.memory_space<vmem>>, vector<16xf32>,
      %mul3A_769 = arith.mulf %get3A_768, %broadcast_in_dim3A_725 : vector<16xf32>
      %add3A_770 = arith.addf %mul3A_769, %get3A_23 : vector<16xf32>
      %swap3A_771 = arith.index_cast %add3A_722 : i32 to index
      %swap3A_772 = arith.constant 80 : index
      %swap3A_773 = tpu.vector_load %arg11[%swap3A_771, %swap3A_772] {strides = array<i32>} : memref<128x128xf32, #tpu.memory_space<vmem>>, vector<16xf32>,
      tpu.vector_store %arg11[%swap3A_771, %swap3A_772], %add3A_770 {strides = array<i32>} : memref<128x128xf32, #tpu.memory_space<vmem>>, vector<16xf32>,
      %get3A_774 = arith.index_cast %add3A_722 : i32 to index
      %get3A_775 = arith.constant 96 : index
      %get3A_776 = tpu.vector_load %arg11[%get3A_774, %get3A_775] {strides = array<i32>} : memref<128x128xf32, #tpu.memory_space<vmem>>, vector<16xf32>,
      %mul3A_777 = arith.mulf %get3A_776, %broadcast_in_dim3A_725 : vector<16xf32>
      %add3A_778 = arith.addf %mul3A_777, %get3A_25 : vector<16xf32>
      %swap3A_779 = arith.index_cast %add3A_722 : i32 to index
      %swap3A_780 = arith.constant 96 : index
      %swap3A_781 = tpu.vector_load %arg11[%swap3A_779, %swap3A_780] {strides = array<i32>} : memref<128x128xf32, #tpu.memory_space<vmem>>, vector<16xf32>,
      tpu.vector_store %arg11[%swap3A_779, %swap3A_780], %add3A_778 {strides = array<i32>} : memref<128x128xf32, #tpu.memory_space<vmem>>, vector<16xf32>,
      %get3A_782 = arith.index_cast %add3A_722 : i32 to index
      %get3A_783 = arith.constant 112 : index
      %get3A_784 = tpu.vector_load %arg11[%get3A_782, %get3A_783] {strides = array<i32>} : memref<128x128xf32, #tpu.memory_space<vmem>>, vector<16xf32>,
      %mul3A_785 = arith.mulf %get3A_784, %broadcast_in_dim3A_725 : vector<16xf32>
      %add3A_786 = arith.addf %mul3A_785, %get3A_27 : vector<16xf32>
      %swap3A_787 = arith.index_cast %add3A_722 : i32 to index
      %swap3A_788 = arith.constant 112 : index
      %swap3A_789 = tpu.vector_load %arg11[%swap3A_787, %swap3A_788] {strides = array<i32>} : memref<128x128xf32, #tpu.memory_space<vmem>>, vector<16xf32>,
      tpu.vector_store %arg11[%swap3A_787, %swap3A_788], %add3A_786 {strides = array<i32>} : memref<128x128xf32, #tpu.memory_space<vmem>>, vector<16xf32>,
      %mul3A_790 = arith.constant 16 : i32
      %mul3A_791 = arith.muli %scan3A_76, %mul3A_790 : i32
      %add3A_792 = arith.constant 10 : i32
      %add3A_793 = arith.addi %mul3A_791, %add3A_792 : i32
      %slice3A_794 = vector.extract_strided_slice %gather3A {offsets = [10], sizes = [1], strides = [1]} : vector<16xf32> to vector<1xf32>
      %squeeze3A_795 = vector.extract %slice3A_794[0] : f32 from vector<1xf32>
      %broadcast_in_dim3A_796 = vector.broadcast %squeeze3A_795 : f32 to vector<16xf32>
      %get3A_797 = arith.index_cast %add3A_793 : i32 to index
      %get3A_798 = arith.constant 0 : index
      %get3A_799 = tpu.vector_load %arg11[%get3A_797, %get3A_798] {strides = array<i32>} : memref<128x128xf32, #tpu.memory_space<vmem>>, vector<16xf32>,
      %mul3A_800 = arith.mulf %get3A_799, %broadcast_in_dim3A_796 : vector<16xf32>
      %add3A_801 = arith.addf %mul3A_800, %get3A_13 : vector<16xf32>
      %swap3A_802 = arith.index_cast %add3A_793 : i32 to index
      %swap3A_803 = arith.constant 0 : index
      %swap3A_804 = tpu.vector_load %arg11[%swap3A_802, %swap3A_803] {strides = array<i32>} : memref<128x128xf32, #tpu.memory_space<vmem>>, vector<16xf32>,
      tpu.vector_store %arg11[%swap3A_802, %swap3A_803], %add3A_801 {strides = array<i32>} : memref<128x128xf32, #tpu.memory_space<vmem>>, vector<16xf32>,
      %get3A_805 = arith.index_cast %add3A_793 : i32 to index
      %get3A_806 = arith.constant 16 : index
      %get3A_807 = tpu.vector_load %arg11[%get3A_805, %get3A_806] {strides = array<i32>} : memref<128x128xf32, #tpu.memory_space<vmem>>, vector<16xf32>,
      %mul3A_808 = arith.mulf %get3A_807, %broadcast_in_dim3A_796 : vector<16xf32>
      %add3A_809 = arith.addf %mul3A_808, %get3A_15 : vector<16xf32>
      %swap3A_810 = arith.index_cast %add3A_793 : i32 to index
      %swap3A_811 = arith.constant 16 : index
      %swap3A_812 = tpu.vector_load %arg11[%swap3A_810, %swap3A_811] {strides = array<i32>} : memref<128x128xf32, #tpu.memory_space<vmem>>, vector<16xf32>,
      tpu.vector_store %arg11[%swap3A_810, %swap3A_811], %add3A_809 {strides = array<i32>} : memref<128x128xf32, #tpu.memory_space<vmem>>, vector<16xf32>,
      %get3A_813 = arith.index_cast %add3A_793 : i32 to index
      %get3A_814 = arith.constant 32 : index
      %get3A_815 = tpu.vector_load %arg11[%get3A_813, %get3A_814] {strides = array<i32>} : memref<128x128xf32, #tpu.memory_space<vmem>>, vector<16xf32>,
      %mul3A_816 = arith.mulf %get3A_815, %broadcast_in_dim3A_796 : vector<16xf32>
      %add3A_817 = arith.addf %mul3A_816, %get3A_17 : vector<16xf32>
      %swap3A_818 = arith.index_cast %add3A_793 : i32 to index
      %swap3A_819 = arith.constant 32 : index
      %swap3A_820 = tpu.vector_load %arg11[%swap3A_818, %swap3A_819] {strides = array<i32>} : memref<128x128xf32, #tpu.memory_space<vmem>>, vector<16xf32>,
      tpu.vector_store %arg11[%swap3A_818, %swap3A_819], %add3A_817 {strides = array<i32>} : memref<128x128xf32, #tpu.memory_space<vmem>>, vector<16xf32>,
      %get3A_821 = arith.index_cast %add3A_793 : i32 to index
      %get3A_822 = arith.constant 48 : index
      %get3A_823 = tpu.vector_load %arg11[%get3A_821, %get3A_822] {strides = array<i32>} : memref<128x128xf32, #tpu.memory_space<vmem>>, vector<16xf32>,
      %mul3A_824 = arith.mulf %get3A_823, %broadcast_in_dim3A_796 : vector<16xf32>
      %add3A_825 = arith.addf %mul3A_824, %get3A_19 : vector<16xf32>
      %swap3A_826 = arith.index_cast %add3A_793 : i32 to index
      %swap3A_827 = arith.constant 48 : index
      %swap3A_828 = tpu.vector_load %arg11[%swap3A_826, %swap3A_827] {strides = array<i32>} : memref<128x128xf32, #tpu.memory_space<vmem>>, vector<16xf32>,
      tpu.vector_store %arg11[%swap3A_826, %swap3A_827], %add3A_825 {strides = array<i32>} : memref<128x128xf32, #tpu.memory_space<vmem>>, vector<16xf32>,
      %get3A_829 = arith.index_cast %add3A_793 : i32 to index
      %get3A_830 = arith.constant 64 : index
      %get3A_831 = tpu.vector_load %arg11[%get3A_829, %get3A_830] {strides = array<i32>} : memref<128x128xf32, #tpu.memory_space<vmem>>, vector<16xf32>,
      %mul3A_832 = arith.mulf %get3A_831, %broadcast_in_dim3A_796 : vector<16xf32>
      %add3A_833 = arith.addf %mul3A_832, %get3A_21 : vector<16xf32>
      %swap3A_834 = arith.index_cast %add3A_793 : i32 to index
      %swap3A_835 = arith.constant 64 : index
      %swap3A_836 = tpu.vector_load %arg11[%swap3A_834, %swap3A_835] {strides = array<i32>} : memref<128x128xf32, #tpu.memory_space<vmem>>, vector<16xf32>,
      tpu.vector_store %arg11[%swap3A_834, %swap3A_835], %add3A_833 {strides = array<i32>} : memref<128x128xf32, #tpu.memory_space<vmem>>, vector<16xf32>,
      %get3A_837 = arith.index_cast %add3A_793 : i32 to index
      %get3A_838 = arith.constant 80 : index
      %get3A_839 = tpu.vector_load %arg11[%get3A_837, %get3A_838] {strides = array<i32>} : memref<128x128xf32, #tpu.memory_space<vmem>>, vector<16xf32>,
      %mul3A_840 = arith.mulf %get3A_839, %broadcast_in_dim3A_796 : vector<16xf32>
      %add3A_841 = arith.addf %mul3A_840, %get3A_23 : vector<16xf32>
      %swap3A_842 = arith.index_cast %add3A_793 : i32 to index
      %swap3A_843 = arith.constant 80 : index
      %swap3A_844 = tpu.vector_load %arg11[%swap3A_842, %swap3A_843] {strides = array<i32>} : memref<128x128xf32, #tpu.memory_space<vmem>>, vector<16xf32>,
      tpu.vector_store %arg11[%swap3A_842, %swap3A_843], %add3A_841 {strides = array<i32>} : memref<128x128xf32, #tpu.memory_space<vmem>>, vector<16xf32>,
      %get3A_845 = arith.index_cast %add3A_793 : i32 to index
      %get3A_846 = arith.constant 96 : index
      %get3A_847 = tpu.vector_load %arg11[%get3A_845, %get3A_846] {strides = array<i32>} : memref<128x128xf32, #tpu.memory_space<vmem>>, vector<16xf32>,
      %mul3A_848 = arith.mulf %get3A_847, %broadcast_in_dim3A_796 : vector<16xf32>
      %add3A_849 = arith.addf %mul3A_848, %get3A_25 : vector<16xf32>
      %swap3A_850 = arith.index_cast %add3A_793 : i32 to index
      %swap3A_851 = arith.constant 96 : index
      %swap3A_852 = tpu.vector_load %arg11[%swap3A_850, %swap3A_851] {strides = array<i32>} : memref<128x128xf32, #tpu.memory_space<vmem>>, vector<16xf32>,
      tpu.vector_store %arg11[%swap3A_850, %swap3A_851], %add3A_849 {strides = array<i32>} : memref<128x128xf32, #tpu.memory_space<vmem>>, vector<16xf32>,
      %get3A_853 = arith.index_cast %add3A_793 : i32 to index
      %get3A_854 = arith.constant 112 : index
      %get3A_855 = tpu.vector_load %arg11[%get3A_853, %get3A_854] {strides = array<i32>} : memref<128x128xf32, #tpu.memory_space<vmem>>, vector<16xf32>,
      %mul3A_856 = arith.mulf %get3A_855, %broadcast_in_dim3A_796 : vector<16xf32>
      %add3A_857 = arith.addf %mul3A_856, %get3A_27 : vector<16xf32>
      %swap3A_858 = arith.index_cast %add3A_793 : i32 to index
      %swap3A_859 = arith.constant 112 : index
      %swap3A_860 = tpu.vector_load %arg11[%swap3A_858, %swap3A_859] {strides = array<i32>} : memref<128x128xf32, #tpu.memory_space<vmem>>, vector<16xf32>,
      tpu.vector_store %arg11[%swap3A_858, %swap3A_859], %add3A_857 {strides = array<i32>} : memref<128x128xf32, #tpu.memory_space<vmem>>, vector<16xf32>,
      %mul3A_861 = arith.constant 16 : i32
      %mul3A_862 = arith.muli %scan3A_76, %mul3A_861 : i32
      %add3A_863 = arith.constant 11 : i32
      %add3A_864 = arith.addi %mul3A_862, %add3A_863 : i32
      %slice3A_865 = vector.extract_strided_slice %gather3A {offsets = [11], sizes = [1], strides = [1]} : vector<16xf32> to vector<1xf32>
      %squeeze3A_866 = vector.extract %slice3A_865[0] : f32 from vector<1xf32>
      %broadcast_in_dim3A_867 = vector.broadcast %squeeze3A_866 : f32 to vector<16xf32>
      %get3A_868 = arith.index_cast %add3A_864 : i32 to index
      %get3A_869 = arith.constant 0 : index
      %get3A_870 = tpu.vector_load %arg11[%get3A_868, %get3A_869] {strides = array<i32>} : memref<128x128xf32, #tpu.memory_space<vmem>>, vector<16xf32>,
      %mul3A_871 = arith.mulf %get3A_870, %broadcast_in_dim3A_867 : vector<16xf32>
      %add3A_872 = arith.addf %mul3A_871, %get3A_13 : vector<16xf32>
      %swap3A_873 = arith.index_cast %add3A_864 : i32 to index
      %swap3A_874 = arith.constant 0 : index
      %swap3A_875 = tpu.vector_load %arg11[%swap3A_873, %swap3A_874] {strides = array<i32>} : memref<128x128xf32, #tpu.memory_space<vmem>>, vector<16xf32>,
      tpu.vector_store %arg11[%swap3A_873, %swap3A_874], %add3A_872 {strides = array<i32>} : memref<128x128xf32, #tpu.memory_space<vmem>>, vector<16xf32>,
      %get3A_876 = arith.index_cast %add3A_864 : i32 to index
      %get3A_877 = arith.constant 16 : index
      %get3A_878 = tpu.vector_load %arg11[%get3A_876, %get3A_877] {strides = array<i32>} : memref<128x128xf32, #tpu.memory_space<vmem>>, vector<16xf32>,
      %mul3A_879 = arith.mulf %get3A_878, %broadcast_in_dim3A_867 : vector<16xf32>
      %add3A_880 = arith.addf %mul3A_879, %get3A_15 : vector<16xf32>
      %swap3A_881 = arith.index_cast %add3A_864 : i32 to index
      %swap3A_882 = arith.constant 16 : index
      %swap3A_883 = tpu.vector_load %arg11[%swap3A_881, %swap3A_882] {strides = array<i32>} : memref<128x128xf32, #tpu.memory_space<vmem>>, vector<16xf32>,
      tpu.vector_store %arg11[%swap3A_881, %swap3A_882], %add3A_880 {strides = array<i32>} : memref<128x128xf32, #tpu.memory_space<vmem>>, vector<16xf32>,
      %get3A_884 = arith.index_cast %add3A_864 : i32 to index
      %get3A_885 = arith.constant 32 : index
      %get3A_886 = tpu.vector_load %arg11[%get3A_884, %get3A_885] {strides = array<i32>} : memref<128x128xf32, #tpu.memory_space<vmem>>, vector<16xf32>,
      %mul3A_887 = arith.mulf %get3A_886, %broadcast_in_dim3A_867 : vector<16xf32>
      %add3A_888 = arith.addf %mul3A_887, %get3A_17 : vector<16xf32>
      %swap3A_889 = arith.index_cast %add3A_864 : i32 to index
      %swap3A_890 = arith.constant 32 : index
      %swap3A_891 = tpu.vector_load %arg11[%swap3A_889, %swap3A_890] {strides = array<i32>} : memref<128x128xf32, #tpu.memory_space<vmem>>, vector<16xf32>,
      tpu.vector_store %arg11[%swap3A_889, %swap3A_890], %add3A_888 {strides = array<i32>} : memref<128x128xf32, #tpu.memory_space<vmem>>, vector<16xf32>,
      %get3A_892 = arith.index_cast %add3A_864 : i32 to index
      %get3A_893 = arith.constant 48 : index
      %get3A_894 = tpu.vector_load %arg11[%get3A_892, %get3A_893] {strides = array<i32>} : memref<128x128xf32, #tpu.memory_space<vmem>>, vector<16xf32>,
      %mul3A_895 = arith.mulf %get3A_894, %broadcast_in_dim3A_867 : vector<16xf32>
      %add3A_896 = arith.addf %mul3A_895, %get3A_19 : vector<16xf32>
      %swap3A_897 = arith.index_cast %add3A_864 : i32 to index
      %swap3A_898 = arith.constant 48 : index
      %swap3A_899 = tpu.vector_load %arg11[%swap3A_897, %swap3A_898] {strides = array<i32>} : memref<128x128xf32, #tpu.memory_space<vmem>>, vector<16xf32>,
      tpu.vector_store %arg11[%swap3A_897, %swap3A_898], %add3A_896 {strides = array<i32>} : memref<128x128xf32, #tpu.memory_space<vmem>>, vector<16xf32>,
      %get3A_900 = arith.index_cast %add3A_864 : i32 to index
      %get3A_901 = arith.constant 64 : index
      %get3A_902 = tpu.vector_load %arg11[%get3A_900, %get3A_901] {strides = array<i32>} : memref<128x128xf32, #tpu.memory_space<vmem>>, vector<16xf32>,
      %mul3A_903 = arith.mulf %get3A_902, %broadcast_in_dim3A_867 : vector<16xf32>
      %add3A_904 = arith.addf %mul3A_903, %get3A_21 : vector<16xf32>
      %swap3A_905 = arith.index_cast %add3A_864 : i32 to index
      %swap3A_906 = arith.constant 64 : index
      %swap3A_907 = tpu.vector_load %arg11[%swap3A_905, %swap3A_906] {strides = array<i32>} : memref<128x128xf32, #tpu.memory_space<vmem>>, vector<16xf32>,
      tpu.vector_store %arg11[%swap3A_905, %swap3A_906], %add3A_904 {strides = array<i32>} : memref<128x128xf32, #tpu.memory_space<vmem>>, vector<16xf32>,
      %get3A_908 = arith.index_cast %add3A_864 : i32 to index
      %get3A_909 = arith.constant 80 : index
      %get3A_910 = tpu.vector_load %arg11[%get3A_908, %get3A_909] {strides = array<i32>} : memref<128x128xf32, #tpu.memory_space<vmem>>, vector<16xf32>,
      %mul3A_911 = arith.mulf %get3A_910, %broadcast_in_dim3A_867 : vector<16xf32>
      %add3A_912 = arith.addf %mul3A_911, %get3A_23 : vector<16xf32>
      %swap3A_913 = arith.index_cast %add3A_864 : i32 to index
      %swap3A_914 = arith.constant 80 : index
      %swap3A_915 = tpu.vector_load %arg11[%swap3A_913, %swap3A_914] {strides = array<i32>} : memref<128x128xf32, #tpu.memory_space<vmem>>, vector<16xf32>,
      tpu.vector_store %arg11[%swap3A_913, %swap3A_914], %add3A_912 {strides = array<i32>} : memref<128x128xf32, #tpu.memory_space<vmem>>, vector<16xf32>,
      %get3A_916 = arith.index_cast %add3A_864 : i32 to index
      %get3A_917 = arith.constant 96 : index
      %get3A_918 = tpu.vector_load %arg11[%get3A_916, %get3A_917] {strides = array<i32>} : memref<128x128xf32, #tpu.memory_space<vmem>>, vector<16xf32>,
      %mul3A_919 = arith.mulf %get3A_918, %broadcast_in_dim3A_867 : vector<16xf32>
      %add3A_920 = arith.addf %mul3A_919, %get3A_25 : vector<16xf32>
      %swap3A_921 = arith.index_cast %add3A_864 : i32 to index
      %swap3A_922 = arith.constant 96 : index
      %swap3A_923 = tpu.vector_load %arg11[%swap3A_921, %swap3A_922] {strides = array<i32>} : memref<128x128xf32, #tpu.memory_space<vmem>>, vector<16xf32>,
      tpu.vector_store %arg11[%swap3A_921, %swap3A_922], %add3A_920 {strides = array<i32>} : memref<128x128xf32, #tpu.memory_space<vmem>>, vector<16xf32>,
      %get3A_924 = arith.index_cast %add3A_864 : i32 to index
      %get3A_925 = arith.constant 112 : index
      %get3A_926 = tpu.vector_load %arg11[%get3A_924, %get3A_925] {strides = array<i32>} : memref<128x128xf32, #tpu.memory_space<vmem>>, vector<16xf32>,
      %mul3A_927 = arith.mulf %get3A_926, %broadcast_in_dim3A_867 : vector<16xf32>
      %add3A_928 = arith.addf %mul3A_927, %get3A_27 : vector<16xf32>
      %swap3A_929 = arith.index_cast %add3A_864 : i32 to index
      %swap3A_930 = arith.constant 112 : index
      %swap3A_931 = tpu.vector_load %arg11[%swap3A_929, %swap3A_930] {strides = array<i32>} : memref<128x128xf32, #tpu.memory_space<vmem>>, vector<16xf32>,
      tpu.vector_store %arg11[%swap3A_929, %swap3A_930], %add3A_928 {strides = array<i32>} : memref<128x128xf32, #tpu.memory_space<vmem>>, vector<16xf32>,
      %mul3A_932 = arith.constant 16 : i32
      %mul3A_933 = arith.muli %scan3A_76, %mul3A_932 : i32
      %add3A_934 = arith.constant 12 : i32
      %add3A_935 = arith.addi %mul3A_933, %add3A_934 : i32
      %slice3A_936 = vector.extract_strided_slice %gather3A {offsets = [12], sizes = [1], strides = [1]} : vector<16xf32> to vector<1xf32>
      %squeeze3A_937 = vector.extract %slice3A_936[0] : f32 from vector<1xf32>
      %broadcast_in_dim3A_938 = vector.broadcast %squeeze3A_937 : f32 to vector<16xf32>
      %get3A_939 = arith.index_cast %add3A_935 : i32 to index
      %get3A_940 = arith.constant 0 : index
      %get3A_941 = tpu.vector_load %arg11[%get3A_939, %get3A_940] {strides = array<i32>} : memref<128x128xf32, #tpu.memory_space<vmem>>, vector<16xf32>,
      %mul3A_942 = arith.mulf %get3A_941, %broadcast_in_dim3A_938 : vector<16xf32>
      %add3A_943 = arith.addf %mul3A_942, %get3A_13 : vector<16xf32>
      %swap3A_944 = arith.index_cast %add3A_935 : i32 to index
      %swap3A_945 = arith.constant 0 : index
      %swap3A_946 = tpu.vector_load %arg11[%swap3A_944, %swap3A_945] {strides = array<i32>} : memref<128x128xf32, #tpu.memory_space<vmem>>, vector<16xf32>,
      tpu.vector_store %arg11[%swap3A_944, %swap3A_945], %add3A_943 {strides = array<i32>} : memref<128x128xf32, #tpu.memory_space<vmem>>, vector<16xf32>,
      %get3A_947 = arith.index_cast %add3A_935 : i32 to index
      %get3A_948 = arith.constant 16 : index
      %get3A_949 = tpu.vector_load %arg11[%get3A_947, %get3A_948] {strides = array<i32>} : memref<128x128xf32, #tpu.memory_space<vmem>>, vector<16xf32>,
      %mul3A_950 = arith.mulf %get3A_949, %broadcast_in_dim3A_938 : vector<16xf32>
      %add3A_951 = arith.addf %mul3A_950, %get3A_15 : vector<16xf32>
      %swap3A_952 = arith.index_cast %add3A_935 : i32 to index
      %swap3A_953 = arith.constant 16 : index
      %swap3A_954 = tpu.vector_load %arg11[%swap3A_952, %swap3A_953] {strides = array<i32>} : memref<128x128xf32, #tpu.memory_space<vmem>>, vector<16xf32>,
      tpu.vector_store %arg11[%swap3A_952, %swap3A_953], %add3A_951 {strides = array<i32>} : memref<128x128xf32, #tpu.memory_space<vmem>>, vector<16xf32>,
      %get3A_955 = arith.index_cast %add3A_935 : i32 to index
      %get3A_956 = arith.constant 32 : index
      %get3A_957 = tpu.vector_load %arg11[%get3A_955, %get3A_956] {strides = array<i32>} : memref<128x128xf32, #tpu.memory_space<vmem>>, vector<16xf32>,
      %mul3A_958 = arith.mulf %get3A_957, %broadcast_in_dim3A_938 : vector<16xf32>
      %add3A_959 = arith.addf %mul3A_958, %get3A_17 : vector<16xf32>
      %swap3A_960 = arith.index_cast %add3A_935 : i32 to index
      %swap3A_961 = arith.constant 32 : index
      %swap3A_962 = tpu.vector_load %arg11[%swap3A_960, %swap3A_961] {strides = array<i32>} : memref<128x128xf32, #tpu.memory_space<vmem>>, vector<16xf32>,
      tpu.vector_store %arg11[%swap3A_960, %swap3A_961], %add3A_959 {strides = array<i32>} : memref<128x128xf32, #tpu.memory_space<vmem>>, vector<16xf32>,
      %get3A_963 = arith.index_cast %add3A_935 : i32 to index
      %get3A_964 = arith.constant 48 : index
      %get3A_965 = tpu.vector_load %arg11[%get3A_963, %get3A_964] {strides = array<i32>} : memref<128x128xf32, #tpu.memory_space<vmem>>, vector<16xf32>,
      %mul3A_966 = arith.mulf %get3A_965, %broadcast_in_dim3A_938 : vector<16xf32>
      %add3A_967 = arith.addf %mul3A_966, %get3A_19 : vector<16xf32>
      %swap3A_968 = arith.index_cast %add3A_935 : i32 to index
      %swap3A_969 = arith.constant 48 : index
      %swap3A_970 = tpu.vector_load %arg11[%swap3A_968, %swap3A_969] {strides = array<i32>} : memref<128x128xf32, #tpu.memory_space<vmem>>, vector<16xf32>,
      tpu.vector_store %arg11[%swap3A_968, %swap3A_969], %add3A_967 {strides = array<i32>} : memref<128x128xf32, #tpu.memory_space<vmem>>, vector<16xf32>,
      %get3A_971 = arith.index_cast %add3A_935 : i32 to index
      %get3A_972 = arith.constant 64 : index
      %get3A_973 = tpu.vector_load %arg11[%get3A_971, %get3A_972] {strides = array<i32>} : memref<128x128xf32, #tpu.memory_space<vmem>>, vector<16xf32>,
      %mul3A_974 = arith.mulf %get3A_973, %broadcast_in_dim3A_938 : vector<16xf32>
      %add3A_975 = arith.addf %mul3A_974, %get3A_21 : vector<16xf32>
      %swap3A_976 = arith.index_cast %add3A_935 : i32 to index
      %swap3A_977 = arith.constant 64 : index
      %swap3A_978 = tpu.vector_load %arg11[%swap3A_976, %swap3A_977] {strides = array<i32>} : memref<128x128xf32, #tpu.memory_space<vmem>>, vector<16xf32>,
      tpu.vector_store %arg11[%swap3A_976, %swap3A_977], %add3A_975 {strides = array<i32>} : memref<128x128xf32, #tpu.memory_space<vmem>>, vector<16xf32>,
      %get3A_979 = arith.index_cast %add3A_935 : i32 to index
      %get3A_980 = arith.constant 80 : index
      %get3A_981 = tpu.vector_load %arg11[%get3A_979, %get3A_980] {strides = array<i32>} : memref<128x128xf32, #tpu.memory_space<vmem>>, vector<16xf32>,
      %mul3A_982 = arith.mulf %get3A_981, %broadcast_in_dim3A_938 : vector<16xf32>
      %add3A_983 = arith.addf %mul3A_982, %get3A_23 : vector<16xf32>
      %swap3A_984 = arith.index_cast %add3A_935 : i32 to index
      %swap3A_985 = arith.constant 80 : index
      %swap3A_986 = tpu.vector_load %arg11[%swap3A_984, %swap3A_985] {strides = array<i32>} : memref<128x128xf32, #tpu.memory_space<vmem>>, vector<16xf32>,
      tpu.vector_store %arg11[%swap3A_984, %swap3A_985], %add3A_983 {strides = array<i32>} : memref<128x128xf32, #tpu.memory_space<vmem>>, vector<16xf32>,
      %get3A_987 = arith.index_cast %add3A_935 : i32 to index
      %get3A_988 = arith.constant 96 : index
      %get3A_989 = tpu.vector_load %arg11[%get3A_987, %get3A_988] {strides = array<i32>} : memref<128x128xf32, #tpu.memory_space<vmem>>, vector<16xf32>,
      %mul3A_990 = arith.mulf %get3A_989, %broadcast_in_dim3A_938 : vector<16xf32>
      %add3A_991 = arith.addf %mul3A_990, %get3A_25 : vector<16xf32>
      %swap3A_992 = arith.index_cast %add3A_935 : i32 to index
      %swap3A_993 = arith.constant 96 : index
      %swap3A_994 = tpu.vector_load %arg11[%swap3A_992, %swap3A_993] {strides = array<i32>} : memref<128x128xf32, #tpu.memory_space<vmem>>, vector<16xf32>,
      tpu.vector_store %arg11[%swap3A_992, %swap3A_993], %add3A_991 {strides = array<i32>} : memref<128x128xf32, #tpu.memory_space<vmem>>, vector<16xf32>,
      %get3A_995 = arith.index_cast %add3A_935 : i32 to index
      %get3A_996 = arith.constant 112 : index
      %get3A_997 = tpu.vector_load %arg11[%get3A_995, %get3A_996] {strides = array<i32>} : memref<128x128xf32, #tpu.memory_space<vmem>>, vector<16xf32>,
      %mul3A_998 = arith.mulf %get3A_997, %broadcast_in_dim3A_938 : vector<16xf32>
      %add3A_999 = arith.addf %mul3A_998, %get3A_27 : vector<16xf32>
      %swap3A_1000 = arith.index_cast %add3A_935 : i32 to index
      %swap3A_1001 = arith.constant 112 : index
      %swap3A_1002 = tpu.vector_load %arg11[%swap3A_1000, %swap3A_1001] {strides = array<i32>} : memref<128x128xf32, #tpu.memory_space<vmem>>, vector<16xf32>,
      tpu.vector_store %arg11[%swap3A_1000, %swap3A_1001], %add3A_999 {strides = array<i32>} : memref<128x128xf32, #tpu.memory_space<vmem>>, vector<16xf32>,
      %mul3A_1003 = arith.constant 16 : i32
      %mul3A_1004 = arith.muli %scan3A_76, %mul3A_1003 : i32
      %add3A_1005 = arith.constant 13 : i32
      %add3A_1006 = arith.addi %mul3A_1004, %add3A_1005 : i32
      %slice3A_1007 = vector.extract_strided_slice %gather3A {offsets = [13], sizes = [1], strides = [1]} : vector<16xf32> to vector<1xf32>
      %squeeze3A_1008 = vector.extract %slice3A_1007[0] : f32 from vector<1xf32>
      %broadcast_in_dim3A_1009 = vector.broadcast %squeeze3A_1008 : f32 to vector<16xf32>
      %get3A_1010 = arith.index_cast %add3A_1006 : i32 to index
      %get3A_1011 = arith.constant 0 : index
      %get3A_1012 = tpu.vector_load %arg11[%get3A_1010, %get3A_1011] {strides = array<i32>} : memref<128x128xf32, #tpu.memory_space<vmem>>, vector<16xf32>,
      %mul3A_1013 = arith.mulf %get3A_1012, %broadcast_in_dim3A_1009 : vector<16xf32>
      %add3A_1014 = arith.addf %mul3A_1013, %get3A_13 : vector<16xf32>
      %swap3A_1015 = arith.index_cast %add3A_1006 : i32 to index
      %swap3A_1016 = arith.constant 0 : index
      %swap3A_1017 = tpu.vector_load %arg11[%swap3A_1015, %swap3A_1016] {strides = array<i32>} : memref<128x128xf32, #tpu.memory_space<vmem>>, vector<16xf32>,
      tpu.vector_store %arg11[%swap3A_1015, %swap3A_1016], %add3A_1014 {strides = array<i32>} : memref<128x128xf32, #tpu.memory_space<vmem>>, vector<16xf32>,
      %get3A_1018 = arith.index_cast %add3A_1006 : i32 to index
      %get3A_1019 = arith.constant 16 : index
      %get3A_1020 = tpu.vector_load %arg11[%get3A_1018, %get3A_1019] {strides = array<i32>} : memref<128x128xf32, #tpu.memory_space<vmem>>, vector<16xf32>,
      %mul3A_1021 = arith.mulf %get3A_1020, %broadcast_in_dim3A_1009 : vector<16xf32>
      %add3A_1022 = arith.addf %mul3A_1021, %get3A_15 : vector<16xf32>
      %swap3A_1023 = arith.index_cast %add3A_1006 : i32 to index
      %swap3A_1024 = arith.constant 16 : index
      %swap3A_1025 = tpu.vector_load %arg11[%swap3A_1023, %swap3A_1024] {strides = array<i32>} : memref<128x128xf32, #tpu.memory_space<vmem>>, vector<16xf32>,
      tpu.vector_store %arg11[%swap3A_1023, %swap3A_1024], %add3A_1022 {strides = array<i32>} : memref<128x128xf32, #tpu.memory_space<vmem>>, vector<16xf32>,
      %get3A_1026 = arith.index_cast %add3A_1006 : i32 to index
      %get3A_1027 = arith.constant 32 : index
      %get3A_1028 = tpu.vector_load %arg11[%get3A_1026, %get3A_1027] {strides = array<i32>} : memref<128x128xf32, #tpu.memory_space<vmem>>, vector<16xf32>,
      %mul3A_1029 = arith.mulf %get3A_1028, %broadcast_in_dim3A_1009 : vector<16xf32>
      %add3A_1030 = arith.addf %mul3A_1029, %get3A_17 : vector<16xf32>
      %swap3A_1031 = arith.index_cast %add3A_1006 : i32 to index
      %swap3A_1032 = arith.constant 32 : index
      %swap3A_1033 = tpu.vector_load %arg11[%swap3A_1031, %swap3A_1032] {strides = array<i32>} : memref<128x128xf32, #tpu.memory_space<vmem>>, vector<16xf32>,
      tpu.vector_store %arg11[%swap3A_1031, %swap3A_1032], %add3A_1030 {strides = array<i32>} : memref<128x128xf32, #tpu.memory_space<vmem>>, vector<16xf32>,
      %get3A_1034 = arith.index_cast %add3A_1006 : i32 to index
      %get3A_1035 = arith.constant 48 : index
      %get3A_1036 = tpu.vector_load %arg11[%get3A_1034, %get3A_1035] {strides = array<i32>} : memref<128x128xf32, #tpu.memory_space<vmem>>, vector<16xf32>,
      %mul3A_1037 = arith.mulf %get3A_1036, %broadcast_in_dim3A_1009 : vector<16xf32>
      %add3A_1038 = arith.addf %mul3A_1037, %get3A_19 : vector<16xf32>
      %swap3A_1039 = arith.index_cast %add3A_1006 : i32 to index
      %swap3A_1040 = arith.constant 48 : index
      %swap3A_1041 = tpu.vector_load %arg11[%swap3A_1039, %swap3A_1040] {strides = array<i32>} : memref<128x128xf32, #tpu.memory_space<vmem>>, vector<16xf32>,
      tpu.vector_store %arg11[%swap3A_1039, %swap3A_1040], %add3A_1038 {strides = array<i32>} : memref<128x128xf32, #tpu.memory_space<vmem>>, vector<16xf32>,
      %get3A_1042 = arith.index_cast %add3A_1006 : i32 to index
      %get3A_1043 = arith.constant 64 : index
      %get3A_1044 = tpu.vector_load %arg11[%get3A_1042, %get3A_1043] {strides = array<i32>} : memref<128x128xf32, #tpu.memory_space<vmem>>, vector<16xf32>,
      %mul3A_1045 = arith.mulf %get3A_1044, %broadcast_in_dim3A_1009 : vector<16xf32>
      %add3A_1046 = arith.addf %mul3A_1045, %get3A_21 : vector<16xf32>
      %swap3A_1047 = arith.index_cast %add3A_1006 : i32 to index
      %swap3A_1048 = arith.constant 64 : index
      %swap3A_1049 = tpu.vector_load %arg11[%swap3A_1047, %swap3A_1048] {strides = array<i32>} : memref<128x128xf32, #tpu.memory_space<vmem>>, vector<16xf32>,
      tpu.vector_store %arg11[%swap3A_1047, %swap3A_1048], %add3A_1046 {strides = array<i32>} : memref<128x128xf32, #tpu.memory_space<vmem>>, vector<16xf32>,
      %get3A_1050 = arith.index_cast %add3A_1006 : i32 to index
      %get3A_1051 = arith.constant 80 : index
      %get3A_1052 = tpu.vector_load %arg11[%get3A_1050, %get3A_1051] {strides = array<i32>} : memref<128x128xf32, #tpu.memory_space<vmem>>, vector<16xf32>,
      %mul3A_1053 = arith.mulf %get3A_1052, %broadcast_in_dim3A_1009 : vector<16xf32>
      %add3A_1054 = arith.addf %mul3A_1053, %get3A_23 : vector<16xf32>
      %swap3A_1055 = arith.index_cast %add3A_1006 : i32 to index
      %swap3A_1056 = arith.constant 80 : index
      %swap3A_1057 = tpu.vector_load %arg11[%swap3A_1055, %swap3A_1056] {strides = array<i32>} : memref<128x128xf32, #tpu.memory_space<vmem>>, vector<16xf32>,
      tpu.vector_store %arg11[%swap3A_1055, %swap3A_1056], %add3A_1054 {strides = array<i32>} : memref<128x128xf32, #tpu.memory_space<vmem>>, vector<16xf32>,
      %get3A_1058 = arith.index_cast %add3A_1006 : i32 to index
      %get3A_1059 = arith.constant 96 : index
      %get3A_1060 = tpu.vector_load %arg11[%get3A_1058, %get3A_1059] {strides = array<i32>} : memref<128x128xf32, #tpu.memory_space<vmem>>, vector<16xf32>,
      %mul3A_1061 = arith.mulf %get3A_1060, %broadcast_in_dim3A_1009 : vector<16xf32>
      %add3A_1062 = arith.addf %mul3A_1061, %get3A_25 : vector<16xf32>
      %swap3A_1063 = arith.index_cast %add3A_1006 : i32 to index
      %swap3A_1064 = arith.constant 96 : index
      %swap3A_1065 = tpu.vector_load %arg11[%swap3A_1063, %swap3A_1064] {strides = array<i32>} : memref<128x128xf32, #tpu.memory_space<vmem>>, vector<16xf32>,
      tpu.vector_store %arg11[%swap3A_1063, %swap3A_1064], %add3A_1062 {strides = array<i32>} : memref<128x128xf32, #tpu.memory_space<vmem>>, vector<16xf32>,
      %get3A_1066 = arith.index_cast %add3A_1006 : i32 to index
      %get3A_1067 = arith.constant 112 : index
      %get3A_1068 = tpu.vector_load %arg11[%get3A_1066, %get3A_1067] {strides = array<i32>} : memref<128x128xf32, #tpu.memory_space<vmem>>, vector<16xf32>,
      %mul3A_1069 = arith.mulf %get3A_1068, %broadcast_in_dim3A_1009 : vector<16xf32>
      %add3A_1070 = arith.addf %mul3A_1069, %get3A_27 : vector<16xf32>
      %swap3A_1071 = arith.index_cast %add3A_1006 : i32 to index
      %swap3A_1072 = arith.constant 112 : index
      %swap3A_1073 = tpu.vector_load %arg11[%swap3A_1071, %swap3A_1072] {strides = array<i32>} : memref<128x128xf32, #tpu.memory_space<vmem>>, vector<16xf32>,
      tpu.vector_store %arg11[%swap3A_1071, %swap3A_1072], %add3A_1070 {strides = array<i32>} : memref<128x128xf32, #tpu.memory_space<vmem>>, vector<16xf32>,
      %mul3A_1074 = arith.constant 16 : i32
      %mul3A_1075 = arith.muli %scan3A_76, %mul3A_1074 : i32
      %add3A_1076 = arith.constant 14 : i32
      %add3A_1077 = arith.addi %mul3A_1075, %add3A_1076 : i32
      %slice3A_1078 = vector.extract_strided_slice %gather3A {offsets = [14], sizes = [1], strides = [1]} : vector<16xf32> to vector<1xf32>
      %squeeze3A_1079 = vector.extract %slice3A_1078[0] : f32 from vector<1xf32>
      %broadcast_in_dim3A_1080 = vector.broadcast %squeeze3A_1079 : f32 to vector<16xf32>
      %get3A_1081 = arith.index_cast %add3A_1077 : i32 to index
      %get3A_1082 = arith.constant 0 : index
      %get3A_1083 = tpu.vector_load %arg11[%get3A_1081, %get3A_1082] {strides = array<i32>} : memref<128x128xf32, #tpu.memory_space<vmem>>, vector<16xf32>,
      %mul3A_1084 = arith.mulf %get3A_1083, %broadcast_in_dim3A_1080 : vector<16xf32>
      %add3A_1085 = arith.addf %mul3A_1084, %get3A_13 : vector<16xf32>
      %swap3A_1086 = arith.index_cast %add3A_1077 : i32 to index
      %swap3A_1087 = arith.constant 0 : index
      %swap3A_1088 = tpu.vector_load %arg11[%swap3A_1086, %swap3A_1087] {strides = array<i32>} : memref<128x128xf32, #tpu.memory_space<vmem>>, vector<16xf32>,
      tpu.vector_store %arg11[%swap3A_1086, %swap3A_1087], %add3A_1085 {strides = array<i32>} : memref<128x128xf32, #tpu.memory_space<vmem>>, vector<16xf32>,
      %get3A_1089 = arith.index_cast %add3A_1077 : i32 to index
      %get3A_1090 = arith.constant 16 : index
      %get3A_1091 = tpu.vector_load %arg11[%get3A_1089, %get3A_1090] {strides = array<i32>} : memref<128x128xf32, #tpu.memory_space<vmem>>, vector<16xf32>,
      %mul3A_1092 = arith.mulf %get3A_1091, %broadcast_in_dim3A_1080 : vector<16xf32>
      %add3A_1093 = arith.addf %mul3A_1092, %get3A_15 : vector<16xf32>
      %swap3A_1094 = arith.index_cast %add3A_1077 : i32 to index
      %swap3A_1095 = arith.constant 16 : index
      %swap3A_1096 = tpu.vector_load %arg11[%swap3A_1094, %swap3A_1095] {strides = array<i32>} : memref<128x128xf32, #tpu.memory_space<vmem>>, vector<16xf32>,
      tpu.vector_store %arg11[%swap3A_1094, %swap3A_1095], %add3A_1093 {strides = array<i32>} : memref<128x128xf32, #tpu.memory_space<vmem>>, vector<16xf32>,
      %get3A_1097 = arith.index_cast %add3A_1077 : i32 to index
      %get3A_1098 = arith.constant 32 : index
      %get3A_1099 = tpu.vector_load %arg11[%get3A_1097, %get3A_1098] {strides = array<i32>} : memref<128x128xf32, #tpu.memory_space<vmem>>, vector<16xf32>,
      %mul3A_1100 = arith.mulf %get3A_1099, %broadcast_in_dim3A_1080 : vector<16xf32>
      %add3A_1101 = arith.addf %mul3A_1100, %get3A_17 : vector<16xf32>
      %swap3A_1102 = arith.index_cast %add3A_1077 : i32 to index
      %swap3A_1103 = arith.constant 32 : index
      %swap3A_1104 = tpu.vector_load %arg11[%swap3A_1102, %swap3A_1103] {strides = array<i32>} : memref<128x128xf32, #tpu.memory_space<vmem>>, vector<16xf32>,
      tpu.vector_store %arg11[%swap3A_1102, %swap3A_1103], %add3A_1101 {strides = array<i32>} : memref<128x128xf32, #tpu.memory_space<vmem>>, vector<16xf32>,
      %get3A_1105 = arith.index_cast %add3A_1077 : i32 to index
      %get3A_1106 = arith.constant 48 : index
      %get3A_1107 = tpu.vector_load %arg11[%get3A_1105, %get3A_1106] {strides = array<i32>} : memref<128x128xf32, #tpu.memory_space<vmem>>, vector<16xf32>,
      %mul3A_1108 = arith.mulf %get3A_1107, %broadcast_in_dim3A_1080 : vector<16xf32>
      %add3A_1109 = arith.addf %mul3A_1108, %get3A_19 : vector<16xf32>
      %swap3A_1110 = arith.index_cast %add3A_1077 : i32 to index
      %swap3A_1111 = arith.constant 48 : index
      %swap3A_1112 = tpu.vector_load %arg11[%swap3A_1110, %swap3A_1111] {strides = array<i32>} : memref<128x128xf32, #tpu.memory_space<vmem>>, vector<16xf32>,
      tpu.vector_store %arg11[%swap3A_1110, %swap3A_1111], %add3A_1109 {strides = array<i32>} : memref<128x128xf32, #tpu.memory_space<vmem>>, vector<16xf32>,
      %get3A_1113 = arith.index_cast %add3A_1077 : i32 to index
      %get3A_1114 = arith.constant 64 : index
      %get3A_1115 = tpu.vector_load %arg11[%get3A_1113, %get3A_1114] {strides = array<i32>} : memref<128x128xf32, #tpu.memory_space<vmem>>, vector<16xf32>,
      %mul3A_1116 = arith.mulf %get3A_1115, %broadcast_in_dim3A_1080 : vector<16xf32>
      %add3A_1117 = arith.addf %mul3A_1116, %get3A_21 : vector<16xf32>
      %swap3A_1118 = arith.index_cast %add3A_1077 : i32 to index
      %swap3A_1119 = arith.constant 64 : index
      %swap3A_1120 = tpu.vector_load %arg11[%swap3A_1118, %swap3A_1119] {strides = array<i32>} : memref<128x128xf32, #tpu.memory_space<vmem>>, vector<16xf32>,
      tpu.vector_store %arg11[%swap3A_1118, %swap3A_1119], %add3A_1117 {strides = array<i32>} : memref<128x128xf32, #tpu.memory_space<vmem>>, vector<16xf32>,
      %get3A_1121 = arith.index_cast %add3A_1077 : i32 to index
      %get3A_1122 = arith.constant 80 : index
      %get3A_1123 = tpu.vector_load %arg11[%get3A_1121, %get3A_1122] {strides = array<i32>} : memref<128x128xf32, #tpu.memory_space<vmem>>, vector<16xf32>,
      %mul3A_1124 = arith.mulf %get3A_1123, %broadcast_in_dim3A_1080 : vector<16xf32>
      %add3A_1125 = arith.addf %mul3A_1124, %get3A_23 : vector<16xf32>
      %swap3A_1126 = arith.index_cast %add3A_1077 : i32 to index
      %swap3A_1127 = arith.constant 80 : index
      %swap3A_1128 = tpu.vector_load %arg11[%swap3A_1126, %swap3A_1127] {strides = array<i32>} : memref<128x128xf32, #tpu.memory_space<vmem>>, vector<16xf32>,
      tpu.vector_store %arg11[%swap3A_1126, %swap3A_1127], %add3A_1125 {strides = array<i32>} : memref<128x128xf32, #tpu.memory_space<vmem>>, vector<16xf32>,
      %get3A_1129 = arith.index_cast %add3A_1077 : i32 to index
      %get3A_1130 = arith.constant 96 : index
      %get3A_1131 = tpu.vector_load %arg11[%get3A_1129, %get3A_1130] {strides = array<i32>} : memref<128x128xf32, #tpu.memory_space<vmem>>, vector<16xf32>,
      %mul3A_1132 = arith.mulf %get3A_1131, %broadcast_in_dim3A_1080 : vector<16xf32>
      %add3A_1133 = arith.addf %mul3A_1132, %get3A_25 : vector<16xf32>
      %swap3A_1134 = arith.index_cast %add3A_1077 : i32 to index
      %swap3A_1135 = arith.constant 96 : index
      %swap3A_1136 = tpu.vector_load %arg11[%swap3A_1134, %swap3A_1135] {strides = array<i32>} : memref<128x128xf32, #tpu.memory_space<vmem>>, vector<16xf32>,
      tpu.vector_store %arg11[%swap3A_1134, %swap3A_1135], %add3A_1133 {strides = array<i32>} : memref<128x128xf32, #tpu.memory_space<vmem>>, vector<16xf32>,
      %get3A_1137 = arith.index_cast %add3A_1077 : i32 to index
      %get3A_1138 = arith.constant 112 : index
      %get3A_1139 = tpu.vector_load %arg11[%get3A_1137, %get3A_1138] {strides = array<i32>} : memref<128x128xf32, #tpu.memory_space<vmem>>, vector<16xf32>,
      %mul3A_1140 = arith.mulf %get3A_1139, %broadcast_in_dim3A_1080 : vector<16xf32>
      %add3A_1141 = arith.addf %mul3A_1140, %get3A_27 : vector<16xf32>
      %swap3A_1142 = arith.index_cast %add3A_1077 : i32 to index
      %swap3A_1143 = arith.constant 112 : index
      %swap3A_1144 = tpu.vector_load %arg11[%swap3A_1142, %swap3A_1143] {strides = array<i32>} : memref<128x128xf32, #tpu.memory_space<vmem>>, vector<16xf32>,
      tpu.vector_store %arg11[%swap3A_1142, %swap3A_1143], %add3A_1141 {strides = array<i32>} : memref<128x128xf32, #tpu.memory_space<vmem>>, vector<16xf32>,
      %mul3A_1145 = arith.constant 16 : i32
      %mul3A_1146 = arith.muli %scan3A_76, %mul3A_1145 : i32
      %add3A_1147 = arith.constant 15 : i32
      %add3A_1148 = arith.addi %mul3A_1146, %add3A_1147 : i32
      %slice3A_1149 = vector.extract_strided_slice %gather3A {offsets = [15], sizes = [1], strides = [1]} : vector<16xf32> to vector<1xf32>
      %squeeze3A_1150 = vector.extract %slice3A_1149[0] : f32 from vector<1xf32>
      %broadcast_in_dim3A_1151 = vector.broadcast %squeeze3A_1150 : f32 to vector<16xf32>
      %get3A_1152 = arith.index_cast %add3A_1148 : i32 to index
      %get3A_1153 = arith.constant 0 : index
      %get3A_1154 = tpu.vector_load %arg11[%get3A_1152, %get3A_1153] {strides = array<i32>} : memref<128x128xf32, #tpu.memory_space<vmem>>, vector<16xf32>,
      %mul3A_1155 = arith.mulf %get3A_1154, %broadcast_in_dim3A_1151 : vector<16xf32>
      %add3A_1156 = arith.addf %mul3A_1155, %get3A_13 : vector<16xf32>
      %swap3A_1157 = arith.index_cast %add3A_1148 : i32 to index
      %swap3A_1158 = arith.constant 0 : index
      %swap3A_1159 = tpu.vector_load %arg11[%swap3A_1157, %swap3A_1158] {strides = array<i32>} : memref<128x128xf32, #tpu.memory_space<vmem>>, vector<16xf32>,
      tpu.vector_store %arg11[%swap3A_1157, %swap3A_1158], %add3A_1156 {strides = array<i32>} : memref<128x128xf32, #tpu.memory_space<vmem>>, vector<16xf32>,
      %get3A_1160 = arith.index_cast %add3A_1148 : i32 to index
      %get3A_1161 = arith.constant 16 : index
      %get3A_1162 = tpu.vector_load %arg11[%get3A_1160, %get3A_1161] {strides = array<i32>} : memref<128x128xf32, #tpu.memory_space<vmem>>, vector<16xf32>,
      %mul3A_1163 = arith.mulf %get3A_1162, %broadcast_in_dim3A_1151 : vector<16xf32>
      %add3A_1164 = arith.addf %mul3A_1163, %get3A_15 : vector<16xf32>
      %swap3A_1165 = arith.index_cast %add3A_1148 : i32 to index
      %swap3A_1166 = arith.constant 16 : index
      %swap3A_1167 = tpu.vector_load %arg11[%swap3A_1165, %swap3A_1166] {strides = array<i32>} : memref<128x128xf32, #tpu.memory_space<vmem>>, vector<16xf32>,
      tpu.vector_store %arg11[%swap3A_1165, %swap3A_1166], %add3A_1164 {strides = array<i32>} : memref<128x128xf32, #tpu.memory_space<vmem>>, vector<16xf32>,
      %get3A_1168 = arith.index_cast %add3A_1148 : i32 to index
      %get3A_1169 = arith.constant 32 : index
      %get3A_1170 = tpu.vector_load %arg11[%get3A_1168, %get3A_1169] {strides = array<i32>} : memref<128x128xf32, #tpu.memory_space<vmem>>, vector<16xf32>,
      %mul3A_1171 = arith.mulf %get3A_1170, %broadcast_in_dim3A_1151 : vector<16xf32>
      %add3A_1172 = arith.addf %mul3A_1171, %get3A_17 : vector<16xf32>
      %swap3A_1173 = arith.index_cast %add3A_1148 : i32 to index
      %swap3A_1174 = arith.constant 32 : index
      %swap3A_1175 = tpu.vector_load %arg11[%swap3A_1173, %swap3A_1174] {strides = array<i32>} : memref<128x128xf32, #tpu.memory_space<vmem>>, vector<16xf32>,
      tpu.vector_store %arg11[%swap3A_1173, %swap3A_1174], %add3A_1172 {strides = array<i32>} : memref<128x128xf32, #tpu.memory_space<vmem>>, vector<16xf32>,
      %get3A_1176 = arith.index_cast %add3A_1148 : i32 to index
      %get3A_1177 = arith.constant 48 : index
      %get3A_1178 = tpu.vector_load %arg11[%get3A_1176, %get3A_1177] {strides = array<i32>} : memref<128x128xf32, #tpu.memory_space<vmem>>, vector<16xf32>,
      %mul3A_1179 = arith.mulf %get3A_1178, %broadcast_in_dim3A_1151 : vector<16xf32>
      %add3A_1180 = arith.addf %mul3A_1179, %get3A_19 : vector<16xf32>
      %swap3A_1181 = arith.index_cast %add3A_1148 : i32 to index
      %swap3A_1182 = arith.constant 48 : index
      %swap3A_1183 = tpu.vector_load %arg11[%swap3A_1181, %swap3A_1182] {strides = array<i32>} : memref<128x128xf32, #tpu.memory_space<vmem>>, vector<16xf32>,
      tpu.vector_store %arg11[%swap3A_1181, %swap3A_1182], %add3A_1180 {strides = array<i32>} : memref<128x128xf32, #tpu.memory_space<vmem>>, vector<16xf32>,
      %get3A_1184 = arith.index_cast %add3A_1148 : i32 to index
      %get3A_1185 = arith.constant 64 : index
      %get3A_1186 = tpu.vector_load %arg11[%get3A_1184, %get3A_1185] {strides = array<i32>} : memref<128x128xf32, #tpu.memory_space<vmem>>, vector<16xf32>,
      %mul3A_1187 = arith.mulf %get3A_1186, %broadcast_in_dim3A_1151 : vector<16xf32>
      %add3A_1188 = arith.addf %mul3A_1187, %get3A_21 : vector<16xf32>
      %swap3A_1189 = arith.index_cast %add3A_1148 : i32 to index
      %swap3A_1190 = arith.constant 64 : index
      %swap3A_1191 = tpu.vector_load %arg11[%swap3A_1189, %swap3A_1190] {strides = array<i32>} : memref<128x128xf32, #tpu.memory_space<vmem>>, vector<16xf32>,
      tpu.vector_store %arg11[%swap3A_1189, %swap3A_1190], %add3A_1188 {strides = array<i32>} : memref<128x128xf32, #tpu.memory_space<vmem>>, vector<16xf32>,
      %get3A_1192 = arith.index_cast %add3A_1148 : i32 to index
      %get3A_1193 = arith.constant 80 : index
      %get3A_1194 = tpu.vector_load %arg11[%get3A_1192, %get3A_1193] {strides = array<i32>} : memref<128x128xf32, #tpu.memory_space<vmem>>, vector<16xf32>,
      %mul3A_1195 = arith.mulf %get3A_1194, %broadcast_in_dim3A_1151 : vector<16xf32>
      %add3A_1196 = arith.addf %mul3A_1195, %get3A_23 : vector<16xf32>
      %swap3A_1197 = arith.index_cast %add3A_1148 : i32 to index
      %swap3A_1198 = arith.constant 80 : index
      %swap3A_1199 = tpu.vector_load %arg11[%swap3A_1197, %swap3A_1198] {strides = array<i32>} : memref<128x128xf32, #tpu.memory_space<vmem>>, vector<16xf32>,
      tpu.vector_store %arg11[%swap3A_1197, %swap3A_1198], %add3A_1196 {strides = array<i32>} : memref<128x128xf32, #tpu.memory_space<vmem>>, vector<16xf32>,
      %get3A_1200 = arith.index_cast %add3A_1148 : i32 to index
      %get3A_1201 = arith.constant 96 : index
      %get3A_1202 = tpu.vector_load %arg11[%get3A_1200, %get3A_1201] {strides = array<i32>} : memref<128x128xf32, #tpu.memory_space<vmem>>, vector<16xf32>,
      %mul3A_1203 = arith.mulf %get3A_1202, %broadcast_in_dim3A_1151 : vector<16xf32>
      %add3A_1204 = arith.addf %mul3A_1203, %get3A_25 : vector<16xf32>
      %swap3A_1205 = arith.index_cast %add3A_1148 : i32 to index
      %swap3A_1206 = arith.constant 96 : index
      %swap3A_1207 = tpu.vector_load %arg11[%swap3A_1205, %swap3A_1206] {strides = array<i32>} : memref<128x128xf32, #tpu.memory_space<vmem>>, vector<16xf32>,
      tpu.vector_store %arg11[%swap3A_1205, %swap3A_1206], %add3A_1204 {strides = array<i32>} : memref<128x128xf32, #tpu.memory_space<vmem>>, vector<16xf32>,
      %get3A_1208 = arith.index_cast %add3A_1148 : i32 to index
      %get3A_1209 = arith.constant 112 : index
      %get3A_1210 = tpu.vector_load %arg11[%get3A_1208, %get3A_1209] {strides = array<i32>} : memref<128x128xf32, #tpu.memory_space<vmem>>, vector<16xf32>,
      %mul3A_1211 = arith.mulf %get3A_1210, %broadcast_in_dim3A_1151 : vector<16xf32>
      %add3A_1212 = arith.addf %mul3A_1211, %get3A_27 : vector<16xf32>
      %swap3A_1213 = arith.index_cast %add3A_1148 : i32 to index
      %swap3A_1214 = arith.constant 112 : index
      %swap3A_1215 = tpu.vector_load %arg11[%swap3A_1213, %swap3A_1214] {strides = array<i32>} : memref<128x128xf32, #tpu.memory_space<vmem>>, vector<16xf32>,
      tpu.vector_store %arg11[%swap3A_1213, %swap3A_1214], %add3A_1212 {strides = array<i32>} : memref<128x128xf32, #tpu.memory_space<vmem>>, vector<16xf32>,
    }
    %scan3A_59 = arith.constant 8 : i32
    %run_scoped3A_60 = arith.constant 2 : i32
    "tpu.region"() ({
      %run_scoped3A_76 = tpu.sem_alloc : memref<!tpu.dma_semaphore, #tpu.memory_space<semaphore_mem>>
      %dma_start3A_77 = arith.constant 0 : i32
      %dma_start3A_78 = tpu.memref_slice %arg7[%run_scoped3A_60, %dma_start3A_77] : memref<3x128xi32, #tpu.memory_space<vmem>> -> memref<1x128xi32, #tpu.memory_space<vmem>>
      %dma_start3A_79 = tpu.memref_squeeze %dma_start3A_78 : memref<1x128xi32, #tpu.memory_space<vmem>> -> memref<128xi32, #tpu.memory_space<vmem>>
      %dma_start3A_80 = arith.constant 0 : i32
      %dma_start3A_81 = arith.constant 0 : i32
      %dma_start3A_82 = tpu.memref_slice %arg14[%dma_start3A_80, %dma_start3A_81] : memref<10008x128xf32, #tpu.memory_space<vmem_shared>> -> memref<10008x128xf32, #tpu.memory_space<vmem_shared>>
      tpu.enqueue_indirect_dma source(%arg11 : memref<128x128xf32, #tpu.memory_space<vmem>>) target(%dma_start3A_82 : memref<10008x128xf32, #tpu.memory_space<vmem_shared>>) offsets(%dma_start3A_79 : memref<128xi32, #tpu.memory_space<vmem>>) semaphore(%run_scoped3A_76 : memref<!tpu.dma_semaphore, #tpu.memory_space<semaphore_mem>>) {add = true}
      %dma_wait3A_83 = arith.constant 0 : i32
      %dma_wait3A_84 = tpu.memref_slice %arg7[%run_scoped3A_60, %dma_wait3A_83] : memref<3x128xi32, #tpu.memory_space<vmem>> -> memref<1x128xi32, #tpu.memory_space<vmem>>
      %dma_wait3A_85 = tpu.memref_squeeze %dma_wait3A_84 : memref<1x128xi32, #tpu.memory_space<vmem>> -> memref<128xi32, #tpu.memory_space<vmem>>
      %dma_wait3A_86 = arith.constant 0 : i32
      %dma_wait3A_87 = arith.constant 0 : i32
      %dma_wait3A_88 = tpu.memref_slice %arg14[%dma_wait3A_86, %dma_wait3A_87] : memref<10008x128xf32, #tpu.memory_space<vmem_shared>> -> memref<10008x128xf32, #tpu.memory_space<vmem_shared>>
      tpu.wait_indirect_dma semaphore(%run_scoped3A_76 : memref<!tpu.dma_semaphore, #tpu.memory_space<semaphore_mem>>) src(%arg11 : memref<128x128xf32, #tpu.memory_space<vmem>>) dst(%dma_wait3A_88 : memref<10008x128xf32, #tpu.memory_space<vmem_shared>>)
      tpu.yield
    }) : () -> ()
    %dma_wait3A_61 = arith.constant 0 : i32
    %dma_wait3A_62 = arith.constant 0 : i32
    %dma_wait3A_63 = arith.constant 0 : i32
    %dma_wait3A_64 = tpu.memref_slice %arg2[%add3A, %dma_wait3A_61, %dma_wait3A_62, %dma_wait3A_63] : memref<32x80x3x128xi32, #tpu.memory_space<hbm>> -> memref<1x1x3x128xi32, #tpu.memory_space<hbm>>
    %dma_wait3A_65 = tpu.memref_squeeze %dma_wait3A_64 : memref<1x1x3x128xi32, #tpu.memory_space<hbm>> -> memref<3x128xi32, #tpu.memory_space<hbm>>
    %dma_wait3A_66 = arith.constant 0 : i32
    %dma_wait3A_67 = arith.constant 0 : i32
    %dma_wait3A_68 = tpu.memref_slice %arg2[%add3A, %dma_wait3A_61, %dma_wait3A_66, %dma_wait3A_67] : memref<32x80x3x128xi32, #tpu.memory_space<hbm>> -> memref<1x1x3x128xi32, #tpu.memory_space<hbm>>
    %dma_wait3A_69 = tpu.memref_squeeze %dma_wait3A_68 : memref<1x1x3x128xi32, #tpu.memory_space<hbm>> -> memref<3x128xi32, #tpu.memory_space<hbm>>
    tpu.wait_dma2 semaphore(%arg18 : memref<!tpu.dma_semaphore, #tpu.memory_space<semaphore_mem>>) src(%dma_wait3A_69 : memref<3x128xi32, #tpu.memory_space<hbm>>) dst(%arg8 : memref<3x128xi32, #tpu.memory_space<vmem>>)
    %barrier3A_70 = arith.constant 0 : index
    tpu.barrier barrier_id(%barrier3A_70)
    %lt3A_71 = arith.constant 10 : i32
    %lt3A_72 = arith.cmpi slt, %arg1, %lt3A_71 : i32
    %convert_element_type3A_73 = arith.extui %lt3A_72 : i1 to i32
    %cond3A_74 = arith.constant 0 : i32
    %cond3A_75 = arith.cmpi ne, %convert_element_type3A_73, %cond3A_74 : i32
    scf.if %cond3A_75 {
      %mul3A_76 = arith.constant 1000 : i32
      %mul3A_77 = arith.muli %arg1, %mul3A_76 : i32
      %mul3A_78 = arith.constant 1000 : i32
      %mul3A_79 = arith.muli %arg1, %mul3A_78 : i32
      "tpu.region"() ({
        %run_scoped3A_80 = tpu.sem_alloc : memref<!tpu.dma_semaphore, #tpu.memory_space<semaphore_mem>>
        %dma_start3A_81 = arith.constant 0 : i32
        %dma_start3A_82 = tpu.memref_slice %arg6[%arg0, %mul3A_79, %dma_start3A_81] : memref<2x10000x128xf32, #tpu.memory_space<hbm>> -> memref<1x1000x128xf32, #tpu.memory_space<hbm>>
        %dma_start3A_83 = tpu.memref_squeeze %dma_start3A_82 : memref<1x1000x128xf32, #tpu.memory_space<hbm>> -> memref<1000x128xf32, #tpu.memory_space<hbm>>
        %dma_start3A_84 = arith.constant 0 : i32
        %dma_start3A_85 = tpu.memref_slice %arg14[%mul3A_77, %dma_start3A_84] : memref<10008x128xf32, #tpu.memory_space<vmem_shared>> -> memref<1000x128xf32, #tpu.memory_space<vmem_shared>>
        tpu.enqueue_dma source(%dma_start3A_85 : memref<1000x128xf32, #tpu.memory_space<vmem_shared>>) target(%dma_start3A_83 : memref<1000x128xf32, #tpu.memory_space<hbm>>) target_semaphore(%run_scoped3A_80 : memref<!tpu.dma_semaphore, #tpu.memory_space<semaphore_mem>>)
        %dma_wait3A_86 = arith.constant 0 : i32
        %dma_wait3A_87 = tpu.memref_slice %arg6[%arg0, %mul3A_79, %dma_wait3A_86] : memref<2x10000x128xf32, #tpu.memory_space<hbm>> -> memref<1x1000x128xf32, #tpu.memory_space<hbm>>
        %dma_wait3A_88 = tpu.memref_squeeze %dma_wait3A_87 : memref<1x1000x128xf32, #tpu.memory_space<hbm>> -> memref<1000x128xf32, #tpu.memory_space<hbm>>
        %dma_wait3A_89 = arith.constant 0 : i32
        %dma_wait3A_90 = tpu.memref_slice %arg14[%mul3A_77, %dma_wait3A_89] : memref<10008x128xf32, #tpu.memory_space<vmem_shared>> -> memref<1000x128xf32, #tpu.memory_space<vmem_shared>>
        tpu.wait_dma2 semaphore(%run_scoped3A_80 : memref<!tpu.dma_semaphore, #tpu.memory_space<semaphore_mem>>) src(%dma_wait3A_90 : memref<1000x128xf32, #tpu.memory_space<vmem_shared>>) dst(%dma_wait3A_88 : memref<1000x128xf32, #tpu.memory_space<hbm>>)
        tpu.yield
      }) : () -> ()
    } else {
    }
    return
  }
}

module attributes {stable_mosaic.version = 14 : i64} {
  func.func @_matmul_body(%arg0: i32, %arg1: memref<1000x128xf32, #tpu.memory_space<vmem>>, %arg2: memref<128x128xf32, #tpu.memory_space<vmem>>, %arg3: memref<1000x128xf32, #tpu.memory_space<vmem>>) attributes {dimension_semantics = [#tpu.dimension_semantics<arbitrary>], iteration_bounds = array<i64: 10>, scalar_prefetch = 0 : i64, scratch_operands = 0 : i64, tpu.core_type = #tpu.core_type<tc>, window_params = [{transform_indices = @transform_0, window_bounds = array<i64: 1000, 128>}, {pipeline_mode = #tpu.pipeline_mode<synchronous>, transform_indices = @transform_1, window_bounds = array<i64: 128, 128>}, {transform_indices = @transform_2, window_bounds = array<i64: 1000, 128>}]} {
    %get3A = arith.constant 0 : index
    %get3A_0 = arith.constant 0 : index
    %get3A_1 = vector.load %arg1[%get3A, %get3A_0] : memref<1000x128xf32, #tpu.memory_space<vmem>>, vector<1000x128xf32>
    %get3A_2 = arith.constant 0 : index
    %get3A_3 = arith.constant 0 : index
    %get3A_4 = vector.load %arg2[%get3A_2, %get3A_3] : memref<128x128xf32, #tpu.memory_space<vmem>>, vector<128x128xf32>
    %dot_general3A = arith.constant dense<0.000000e+00> : vector<1000x128xf32>
    %dot_general3A_5 = tpu.matmul %get3A_1, %get3A_4, %dot_general3A {dimension_numbers = #tpu.dot_dimension_numbers<[1], [0], [0], [1], [0, 0, 1, 1], [], []>, transpose_lhs_hint = false} : vector<1000x128xf32>, vector<128x128xf32>, vector<1000x128xf32> -> vector<1000x128xf32>
    %swap3A = arith.constant 0 : index
    %swap3A_6 = arith.constant 0 : index
    %swap3A_7 = vector.load %arg3[%swap3A, %swap3A_6] : memref<1000x128xf32, #tpu.memory_space<vmem>>, vector<1000x128xf32>
    tpu.vector_store %arg3[%swap3A, %swap3A_6], %dot_general3A_5 {strides = array<i32>} : memref<1000x128xf32, #tpu.memory_space<vmem>>, vector<1000x128xf32>,
    return
  }
  func.func @transform_0(%arg0: i32) -> (i32, i32) {
    %c0_i32 = arith.constant 0 : i32
    %c0_i32_0 = arith.constant 0 : i32
    return %arg0, %c0_i32 : i32, i32
  }
  func.func @transform_1(%arg0: i32) -> (i32, i32) {
    %c0_i32 = arith.constant 0 : i32
    %c0_i32_0 = arith.constant 0 : i32
    %c0_i32_1 = arith.constant 0 : i32
    return %c0_i32, %c0_i32_0 : i32, i32
  }
  func.func @transform_2(%arg0: i32) -> (i32, i32) {
    %c0_i32 = arith.constant 0 : i32
    %c0_i32_0 = arith.constant 0 : i32
    return %arg0, %c0_i32 : i32, i32
  }
}

module attributes {stable_mosaic.version = 14 : i64} {
  func.func @_combine_body(%arg0: i32, %arg1: memref<1000x128xf32, #tpu.memory_space<vmem>>, %arg2: memref<1x128xf32, #tpu.memory_space<vmem>>, %arg3: memref<1000x128xf32, #tpu.memory_space<vmem>>, %arg4: memref<1000x128xf32, #tpu.memory_space<vmem>>, %arg5: memref<1000x128xf32, #tpu.memory_space<vmem>>) attributes {dimension_semantics = [#tpu.dimension_semantics<arbitrary>], iteration_bounds = array<i64: 10>, scalar_prefetch = 0 : i64, scratch_operands = 0 : i64, tpu.core_type = #tpu.core_type<tc>, window_params = [{transform_indices = @transform_0, window_bounds = array<i64: 1000, 128>}, {pipeline_mode = #tpu.pipeline_mode<synchronous>, transform_indices = @transform_1, window_bounds = array<i64: 1, 128>}, {transform_indices = @transform_2, window_bounds = array<i64: 1000, 128>}, {transform_indices = @transform_3, window_bounds = array<i64: 1000, 128>}, {transform_indices = @transform_4, window_bounds = array<i64: 1000, 128>}]} {
    %get3A = arith.constant 0 : index
    %get3A_0 = arith.constant 0 : index
    %get3A_1 = vector.load %arg1[%get3A, %get3A_0] : memref<1000x128xf32, #tpu.memory_space<vmem>>, vector<1000x128xf32>
    %get3A_2 = arith.constant 0 : index
    %get3A_3 = arith.constant 0 : index
    %get3A_4 = vector.load %arg2[%get3A_2, %get3A_3] : memref<1x128xf32, #tpu.memory_space<vmem>>, vector<1x128xf32>
    %add3A = vector.broadcast %get3A_4 : vector<1x128xf32> to vector<1000x128xf32>
    %add3A_5 = arith.addf %get3A_1, %add3A : vector<1000x128xf32>
    %get3A_6 = arith.constant 0 : index
    %get3A_7 = arith.constant 0 : index
    %get3A_8 = vector.load %arg3[%get3A_6, %get3A_7] : memref<1000x128xf32, #tpu.memory_space<vmem>>, vector<1000x128xf32>
    %get3A_9 = arith.constant 0 : index
    %get3A_10 = arith.constant 0 : index
    %get3A_11 = vector.load %arg4[%get3A_9, %get3A_10] : memref<1000x128xf32, #tpu.memory_space<vmem>>, vector<1000x128xf32>
    %add3A_12 = arith.addf %get3A_8, %get3A_11 : vector<1000x128xf32>
    %add3A_13 = arith.addf %add3A_5, %add3A_12 : vector<1000x128xf32>
    %swap3A = arith.constant 0 : index
    %swap3A_14 = arith.constant 0 : index
    %swap3A_15 = vector.load %arg5[%swap3A, %swap3A_14] : memref<1000x128xf32, #tpu.memory_space<vmem>>, vector<1000x128xf32>
    tpu.vector_store %arg5[%swap3A, %swap3A_14], %add3A_13 {strides = array<i32>} : memref<1000x128xf32, #tpu.memory_space<vmem>>, vector<1000x128xf32>,
    return
  }
  func.func @transform_0(%arg0: i32) -> (i32, i32) {
    %c0_i32 = arith.constant 0 : i32
    %c0_i32_0 = arith.constant 0 : i32
    return %arg0, %c0_i32 : i32, i32
  }
  func.func @transform_1(%arg0: i32) -> (i32, i32) {
    %c0_i32 = arith.constant 0 : i32
    %c0_i32_0 = arith.constant 0 : i32
    %c0_i32_1 = arith.constant 0 : i32
    return %c0_i32, %c0_i32_0 : i32, i32
  }
  func.func @transform_2(%arg0: i32) -> (i32, i32) {
    %c0_i32 = arith.constant 0 : i32
    %c0_i32_0 = arith.constant 0 : i32
    return %arg0, %c0_i32 : i32, i32
  }
  func.func @transform_3(%arg0: i32) -> (i32, i32) {
    %c0_i32 = arith.constant 0 : i32
    %c0_i32_0 = arith.constant 0 : i32
    return %arg0, %c0_i32 : i32, i32
  }
  func.func @transform_4(%arg0: i32) -> (i32, i32) {
    %c0_i32 = arith.constant 0 : i32
    %c0_i32_0 = arith.constant 0 : i32
    return %arg0, %c0_i32 : i32, i32
  }
}

</mosaic_0001>

<sc_bundles>
// kernel: kernel.5.cloned.1.call-start
scs
__scs_entry_jumppad:
0x0: {  	(pc) =	sbr.rel $0x88, $3  }
0x1: {  	(tag) =	ssettag $0x0;
	lr =	simm.s32 $0x1  }
0x2: {  	[smem:$0x3F9C] =	sst lr;
	_ =	strace $0xD0000000  }
0x3: {  	_ = 	snop  }
0x4: {  	_ = 	snop  }
0x5: {  	_ = 	snop  }
0x6: {  	_ = 	snop  }
0x7: {  	_ = 	snop  }
__scs_overlays_trampoline_lowered:
0x8: {  	[smem:$0x3FAB] =	sst s0  }
0x9: {  	[smem:$0x3FAC] =	sst s1  }
0xa: {  	[smem:$0x3FAD] =	sst s2  }
0xb: {  	[smem:$0x3FAE] =	sst s3  }
0xc: {  	[smem:$0x3FAF] =	sst s4  }
0xd: {  	[smem:$0x3FB0] =	sst s5  }
0xe: {  	[smem:$0x3FB1] =	sst s6  }
0xf: {  	[smem:$0x3FB2] =	sst s7  }
0x10: {  	[smem:$0x3FB3] =	sst s8  }
0x11: {  	[smem:$0x3FB4] =	sst s9;
	s0 =	simm.s32 @!p0 $0x0  }
0x12: {  	s1 =	sld [smem:$0x3F9A];
	s0 =	simm.s32 @p0 $0x1  }
0x13: {  	[smem:$0x3FB5] =	sst s0;
	s0 =	simm.s32 @!p1 $0x0  }
0x14: {  	s2 =	sld [smem:$0x3F99];
	s0 =	simm.s32 @p1 $0x1  }
0x15: {  	[smem:$0x3FB6] =	sst s0;
	s0 =	simm.s32 @!p2 $0x0  }
0x16: {  	s3 =	sld [smem:$0x3FDB];
	s0 =	simm.s32 @p2 $0x1  }
0x17: {  	s4 =	simm.s32 $0x1BF5;
	[smem:$0x3FB8] =	sst s0  }
0x18: {  	s0 =	sld [smem:$0x3F9B];
	_ =	swait.ge [sflag:s4], $0x0  }
0x19: {  	s7 =	sld [smem:$0x3F9C]  }
0x1a: {  	s8 =	sadd.s32 $0xFFFFE003, lr  }
0x1b: {  	s9 =	sadd.s32 $0xFFFFFEF7, lr;
	s5 =	simm.s32 $0xFFFFFFFF;
	p2 =	slt.u32 s8, $0xFFFFF086  }
0x1c: {  	p1 =	slt.u32 s9, $0xF7A;
	s5 =	simm.s32 @!p2 $0x0  }
0x1d: {  	s5 =	simm.s32 @p1 $0x1;
	p0 =	seq.s32 s7, s2  }
0x1e: {  	s7 =	smul.u32 @!p0 $0xF7A, s2;
	p2 =	seq.s32 @!p0 s5, $0x0  }
0x1f: {  	s9 =	smul.u32 $0xF7A, s1;
	s8 =	simm.s32 @!p0 $0x1BF5;
	p2 =	por !p2, p0  }
0x20: {  	[sflag:s8] =	ssyncset.s32 @!p0 $0xFFFFF086;
	s6 =	sadd.s32 @!p0 s3, s7;
	s7 =	simm.s32 @!p0 $0x108  }
0x21: {  	s3 =	sadd.s32 s3, s9;
	s6 =	sadd.s32 @!p0 $0x88, s6;
	s7 =	simm.s32 @p2 $0x1082  }
0x22: {  	[simem:s7], [sflag:s8] =	dma.local @!p0 [hbm:s6], $0xF7A  }
0x23: {  	s9 =	sor.u32 $0xD0000000, s2;
	s6 =	simm.s32 $0x108;
	_ =	swait.ge @!p0 [sflag:s8], $0x0  }
0x24: {  	s3 =	sadd.s32 $0x88, s3;
	s6 =	simm.s32 @!p1 $0x1082;
	[sflag:s4] =	ssyncset.s32 $0xFFFFF086  }
0x25: {  	[simem:s6], [sflag:s4] =	dma.local [hbm:s3], $0xF7A  }
0x26: {  	[smem:$0x3F9C] =	sst s1;
	(tag) =	ssettag s2;
	_ =	strace s9  }
0x27: {  	s1 =	sld [smem:$0x3FAC]  }
0x28: {  	s2 =	sld [smem:$0x3FAD]  }
0x29: {  	s4 =	sld [smem:$0x3FAF]  }
0x2a: {  	p0 =	seq.s32 s5, $0x0;
	s5 =	sld [smem:$0x3FB0]  }
0x2b: {  	s6 =	sld [smem:$0x3FB1]  }
0x2c: {  	s7 =	sld [smem:$0x3FB2]  }
0x2d: {  	s3 =	simm.s32 $0x108;
	s8 =	sld [smem:$0x3FB3]  }
0x2e: {  	s3 =	simm.s32 @!p0 $0x1082;
	s9 =	sld [smem:$0x3FB4]  }
0x2f: {  	lr =	sadd.s32 s0, s3;
	s0 =	sld [smem:$0x3FAB]  }
0x30: {  	s3 =	sld [smem:$0x3FAE]  }
0x31: {  	[smem:$0x3FB7] =	sst s10  }
0x32: {  	s10 =	sld [smem:$0x3FB5];
	_ =	sdelay $0x3  }
0x33: {  	p0 =	seq.s32 s10, $0x1;
	s10 =	sld [smem:$0x3FB7];
	_ =	sdelay $0x3  }
0x34: {  	[smem:$0x3FB7] =	sst s10  }
0x35: {  	s10 =	sld [smem:$0x3FB6];
	_ =	sdelay $0x3  }
0x36: {  	p1 =	seq.s32 s10, $0x1;
	s10 =	sld [smem:$0x3FB7];
	_ =	sdelay $0x3  }
0x37: {  	[smem:$0x3FB7] =	sst s10  }
0x38: {  	s10 =	sld [smem:$0x3FB8]  }
0x39: {  	_ = 	snop;
	(pc) =	sbr.ind lr, $3  }
0x3a: {  	_ = 	snop  }
0x3b: {  	_ = 	snop  }
0x3c: {  	p2 =	seq.s32 s10, $0x1;
	s10 =	sld [smem:$0x3FB7]  }
0x3d: {  	_ =	shalt  }
0x3e: {  	_ =	shalt  }
0x3f: {  	_ =	shalt  }
0x40: {  	_ =	shalt  }
0x41: {  	_ =	shalt  }
0x42: {  	_ =	shalt  }
0x43: {  	_ =	shalt  }
0x44: {  	_ =	shalt  }
0x45: {  	_ =	shalt  }
0x46: {  	_ =	shalt  }
0x47: {  	_ =	shalt  }
0x48: {  	_ =	shalt  }
0x49: {  	_ =	shalt  }
0x4a: {  	_ =	shalt  }
0x4b: {  	_ =	shalt  }
0x4c: {  	_ =	shalt  }
0x4d: {  	_ =	shalt  }
0x4e: {  	_ =	shalt  }
0x4f: {  	_ =	shalt  }
0x50: {  	_ =	shalt  }
0x51: {  	_ =	shalt  }
0x52: {  	_ =	shalt  }
0x53: {  	_ =	shalt  }
0x54: {  	_ =	shalt  }
0x55: {  	_ =	shalt  }
0x56: {  	_ =	shalt  }
0x57: {  	_ =	shalt  }
0x58: {  	_ =	shalt  }
0x59: {  	_ =	shalt  }
0x5a: {  	_ =	shalt  }
0x5b: {  	_ =	shalt  }
0x5c: {  	_ =	shalt  }
0x5d: {  	_ =	shalt  }
0x5e: {  	_ =	shalt  }
0x5f: {  	_ =	shalt  }
0x60: {  	_ =	shalt  }
0x61: {  	_ =	shalt  }
0x62: {  	_ =	shalt  }
0x63: {  	_ =	shalt  }
0x64: {  	_ =	shalt  }
0x65: {  	_ =	shalt  }
0x66: {  	_ =	shalt  }
0x67: {  	_ =	shalt  }
0x68: {  	_ =	shalt  }
0x69: {  	_ =	shalt  }
0x6a: {  	_ =	shalt  }
0x6b: {  	_ =	shalt  }
0x6c: {  	_ =	shalt  }
0x6d: {  	_ =	shalt  }
0x6e: {  	_ =	shalt  }
0x6f: {  	_ =	shalt  }
0x70: {  	_ =	shalt  }
0x71: {  	_ =	shalt  }
0x72: {  	_ =	shalt  }
0x73: {  	_ =	shalt  }
0x74: {  	_ =	shalt  }
0x75: {  	_ =	shalt  }
0x76: {  	_ =	shalt  }
0x77: {  	_ =	shalt  }
0x78: {  	_ =	shalt  }
0x79: {  	_ =	shalt  }
0x7a: {  	_ =	shalt  }
0x7b: {  	_ =	shalt  }
0x7c: {  	_ =	shalt  }
0x7d: {  	_ =	shalt  }
0x7e: {  	_ =	shalt  }
0x7f: {  	_ =	shalt  }
0x80: {  	_ =	shalt  }
0x81: {  	_ =	shalt  }
0x82: {  	_ =	shalt  }
0x83: {  	_ =	shalt  }
0x84: {  	_ =	shalt  }
0x85: {  	_ =	shalt  }
0x86: {  	_ =	shalt  }
0x87: {  	_ =	shalt  }
.Lfunc_end0:
.L_simem_size_0:
called_computation_lowered:
.L_overlay_start_0:
0x88: {  	s2 =	sld [smem:$0x3FD9]  }
0x89: {  	s3 =	sld [smem:$0x3FFE];
	_ =	sdelay $0x1  }
0x8a: {  	s1 =	srdreg.scid  }
0x8b: {  	s0 =	sand.u32 $0x1, s1  }
0x8c: {  	s17 =	sshll.u32 s0, $0xA;
	s2 =	sadd.s32 s3, s2  }
0x8d: {  	s2 =	sadd.s32 s2, s17  }
0x8e: {  	[smem:$0x3FC3] =	sst s2  }
0x8f: {  	_ = 	snop  }
0x90: {  	s2 =	sld [smem:$0x3FC6]  }
0x91: {  	s18 =	sld [smem:$0x3FD0];
	(tm) =	ssettm $0x1  }
0x92: {  	s4 =	sld [smem:$0x3FFB];
	_ =	sdelay $0x3  }
0x93: {  	_ =	strace s4  }
0x94: {  	s4 =	sld [smem:$0x3FFC];
	_ =	sdelay $0x3  }
0x95: {  	_ =	strace s4  }
0x96: {  	s4 =	sld [smem:$0x3FFD];
	_ =	sdelay $0x3  }
0x97: {  	_ =	strace s4  }
0x98: {  	_ =	strace $0x8FFFFFFF  }
0x99: {  	s19 =	sld [smem:$0x3FDB];
	_ =	sdelay $0x1  }
0x9a: {  	s5 =	simm.s32 $_scs_section_size  }
0x9b: {  	s6 =	simm.s32 $_size__tile_overlayer_lowered;
	s7 =	simm.s32 $_tile_overlayer_lowered  }
0x9c: {  	s22 =	simm.s32 $0x1BFF;
	s21 =	sshll.u32 s7, $0x1;
	s4 =	sadd.s32 s5, s19  }
0x9d: {  	s8 =	simm.s32 $0x0;
	s20 =	sshll.u32 s6, $0x1;
	s6 =	sadd.s32 s21, s4  }
0x9e: {  	[timem:s8], [sflag:s22] =	dma.local [hbm:s6], s20  }
0x9f: {  	_ =	swait.ge [sflag:s22], s20  }
0xa0: {  	s5 =	ssub.s32 $0x0, s20;
	[sflag:s22] =	ssyncset.done $0x0  }
0xa1: {  	[sflag:s22] =	ssyncadd.s32 s5;
	_ =	sdelay $0x1  }
0xa2: {  	s23 =	simm.s32 $0x1B8B  }
0xa3: {  	_ =	swait.ge [sflag:s23], $0x1  }
0xa4: {  	[sflag:s23] =	ssyncset.done $0x0  }
0xa5: {  	s25 =	simm.s32 $0x1B8E;
	s24 =	sld [smem:$0x3FFE];
	[sflag:s23] =	ssyncadd.s32 $0xFFFFFFFF  }
0xa6: {  	s26 =	simm.s32 $execute0_lowered;
	[smem:$0x3FD2] =	sst s25  }
0xa7: {  	s6 =	sshll.u32 s26, $0x1;
	_ =	strace $0x80000046;
	[dreg:$0x1] =	wrdreg $0xFFFFFFFF  }
0xa8: {  	s28 =	simm.s32 $_size_execute0_lowered;
	s4 =	sadd.s32 s4, s6;
	[dreg:$0x0] =	wrdreg $0x0  }
0xa9: {  	s6 =	sshll.u32 s28, $0x1;
	[dreg:$0x2] =	wrdreg s4  }
0xaa: {  	[dreg:$0x3] =	wrdreg s6  }
0xab: {  	[dreg:$0x4] =	wrdreg $0xC0  }
0xac: {  	_ =	task [dreg:s8], $0x5FFFF  }
0xad: {  	[dreg:$0x1] =	wrdreg $0xFFFFFFFF  }
0xae: {  	[dreg:$0x0] =	wrdreg $0x60  }
0xaf: {  	[dreg:$0x2] =	wrdreg s24  }
0xb0: {  	[dreg:$0x3] =	wrdreg s2  }
0xb1: {  	[dreg:$0x4] =	wrdreg s18  }
0xb2: {  	[dreg:$0x5] =	wrdreg $0xC0000  }
0xb3: {  	[dreg:$0x6] =	wrdreg $0x9  }
0xb4: {  	_ =	task.clear_ibuf [dreg:s8], $0x7FFFF;
	_ =	strace $0x90000046  }
0xb5: {  	s29 =	simm.s32 $0x9;
	_ =	strace $0x80000048  }
0xb6: {  	_ =	swait.ge [sflag:s29], $0x1  }
0xb7: {  	[sflag:s29] =	ssyncadd.s32 $0xFFFFFFFF  }
0xb8: {  	_ =	strace $0x90000048  }
0xb9: {  	_ =	sfence  }
0xba: {  	s30 =	sld [smem:$0x0];
	_ =	sdelay $0x2  }
0xbb: {  	s31 =	sshll.u32 s1, $0xD;
	s1 =	sshrl.u32 s1, $0x2  }
0xbc: {  	s3 =	sand.u32 $0x4000, s31;
	s1 =	sadd.s32 s1, s30  }
0xbd: {  	s0 =	sor.u32 s3, s0;
	s1 =	sshll.u32 s1, $0x11  }
0xbe: {  	s0 =	sor.u32 s1, s0  }
0xbf: {  	s0 =	sadd.s32 $0x8F2B, s0  }
0xc0: {  	[sflag:s0] =	ssyncadd.remote.s32 $0x1  }
0xc1: {  	_ =	sfence.sel $0xFFFF  }
0xc2: {  	[dreg:$0x0] =	wrdreg $0xFFFFFFFF;
	(pc) =	sbr.abs _section_cstart, $3  }
0xc3: {  	[dreg:$0x1] =	wrdreg $0xFFFFFFFF  }
0xc4: {  	_ =	task.clear_ibuf [dreg:s8], $0x2FFFF;
	_ =	strace $0x9FFFFFFF  }
0xc5: {  	(tm) =	ssettm $0x7FFFFFFF  }
tec
execute0_lowered:
.L_overlay_start_1:
0x0: {  	(tag) =	ssettag $0x1  }
0x1: {  	s1 =	srdreg.scid;
	s4 =	stileid.u32  }
0x2: {  	s0 =	rddreg [dreg:$0x0];
	s1 =	sand.u32 $0x1, s1;
	s8 =	smul.u32 $0x1F400, s4  }
0x3: {  	s2 =	rddreg [dreg:$0x2];
	s7 =	smul.u32 $0x138800, s1  }
0x4: {  	s3 =	rddreg [dreg:$0x3];
	s5 =	simm.s32 $0x0;
	s9 =	smul.u32 $0x7D000, s4  }
0x5: {  	[smem:$0x7FF] =	sst s5;
	s6 =	sadd.s32 $0x1400, s0;
	s8 =	sadd.s32 s8, s7  }
0x6: {  	s14 =	sadd.s32 $0x138800, s3;
	s9 =	sshrl.u32 s9, $0x2;
	s8 =	sshrl.u32 s8, $0x3  }
0x7: {  	s7 =	sadd.s32 $0x29400, s0;
	s0 =	sadd.s32 s8, s0;
	s8 =	sadd.s32 s9, s3  }
0x8: {  	_ =	strace $0x80000047;
	[dreg:$0x5] =	wrdreg s14;
	s15 =	sadd.s32 $0x1400, s8  }
0x9: {  	s16 =	sadd.s32 $0x2800, s8;
	[dreg:$0x6] =	wrdreg s15  }
0xa: {  	s17 =	sadd.s32 $0x3C00, s8;
	[dreg:$0x7] =	wrdreg s16  }
0xb: {  	s28 =	simm.s32 $0x1;
	s18 =	sadd.s32 $0x5000, s8;
	[dreg:$0x8] =	wrdreg s17  }
0xc: {  	s29 =	simm.s32 $0x4;
	s19 =	sadd.s32 $0x6400, s8;
	[dreg:$0x9] =	wrdreg s18  }
0xd: {  	s30 =	simm.s32 $0x6C00;
	s20 =	sadd.s32 $0x7800, s8;
	[dreg:$0xa] =	wrdreg s19  }
0xe: {  	s31 =	simm.s32 $0x100;
	s21 =	sadd.s32 $0x8C00, s8;
	[dreg:$0xb] =	wrdreg s20  }
0xf: {  	p0 =	sgt.u32 s4, $0x9;
	s22 =	sadd.s32 $0xA000, s8;
	[dreg:$0xc] =	wrdreg s21  }
0x10: {  	p1 =	sne.s32 s4, $0xA;
	s23 =	sadd.s32 $0xB400, s8;
	[dreg:$0xd] =	wrdreg s22  }
0x11: {  	s10 =	ssub.s32 $0x2, s1;
	s24 =	sadd.s32 $0xC800, s8;
	[dreg:$0xe] =	wrdreg s23  }
0x12: {  	s1 =	sshll.u32 s1, $0x4;
	s25 =	sadd.s32 $0xDC00, s8;
	[dreg:$0xf] =	wrdreg s24  }
0x13: {  	s13 =	sshrl.u32 s10, $0x1;
	s9 =	sadd.s32 $0xF000, s8;
	[dreg:$0x10] =	wrdreg s25  }
0x14: {  	s1 =	sor.u32 s4, s1;
	s11 =	sadd.s32 $0x11800, s8;
	[dreg:$0x11] =	wrdreg s9  }
0x15: {  	s1 =	smul.u32 $0xA000, s1;
	s12 =	sadd.s32 $0x12C00, s8;
	[dreg:$0x13] =	wrdreg s11  }
0x16: {  	s10 =	ssub.s32 s10, s13;
	s13 =	sadd.s32 $0x14000, s8;
	[dreg:$0x14] =	wrdreg s12  }
0x17: {  	s26 =	sshrl.u32 s1, $0x3;
	s14 =	sadd.s32 $0x15400, s8;
	[dreg:$0x15] =	wrdreg s13  }
0x18: {  	s25 =	smax.u32 s10, $0x1;
	s10 =	sadd.s32 $0x10400, s8;
	[dreg:$0x16] =	wrdreg s14  }
0x19: {  	s21 =	sadd.s32 s6, s26;
	s15 =	sadd.s32 $0x16800, s8;
	[dreg:$0x12] =	wrdreg s10  }
0x1a: {  	s22 =	sor.u32 $0x400, s1;
	s16 =	sadd.s32 $0x17C00, s8;
	[dreg:$0x17] =	wrdreg s15  }
0x1b: {  	s23 =	sor.u32 $0x600, s1;
	s17 =	sadd.s32 $0x19000, s8;
	[dreg:$0x18] =	wrdreg s16  }
0x1c: {  	s24 =	sadd.s32 $0x29A00, s0;
	s18 =	sadd.s32 $0x1A400, s8;
	[dreg:$0x19] =	wrdreg s17  }
0x1d: {  	s19 =	sadd.s32 $0x1B800, s8;
	s20 =	sadd.s32 $0x1CC00, s8;
	[dreg:$0x1a] =	wrdreg s18  }
0x1e: {  	s26 =	sadd.s32 $0x1E000, s8;
	s0 =	simm.s32 $0x2;
	[dreg:$0x1b] =	wrdreg s19  }
0x1f: {  	s1 =	simm.s32 $0x3;
	s9 =	simm.s32 $0x300;
	[dreg:$0x1c] =	wrdreg s20  }
0x20: {  	[dreg:$0x1d] =	wrdreg s26;
	s15 =	sadd.s32 $0x40, s21;
	s16 =	simm.s32 $0x400  }
0x21: {  	s17 =	simm.s32 $0x5;
	s18 =	simm.s32 $0xAC00;
	s19 =	simm.s32 $0x80  }
0x22: {  	v0 =	vimm.f32 $0.0e+00;
	s20 =	simm.s32 $0x2C00;
	s26 =	simm.s32 $0x200;
	s10 =	simm.s32 $0x0  }
.LBB2_1:
0x23: {  	[tilespmem:s16], [sflag:$0x5] =	stream.linear.gather [hbm4b:s7+s5], $0x2780, $0x38;
	[tilespmem:$0x1F8C0] =	vst v63  }
0x24: {  	_ =	swait.ge [sflag:s17], $0x2780  }
0x25: {  	[sflag:s17] =	ssyncset.done $0x0  }
0x26: {  	[sflag:s17] =	ssyncadd.s32 $0xFFFFD880  }
0x27: {  	s12 =	simm.s32 $0x2B80;
	s11 =	rddreg [dreg:$0x1]  }
0x28: {  	[tilespmem:s12], [sflag:$0x5] =	stream.linear.gather [hbm4b:s11+s5], $0x80, $0x38;
	[tilespmem:$0x1F8C0] =	vst v63  }
0x29: {  	_ =	swait.ge [sflag:s17], $0x80  }
0x2a: {  	[sflag:s17] =	ssyncset.done $0x0  }
0x2b: {  	s11 =	simm.s32 $0x0;
	s12 =	simm.s32 $0x200;
	[sflag:s17] =	ssyncadd.s32 $0xFFFFFF80  }
.LBB2_2:
0x2c: {  	p2 =	sne.s32 s12, $0x4E00;
	[tilespmem:s11+$0xAC70] =	vst v0  }
0x2d: {  	[tilespmem:s11+$0xAC00] =	vst v0  }
0x2e: {  	[tilespmem:s11+$0xAC10] =	vst v0  }
.Ltmp0:
0x2f: {  	[tilespmem:s11+$0xAC20] =	vst v0;
	(pc) =	sbr.rel @p2 .LBB2_2-.Ltmp0, $4  }
0x30: {  	[tilespmem:s11+$0xAC30] =	vst v0  }
0x31: {  	[tilespmem:s11+$0xAC40] =	vst v0  }
0x32: {  	[tilespmem:s11+$0xAC50] =	vst v0  }
0x33: {  	[tilespmem:s11+$0xAC60] =	vst v0;
	s11 =	sshra.s32 s12, $0x2;
	s12 =	sadd.s32 $0x200, s12  }
0x34: {  	[tilespmem:s11+$0xAC70] =	vst v0  }
0x35: {  	[tilespmem:s11+$0xAC00] =	vst v0  }
0x36: {  	[tilespmem:s11+$0xAC10] =	vst v0  }
.Ltmp1:
0x37: {  	[tilespmem:s11+$0xAC20] =	vst v0;
	(pc) =	sbr.rel @p0 .LBB2_5-.Ltmp1, $4  }
0x38: {  	[tilespmem:s11+$0xAC30] =	vst v0  }
0x39: {  	[tilespmem:s11+$0xAC40] =	vst v0  }
0x3a: {  	[tilespmem:s11+$0xAC50] =	vst v0  }
0x3b: {  	[tilespmem:s11+$0xAC60] =	vst v0  }
0x3c: {  	[spmem:s8] =	stream.linear.scatter [tilespmem:s18], [sflag:$0x5], $0x1400, $0x38;
	[tilespmem:$0x1F8C0] =	vst v63  }
0x3d: {  	_ =	swait.ge [sflag:s17], $0x1400  }
0x3e: {  	[sflag:s17] =	ssyncset.done $0x0  }
0x3f: {  	s11 =	rddreg [dreg:$0x6];
	[sflag:s17] =	ssyncadd.s32 $0xFFFFEC00  }
0x40: {  	[spmem:s11] =	stream.linear.scatter [tilespmem:s18], [sflag:$0x5], $0x1400, $0x38;
	[tilespmem:$0x1F8C0] =	vst v63  }
0x41: {  	_ =	swait.ge [sflag:s17], $0x1400  }
0x42: {  	[sflag:s17] =	ssyncset.done $0x0  }
0x43: {  	s13 =	rddreg [dreg:$0x7];
	[sflag:s17] =	ssyncadd.s32 $0xFFFFEC00  }
0x44: {  	[spmem:s13] =	stream.linear.scatter [tilespmem:s18], [sflag:$0x5], $0x1400, $0x38;
	[tilespmem:$0x1F8C0] =	vst v63  }
0x45: {  	_ =	swait.ge [sflag:s17], $0x1400  }
0x46: {  	[sflag:s17] =	ssyncset.done $0x0  }
0x47: {  	s14 =	rddreg [dreg:$0x8];
	[sflag:s17] =	ssyncadd.s32 $0xFFFFEC00  }
0x48: {  	[spmem:s14] =	stream.linear.scatter [tilespmem:s18], [sflag:$0x5], $0x1400, $0x38;
	[tilespmem:$0x1F8C0] =	vst v63  }
0x49: {  	_ =	swait.ge [sflag:s17], $0x1400  }
0x4a: {  	[sflag:s17] =	ssyncset.done $0x0  }
0x4b: {  	s12 =	rddreg [dreg:$0x9];
	[sflag:s17] =	ssyncadd.s32 $0xFFFFEC00  }
0x4c: {  	[spmem:s12] =	stream.linear.scatter [tilespmem:s18], [sflag:$0x5], $0x1400, $0x38;
	[tilespmem:$0x1F8C0] =	vst v63  }
0x4d: {  	_ =	swait.ge [sflag:s17], $0x1400  }
0x4e: {  	[sflag:s17] =	ssyncset.done $0x0  }
0x4f: {  	s13 =	rddreg [dreg:$0xa];
	[sflag:s17] =	ssyncadd.s32 $0xFFFFEC00  }
0x50: {  	[spmem:s13] =	stream.linear.scatter [tilespmem:s18], [sflag:$0x5], $0x1400, $0x38;
	[tilespmem:$0x1F8C0] =	vst v63  }
0x51: {  	_ =	swait.ge [sflag:s17], $0x1400  }
0x52: {  	[sflag:s17] =	ssyncset.done $0x0  }
0x53: {  	s14 =	rddreg [dreg:$0xb];
	[sflag:s17] =	ssyncadd.s32 $0xFFFFEC00  }
0x54: {  	[spmem:s14] =	stream.linear.scatter [tilespmem:s18], [sflag:$0x5], $0x1400, $0x38;
	[tilespmem:$0x1F8C0] =	vst v63  }
0x55: {  	_ =	swait.ge [sflag:s17], $0x1400  }
0x56: {  	[sflag:s17] =	ssyncset.done $0x0  }
0x57: {  	s12 =	rddreg [dreg:$0xc];
	[sflag:s17] =	ssyncadd.s32 $0xFFFFEC00  }
0x58: {  	[spmem:s12] =	stream.linear.scatter [tilespmem:s18], [sflag:$0x5], $0x1400, $0x38;
	[tilespmem:$0x1F8C0] =	vst v63  }
0x59: {  	_ =	swait.ge [sflag:s17], $0x1400  }
0x5a: {  	[sflag:s17] =	ssyncset.done $0x0  }
0x5b: {  	s13 =	rddreg [dreg:$0xd];
	[sflag:s17] =	ssyncadd.s32 $0xFFFFEC00  }
0x5c: {  	[spmem:s13] =	stream.linear.scatter [tilespmem:s18], [sflag:$0x5], $0x1400, $0x38;
	[tilespmem:$0x1F8C0] =	vst v63  }
0x5d: {  	_ =	swait.ge [sflag:s17], $0x1400  }
0x5e: {  	[sflag:s17] =	ssyncset.done $0x0  }
0x5f: {  	s14 =	rddreg [dreg:$0xe];
	[sflag:s17] =	ssyncadd.s32 $0xFFFFEC00  }
0x60: {  	[spmem:s14] =	stream.linear.scatter [tilespmem:s18], [sflag:$0x5], $0x1400, $0x38;
	[tilespmem:$0x1F8C0] =	vst v63  }
0x61: {  	_ =	swait.ge [sflag:s17], $0x1400  }
0x62: {  	[sflag:s17] =	ssyncset.done $0x0  }
0x63: {  	s12 =	rddreg [dreg:$0xf];
	[sflag:s17] =	ssyncadd.s32 $0xFFFFEC00  }
0x64: {  	[spmem:s12] =	stream.linear.scatter [tilespmem:s18], [sflag:$0x5], $0x1400, $0x38;
	[tilespmem:$0x1F8C0] =	vst v63  }
0x65: {  	_ =	swait.ge [sflag:s17], $0x1400  }
0x66: {  	[sflag:s17] =	ssyncset.done $0x0  }
0x67: {  	s13 =	rddreg [dreg:$0x10];
	[sflag:s17] =	ssyncadd.s32 $0xFFFFEC00  }
0x68: {  	[spmem:s13] =	stream.linear.scatter [tilespmem:s18], [sflag:$0x5], $0x1400, $0x38;
	[tilespmem:$0x1F8C0] =	vst v63  }
0x69: {  	_ =	swait.ge [sflag:s17], $0x1400  }
0x6a: {  	[sflag:s17] =	ssyncset.done $0x0  }
0x6b: {  	s14 =	rddreg [dreg:$0x11];
	[sflag:s17] =	ssyncadd.s32 $0xFFFFEC00  }
0x6c: {  	[spmem:s14] =	stream.linear.scatter [tilespmem:s18], [sflag:$0x5], $0x1400, $0x38;
	[tilespmem:$0x1F8C0] =	vst v63  }
0x6d: {  	_ =	swait.ge [sflag:s17], $0x1400  }
0x6e: {  	[sflag:s17] =	ssyncset.done $0x0  }
0x6f: {  	s12 =	rddreg [dreg:$0x12];
	[sflag:s17] =	ssyncadd.s32 $0xFFFFEC00  }
0x70: {  	[spmem:s12] =	stream.linear.scatter [tilespmem:s18], [sflag:$0x5], $0x1400, $0x38;
	[tilespmem:$0x1F8C0] =	vst v63  }
0x71: {  	_ =	swait.ge [sflag:s17], $0x1400  }
0x72: {  	[sflag:s17] =	ssyncset.done $0x0  }
0x73: {  	s13 =	rddreg [dreg:$0x13];
	[sflag:s17] =	ssyncadd.s32 $0xFFFFEC00  }
0x74: {  	[spmem:s13] =	stream.linear.scatter [tilespmem:s18], [sflag:$0x5], $0x1400, $0x38;
	[tilespmem:$0x1F8C0] =	vst v63  }
0x75: {  	_ =	swait.ge [sflag:s17], $0x1400  }
0x76: {  	[sflag:s17] =	ssyncset.done $0x0  }
0x77: {  	s14 =	rddreg [dreg:$0x14];
	[sflag:s17] =	ssyncadd.s32 $0xFFFFEC00  }
0x78: {  	[spmem:s14] =	stream.linear.scatter [tilespmem:s18], [sflag:$0x5], $0x1400, $0x38;
	[tilespmem:$0x1F8C0] =	vst v63  }
0x79: {  	_ =	swait.ge [sflag:s17], $0x1400  }
0x7a: {  	[sflag:s17] =	ssyncset.done $0x0  }
0x7b: {  	s12 =	rddreg [dreg:$0x15];
	[sflag:s17] =	ssyncadd.s32 $0xFFFFEC00  }
0x7c: {  	[spmem:s12] =	stream.linear.scatter [tilespmem:s18], [sflag:$0x5], $0x1400, $0x38;
	[tilespmem:$0x1F8C0] =	vst v63  }
0x7d: {  	_ =	swait.ge [sflag:s17], $0x1400  }
0x7e: {  	[sflag:s17] =	ssyncset.done $0x0  }
0x7f: {  	s13 =	rddreg [dreg:$0x16];
	[sflag:s17] =	ssyncadd.s32 $0xFFFFEC00  }
0x80: {  	[spmem:s13] =	stream.linear.scatter [tilespmem:s18], [sflag:$0x5], $0x1400, $0x38;
	[tilespmem:$0x1F8C0] =	vst v63  }
0x81: {  	_ =	swait.ge [sflag:s17], $0x1400  }
0x82: {  	[sflag:s17] =	ssyncset.done $0x0  }
0x83: {  	s14 =	rddreg [dreg:$0x17];
	[sflag:s17] =	ssyncadd.s32 $0xFFFFEC00  }
0x84: {  	[spmem:s14] =	stream.linear.scatter [tilespmem:s18], [sflag:$0x5], $0x1400, $0x38;
	[tilespmem:$0x1F8C0] =	vst v63  }
0x85: {  	_ =	swait.ge [sflag:s17], $0x1400  }
0x86: {  	[sflag:s17] =	ssyncset.done $0x0  }
0x87: {  	s12 =	rddreg [dreg:$0x18];
	[sflag:s17] =	ssyncadd.s32 $0xFFFFEC00  }
0x88: {  	[spmem:s12] =	stream.linear.scatter [tilespmem:s18], [sflag:$0x5], $0x1400, $0x38;
	[tilespmem:$0x1F8C0] =	vst v63  }
0x89: {  	_ =	swait.ge [sflag:s17], $0x1400  }
0x8a: {  	[sflag:s17] =	ssyncset.done $0x0  }
0x8b: {  	s13 =	rddreg [dreg:$0x19];
	[sflag:s17] =	ssyncadd.s32 $0xFFFFEC00  }
0x8c: {  	[spmem:s13] =	stream.linear.scatter [tilespmem:s18], [sflag:$0x5], $0x1400, $0x38;
	[tilespmem:$0x1F8C0] =	vst v63  }
0x8d: {  	_ =	swait.ge [sflag:s17], $0x1400  }
0x8e: {  	[sflag:s17] =	ssyncset.done $0x0  }
0x8f: {  	s14 =	rddreg [dreg:$0x1a];
	[sflag:s17] =	ssyncadd.s32 $0xFFFFEC00  }
0x90: {  	[spmem:s14] =	stream.linear.scatter [tilespmem:s18], [sflag:$0x5], $0x1400, $0x38;
	[tilespmem:$0x1F8C0] =	vst v63  }
0x91: {  	_ =	swait.ge [sflag:s17], $0x1400  }
0x92: {  	[sflag:s17] =	ssyncset.done $0x0  }
0x93: {  	s12 =	rddreg [dreg:$0x1b];
	[sflag:s17] =	ssyncadd.s32 $0xFFFFEC00  }
0x94: {  	[spmem:s12] =	stream.linear.scatter [tilespmem:s18], [sflag:$0x5], $0x1400, $0x38;
	[tilespmem:$0x1F8C0] =	vst v63  }
0x95: {  	_ =	swait.ge [sflag:s17], $0x1400  }
0x96: {  	[sflag:s17] =	ssyncset.done $0x0  }
0x97: {  	s13 =	rddreg [dreg:$0x1c];
	[sflag:s17] =	ssyncadd.s32 $0xFFFFEC00  }
0x98: {  	[spmem:s13] =	stream.linear.scatter [tilespmem:s18], [sflag:$0x5], $0x1400, $0x38;
	[tilespmem:$0x1F8C0] =	vst v63  }
0x99: {  	_ =	swait.ge [sflag:s17], $0x1400  }
0x9a: {  	[sflag:s17] =	ssyncset.done $0x0  }
.Ltmp2:
0x9b: {  	s14 =	rddreg [dreg:$0x1d];
	[sflag:s17] =	ssyncadd.s32 $0xFFFFEC00;
	(pc) =	sbr.rel .LBB2_6-.Ltmp2, $4  }
0x9c: {  	[spmem:s14] =	stream.linear.scatter [tilespmem:s18], [sflag:$0x5], $0x1400, $0x38;
	[tilespmem:$0x1F8C0] =	vst v63  }
0x9d: {  	_ =	swait.ge [sflag:s17], $0x1400  }
0x9e: {  	[sflag:s17] =	ssyncset.done $0x0  }
0x9f: {  	[sflag:s17] =	ssyncadd.s32 $0xFFFFEC00  }
.LBB2_5:
0xa0: {  	s11 =	simm.s32 @!p1 $0xAC00;
	s12 =	rddreg [dreg:$0x5]  }
0xa1: {  	[spmem:s12] =	stream.linear.scatter @!p1 [tilespmem:s11], [sflag:$0x5], $0x400, $0x38;
	[tilespmem:$0x1F8C0] =	vst v63  }
0xa2: {  	s11 =	simm.s32 @!p1 $0x5  }
0xa3: {  	_ =	swait.ge @!p1 [sflag:s11], $0x400  }
0xa4: {  	[sflag:s11] =	ssyncset.done @!p1 $0x0  }
0xa5: {  	[sflag:s11] =	ssyncadd.s32 @!p1 $0xFFFFFC00  }
.LBB2_6:
0xa6: {  	[bflag:$0x0] =	sbarrier.arrive $0xFFFF  }
0xa7: {  	v1 =	vld [tilespmem:$0x2B80]  }
0xa8: {  	v2 =	vld [tilespmem:$0x2B90]  }
0xa9: {  	v3 =	vld [tilespmem:$0x2BA0]  }
0xaa: {  	v4 =	vld [tilespmem:$0x2BB0]  }
0xab: {  	v5 =	vld [tilespmem:$0x2BC0]  }
0xac: {  	v6 =	vld [tilespmem:$0x2BD0]  }
0xad: {  	s11 =	simm.s32 $0x0;
	v7 =	vld [tilespmem:$0x2BE0]  }
0xae: {  	v8 =	vld [tilespmem:$0x2BF0];
	[tilespmem:s11], [sflag:$0x5] =	stream.linear.gather [hbm4b:s21+s11], $0x180, $0x38  }
0xaf: {  	_ =	swait.ge [sflag:s17], $0x180  }
0xb0: {  	[sflag:s17] =	ssyncset.done $0x0  }
0xb1: {  	[sflag:s17] =	ssyncadd.s32 $0xFFFFFE80  }
0xb2: {  	[tilespmem:s20], [sflag:$0x1] =	stream.indirect.gather [hbm4b:s2+s19], $0x80, s11, s19, $0xb8;
	[tilespmem:$0x1F8C0] =	vst v63  }
0xb3: {  	_ = 	snop  }
0xb4: {  	[tilespmem:s26], [sflag:$0x4] =	stream.linear.gather [hbm4b:s15+s11], $0x180, $0x38;
	[tilespmem:$0x1F8C0] =	vst v63  }
.LBB2_7:
0xb5: {  	_ =	swait.ge [sflag:s28], $0x4000  }
0xb6: {  	[sflag:s28] =	ssyncset.done $0x0  }
0xb7: {  	[sflag:s28] =	ssyncadd.s32 $0xFFFFC000  }
0xb8: {  	_ =	swait.ge [sflag:s29], $0x180  }
0xb9: {  	[sflag:s29] =	ssyncset.done $0x0  }
0xba: {  	s12 =	simm.s32 $0x0;
	[sflag:s29] =	ssyncadd.s32 $0xFFFFFE80  }
0xbb: {  	[tilespmem:s30], [sflag:$0x2] =	stream.indirect.gather [hbm4b:s2+s19], $0x80, s26, s19, $0xb8;
	[tilespmem:$0x1F8C0] =	vst v63  }
.LBB2_8:
0xbc: {  	s13 =	sshll.u32 s12, $0x4  }
0xbd: {  	s14 =	sshll.u32 s12, $0xB;
	s13 =	sand.u32 $0x3FFFFFF0, s13  }
0xbe: {  	v9 =	vld [tilespmem:s13+$0x80];
	s13 =	sand.u32 $0x3FFFF800, s14  }
0xbf: {  	v10 =	vld [tilespmem:s13+$0x2C00]  }
0xc0: {  	v11 =	vld [tilespmem:s13+$0x2C10]  }
0xc1: {  	v12 =	vld [tilespmem:s13+$0x2C20]  }
0xc2: {  	v14 =	vld [tilespmem:s13+$0x2C30]  }
0xc3: {  	v15 =	vld [tilespmem:s13+$0x2C40]  }
0xc4: {  	v16 =	vld [tilespmem:s13+$0x2C50]  }
0xc5: {  	v17 =	vld [tilespmem:s13+$0x2C60]  }
0xc6: {  	v18 =	vld [tilespmem:s13+$0x2C70]  }
0xc7: {  	v9 =	vld.idx.msk [tilespmem:v9+s16+$0x0], $0xffff  }
0xc8: {  	v19 =	vld [tilespmem:s13+$0x2C80]  }
0xc9: {  	v59 =	vld [tilespmem:s13+$0x2C90]  }
0xca: {  	v61 =	vld [tilespmem:s13+$0x2CA0]  }
0xcb: {  	v20 =	vld [tilespmem:s13+$0x2CB0]  }
0xcc: {  	v23 =	vld [tilespmem:s13+$0x2CC0];
	v13 =	vbroadcast v9, $0x0  }
0xcd: {  	v25 =	vld [tilespmem:s13+$0x2CD0]  }
0xce: {  	v27 =	vld [tilespmem:s13+$0x2CE0];
	v10 =	vmul.f32 v13, v10  }
0xcf: {  	v29 =	vld [tilespmem:s13+$0x2CF0];
	v11 =	vmul.f32 v11, v13  }
0xd0: {  	v31 =	vld [tilespmem:s13+$0x2D00];
	v12 =	vmul.f32 v12, v13;
	v10 =	vadd.f32 v10, v1  }
0xd1: {  	v33 =	vld [tilespmem:s13+$0x2D10];
	v14 =	vmul.f32 v14, v13;
	v11 =	vadd.f32 v11, v2  }
0xd2: {  	v35 =	vld [tilespmem:s13+$0x2D20];
	v58 =	vmul.f32 v15, v13;
	[tilespmem:s13+$0x2C00] =	vst v10;
	v10 =	vadd.f32 v12, v3  }
0xd3: {  	v38 =	vld [tilespmem:s13+$0x2D30];
	v60 =	vmul.f32 v16, v13;
	[tilespmem:s13+$0x2C10] =	vst v11;
	v11 =	vadd.f32 v14, v4  }
0xd4: {  	v40 =	vld [tilespmem:s13+$0x2D40];
	v63 =	vbroadcast v9, $0x1;
	v62 =	vmul.f32 v17, v13;
	[tilespmem:s13+$0x2C20] =	vst v10;
	v10 =	vadd.f32 v58, v5  }
0xd5: {  	v42 =	vld [tilespmem:s13+$0x2D50];
	v13 =	vmul.f32 v18, v13;
	[tilespmem:s13+$0x2C30] =	vst v11;
	v11 =	vadd.f32 v60, v6  }
0xd6: {  	v44 =	vld [tilespmem:s13+$0x2D60];
	v24 =	vmul.f32 v19, v63;
	[tilespmem:s13+$0x2C40] =	vst v10;
	v10 =	vadd.f32 v62, v7  }
0xd7: {  	v46 =	vld [tilespmem:s13+$0x2D70];
	v26 =	vmul.f32 v59, v63;
	[tilespmem:s13+$0x2C50] =	vst v11;
	v11 =	vadd.f32 v13, v8  }
0xd8: {  	v48 =	vld [tilespmem:s13+$0x2D80];
	v28 =	vmul.f32 v61, v63;
	[tilespmem:s13+$0x2C60] =	vst v10;
	v10 =	vadd.f32 v24, v1  }
0xd9: {  	v50 =	vld [tilespmem:s13+$0x2D90];
	v30 =	vmul.f32 v20, v63;
	[tilespmem:s13+$0x2C70] =	vst v11;
	v11 =	vadd.f32 v26, v2  }
0xda: {  	v52 =	vld [tilespmem:s13+$0x2DA0];
	v32 =	vmul.f32 v23, v63;
	[tilespmem:s13+$0x2C80] =	vst v10;
	v10 =	vadd.f32 v28, v3  }
0xdb: {  	v55 =	vld [tilespmem:s13+$0x2DB0];
	v34 =	vmul.f32 v25, v63;
	[tilespmem:s13+$0x2C90] =	vst v11;
	v11 =	vadd.f32 v30, v4  }
0xdc: {  	v57 =	vld [tilespmem:s13+$0x2DC0];
	v37 =	vbroadcast v9, $0x2;
	v36 =	vmul.f32 v27, v63;
	[tilespmem:s13+$0x2CA0] =	vst v10;
	v10 =	vadd.f32 v32, v5  }
0xdd: {  	v22 =	vld [tilespmem:s13+$0x3060];
	v39 =	vmul.f32 v29, v63;
	[tilespmem:s13+$0x2CB0] =	vst v11;
	v11 =	vadd.f32 v34, v6  }
0xde: {  	v41 =	vmul.f32 v31, v37;
	v59 =	vld [tilespmem:s13+$0x2DD0];
	[tilespmem:s13+$0x2CC0] =	vst v10;
	v10 =	vadd.f32 v36, v7  }
0xdf: {  	v43 =	vmul.f32 v33, v37;
	v61 =	vld [tilespmem:s13+$0x2DE0];
	[tilespmem:s13+$0x2CD0] =	vst v11;
	v11 =	vadd.f32 v39, v8  }
0xe0: {  	v45 =	vmul.f32 v35, v37;
	v63 =	vld [tilespmem:s13+$0x2DF0];
	[tilespmem:s13+$0x2CE0] =	vst v10;
	v10 =	vadd.f32 v41, v1  }
0xe1: {  	v47 =	vmul.f32 v38, v37;
	v31 =	vld [tilespmem:s13+$0x2E30];
	[tilespmem:s13+$0x2CF0] =	vst v11;
	v11 =	vadd.f32 v43, v2  }
0xe2: {  	v49 =	vmul.f32 v40, v37;
	v33 =	vld [tilespmem:s13+$0x2E40];
	[tilespmem:s13+$0x2D00] =	vst v10;
	v10 =	vadd.f32 v45, v3  }
0xe3: {  	v54 =	vbroadcast v9, $0x3;
	v51 =	vmul.f32 v42, v37;
	v35 =	vld [tilespmem:s13+$0x2E50];
	[tilespmem:s13+$0x2D10] =	vst v11;
	v11 =	vadd.f32 v47, v4  }
0xe4: {  	v53 =	vmul.f32 v44, v37;
	v56 =	vmul.f32 v46, v37;
	v37 =	vld [tilespmem:s13+$0x2E60];
	[tilespmem:s13+$0x2D20] =	vst v10;
	v10 =	vadd.f32 v49, v5  }
0xe5: {  	v58 =	vmul.f32 v48, v54;
	v48 =	vld [tilespmem:s13+$0x2EB0];
	[tilespmem:s13+$0x2D30] =	vst v11;
	v11 =	vadd.f32 v51, v6  }
0xe6: {  	v60 =	vmul.f32 v50, v54;
	v50 =	vld [tilespmem:s13+$0x2EC0];
	[tilespmem:s13+$0x2D40] =	vst v10;
	v10 =	vadd.f32 v53, v7  }
0xe7: {  	v62 =	vmul.f32 v52, v54;
	v52 =	vld [tilespmem:s13+$0x2ED0];
	[tilespmem:s13+$0x2D50] =	vst v11;
	v11 =	vadd.f32 v56, v8  }
0xe8: {  	v24 =	vld [tilespmem:s13+$0x2E00];
	[tilespmem:s13+$0x2D60] =	vst v10;
	v10 =	vadd.f32 v58, v1  }
0xe9: {  	v23 =	vmul.f32 v55, v54;
	v25 =	vmul.f32 v57, v54;
	v26 =	vld [tilespmem:s13+$0x2E10];
	[tilespmem:s13+$0x2D70] =	vst v11;
	v11 =	vadd.f32 v60, v2  }
0xea: {  	v27 =	vmul.f32 v59, v54;
	v28 =	vld [tilespmem:s13+$0x2E20];
	v30 =	vbroadcast v9, $0x4;
	[tilespmem:s13+$0x2D80] =	vst v10;
	v10 =	vadd.f32 v62, v3  }
0xeb: {  	v29 =	vmul.f32 v61, v54;
	v32 =	vmul.f32 v63, v54;
	v54 =	vld [tilespmem:s13+$0x2EE0];
	[tilespmem:s13+$0x2D90] =	vst v11;
	v11 =	vadd.f32 v23, v4  }
0xec: {  	v40 =	vmul.f32 v31, v30;
	v31 =	vld [tilespmem:s13+$0x2F60];
	[tilespmem:s13+$0x2DA0] =	vst v10;
	v10 =	vadd.f32 v25, v5  }
0xed: {  	v42 =	vmul.f32 v33, v30;
	v33 =	vld [tilespmem:s13+$0x2F70];
	[tilespmem:s13+$0x2DB0] =	vst v11;
	v11 =	vadd.f32 v27, v6  }
0xee: {  	v44 =	vmul.f32 v35, v30;
	v35 =	vld [tilespmem:s13+$0x2F80];
	v34 =	vmul.f32 v24, v30;
	[tilespmem:s13+$0x2DC0] =	vst v10;
	v10 =	vadd.f32 v29, v7  }
0xef: {  	v36 =	vmul.f32 v26, v30;
	v39 =	vld [tilespmem:s13+$0x2E70];
	[tilespmem:s13+$0x2DD0] =	vst v11;
	v11 =	vadd.f32 v32, v8  }
0xf0: {  	v46 =	vmul.f32 v37, v30;
	v37 =	vld [tilespmem:s13+$0x2F90];
	v38 =	vmul.f32 v28, v30;
	[tilespmem:s13+$0x2DE0] =	vst v10;
	v10 =	vadd.f32 v34, v1  }
0xf1: {  	v41 =	vld [tilespmem:s13+$0x2E80];
	[tilespmem:s13+$0x2DF0] =	vst v11;
	v11 =	vadd.f32 v36, v2  }
0xf2: {  	v43 =	vld [tilespmem:s13+$0x2E90];
	[tilespmem:s13+$0x2E00] =	vst v10;
	v10 =	vadd.f32 v38, v3  }
0xf3: {  	v45 =	vld [tilespmem:s13+$0x2EA0];
	v47 =	vbroadcast v9, $0x5;
	[tilespmem:s13+$0x2E10] =	vst v11;
	v11 =	vadd.f32 v40, v4  }
0xf4: {  	v49 =	vmul.f32 v39, v30;
	v39 =	vld [tilespmem:s13+$0x2FA0];
	[tilespmem:s13+$0x2E20] =	vst v10;
	v10 =	vadd.f32 v42, v5  }
0xf5: {  	v57 =	vmul.f32 v48, v47;
	v48 =	vld [tilespmem:s13+$0x2FE0];
	[tilespmem:s13+$0x2E30] =	vst v11;
	v11 =	vadd.f32 v44, v6  }
0xf6: {  	v59 =	vmul.f32 v50, v47;
	v50 =	vld [tilespmem:s13+$0x2FF0];
	v51 =	vmul.f32 v41, v47;
	[tilespmem:s13+$0x2E40] =	vst v10;
	v10 =	vadd.f32 v46, v7  }
0xf7: {  	v61 =	vmul.f32 v52, v47;
	v52 =	vld [tilespmem:s13+$0x3000];
	v53 =	vmul.f32 v43, v47;
	[tilespmem:s13+$0x2E50] =	vst v11;
	v11 =	vadd.f32 v49, v8  }
0xf8: {  	v56 =	vld [tilespmem:s13+$0x2EF0];
	v55 =	vmul.f32 v45, v47;
	[tilespmem:s13+$0x2E60] =	vst v10;
	v10 =	vadd.f32 v51, v1  }
0xf9: {  	v58 =	vld [tilespmem:s13+$0x2F00];
	[tilespmem:s13+$0x2E70] =	vst v11;
	v11 =	vadd.f32 v53, v2  }
0xfa: {  	v60 =	vld [tilespmem:s13+$0x2F10];
	[tilespmem:s13+$0x2E80] =	vst v10;
	v10 =	vadd.f32 v55, v3  }
0xfb: {  	v62 =	vld [tilespmem:s13+$0x2F20];
	[tilespmem:s13+$0x2E90] =	vst v11;
	v11 =	vadd.f32 v57, v4  }
0xfc: {  	v24 =	vbroadcast v9, $0x6;
	v63 =	vmul.f32 v54, v47;
	v25 =	vld [tilespmem:s13+$0x2F30];
	[tilespmem:s13+$0x2EA0] =	vst v10;
	v10 =	vadd.f32 v59, v5  }
0xfd: {  	v26 =	vmul.f32 v56, v47;
	v27 =	vld [tilespmem:s13+$0x2F40];
	[tilespmem:s13+$0x2EB0] =	vst v11;
	v11 =	vadd.f32 v61, v6  }
0xfe: {  	v28 =	vmul.f32 v58, v24;
	v29 =	vld [tilespmem:s13+$0x2F50];
	[tilespmem:s13+$0x2EC0] =	vst v10;
	v10 =	vadd.f32 v63, v7  }
0xff: {  	v54 =	vld [tilespmem:s13+$0x3010];
	v41 =	vbroadcast v9, $0x7;
	v30 =	vmul.f32 v60, v24;
	[tilespmem:s13+$0x2ED0] =	vst v11;
	v11 =	vadd.f32 v26, v8  }
0x100: {  	v43 =	vmul.f32 v33, v24;
	v33 =	vld [tilespmem:s13+$0x30B0];
	v32 =	vmul.f32 v62, v24;
	[tilespmem:s13+$0x2EE0] =	vst v10;
	v10 =	vadd.f32 v28, v1  }
0x101: {  	v45 =	vmul.f32 v35, v41;
	v35 =	vld [tilespmem:s13+$0x30C0];
	v34 =	vmul.f32 v25, v24;
	[tilespmem:s13+$0x2EF0] =	vst v11;
	v11 =	vadd.f32 v30, v2  }
0x102: {  	v56 =	vld [tilespmem:s13+$0x3020];
	v36 =	vmul.f32 v27, v24;
	[tilespmem:s13+$0x2F00] =	vst v10;
	v10 =	vadd.f32 v32, v3  }
0x103: {  	v47 =	vmul.f32 v37, v41;
	v37 =	vld [tilespmem:s13+$0x30D0];
	v38 =	vmul.f32 v29, v24;
	[tilespmem:s13+$0x2F10] =	vst v11;
	v11 =	vadd.f32 v34, v4  }
0x104: {  	v40 =	vmul.f32 v31, v24;
	v42 =	vld [tilespmem:s13+$0x2FB0];
	[tilespmem:s13+$0x2F20] =	vst v10;
	v10 =	vadd.f32 v36, v5  }
0x105: {  	v44 =	vld [tilespmem:s13+$0x2FC0];
	[tilespmem:s13+$0x2F30] =	vst v11;
	v11 =	vadd.f32 v38, v6  }
0x106: {  	v58 =	vbroadcast v9, $0x8;
	v46 =	vld [tilespmem:s13+$0x2FD0];
	[tilespmem:s13+$0x2F40] =	vst v10;
	v10 =	vadd.f32 v40, v7  }
0x107: {  	v60 =	vmul.f32 v50, v41;
	v50 =	vld [tilespmem:s13+$0x3130];
	[tilespmem:s13+$0x2F50] =	vst v11;
	v11 =	vadd.f32 v43, v8  }
0x108: {  	v62 =	vmul.f32 v52, v58;
	v52 =	vld [tilespmem:s13+$0x3140];
	v49 =	vmul.f32 v39, v41;
	[tilespmem:s13+$0x2F60] =	vst v10;
	v10 =	vadd.f32 v45, v1  }
0x109: {  	v21 =	vmul.f32 v54, v58;
	v54 =	vld [tilespmem:s13+$0x3150];
	v51 =	vmul.f32 v42, v41;
	[tilespmem:s13+$0x2F70] =	vst v11;
	v11 =	vadd.f32 v47, v2  }
0x10a: {  	v23 =	vmul.f32 v56, v58;
	v56 =	vld [tilespmem:s13+$0x3160];
	v53 =	vmul.f32 v44, v41;
	[tilespmem:s13+$0x2F80] =	vst v10;
	v10 =	vadd.f32 v49, v3  }
0x10b: {  	v24 =	vld [tilespmem:s13+$0x3070];
	v55 =	vmul.f32 v46, v41;
	[tilespmem:s13+$0x2F90] =	vst v11;
	v11 =	vadd.f32 v51, v4  }
0x10c: {  	v57 =	vmul.f32 v48, v41;
	v59 =	vld [tilespmem:s13+$0x3030];
	[tilespmem:s13+$0x2FA0] =	vst v10;
	v10 =	vadd.f32 v53, v5  }
0x10d: {  	v61 =	vld [tilespmem:s13+$0x3040];
	[tilespmem:s13+$0x2FB0] =	vst v11;
	v11 =	vadd.f32 v55, v6  }
0x10e: {  	v63 =	vld [tilespmem:s13+$0x3050];
	[tilespmem:s13+$0x2FC0] =	vst v10;
	v10 =	vadd.f32 v57, v7  }
0x10f: {  	v39 =	vld [tilespmem:s13+$0x30E0];
	[tilespmem:s13+$0x2FD0] =	vst v11;
	v11 =	vadd.f32 v60, v8  }
0x110: {  	v31 =	vmul.f32 v22, v58;
	v22 =	vld [tilespmem:s13+$0x32D0];
	[tilespmem:s13+$0x2FE0] =	vst v10;
	v10 =	vadd.f32 v62, v1  }
0x111: {  	v26 =	vld [tilespmem:s13+$0x3080];
	v25 =	vmul.f32 v59, v58;
	[tilespmem:s13+$0x2FF0] =	vst v11;
	v11 =	vadd.f32 v21, v2  }
0x112: {  	v28 =	vld [tilespmem:s13+$0x3090];
	v27 =	vmul.f32 v61, v58;
	[tilespmem:s13+$0x3000] =	vst v10;
	v10 =	vadd.f32 v23, v3  }
0x113: {  	v30 =	vld [tilespmem:s13+$0x30A0];
	v29 =	vmul.f32 v63, v58;
	[tilespmem:s13+$0x3010] =	vst v11;
	v11 =	vadd.f32 v25, v4  }
0x114: {  	v41 =	vld [tilespmem:s13+$0x30F0];
	v32 =	vbroadcast v9, $0x9;
	[tilespmem:s13+$0x3020] =	vst v10;
	v10 =	vadd.f32 v27, v5  }
0x115: {  	v34 =	vmul.f32 v24, v58;
	v24 =	vld [tilespmem:s13+$0x31A0];
	[tilespmem:s13+$0x3030] =	vst v11;
	v11 =	vadd.f32 v29, v6  }
0x116: {  	v58 =	vld [tilespmem:s13+$0x3170];
	v36 =	vmul.f32 v26, v32;
	[tilespmem:s13+$0x3040] =	vst v10;
	v10 =	vadd.f32 v31, v7  }
0x117: {  	v42 =	vmul.f32 v33, v32;
	v33 =	vld [tilespmem:s13+$0x31E0];
	v38 =	vmul.f32 v28, v32;
	[tilespmem:s13+$0x3050] =	vst v11;
	v11 =	vadd.f32 v34, v8  }
0x118: {  	v44 =	vmul.f32 v35, v32;
	v35 =	vld [tilespmem:s13+$0x31F0];
	v40 =	vmul.f32 v30, v32;
	[tilespmem:s13+$0x3060] =	vst v10;
	v10 =	vadd.f32 v36, v1  }
0x119: {  	v43 =	vld [tilespmem:s13+$0x3100];
	[tilespmem:s13+$0x3070] =	vst v11;
	v11 =	vadd.f32 v38, v2  }
0x11a: {  	v45 =	vld [tilespmem:s13+$0x3110];
	[tilespmem:s13+$0x3080] =	vst v10;
	v10 =	vadd.f32 v40, v3  }
0x11b: {  	v46 =	vmul.f32 v37, v32;
	v47 =	vld [tilespmem:s13+$0x3120];
	[tilespmem:s13+$0x3090] =	vst v11;
	v11 =	vadd.f32 v42, v4  }
0x11c: {  	v48 =	vmul.f32 v39, v32;
	v37 =	vld [tilespmem:s13+$0x3200];
	v49 =	vbroadcast v9, $0xA;
	[tilespmem:s13+$0x30A0] =	vst v10;
	v10 =	vadd.f32 v44, v5  }
0x11d: {  	v39 =	vld [tilespmem:s13+$0x3210];
	v51 =	vmul.f32 v41, v32;
	[tilespmem:s13+$0x30B0] =	vst v11;
	v11 =	vadd.f32 v46, v6  }
0x11e: {  	v41 =	vld [tilespmem:s13+$0x3220];
	v53 =	vmul.f32 v43, v49;
	[tilespmem:s13+$0x30C0] =	vst v10;
	v10 =	vadd.f32 v48, v7  }
0x11f: {  	v59 =	vmul.f32 v50, v49;
	v50 =	vld [tilespmem:s13+$0x3260];
	v55 =	vmul.f32 v45, v49;
	[tilespmem:s13+$0x30D0] =	vst v11;
	v11 =	vadd.f32 v51, v8  }
0x120: {  	v61 =	vmul.f32 v52, v49;
	v52 =	vld [tilespmem:s13+$0x3270];
	v57 =	vmul.f32 v47, v49;
	[tilespmem:s13+$0x30E0] =	vst v10;
	v10 =	vadd.f32 v53, v1  }
0x121: {  	v60 =	vld [tilespmem:s13+$0x3180];
	[tilespmem:s13+$0x30F0] =	vst v11;
	v11 =	vadd.f32 v55, v2  }
0x122: {  	v62 =	vld [tilespmem:s13+$0x3190];
	[tilespmem:s13+$0x3100] =	vst v10;
	v10 =	vadd.f32 v57, v3  }
0x123: {  	v63 =	vmul.f32 v54, v49;
	v27 =	vld [tilespmem:s13+$0x31B0];
	[tilespmem:s13+$0x3110] =	vst v11;
	v11 =	vadd.f32 v59, v4  }
0x124: {  	v26 =	vbroadcast v9, $0xB;
	v25 =	vmul.f32 v56, v49;
	v29 =	vld [tilespmem:s13+$0x31C0];
	[tilespmem:s13+$0x3120] =	vst v10;
	v10 =	vadd.f32 v61, v5  }
0x125: {  	v28 =	vmul.f32 v58, v49;
	v31 =	vld [tilespmem:s13+$0x31D0];
	[tilespmem:s13+$0x3130] =	vst v11;
	v11 =	vadd.f32 v63, v6  }
0x126: {  	v54 =	vld [tilespmem:s13+$0x3280];
	v30 =	vmul.f32 v60, v26;
	[tilespmem:s13+$0x3140] =	vst v10;
	v10 =	vadd.f32 v25, v7  }
0x127: {  	v58 =	vld [tilespmem:s13+$0x32A0];
	v32 =	vmul.f32 v62, v26;
	[tilespmem:s13+$0x3150] =	vst v11;
	v11 =	vadd.f32 v28, v8  }
0x128: {  	v45 =	vmul.f32 v35, v26;
	v56 =	vld [tilespmem:s13+$0x3290];
	v34 =	vmul.f32 v24, v26;
	[tilespmem:s13+$0x3160] =	vst v10;
	v10 =	vadd.f32 v30, v1  }
0x129: {  	v24 =	vld [tilespmem:s13+$0x32E0];
	v36 =	vmul.f32 v27, v26;
	v38 =	vmul.f32 v29, v26;
	[tilespmem:s13+$0x3170] =	vst v11;
	v11 =	vadd.f32 v32, v2  }
0x12a: {  	v42 =	vmul.f32 v33, v26;
	v40 =	vmul.f32 v31, v26;
	v26 =	vld [tilespmem:s13+$0x32F0];
	[tilespmem:s13+$0x3180] =	vst v10;
	v10 =	vadd.f32 v34, v3  }
0x12b: {  	v44 =	vld [tilespmem:s13+$0x3230];
	[tilespmem:s13+$0x3190] =	vst v11;
	v11 =	vadd.f32 v36, v4  }
0x12c: {  	v43 =	vbroadcast v9, $0xC;
	v46 =	vld [tilespmem:s13+$0x3240];
	[tilespmem:s13+$0x31A0] =	vst v10;
	v10 =	vadd.f32 v38, v5  }
0x12d: {  	v48 =	vld [tilespmem:s13+$0x3250];
	[tilespmem:s13+$0x31B0] =	vst v11;
	v11 =	vadd.f32 v40, v6  }
0x12e: {  	v47 =	vmul.f32 v37, v43;
	v61 =	vld [tilespmem:s13+$0x32B0];
	[tilespmem:s13+$0x31C0] =	vst v10;
	v10 =	vadd.f32 v42, v7  }
0x12f: {  	v49 =	vmul.f32 v39, v43;
	v63 =	vld [tilespmem:s13+$0x32C0];
	[tilespmem:s13+$0x31D0] =	vst v11;
	v11 =	vadd.f32 v45, v8  }
0x130: {  	v51 =	vmul.f32 v41, v43;
	v45 =	vld [tilespmem:s13+$0x3380];
	[tilespmem:s13+$0x31E0] =	vst v10;
	v10 =	vadd.f32 v47, v1  }
0x131: {  	v60 =	vbroadcast v9, $0xD;
	v53 =	vmul.f32 v44, v43;
	[tilespmem:s13+$0x31F0] =	vst v11;
	v11 =	vadd.f32 v49, v2;
	v47 =	vld [tilespmem:s13+$0x3390]  }
0x132: {  	v62 =	vmul.f32 v52, v43;
	v55 =	vmul.f32 v46, v43;
	v49 =	vld [tilespmem:s13+$0x33A0];
	[tilespmem:s13+$0x3200] =	vst v10;
	v10 =	vadd.f32 v51, v3  }
0x133: {  	v21 =	vmul.f32 v54, v60;
	v57 =	vmul.f32 v48, v43;
	[tilespmem:s13+$0x3210] =	vst v11;
	v11 =	vadd.f32 v53, v4;
	v51 =	vld [tilespmem:s13+$0x33B0]  }
0x134: {  	v23 =	vmul.f32 v56, v60;
	v59 =	vmul.f32 v50, v43;
	v53 =	vld [tilespmem:s13+$0x33C0];
	[tilespmem:s13+$0x3220] =	vst v10;
	v10 =	vadd.f32 v55, v5  }
0x135: {  	v31 =	vmul.f32 v22, v60;
	v33 =	vmul.f32 v24, v60;
	[tilespmem:s13+$0x3230] =	vst v11;
	v11 =	vadd.f32 v57, v6;
	v55 =	vld [tilespmem:s13+$0x33D0]  }
0x136: {  	v25 =	vmul.f32 v58, v60;
	v27 =	vmul.f32 v61, v60;
	v57 =	vld [tilespmem:s13+$0x33E0];
	[tilespmem:s13+$0x3240] =	vst v10;
	v10 =	vadd.f32 v59, v7  }
0x137: {  	v34 =	vbroadcast v9, $0xE;
	v9 =	vbroadcast v9, $0xF;
	[tilespmem:s13+$0x3250] =	vst v11;
	v11 =	vadd.f32 v62, v8;
	v59 =	vld [tilespmem:s13+$0x33F0]  }
0x138: {  	v29 =	vmul.f32 v63, v60;
	v36 =	vmul.f32 v26, v60;
	[tilespmem:s13+$0x3260] =	vst v10;
	v10 =	vadd.f32 v21, v1  }
0x139: {  	v54 =	vmul.f32 v45, v9;
	v56 =	vmul.f32 v47, v9;
	[tilespmem:s13+$0x3270] =	vst v11;
	v11 =	vadd.f32 v23, v2  }
0x13a: {  	v28 =	vld [tilespmem:s13+$0x3300];
	v58 =	vmul.f32 v49, v9;
	v60 =	vmul.f32 v51, v9;
	[tilespmem:s13+$0x3280] =	vst v10;
	v10 =	vadd.f32 v25, v3  }
0x13b: {  	v30 =	vld [tilespmem:s13+$0x3310];
	v61 =	vmul.f32 v53, v9;
	v62 =	vmul.f32 v55, v9;
	[tilespmem:s13+$0x3290] =	vst v11;
	v11 =	vadd.f32 v27, v4  }
0x13c: {  	v32 =	vld [tilespmem:s13+$0x3320];
	v63 =	vmul.f32 v57, v9;
	v9 =	vmul.f32 v59, v9;
	[tilespmem:s13+$0x32A0] =	vst v10;
	v10 =	vadd.f32 v29, v5  }
0x13d: {  	v35 =	vld [tilespmem:s13+$0x3330];
	[tilespmem:s13+$0x32B0] =	vst v11;
	v11 =	vadd.f32 v31, v6  }
0x13e: {  	v37 =	vld [tilespmem:s13+$0x3340];
	v9 =	vadd.f32 v9, v8;
	[tilespmem:s13+$0x32C0] =	vst v10  }
0x13f: {  	v39 =	vld [tilespmem:s13+$0x3350];
	v38 =	vmul.f32 v28, v34;
	v10 =	vadd.f32 v33, v7;
	[tilespmem:s13+$0x32D0] =	vst v11  }
0x140: {  	v41 =	vld [tilespmem:s13+$0x3360];
	v40 =	vmul.f32 v30, v34;
	v11 =	vadd.f32 v36, v8;
	[tilespmem:s13+$0x33F0] =	vst v9  }
0x141: {  	v43 =	vld [tilespmem:s13+$0x3370];
	v42 =	vmul.f32 v32, v34;
	[tilespmem:s13+$0x32E0] =	vst v10;
	v10 =	vadd.f32 v38, v1  }
0x142: {  	v44 =	vmul.f32 v35, v34;
	[tilespmem:s13+$0x32F0] =	vst v11;
	v11 =	vadd.f32 v40, v2  }
0x143: {  	v46 =	vmul.f32 v37, v34;
	[tilespmem:s13+$0x3300] =	vst v10;
	v10 =	vadd.f32 v42, v3  }
0x144: {  	v48 =	vmul.f32 v39, v34;
	[tilespmem:s13+$0x3310] =	vst v11;
	v11 =	vadd.f32 v44, v4  }
0x145: {  	v50 =	vmul.f32 v41, v34;
	[tilespmem:s13+$0x3320] =	vst v10;
	v10 =	vadd.f32 v46, v5  }
0x146: {  	v52 =	vmul.f32 v43, v34;
	[tilespmem:s13+$0x3330] =	vst v11;
	v11 =	vadd.f32 v48, v6  }
0x147: {  	[tilespmem:s13+$0x3340] =	vst v10;
	v10 =	vadd.f32 v50, v7  }
0x148: {  	[tilespmem:s13+$0x3350] =	vst v11;
	v11 =	vadd.f32 v52, v8  }
0x149: {  	[tilespmem:s13+$0x3360] =	vst v10;
	v10 =	vadd.f32 v54, v1  }
0x14a: {  	[tilespmem:s13+$0x3370] =	vst v11;
	v11 =	vadd.f32 v56, v2  }
0x14b: {  	[tilespmem:s13+$0x3380] =	vst v10;
	v10 =	vadd.f32 v58, v3  }
0x14c: {  	p2 =	sne.s32 s12, $0x7;
	[tilespmem:s13+$0x3390] =	vst v11;
	v11 =	vadd.f32 v60, v4  }
.Ltmp3:
0x14d: {  	[tilespmem:s13+$0x33A0] =	vst v10;
	v10 =	vadd.f32 v61, v5;
	(pc) =	sbr.rel @p2 .LBB2_8-.Ltmp3, $4  }
0x14e: {  	[tilespmem:s13+$0x33B0] =	vst v11;
	v11 =	vadd.f32 v62, v6  }
0x14f: {  	[tilespmem:s13+$0x33C0] =	vst v10;
	v10 =	vadd.f32 v63, v7  }
0x150: {  	[tilespmem:s13+$0x33D0] =	vst v11  }
0x151: {  	s12 =	sadd.s32 $0x1, s12;
	[tilespmem:s13+$0x33E0] =	vst v10  }
0x152: {  	[spmem:s3] =	stream.indirect.scatter.add.f32 [tilespmem:s20], [sflag:$0x5], $0x80, s31, s19, $0xb8;
	[tilespmem:$0x1F8C0] =	vst v63  }
0x153: {  	s12 =	sshll.u32 s11, $0xA  }
0x154: {  	_ =	swait.ge [sflag:s17], $0x4000;
	s13 =	sadd.s32 s12, s22  }
0x155: {  	[sflag:s17] =	ssyncset.done $0x0;
	s13 =	sshrl.u32 s13, $0x3  }
0x156: {  	[sflag:s17] =	ssyncadd.s32 $0xFFFFC000;
	s14 =	sadd.s32 s6, s13;
	s13 =	simm.s32 $0x0  }
0x157: {  	[tilespmem:s13], [sflag:$0x3] =	stream.linear.gather [hbm4b:s14+s13], $0x180, $0x38;
	[tilespmem:$0x1F8C0] =	vst v63  }
0x158: {  	_ =	swait.ge [sflag:s0], $0x4000  }
0x159: {  	[sflag:s0] =	ssyncset.done $0x0  }
0x15a: {  	[sflag:s0] =	ssyncadd.s32 $0xFFFFC000  }
0x15b: {  	_ =	swait.ge [sflag:s1], $0x180  }
0x15c: {  	[sflag:s1] =	ssyncset.done $0x0  }
0x15d: {  	[sflag:s1] =	ssyncadd.s32 $0xFFFFFE80  }
0x15e: {  	[tilespmem:s20], [sflag:$0x1] =	stream.indirect.gather [hbm4b:s2+s19], $0x80, s13, s19, $0xb8;
	[tilespmem:$0x1F8C0] =	vst v63  }
.LBB2_10:
0x15f: {  	s14 =	sshll.u32 s13, $0x4  }
0x160: {  	s14 =	sand.u32 $0x3FFFFFF0, s14  }
0x161: {  	v9 =	vld [tilespmem:s14+$0x280];
	s14 =	sshll.u32 s13, $0xB  }
0x162: {  	s14 =	sand.u32 $0x3FFFF800, s14  }
0x163: {  	v10 =	vld [tilespmem:s14+$0x6C00]  }
0x164: {  	v11 =	vld [tilespmem:s14+$0x6C10]  }
0x165: {  	v12 =	vld [tilespmem:s14+$0x6C20]  }
0x166: {  	v14 =	vld [tilespmem:s14+$0x6C30]  }
0x167: {  	v15 =	vld [tilespmem:s14+$0x6C40]  }
0x168: {  	v16 =	vld [tilespmem:s14+$0x6C50]  }
0x169: {  	v17 =	vld [tilespmem:s14+$0x6C60]  }
0x16a: {  	v18 =	vld [tilespmem:s14+$0x6C70]  }
0x16b: {  	v9 =	vld.idx.msk [tilespmem:v9+s16+$0x0], $0xffff  }
0x16c: {  	v19 =	vld [tilespmem:s14+$0x6C80]  }
0x16d: {  	v59 =	vld [tilespmem:s14+$0x6C90]  }
0x16e: {  	v61 =	vld [tilespmem:s14+$0x6CA0]  }
0x16f: {  	v20 =	vld [tilespmem:s14+$0x6CB0]  }
0x170: {  	v23 =	vld [tilespmem:s14+$0x6CC0];
	v13 =	vbroadcast v9, $0x0  }
0x171: {  	v25 =	vld [tilespmem:s14+$0x6CD0]  }
0x172: {  	v27 =	vld [tilespmem:s14+$0x6CE0];
	v10 =	vmul.f32 v13, v10  }
0x173: {  	v29 =	vld [tilespmem:s14+$0x6CF0];
	v11 =	vmul.f32 v11, v13  }
0x174: {  	v31 =	vld [tilespmem:s14+$0x6D00];
	v12 =	vmul.f32 v12, v13;
	v10 =	vadd.f32 v10, v1  }
0x175: {  	v33 =	vld [tilespmem:s14+$0x6D10];
	v14 =	vmul.f32 v14, v13;
	v11 =	vadd.f32 v11, v2  }
0x176: {  	v35 =	vld [tilespmem:s14+$0x6D20];
	v58 =	vmul.f32 v15, v13;
	[tilespmem:s14+$0x6C00] =	vst v10;
	v10 =	vadd.f32 v12, v3  }
0x177: {  	v38 =	vld [tilespmem:s14+$0x6D30];
	v60 =	vmul.f32 v16, v13;
	[tilespmem:s14+$0x6C10] =	vst v11;
	v11 =	vadd.f32 v14, v4  }
0x178: {  	v40 =	vld [tilespmem:s14+$0x6D40];
	v63 =	vbroadcast v9, $0x1;
	v62 =	vmul.f32 v17, v13;
	[tilespmem:s14+$0x6C20] =	vst v10;
	v10 =	vadd.f32 v58, v5  }
0x179: {  	v42 =	vld [tilespmem:s14+$0x6D50];
	v13 =	vmul.f32 v18, v13;
	[tilespmem:s14+$0x6C30] =	vst v11;
	v11 =	vadd.f32 v60, v6  }
0x17a: {  	v44 =	vld [tilespmem:s14+$0x6D60];
	v24 =	vmul.f32 v19, v63;
	[tilespmem:s14+$0x6C40] =	vst v10;
	v10 =	vadd.f32 v62, v7  }
0x17b: {  	v46 =	vld [tilespmem:s14+$0x6D70];
	v26 =	vmul.f32 v59, v63;
	[tilespmem:s14+$0x6C50] =	vst v11;
	v11 =	vadd.f32 v13, v8  }
0x17c: {  	v48 =	vld [tilespmem:s14+$0x6D80];
	v28 =	vmul.f32 v61, v63;
	[tilespmem:s14+$0x6C60] =	vst v10;
	v10 =	vadd.f32 v24, v1  }
0x17d: {  	v50 =	vld [tilespmem:s14+$0x6D90];
	v30 =	vmul.f32 v20, v63;
	[tilespmem:s14+$0x6C70] =	vst v11;
	v11 =	vadd.f32 v26, v2  }
0x17e: {  	v52 =	vld [tilespmem:s14+$0x6DA0];
	v32 =	vmul.f32 v23, v63;
	[tilespmem:s14+$0x6C80] =	vst v10;
	v10 =	vadd.f32 v28, v3  }
0x17f: {  	v55 =	vld [tilespmem:s14+$0x6DB0];
	v34 =	vmul.f32 v25, v63;
	[tilespmem:s14+$0x6C90] =	vst v11;
	v11 =	vadd.f32 v30, v4  }
0x180: {  	v57 =	vld [tilespmem:s14+$0x6DC0];
	v37 =	vbroadcast v9, $0x2;
	v36 =	vmul.f32 v27, v63;
	[tilespmem:s14+$0x6CA0] =	vst v10;
	v10 =	vadd.f32 v32, v5  }
0x181: {  	v22 =	vld [tilespmem:s14+$0x7060];
	v39 =	vmul.f32 v29, v63;
	[tilespmem:s14+$0x6CB0] =	vst v11;
	v11 =	vadd.f32 v34, v6  }
0x182: {  	v41 =	vmul.f32 v31, v37;
	v59 =	vld [tilespmem:s14+$0x6DD0];
	[tilespmem:s14+$0x6CC0] =	vst v10;
	v10 =	vadd.f32 v36, v7  }
0x183: {  	v43 =	vmul.f32 v33, v37;
	v61 =	vld [tilespmem:s14+$0x6DE0];
	[tilespmem:s14+$0x6CD0] =	vst v11;
	v11 =	vadd.f32 v39, v8  }
0x184: {  	v45 =	vmul.f32 v35, v37;
	v63 =	vld [tilespmem:s14+$0x6DF0];
	[tilespmem:s14+$0x6CE0] =	vst v10;
	v10 =	vadd.f32 v41, v1  }
0x185: {  	v47 =	vmul.f32 v38, v37;
	v31 =	vld [tilespmem:s14+$0x6E30];
	[tilespmem:s14+$0x6CF0] =	vst v11;
	v11 =	vadd.f32 v43, v2  }
0x186: {  	v49 =	vmul.f32 v40, v37;
	v33 =	vld [tilespmem:s14+$0x6E40];
	[tilespmem:s14+$0x6D00] =	vst v10;
	v10 =	vadd.f32 v45, v3  }
0x187: {  	v54 =	vbroadcast v9, $0x3;
	v51 =	vmul.f32 v42, v37;
	v35 =	vld [tilespmem:s14+$0x6E50];
	[tilespmem:s14+$0x6D10] =	vst v11;
	v11 =	vadd.f32 v47, v4  }
0x188: {  	v53 =	vmul.f32 v44, v37;
	v56 =	vmul.f32 v46, v37;
	v37 =	vld [tilespmem:s14+$0x6E60];
	[tilespmem:s14+$0x6D20] =	vst v10;
	v10 =	vadd.f32 v49, v5  }
0x189: {  	v58 =	vmul.f32 v48, v54;
	v48 =	vld [tilespmem:s14+$0x6EB0];
	[tilespmem:s14+$0x6D30] =	vst v11;
	v11 =	vadd.f32 v51, v6  }
0x18a: {  	v60 =	vmul.f32 v50, v54;
	v50 =	vld [tilespmem:s14+$0x6EC0];
	[tilespmem:s14+$0x6D40] =	vst v10;
	v10 =	vadd.f32 v53, v7  }
0x18b: {  	v62 =	vmul.f32 v52, v54;
	v52 =	vld [tilespmem:s14+$0x6ED0];
	[tilespmem:s14+$0x6D50] =	vst v11;
	v11 =	vadd.f32 v56, v8  }
0x18c: {  	v24 =	vld [tilespmem:s14+$0x6E00];
	[tilespmem:s14+$0x6D60] =	vst v10;
	v10 =	vadd.f32 v58, v1  }
0x18d: {  	v23 =	vmul.f32 v55, v54;
	v25 =	vmul.f32 v57, v54;
	v26 =	vld [tilespmem:s14+$0x6E10];
	[tilespmem:s14+$0x6D70] =	vst v11;
	v11 =	vadd.f32 v60, v2  }
0x18e: {  	v27 =	vmul.f32 v59, v54;
	v28 =	vld [tilespmem:s14+$0x6E20];
	v30 =	vbroadcast v9, $0x4;
	[tilespmem:s14+$0x6D80] =	vst v10;
	v10 =	vadd.f32 v62, v3  }
0x18f: {  	v29 =	vmul.f32 v61, v54;
	v32 =	vmul.f32 v63, v54;
	v54 =	vld [tilespmem:s14+$0x6EE0];
	[tilespmem:s14+$0x6D90] =	vst v11;
	v11 =	vadd.f32 v23, v4  }
0x190: {  	v40 =	vmul.f32 v31, v30;
	v31 =	vld [tilespmem:s14+$0x6F60];
	[tilespmem:s14+$0x6DA0] =	vst v10;
	v10 =	vadd.f32 v25, v5  }
0x191: {  	v42 =	vmul.f32 v33, v30;
	v33 =	vld [tilespmem:s14+$0x6F70];
	[tilespmem:s14+$0x6DB0] =	vst v11;
	v11 =	vadd.f32 v27, v6  }
0x192: {  	v44 =	vmul.f32 v35, v30;
	v35 =	vld [tilespmem:s14+$0x6F80];
	v34 =	vmul.f32 v24, v30;
	[tilespmem:s14+$0x6DC0] =	vst v10;
	v10 =	vadd.f32 v29, v7  }
0x193: {  	v36 =	vmul.f32 v26, v30;
	v39 =	vld [tilespmem:s14+$0x6E70];
	[tilespmem:s14+$0x6DD0] =	vst v11;
	v11 =	vadd.f32 v32, v8  }
0x194: {  	v46 =	vmul.f32 v37, v30;
	v37 =	vld [tilespmem:s14+$0x6F90];
	v38 =	vmul.f32 v28, v30;
	[tilespmem:s14+$0x6DE0] =	vst v10;
	v10 =	vadd.f32 v34, v1  }
0x195: {  	v41 =	vld [tilespmem:s14+$0x6E80];
	[tilespmem:s14+$0x6DF0] =	vst v11;
	v11 =	vadd.f32 v36, v2  }
0x196: {  	v43 =	vld [tilespmem:s14+$0x6E90];
	[tilespmem:s14+$0x6E00] =	vst v10;
	v10 =	vadd.f32 v38, v3  }
0x197: {  	v45 =	vld [tilespmem:s14+$0x6EA0];
	v47 =	vbroadcast v9, $0x5;
	[tilespmem:s14+$0x6E10] =	vst v11;
	v11 =	vadd.f32 v40, v4  }
0x198: {  	v49 =	vmul.f32 v39, v30;
	v39 =	vld [tilespmem:s14+$0x6FA0];
	[tilespmem:s14+$0x6E20] =	vst v10;
	v10 =	vadd.f32 v42, v5  }
0x199: {  	v57 =	vmul.f32 v48, v47;
	v48 =	vld [tilespmem:s14+$0x6FE0];
	[tilespmem:s14+$0x6E30] =	vst v11;
	v11 =	vadd.f32 v44, v6  }
0x19a: {  	v59 =	vmul.f32 v50, v47;
	v50 =	vld [tilespmem:s14+$0x6FF0];
	v51 =	vmul.f32 v41, v47;
	[tilespmem:s14+$0x6E40] =	vst v10;
	v10 =	vadd.f32 v46, v7  }
0x19b: {  	v61 =	vmul.f32 v52, v47;
	v52 =	vld [tilespmem:s14+$0x7000];
	v53 =	vmul.f32 v43, v47;
	[tilespmem:s14+$0x6E50] =	vst v11;
	v11 =	vadd.f32 v49, v8  }
0x19c: {  	v56 =	vld [tilespmem:s14+$0x6EF0];
	v55 =	vmul.f32 v45, v47;
	[tilespmem:s14+$0x6E60] =	vst v10;
	v10 =	vadd.f32 v51, v1  }
0x19d: {  	v58 =	vld [tilespmem:s14+$0x6F00];
	[tilespmem:s14+$0x6E70] =	vst v11;
	v11 =	vadd.f32 v53, v2  }
0x19e: {  	v60 =	vld [tilespmem:s14+$0x6F10];
	[tilespmem:s14+$0x6E80] =	vst v10;
	v10 =	vadd.f32 v55, v3  }
0x19f: {  	v62 =	vld [tilespmem:s14+$0x6F20];
	[tilespmem:s14+$0x6E90] =	vst v11;
	v11 =	vadd.f32 v57, v4  }
0x1a0: {  	v24 =	vbroadcast v9, $0x6;
	v63 =	vmul.f32 v54, v47;
	v25 =	vld [tilespmem:s14+$0x6F30];
	[tilespmem:s14+$0x6EA0] =	vst v10;
	v10 =	vadd.f32 v59, v5  }
0x1a1: {  	v26 =	vmul.f32 v56, v47;
	v27 =	vld [tilespmem:s14+$0x6F40];
	[tilespmem:s14+$0x6EB0] =	vst v11;
	v11 =	vadd.f32 v61, v6  }
0x1a2: {  	v28 =	vmul.f32 v58, v24;
	v29 =	vld [tilespmem:s14+$0x6F50];
	[tilespmem:s14+$0x6EC0] =	vst v10;
	v10 =	vadd.f32 v63, v7  }
0x1a3: {  	v54 =	vld [tilespmem:s14+$0x7010];
	v41 =	vbroadcast v9, $0x7;
	v30 =	vmul.f32 v60, v24;
	[tilespmem:s14+$0x6ED0] =	vst v11;
	v11 =	vadd.f32 v26, v8  }
0x1a4: {  	v43 =	vmul.f32 v33, v24;
	v33 =	vld [tilespmem:s14+$0x70B0];
	v32 =	vmul.f32 v62, v24;
	[tilespmem:s14+$0x6EE0] =	vst v10;
	v10 =	vadd.f32 v28, v1  }
0x1a5: {  	v45 =	vmul.f32 v35, v41;
	v35 =	vld [tilespmem:s14+$0x70C0];
	v34 =	vmul.f32 v25, v24;
	[tilespmem:s14+$0x6EF0] =	vst v11;
	v11 =	vadd.f32 v30, v2  }
0x1a6: {  	v56 =	vld [tilespmem:s14+$0x7020];
	v36 =	vmul.f32 v27, v24;
	[tilespmem:s14+$0x6F00] =	vst v10;
	v10 =	vadd.f32 v32, v3  }
0x1a7: {  	v47 =	vmul.f32 v37, v41;
	v37 =	vld [tilespmem:s14+$0x70D0];
	v38 =	vmul.f32 v29, v24;
	[tilespmem:s14+$0x6F10] =	vst v11;
	v11 =	vadd.f32 v34, v4  }
0x1a8: {  	v40 =	vmul.f32 v31, v24;
	v42 =	vld [tilespmem:s14+$0x6FB0];
	[tilespmem:s14+$0x6F20] =	vst v10;
	v10 =	vadd.f32 v36, v5  }
0x1a9: {  	v44 =	vld [tilespmem:s14+$0x6FC0];
	[tilespmem:s14+$0x6F30] =	vst v11;
	v11 =	vadd.f32 v38, v6  }
0x1aa: {  	v58 =	vbroadcast v9, $0x8;
	v46 =	vld [tilespmem:s14+$0x6FD0];
	[tilespmem:s14+$0x6F40] =	vst v10;
	v10 =	vadd.f32 v40, v7  }
0x1ab: {  	v60 =	vmul.f32 v50, v41;
	v50 =	vld [tilespmem:s14+$0x7130];
	[tilespmem:s14+$0x6F50] =	vst v11;
	v11 =	vadd.f32 v43, v8  }
0x1ac: {  	v62 =	vmul.f32 v52, v58;
	v52 =	vld [tilespmem:s14+$0x7140];
	v49 =	vmul.f32 v39, v41;
	[tilespmem:s14+$0x6F60] =	vst v10;
	v10 =	vadd.f32 v45, v1  }
0x1ad: {  	v21 =	vmul.f32 v54, v58;
	v54 =	vld [tilespmem:s14+$0x7150];
	v51 =	vmul.f32 v42, v41;
	[tilespmem:s14+$0x6F70] =	vst v11;
	v11 =	vadd.f32 v47, v2  }
0x1ae: {  	v23 =	vmul.f32 v56, v58;
	v56 =	vld [tilespmem:s14+$0x7160];
	v53 =	vmul.f32 v44, v41;
	[tilespmem:s14+$0x6F80] =	vst v10;
	v10 =	vadd.f32 v49, v3  }
0x1af: {  	v24 =	vld [tilespmem:s14+$0x7070];
	v55 =	vmul.f32 v46, v41;
	[tilespmem:s14+$0x6F90] =	vst v11;
	v11 =	vadd.f32 v51, v4  }
0x1b0: {  	v57 =	vmul.f32 v48, v41;
	v59 =	vld [tilespmem:s14+$0x7030];
	[tilespmem:s14+$0x6FA0] =	vst v10;
	v10 =	vadd.f32 v53, v5  }
0x1b1: {  	v61 =	vld [tilespmem:s14+$0x7040];
	[tilespmem:s14+$0x6FB0] =	vst v11;
	v11 =	vadd.f32 v55, v6  }
0x1b2: {  	v63 =	vld [tilespmem:s14+$0x7050];
	[tilespmem:s14+$0x6FC0] =	vst v10;
	v10 =	vadd.f32 v57, v7  }
0x1b3: {  	v39 =	vld [tilespmem:s14+$0x70E0];
	[tilespmem:s14+$0x6FD0] =	vst v11;
	v11 =	vadd.f32 v60, v8  }
0x1b4: {  	v31 =	vmul.f32 v22, v58;
	v22 =	vld [tilespmem:s14+$0x72D0];
	[tilespmem:s14+$0x6FE0] =	vst v10;
	v10 =	vadd.f32 v62, v1  }
0x1b5: {  	v26 =	vld [tilespmem:s14+$0x7080];
	v25 =	vmul.f32 v59, v58;
	[tilespmem:s14+$0x6FF0] =	vst v11;
	v11 =	vadd.f32 v21, v2  }
0x1b6: {  	v28 =	vld [tilespmem:s14+$0x7090];
	v27 =	vmul.f32 v61, v58;
	[tilespmem:s14+$0x7000] =	vst v10;
	v10 =	vadd.f32 v23, v3  }
0x1b7: {  	v30 =	vld [tilespmem:s14+$0x70A0];
	v29 =	vmul.f32 v63, v58;
	[tilespmem:s14+$0x7010] =	vst v11;
	v11 =	vadd.f32 v25, v4  }
0x1b8: {  	v41 =	vld [tilespmem:s14+$0x70F0];
	v32 =	vbroadcast v9, $0x9;
	[tilespmem:s14+$0x7020] =	vst v10;
	v10 =	vadd.f32 v27, v5  }
0x1b9: {  	v34 =	vmul.f32 v24, v58;
	v24 =	vld [tilespmem:s14+$0x71A0];
	[tilespmem:s14+$0x7030] =	vst v11;
	v11 =	vadd.f32 v29, v6  }
0x1ba: {  	v58 =	vld [tilespmem:s14+$0x7170];
	v36 =	vmul.f32 v26, v32;
	[tilespmem:s14+$0x7040] =	vst v10;
	v10 =	vadd.f32 v31, v7  }
0x1bb: {  	v42 =	vmul.f32 v33, v32;
	v33 =	vld [tilespmem:s14+$0x71E0];
	v38 =	vmul.f32 v28, v32;
	[tilespmem:s14+$0x7050] =	vst v11;
	v11 =	vadd.f32 v34, v8  }
0x1bc: {  	v44 =	vmul.f32 v35, v32;
	v35 =	vld [tilespmem:s14+$0x71F0];
	v40 =	vmul.f32 v30, v32;
	[tilespmem:s14+$0x7060] =	vst v10;
	v10 =	vadd.f32 v36, v1  }
0x1bd: {  	v43 =	vld [tilespmem:s14+$0x7100];
	[tilespmem:s14+$0x7070] =	vst v11;
	v11 =	vadd.f32 v38, v2  }
0x1be: {  	v45 =	vld [tilespmem:s14+$0x7110];
	[tilespmem:s14+$0x7080] =	vst v10;
	v10 =	vadd.f32 v40, v3  }
0x1bf: {  	v46 =	vmul.f32 v37, v32;
	v47 =	vld [tilespmem:s14+$0x7120];
	[tilespmem:s14+$0x7090] =	vst v11;
	v11 =	vadd.f32 v42, v4  }
0x1c0: {  	v48 =	vmul.f32 v39, v32;
	v37 =	vld [tilespmem:s14+$0x7200];
	v49 =	vbroadcast v9, $0xA;
	[tilespmem:s14+$0x70A0] =	vst v10;
	v10 =	vadd.f32 v44, v5  }
0x1c1: {  	v39 =	vld [tilespmem:s14+$0x7210];
	v51 =	vmul.f32 v41, v32;
	[tilespmem:s14+$0x70B0] =	vst v11;
	v11 =	vadd.f32 v46, v6  }
0x1c2: {  	v41 =	vld [tilespmem:s14+$0x7220];
	v53 =	vmul.f32 v43, v49;
	[tilespmem:s14+$0x70C0] =	vst v10;
	v10 =	vadd.f32 v48, v7  }
0x1c3: {  	v59 =	vmul.f32 v50, v49;
	v50 =	vld [tilespmem:s14+$0x7260];
	v55 =	vmul.f32 v45, v49;
	[tilespmem:s14+$0x70D0] =	vst v11;
	v11 =	vadd.f32 v51, v8  }
0x1c4: {  	v61 =	vmul.f32 v52, v49;
	v52 =	vld [tilespmem:s14+$0x7270];
	v57 =	vmul.f32 v47, v49;
	[tilespmem:s14+$0x70E0] =	vst v10;
	v10 =	vadd.f32 v53, v1  }
0x1c5: {  	v60 =	vld [tilespmem:s14+$0x7180];
	[tilespmem:s14+$0x70F0] =	vst v11;
	v11 =	vadd.f32 v55, v2  }
0x1c6: {  	v62 =	vld [tilespmem:s14+$0x7190];
	[tilespmem:s14+$0x7100] =	vst v10;
	v10 =	vadd.f32 v57, v3  }
0x1c7: {  	v63 =	vmul.f32 v54, v49;
	v27 =	vld [tilespmem:s14+$0x71B0];
	[tilespmem:s14+$0x7110] =	vst v11;
	v11 =	vadd.f32 v59, v4  }
0x1c8: {  	v26 =	vbroadcast v9, $0xB;
	v25 =	vmul.f32 v56, v49;
	v29 =	vld [tilespmem:s14+$0x71C0];
	[tilespmem:s14+$0x7120] =	vst v10;
	v10 =	vadd.f32 v61, v5  }
0x1c9: {  	v28 =	vmul.f32 v58, v49;
	v31 =	vld [tilespmem:s14+$0x71D0];
	[tilespmem:s14+$0x7130] =	vst v11;
	v11 =	vadd.f32 v63, v6  }
0x1ca: {  	v54 =	vld [tilespmem:s14+$0x7280];
	v30 =	vmul.f32 v60, v26;
	[tilespmem:s14+$0x7140] =	vst v10;
	v10 =	vadd.f32 v25, v7  }
0x1cb: {  	v58 =	vld [tilespmem:s14+$0x72A0];
	v32 =	vmul.f32 v62, v26;
	[tilespmem:s14+$0x7150] =	vst v11;
	v11 =	vadd.f32 v28, v8  }
0x1cc: {  	v45 =	vmul.f32 v35, v26;
	v56 =	vld [tilespmem:s14+$0x7290];
	v34 =	vmul.f32 v24, v26;
	[tilespmem:s14+$0x7160] =	vst v10;
	v10 =	vadd.f32 v30, v1  }
0x1cd: {  	v24 =	vld [tilespmem:s14+$0x72E0];
	v36 =	vmul.f32 v27, v26;
	v38 =	vmul.f32 v29, v26;
	[tilespmem:s14+$0x7170] =	vst v11;
	v11 =	vadd.f32 v32, v2  }
0x1ce: {  	v42 =	vmul.f32 v33, v26;
	v40 =	vmul.f32 v31, v26;
	v26 =	vld [tilespmem:s14+$0x72F0];
	[tilespmem:s14+$0x7180] =	vst v10;
	v10 =	vadd.f32 v34, v3  }
0x1cf: {  	v44 =	vld [tilespmem:s14+$0x7230];
	[tilespmem:s14+$0x7190] =	vst v11;
	v11 =	vadd.f32 v36, v4  }
0x1d0: {  	v43 =	vbroadcast v9, $0xC;
	v46 =	vld [tilespmem:s14+$0x7240];
	[tilespmem:s14+$0x71A0] =	vst v10;
	v10 =	vadd.f32 v38, v5  }
0x1d1: {  	v48 =	vld [tilespmem:s14+$0x7250];
	[tilespmem:s14+$0x71B0] =	vst v11;
	v11 =	vadd.f32 v40, v6  }
0x1d2: {  	v47 =	vmul.f32 v37, v43;
	v61 =	vld [tilespmem:s14+$0x72B0];
	[tilespmem:s14+$0x71C0] =	vst v10;
	v10 =	vadd.f32 v42, v7  }
0x1d3: {  	v49 =	vmul.f32 v39, v43;
	v63 =	vld [tilespmem:s14+$0x72C0];
	[tilespmem:s14+$0x71D0] =	vst v11;
	v11 =	vadd.f32 v45, v8  }
0x1d4: {  	v51 =	vmul.f32 v41, v43;
	v45 =	vld [tilespmem:s14+$0x7380];
	[tilespmem:s14+$0x71E0] =	vst v10;
	v10 =	vadd.f32 v47, v1  }
0x1d5: {  	v60 =	vbroadcast v9, $0xD;
	v53 =	vmul.f32 v44, v43;
	[tilespmem:s14+$0x71F0] =	vst v11;
	v11 =	vadd.f32 v49, v2;
	v47 =	vld [tilespmem:s14+$0x7390]  }
0x1d6: {  	v62 =	vmul.f32 v52, v43;
	v55 =	vmul.f32 v46, v43;
	v49 =	vld [tilespmem:s14+$0x73A0];
	[tilespmem:s14+$0x7200] =	vst v10;
	v10 =	vadd.f32 v51, v3  }
0x1d7: {  	v21 =	vmul.f32 v54, v60;
	v57 =	vmul.f32 v48, v43;
	[tilespmem:s14+$0x7210] =	vst v11;
	v11 =	vadd.f32 v53, v4;
	v51 =	vld [tilespmem:s14+$0x73B0]  }
0x1d8: {  	v23 =	vmul.f32 v56, v60;
	v59 =	vmul.f32 v50, v43;
	v53 =	vld [tilespmem:s14+$0x73C0];
	[tilespmem:s14+$0x7220] =	vst v10;
	v10 =	vadd.f32 v55, v5  }
0x1d9: {  	v31 =	vmul.f32 v22, v60;
	v33 =	vmul.f32 v24, v60;
	[tilespmem:s14+$0x7230] =	vst v11;
	v11 =	vadd.f32 v57, v6;
	v55 =	vld [tilespmem:s14+$0x73D0]  }
0x1da: {  	v25 =	vmul.f32 v58, v60;
	v27 =	vmul.f32 v61, v60;
	v57 =	vld [tilespmem:s14+$0x73E0];
	[tilespmem:s14+$0x7240] =	vst v10;
	v10 =	vadd.f32 v59, v7  }
0x1db: {  	v34 =	vbroadcast v9, $0xE;
	v9 =	vbroadcast v9, $0xF;
	[tilespmem:s14+$0x7250] =	vst v11;
	v11 =	vadd.f32 v62, v8;
	v59 =	vld [tilespmem:s14+$0x73F0]  }
0x1dc: {  	v29 =	vmul.f32 v63, v60;
	v36 =	vmul.f32 v26, v60;
	[tilespmem:s14+$0x7260] =	vst v10;
	v10 =	vadd.f32 v21, v1  }
0x1dd: {  	v54 =	vmul.f32 v45, v9;
	v56 =	vmul.f32 v47, v9;
	[tilespmem:s14+$0x7270] =	vst v11;
	v11 =	vadd.f32 v23, v2  }
0x1de: {  	v28 =	vld [tilespmem:s14+$0x7300];
	v58 =	vmul.f32 v49, v9;
	v60 =	vmul.f32 v51, v9;
	[tilespmem:s14+$0x7280] =	vst v10;
	v10 =	vadd.f32 v25, v3  }
0x1df: {  	v30 =	vld [tilespmem:s14+$0x7310];
	v61 =	vmul.f32 v53, v9;
	v62 =	vmul.f32 v55, v9;
	[tilespmem:s14+$0x7290] =	vst v11;
	v11 =	vadd.f32 v27, v4  }
0x1e0: {  	v32 =	vld [tilespmem:s14+$0x7320];
	v63 =	vmul.f32 v57, v9;
	v9 =	vmul.f32 v59, v9;
	[tilespmem:s14+$0x72A0] =	vst v10;
	v10 =	vadd.f32 v29, v5  }
0x1e1: {  	v35 =	vld [tilespmem:s14+$0x7330];
	[tilespmem:s14+$0x72B0] =	vst v11;
	v11 =	vadd.f32 v31, v6  }
0x1e2: {  	v37 =	vld [tilespmem:s14+$0x7340];
	v9 =	vadd.f32 v9, v8;
	[tilespmem:s14+$0x72C0] =	vst v10  }
0x1e3: {  	v39 =	vld [tilespmem:s14+$0x7350];
	v38 =	vmul.f32 v28, v34;
	v10 =	vadd.f32 v33, v7;
	[tilespmem:s14+$0x72D0] =	vst v11  }
0x1e4: {  	v41 =	vld [tilespmem:s14+$0x7360];
	v40 =	vmul.f32 v30, v34;
	v11 =	vadd.f32 v36, v8;
	[tilespmem:s14+$0x73F0] =	vst v9  }
0x1e5: {  	v43 =	vld [tilespmem:s14+$0x7370];
	v42 =	vmul.f32 v32, v34;
	[tilespmem:s14+$0x72E0] =	vst v10;
	v10 =	vadd.f32 v38, v1  }
0x1e6: {  	v44 =	vmul.f32 v35, v34;
	[tilespmem:s14+$0x72F0] =	vst v11;
	v11 =	vadd.f32 v40, v2  }
0x1e7: {  	v46 =	vmul.f32 v37, v34;
	[tilespmem:s14+$0x7300] =	vst v10;
	v10 =	vadd.f32 v42, v3  }
0x1e8: {  	v48 =	vmul.f32 v39, v34;
	[tilespmem:s14+$0x7310] =	vst v11;
	v11 =	vadd.f32 v44, v4  }
0x1e9: {  	v50 =	vmul.f32 v41, v34;
	[tilespmem:s14+$0x7320] =	vst v10;
	v10 =	vadd.f32 v46, v5  }
0x1ea: {  	v52 =	vmul.f32 v43, v34;
	[tilespmem:s14+$0x7330] =	vst v11;
	v11 =	vadd.f32 v48, v6  }
0x1eb: {  	[tilespmem:s14+$0x7340] =	vst v10;
	v10 =	vadd.f32 v50, v7  }
0x1ec: {  	[tilespmem:s14+$0x7350] =	vst v11;
	v11 =	vadd.f32 v52, v8  }
0x1ed: {  	[tilespmem:s14+$0x7360] =	vst v10;
	v10 =	vadd.f32 v54, v1  }
0x1ee: {  	[tilespmem:s14+$0x7370] =	vst v11;
	v11 =	vadd.f32 v56, v2  }
0x1ef: {  	[tilespmem:s14+$0x7380] =	vst v10;
	v10 =	vadd.f32 v58, v3  }
0x1f0: {  	p2 =	sne.s32 s13, $0x7;
	[tilespmem:s14+$0x7390] =	vst v11;
	v11 =	vadd.f32 v60, v4  }
.Ltmp4:
0x1f1: {  	[tilespmem:s14+$0x73A0] =	vst v10;
	v10 =	vadd.f32 v61, v5;
	(pc) =	sbr.rel @p2 .LBB2_10-.Ltmp4, $4  }
0x1f2: {  	[tilespmem:s14+$0x73B0] =	vst v11;
	v11 =	vadd.f32 v62, v6  }
0x1f3: {  	[tilespmem:s14+$0x73C0] =	vst v10;
	v10 =	vadd.f32 v63, v7  }
0x1f4: {  	[tilespmem:s14+$0x73D0] =	vst v11  }
0x1f5: {  	s13 =	sadd.s32 $0x1, s13;
	[tilespmem:s14+$0x73E0] =	vst v10  }
0x1f6: {  	[spmem:s3] =	stream.indirect.scatter.add.f32 [tilespmem:s30], [sflag:$0x5], $0x80, s9, s19, $0xb8;
	[tilespmem:$0x1F8C0] =	vst v63  }
0x1f7: {  	s11 =	sadd.s32 $0x1, s11  }
0x1f8: {  	p2 =	sne.s32 s11, $0x27  }
.Ltmp5:
0x1f9: {  	_ = 	snop;
	(pc) =	sbr.rel @p2 .LBB2_7-.Ltmp5, $4  }
0x1fa: {  	s12 =	sadd.s32 s12, s23;
	_ =	swait.ge [sflag:s17], $0x4000  }
0x1fb: {  	s12 =	sshrl.u32 s12, $0x3;
	[sflag:s17] =	ssyncset.done $0x0  }
0x1fc: {  	s12 =	sadd.s32 s6, s12;
	[sflag:s17] =	ssyncadd.s32 $0xFFFFC000  }
0x1fd: {  	[tilespmem:s26], [sflag:$0x4] =	stream.linear.gather [hbm4b:s12+s5], $0x180, $0x38;
	[tilespmem:$0x1F8C0] =	vst v63  }
0x1fe: {  	_ =	swait.ge [sflag:s28], $0x4000  }
0x1ff: {  	[sflag:s28] =	ssyncset.done $0x0  }
0x200: {  	s11 =	simm.s32 $0x0;
	[sflag:s28] =	ssyncadd.s32 $0xFFFFC000  }
.LBB2_13:
0x201: {  	s12 =	sshll.u32 s11, $0x4  }
0x202: {  	s14 =	sshll.u32 s11, $0xB;
	s12 =	sand.u32 $0x3FFFFFF0, s12  }
0x203: {  	v9 =	vld [tilespmem:s12+$0x80];
	s12 =	sand.u32 $0x3FFFF800, s14  }
0x204: {  	v10 =	vld [tilespmem:s12+$0x2C00]  }
0x205: {  	v11 =	vld [tilespmem:s12+$0x2C10]  }
0x206: {  	v12 =	vld [tilespmem:s12+$0x2C20]  }
0x207: {  	v14 =	vld [tilespmem:s12+$0x2C30]  }
0x208: {  	v15 =	vld [tilespmem:s12+$0x2C40]  }
0x209: {  	v16 =	vld [tilespmem:s12+$0x2C50]  }
0x20a: {  	v17 =	vld [tilespmem:s12+$0x2C60]  }
0x20b: {  	v18 =	vld [tilespmem:s12+$0x2C70]  }
0x20c: {  	v9 =	vld.idx.msk [tilespmem:v9+s16+$0x0], $0xffff  }
0x20d: {  	v19 =	vld [tilespmem:s12+$0x2C80]  }
0x20e: {  	v59 =	vld [tilespmem:s12+$0x2C90]  }
0x20f: {  	v61 =	vld [tilespmem:s12+$0x2CA0]  }
0x210: {  	v20 =	vld [tilespmem:s12+$0x2CB0]  }
0x211: {  	v23 =	vld [tilespmem:s12+$0x2CC0];
	v13 =	vbroadcast v9, $0x0  }
0x212: {  	v25 =	vld [tilespmem:s12+$0x2CD0]  }
0x213: {  	v27 =	vld [tilespmem:s12+$0x2CE0];
	v10 =	vmul.f32 v13, v10  }
0x214: {  	v29 =	vld [tilespmem:s12+$0x2CF0];
	v11 =	vmul.f32 v11, v13  }
0x215: {  	v31 =	vld [tilespmem:s12+$0x2D00];
	v12 =	vmul.f32 v12, v13;
	v10 =	vadd.f32 v10, v1  }
0x216: {  	v33 =	vld [tilespmem:s12+$0x2D10];
	v14 =	vmul.f32 v14, v13;
	v11 =	vadd.f32 v11, v2  }
0x217: {  	v35 =	vld [tilespmem:s12+$0x2D20];
	v58 =	vmul.f32 v15, v13;
	[tilespmem:s12+$0x2C00] =	vst v10;
	v10 =	vadd.f32 v12, v3  }
0x218: {  	v38 =	vld [tilespmem:s12+$0x2D30];
	v60 =	vmul.f32 v16, v13;
	[tilespmem:s12+$0x2C10] =	vst v11;
	v11 =	vadd.f32 v14, v4  }
0x219: {  	v40 =	vld [tilespmem:s12+$0x2D40];
	v63 =	vbroadcast v9, $0x1;
	v62 =	vmul.f32 v17, v13;
	[tilespmem:s12+$0x2C20] =	vst v10;
	v10 =	vadd.f32 v58, v5  }
0x21a: {  	v42 =	vld [tilespmem:s12+$0x2D50];
	v13 =	vmul.f32 v18, v13;
	[tilespmem:s12+$0x2C30] =	vst v11;
	v11 =	vadd.f32 v60, v6  }
0x21b: {  	v44 =	vld [tilespmem:s12+$0x2D60];
	v24 =	vmul.f32 v19, v63;
	[tilespmem:s12+$0x2C40] =	vst v10;
	v10 =	vadd.f32 v62, v7  }
0x21c: {  	v46 =	vld [tilespmem:s12+$0x2D70];
	v26 =	vmul.f32 v59, v63;
	[tilespmem:s12+$0x2C50] =	vst v11;
	v11 =	vadd.f32 v13, v8  }
0x21d: {  	v48 =	vld [tilespmem:s12+$0x2D80];
	v28 =	vmul.f32 v61, v63;
	[tilespmem:s12+$0x2C60] =	vst v10;
	v10 =	vadd.f32 v24, v1  }
0x21e: {  	v50 =	vld [tilespmem:s12+$0x2D90];
	v30 =	vmul.f32 v20, v63;
	[tilespmem:s12+$0x2C70] =	vst v11;
	v11 =	vadd.f32 v26, v2  }
0x21f: {  	v52 =	vld [tilespmem:s12+$0x2DA0];
	v32 =	vmul.f32 v23, v63;
	[tilespmem:s12+$0x2C80] =	vst v10;
	v10 =	vadd.f32 v28, v3  }
0x220: {  	v55 =	vld [tilespmem:s12+$0x2DB0];
	v34 =	vmul.f32 v25, v63;
	[tilespmem:s12+$0x2C90] =	vst v11;
	v11 =	vadd.f32 v30, v4  }
0x221: {  	v57 =	vld [tilespmem:s12+$0x2DC0];
	v37 =	vbroadcast v9, $0x2;
	v36 =	vmul.f32 v27, v63;
	[tilespmem:s12+$0x2CA0] =	vst v10;
	v10 =	vadd.f32 v32, v5  }
0x222: {  	v22 =	vld [tilespmem:s12+$0x3060];
	v39 =	vmul.f32 v29, v63;
	[tilespmem:s12+$0x2CB0] =	vst v11;
	v11 =	vadd.f32 v34, v6  }
0x223: {  	v41 =	vmul.f32 v31, v37;
	v59 =	vld [tilespmem:s12+$0x2DD0];
	[tilespmem:s12+$0x2CC0] =	vst v10;
	v10 =	vadd.f32 v36, v7  }
0x224: {  	v43 =	vmul.f32 v33, v37;
	v61 =	vld [tilespmem:s12+$0x2DE0];
	[tilespmem:s12+$0x2CD0] =	vst v11;
	v11 =	vadd.f32 v39, v8  }
0x225: {  	v45 =	vmul.f32 v35, v37;
	v63 =	vld [tilespmem:s12+$0x2DF0];
	[tilespmem:s12+$0x2CE0] =	vst v10;
	v10 =	vadd.f32 v41, v1  }
0x226: {  	v47 =	vmul.f32 v38, v37;
	v31 =	vld [tilespmem:s12+$0x2E30];
	[tilespmem:s12+$0x2CF0] =	vst v11;
	v11 =	vadd.f32 v43, v2  }
0x227: {  	v49 =	vmul.f32 v40, v37;
	v33 =	vld [tilespmem:s12+$0x2E40];
	[tilespmem:s12+$0x2D00] =	vst v10;
	v10 =	vadd.f32 v45, v3  }
0x228: {  	v54 =	vbroadcast v9, $0x3;
	v51 =	vmul.f32 v42, v37;
	v35 =	vld [tilespmem:s12+$0x2E50];
	[tilespmem:s12+$0x2D10] =	vst v11;
	v11 =	vadd.f32 v47, v4  }
0x229: {  	v53 =	vmul.f32 v44, v37;
	v56 =	vmul.f32 v46, v37;
	v37 =	vld [tilespmem:s12+$0x2E60];
	[tilespmem:s12+$0x2D20] =	vst v10;
	v10 =	vadd.f32 v49, v5  }
0x22a: {  	v58 =	vmul.f32 v48, v54;
	v48 =	vld [tilespmem:s12+$0x2EB0];
	[tilespmem:s12+$0x2D30] =	vst v11;
	v11 =	vadd.f32 v51, v6  }
0x22b: {  	v60 =	vmul.f32 v50, v54;
	v50 =	vld [tilespmem:s12+$0x2EC0];
	[tilespmem:s12+$0x2D40] =	vst v10;
	v10 =	vadd.f32 v53, v7  }
0x22c: {  	v62 =	vmul.f32 v52, v54;
	v52 =	vld [tilespmem:s12+$0x2ED0];
	[tilespmem:s12+$0x2D50] =	vst v11;
	v11 =	vadd.f32 v56, v8  }
0x22d: {  	v24 =	vld [tilespmem:s12+$0x2E00];
	[tilespmem:s12+$0x2D60] =	vst v10;
	v10 =	vadd.f32 v58, v1  }
0x22e: {  	v23 =	vmul.f32 v55, v54;
	v25 =	vmul.f32 v57, v54;
	v26 =	vld [tilespmem:s12+$0x2E10];
	[tilespmem:s12+$0x2D70] =	vst v11;
	v11 =	vadd.f32 v60, v2  }
0x22f: {  	v27 =	vmul.f32 v59, v54;
	v28 =	vld [tilespmem:s12+$0x2E20];
	v30 =	vbroadcast v9, $0x4;
	[tilespmem:s12+$0x2D80] =	vst v10;
	v10 =	vadd.f32 v62, v3  }
0x230: {  	v29 =	vmul.f32 v61, v54;
	v32 =	vmul.f32 v63, v54;
	v54 =	vld [tilespmem:s12+$0x2EE0];
	[tilespmem:s12+$0x2D90] =	vst v11;
	v11 =	vadd.f32 v23, v4  }
0x231: {  	v40 =	vmul.f32 v31, v30;
	v31 =	vld [tilespmem:s12+$0x2F60];
	[tilespmem:s12+$0x2DA0] =	vst v10;
	v10 =	vadd.f32 v25, v5  }
0x232: {  	v42 =	vmul.f32 v33, v30;
	v33 =	vld [tilespmem:s12+$0x2F70];
	[tilespmem:s12+$0x2DB0] =	vst v11;
	v11 =	vadd.f32 v27, v6  }
0x233: {  	v44 =	vmul.f32 v35, v30;
	v35 =	vld [tilespmem:s12+$0x2F80];
	v34 =	vmul.f32 v24, v30;
	[tilespmem:s12+$0x2DC0] =	vst v10;
	v10 =	vadd.f32 v29, v7  }
0x234: {  	v36 =	vmul.f32 v26, v30;
	v39 =	vld [tilespmem:s12+$0x2E70];
	[tilespmem:s12+$0x2DD0] =	vst v11;
	v11 =	vadd.f32 v32, v8  }
0x235: {  	v46 =	vmul.f32 v37, v30;
	v37 =	vld [tilespmem:s12+$0x2F90];
	v38 =	vmul.f32 v28, v30;
	[tilespmem:s12+$0x2DE0] =	vst v10;
	v10 =	vadd.f32 v34, v1  }
0x236: {  	v41 =	vld [tilespmem:s12+$0x2E80];
	[tilespmem:s12+$0x2DF0] =	vst v11;
	v11 =	vadd.f32 v36, v2  }
0x237: {  	v43 =	vld [tilespmem:s12+$0x2E90];
	[tilespmem:s12+$0x2E00] =	vst v10;
	v10 =	vadd.f32 v38, v3  }
0x238: {  	v45 =	vld [tilespmem:s12+$0x2EA0];
	v47 =	vbroadcast v9, $0x5;
	[tilespmem:s12+$0x2E10] =	vst v11;
	v11 =	vadd.f32 v40, v4  }
0x239: {  	v49 =	vmul.f32 v39, v30;
	v39 =	vld [tilespmem:s12+$0x2FA0];
	[tilespmem:s12+$0x2E20] =	vst v10;
	v10 =	vadd.f32 v42, v5  }
0x23a: {  	v57 =	vmul.f32 v48, v47;
	v48 =	vld [tilespmem:s12+$0x2FE0];
	[tilespmem:s12+$0x2E30] =	vst v11;
	v11 =	vadd.f32 v44, v6  }
0x23b: {  	v59 =	vmul.f32 v50, v47;
	v50 =	vld [tilespmem:s12+$0x2FF0];
	v51 =	vmul.f32 v41, v47;
	[tilespmem:s12+$0x2E40] =	vst v10;
	v10 =	vadd.f32 v46, v7  }
0x23c: {  	v61 =	vmul.f32 v52, v47;
	v52 =	vld [tilespmem:s12+$0x3000];
	v53 =	vmul.f32 v43, v47;
	[tilespmem:s12+$0x2E50] =	vst v11;
	v11 =	vadd.f32 v49, v8  }
0x23d: {  	v56 =	vld [tilespmem:s12+$0x2EF0];
	v55 =	vmul.f32 v45, v47;
	[tilespmem:s12+$0x2E60] =	vst v10;
	v10 =	vadd.f32 v51, v1  }
0x23e: {  	v58 =	vld [tilespmem:s12+$0x2F00];
	[tilespmem:s12+$0x2E70] =	vst v11;
	v11 =	vadd.f32 v53, v2  }
0x23f: {  	v60 =	vld [tilespmem:s12+$0x2F10];
	[tilespmem:s12+$0x2E80] =	vst v10;
	v10 =	vadd.f32 v55, v3  }
0x240: {  	v62 =	vld [tilespmem:s12+$0x2F20];
	[tilespmem:s12+$0x2E90] =	vst v11;
	v11 =	vadd.f32 v57, v4  }
0x241: {  	v24 =	vbroadcast v9, $0x6;
	v63 =	vmul.f32 v54, v47;
	v25 =	vld [tilespmem:s12+$0x2F30];
	[tilespmem:s12+$0x2EA0] =	vst v10;
	v10 =	vadd.f32 v59, v5  }
0x242: {  	v26 =	vmul.f32 v56, v47;
	v27 =	vld [tilespmem:s12+$0x2F40];
	[tilespmem:s12+$0x2EB0] =	vst v11;
	v11 =	vadd.f32 v61, v6  }
0x243: {  	v28 =	vmul.f32 v58, v24;
	v29 =	vld [tilespmem:s12+$0x2F50];
	[tilespmem:s12+$0x2EC0] =	vst v10;
	v10 =	vadd.f32 v63, v7  }
0x244: {  	v54 =	vld [tilespmem:s12+$0x3010];
	v41 =	vbroadcast v9, $0x7;
	v30 =	vmul.f32 v60, v24;
	[tilespmem:s12+$0x2ED0] =	vst v11;
	v11 =	vadd.f32 v26, v8  }
0x245: {  	v43 =	vmul.f32 v33, v24;
	v33 =	vld [tilespmem:s12+$0x30B0];
	v32 =	vmul.f32 v62, v24;
	[tilespmem:s12+$0x2EE0] =	vst v10;
	v10 =	vadd.f32 v28, v1  }
0x246: {  	v45 =	vmul.f32 v35, v41;
	v35 =	vld [tilespmem:s12+$0x30C0];
	v34 =	vmul.f32 v25, v24;
	[tilespmem:s12+$0x2EF0] =	vst v11;
	v11 =	vadd.f32 v30, v2  }
0x247: {  	v56 =	vld [tilespmem:s12+$0x3020];
	v36 =	vmul.f32 v27, v24;
	[tilespmem:s12+$0x2F00] =	vst v10;
	v10 =	vadd.f32 v32, v3  }
0x248: {  	v47 =	vmul.f32 v37, v41;
	v37 =	vld [tilespmem:s12+$0x30D0];
	v38 =	vmul.f32 v29, v24;
	[tilespmem:s12+$0x2F10] =	vst v11;
	v11 =	vadd.f32 v34, v4  }
0x249: {  	v40 =	vmul.f32 v31, v24;
	v42 =	vld [tilespmem:s12+$0x2FB0];
	[tilespmem:s12+$0x2F20] =	vst v10;
	v10 =	vadd.f32 v36, v5  }
0x24a: {  	v44 =	vld [tilespmem:s12+$0x2FC0];
	[tilespmem:s12+$0x2F30] =	vst v11;
	v11 =	vadd.f32 v38, v6  }
0x24b: {  	v58 =	vbroadcast v9, $0x8;
	v46 =	vld [tilespmem:s12+$0x2FD0];
	[tilespmem:s12+$0x2F40] =	vst v10;
	v10 =	vadd.f32 v40, v7  }
0x24c: {  	v60 =	vmul.f32 v50, v41;
	v50 =	vld [tilespmem:s12+$0x3130];
	[tilespmem:s12+$0x2F50] =	vst v11;
	v11 =	vadd.f32 v43, v8  }
0x24d: {  	v62 =	vmul.f32 v52, v58;
	v52 =	vld [tilespmem:s12+$0x3140];
	v49 =	vmul.f32 v39, v41;
	[tilespmem:s12+$0x2F60] =	vst v10;
	v10 =	vadd.f32 v45, v1  }
0x24e: {  	v21 =	vmul.f32 v54, v58;
	v54 =	vld [tilespmem:s12+$0x3150];
	v51 =	vmul.f32 v42, v41;
	[tilespmem:s12+$0x2F70] =	vst v11;
	v11 =	vadd.f32 v47, v2  }
0x24f: {  	v23 =	vmul.f32 v56, v58;
	v56 =	vld [tilespmem:s12+$0x3160];
	v53 =	vmul.f32 v44, v41;
	[tilespmem:s12+$0x2F80] =	vst v10;
	v10 =	vadd.f32 v49, v3  }
0x250: {  	v24 =	vld [tilespmem:s12+$0x3070];
	v55 =	vmul.f32 v46, v41;
	[tilespmem:s12+$0x2F90] =	vst v11;
	v11 =	vadd.f32 v51, v4  }
0x251: {  	v57 =	vmul.f32 v48, v41;
	v59 =	vld [tilespmem:s12+$0x3030];
	[tilespmem:s12+$0x2FA0] =	vst v10;
	v10 =	vadd.f32 v53, v5  }
0x252: {  	v61 =	vld [tilespmem:s12+$0x3040];
	[tilespmem:s12+$0x2FB0] =	vst v11;
	v11 =	vadd.f32 v55, v6  }
0x253: {  	v63 =	vld [tilespmem:s12+$0x3050];
	[tilespmem:s12+$0x2FC0] =	vst v10;
	v10 =	vadd.f32 v57, v7  }
0x254: {  	v39 =	vld [tilespmem:s12+$0x30E0];
	[tilespmem:s12+$0x2FD0] =	vst v11;
	v11 =	vadd.f32 v60, v8  }
0x255: {  	v31 =	vmul.f32 v22, v58;
	v22 =	vld [tilespmem:s12+$0x32D0];
	[tilespmem:s12+$0x2FE0] =	vst v10;
	v10 =	vadd.f32 v62, v1  }
0x256: {  	v26 =	vld [tilespmem:s12+$0x3080];
	v25 =	vmul.f32 v59, v58;
	[tilespmem:s12+$0x2FF0] =	vst v11;
	v11 =	vadd.f32 v21, v2  }
0x257: {  	v28 =	vld [tilespmem:s12+$0x3090];
	v27 =	vmul.f32 v61, v58;
	[tilespmem:s12+$0x3000] =	vst v10;
	v10 =	vadd.f32 v23, v3  }
0x258: {  	v30 =	vld [tilespmem:s12+$0x30A0];
	v29 =	vmul.f32 v63, v58;
	[tilespmem:s12+$0x3010] =	vst v11;
	v11 =	vadd.f32 v25, v4  }
0x259: {  	v41 =	vld [tilespmem:s12+$0x30F0];
	v32 =	vbroadcast v9, $0x9;
	[tilespmem:s12+$0x3020] =	vst v10;
	v10 =	vadd.f32 v27, v5  }
0x25a: {  	v34 =	vmul.f32 v24, v58;
	v24 =	vld [tilespmem:s12+$0x31A0];
	[tilespmem:s12+$0x3030] =	vst v11;
	v11 =	vadd.f32 v29, v6  }
0x25b: {  	v58 =	vld [tilespmem:s12+$0x3170];
	v36 =	vmul.f32 v26, v32;
	[tilespmem:s12+$0x3040] =	vst v10;
	v10 =	vadd.f32 v31, v7  }
0x25c: {  	v42 =	vmul.f32 v33, v32;
	v33 =	vld [tilespmem:s12+$0x31E0];
	v38 =	vmul.f32 v28, v32;
	[tilespmem:s12+$0x3050] =	vst v11;
	v11 =	vadd.f32 v34, v8  }
0x25d: {  	v44 =	vmul.f32 v35, v32;
	v35 =	vld [tilespmem:s12+$0x31F0];
	v40 =	vmul.f32 v30, v32;
	[tilespmem:s12+$0x3060] =	vst v10;
	v10 =	vadd.f32 v36, v1  }
0x25e: {  	v43 =	vld [tilespmem:s12+$0x3100];
	[tilespmem:s12+$0x3070] =	vst v11;
	v11 =	vadd.f32 v38, v2  }
0x25f: {  	v45 =	vld [tilespmem:s12+$0x3110];
	[tilespmem:s12+$0x3080] =	vst v10;
	v10 =	vadd.f32 v40, v3  }
0x260: {  	v46 =	vmul.f32 v37, v32;
	v47 =	vld [tilespmem:s12+$0x3120];
	[tilespmem:s12+$0x3090] =	vst v11;
	v11 =	vadd.f32 v42, v4  }
0x261: {  	v48 =	vmul.f32 v39, v32;
	v37 =	vld [tilespmem:s12+$0x3200];
	v49 =	vbroadcast v9, $0xA;
	[tilespmem:s12+$0x30A0] =	vst v10;
	v10 =	vadd.f32 v44, v5  }
0x262: {  	v39 =	vld [tilespmem:s12+$0x3210];
	v51 =	vmul.f32 v41, v32;
	[tilespmem:s12+$0x30B0] =	vst v11;
	v11 =	vadd.f32 v46, v6  }
0x263: {  	v41 =	vld [tilespmem:s12+$0x3220];
	v53 =	vmul.f32 v43, v49;
	[tilespmem:s12+$0x30C0] =	vst v10;
	v10 =	vadd.f32 v48, v7  }
0x264: {  	v59 =	vmul.f32 v50, v49;
	v50 =	vld [tilespmem:s12+$0x3260];
	v55 =	vmul.f32 v45, v49;
	[tilespmem:s12+$0x30D0] =	vst v11;
	v11 =	vadd.f32 v51, v8  }
0x265: {  	v61 =	vmul.f32 v52, v49;
	v52 =	vld [tilespmem:s12+$0x3270];
	v57 =	vmul.f32 v47, v49;
	[tilespmem:s12+$0x30E0] =	vst v10;
	v10 =	vadd.f32 v53, v1  }
0x266: {  	v60 =	vld [tilespmem:s12+$0x3180];
	[tilespmem:s12+$0x30F0] =	vst v11;
	v11 =	vadd.f32 v55, v2  }
0x267: {  	v62 =	vld [tilespmem:s12+$0x3190];
	[tilespmem:s12+$0x3100] =	vst v10;
	v10 =	vadd.f32 v57, v3  }
0x268: {  	v63 =	vmul.f32 v54, v49;
	v27 =	vld [tilespmem:s12+$0x31B0];
	[tilespmem:s12+$0x3110] =	vst v11;
	v11 =	vadd.f32 v59, v4  }
0x269: {  	v26 =	vbroadcast v9, $0xB;
	v25 =	vmul.f32 v56, v49;
	v29 =	vld [tilespmem:s12+$0x31C0];
	[tilespmem:s12+$0x3120] =	vst v10;
	v10 =	vadd.f32 v61, v5  }
0x26a: {  	v28 =	vmul.f32 v58, v49;
	v31 =	vld [tilespmem:s12+$0x31D0];
	[tilespmem:s12+$0x3130] =	vst v11;
	v11 =	vadd.f32 v63, v6  }
0x26b: {  	v54 =	vld [tilespmem:s12+$0x3280];
	v30 =	vmul.f32 v60, v26;
	[tilespmem:s12+$0x3140] =	vst v10;
	v10 =	vadd.f32 v25, v7  }
0x26c: {  	v58 =	vld [tilespmem:s12+$0x32A0];
	v32 =	vmul.f32 v62, v26;
	[tilespmem:s12+$0x3150] =	vst v11;
	v11 =	vadd.f32 v28, v8  }
0x26d: {  	v45 =	vmul.f32 v35, v26;
	v56 =	vld [tilespmem:s12+$0x3290];
	v34 =	vmul.f32 v24, v26;
	[tilespmem:s12+$0x3160] =	vst v10;
	v10 =	vadd.f32 v30, v1  }
0x26e: {  	v24 =	vld [tilespmem:s12+$0x32E0];
	v36 =	vmul.f32 v27, v26;
	v38 =	vmul.f32 v29, v26;
	[tilespmem:s12+$0x3170] =	vst v11;
	v11 =	vadd.f32 v32, v2  }
0x26f: {  	v42 =	vmul.f32 v33, v26;
	v40 =	vmul.f32 v31, v26;
	v26 =	vld [tilespmem:s12+$0x32F0];
	[tilespmem:s12+$0x3180] =	vst v10;
	v10 =	vadd.f32 v34, v3  }
0x270: {  	v44 =	vld [tilespmem:s12+$0x3230];
	[tilespmem:s12+$0x3190] =	vst v11;
	v11 =	vadd.f32 v36, v4  }
0x271: {  	v43 =	vbroadcast v9, $0xC;
	v46 =	vld [tilespmem:s12+$0x3240];
	[tilespmem:s12+$0x31A0] =	vst v10;
	v10 =	vadd.f32 v38, v5  }
0x272: {  	v48 =	vld [tilespmem:s12+$0x3250];
	[tilespmem:s12+$0x31B0] =	vst v11;
	v11 =	vadd.f32 v40, v6  }
0x273: {  	v47 =	vmul.f32 v37, v43;
	v61 =	vld [tilespmem:s12+$0x32B0];
	[tilespmem:s12+$0x31C0] =	vst v10;
	v10 =	vadd.f32 v42, v7  }
0x274: {  	v49 =	vmul.f32 v39, v43;
	v63 =	vld [tilespmem:s12+$0x32C0];
	[tilespmem:s12+$0x31D0] =	vst v11;
	v11 =	vadd.f32 v45, v8  }
0x275: {  	v51 =	vmul.f32 v41, v43;
	v45 =	vld [tilespmem:s12+$0x3380];
	[tilespmem:s12+$0x31E0] =	vst v10;
	v10 =	vadd.f32 v47, v1  }
0x276: {  	v60 =	vbroadcast v9, $0xD;
	v53 =	vmul.f32 v44, v43;
	[tilespmem:s12+$0x31F0] =	vst v11;
	v11 =	vadd.f32 v49, v2;
	v47 =	vld [tilespmem:s12+$0x3390]  }
0x277: {  	v62 =	vmul.f32 v52, v43;
	v55 =	vmul.f32 v46, v43;
	v49 =	vld [tilespmem:s12+$0x33A0];
	[tilespmem:s12+$0x3200] =	vst v10;
	v10 =	vadd.f32 v51, v3  }
0x278: {  	v21 =	vmul.f32 v54, v60;
	v57 =	vmul.f32 v48, v43;
	[tilespmem:s12+$0x3210] =	vst v11;
	v11 =	vadd.f32 v53, v4;
	v51 =	vld [tilespmem:s12+$0x33B0]  }
0x279: {  	v23 =	vmul.f32 v56, v60;
	v59 =	vmul.f32 v50, v43;
	v53 =	vld [tilespmem:s12+$0x33C0];
	[tilespmem:s12+$0x3220] =	vst v10;
	v10 =	vadd.f32 v55, v5  }
0x27a: {  	v31 =	vmul.f32 v22, v60;
	v33 =	vmul.f32 v24, v60;
	[tilespmem:s12+$0x3230] =	vst v11;
	v11 =	vadd.f32 v57, v6;
	v55 =	vld [tilespmem:s12+$0x33D0]  }
0x27b: {  	v25 =	vmul.f32 v58, v60;
	v27 =	vmul.f32 v61, v60;
	v57 =	vld [tilespmem:s12+$0x33E0];
	[tilespmem:s12+$0x3240] =	vst v10;
	v10 =	vadd.f32 v59, v7  }
0x27c: {  	v34 =	vbroadcast v9, $0xE;
	v9 =	vbroadcast v9, $0xF;
	[tilespmem:s12+$0x3250] =	vst v11;
	v11 =	vadd.f32 v62, v8;
	v59 =	vld [tilespmem:s12+$0x33F0]  }
0x27d: {  	v29 =	vmul.f32 v63, v60;
	v36 =	vmul.f32 v26, v60;
	[tilespmem:s12+$0x3260] =	vst v10;
	v10 =	vadd.f32 v21, v1  }
0x27e: {  	v54 =	vmul.f32 v45, v9;
	v56 =	vmul.f32 v47, v9;
	[tilespmem:s12+$0x3270] =	vst v11;
	v11 =	vadd.f32 v23, v2  }
0x27f: {  	v28 =	vld [tilespmem:s12+$0x3300];
	v58 =	vmul.f32 v49, v9;
	v60 =	vmul.f32 v51, v9;
	[tilespmem:s12+$0x3280] =	vst v10;
	v10 =	vadd.f32 v25, v3  }
0x280: {  	v30 =	vld [tilespmem:s12+$0x3310];
	v61 =	vmul.f32 v53, v9;
	v62 =	vmul.f32 v55, v9;
	[tilespmem:s12+$0x3290] =	vst v11;
	v11 =	vadd.f32 v27, v4  }
0x281: {  	v32 =	vld [tilespmem:s12+$0x3320];
	v63 =	vmul.f32 v57, v9;
	v9 =	vmul.f32 v59, v9;
	[tilespmem:s12+$0x32A0] =	vst v10;
	v10 =	vadd.f32 v29, v5  }
0x282: {  	v35 =	vld [tilespmem:s12+$0x3330];
	[tilespmem:s12+$0x32B0] =	vst v11;
	v11 =	vadd.f32 v31, v6  }
0x283: {  	v37 =	vld [tilespmem:s12+$0x3340];
	v9 =	vadd.f32 v9, v8;
	[tilespmem:s12+$0x32C0] =	vst v10  }
0x284: {  	v39 =	vld [tilespmem:s12+$0x3350];
	v38 =	vmul.f32 v28, v34;
	v10 =	vadd.f32 v33, v7;
	[tilespmem:s12+$0x32D0] =	vst v11  }
0x285: {  	v41 =	vld [tilespmem:s12+$0x3360];
	v40 =	vmul.f32 v30, v34;
	v11 =	vadd.f32 v36, v8;
	[tilespmem:s12+$0x33F0] =	vst v9  }
0x286: {  	v43 =	vld [tilespmem:s12+$0x3370];
	v42 =	vmul.f32 v32, v34;
	[tilespmem:s12+$0x32E0] =	vst v10;
	v10 =	vadd.f32 v38, v1  }
0x287: {  	v44 =	vmul.f32 v35, v34;
	[tilespmem:s12+$0x32F0] =	vst v11;
	v11 =	vadd.f32 v40, v2  }
0x288: {  	v46 =	vmul.f32 v37, v34;
	[tilespmem:s12+$0x3300] =	vst v10;
	v10 =	vadd.f32 v42, v3  }
0x289: {  	v48 =	vmul.f32 v39, v34;
	[tilespmem:s12+$0x3310] =	vst v11;
	v11 =	vadd.f32 v44, v4  }
0x28a: {  	v50 =	vmul.f32 v41, v34;
	[tilespmem:s12+$0x3320] =	vst v10;
	v10 =	vadd.f32 v46, v5  }
0x28b: {  	v52 =	vmul.f32 v43, v34;
	[tilespmem:s12+$0x3330] =	vst v11;
	v11 =	vadd.f32 v48, v6  }
0x28c: {  	[tilespmem:s12+$0x3340] =	vst v10;
	v10 =	vadd.f32 v50, v7  }
0x28d: {  	[tilespmem:s12+$0x3350] =	vst v11;
	v11 =	vadd.f32 v52, v8  }
0x28e: {  	[tilespmem:s12+$0x3360] =	vst v10;
	v10 =	vadd.f32 v54, v1  }
0x28f: {  	[tilespmem:s12+$0x3370] =	vst v11;
	v11 =	vadd.f32 v56, v2  }
0x290: {  	[tilespmem:s12+$0x3380] =	vst v10;
	v10 =	vadd.f32 v58, v3  }
0x291: {  	p2 =	sne.s32 s11, $0x7;
	[tilespmem:s12+$0x3390] =	vst v11;
	v11 =	vadd.f32 v60, v4  }
.Ltmp6:
0x292: {  	[tilespmem:s12+$0x33A0] =	vst v10;
	v10 =	vadd.f32 v61, v5;
	(pc) =	sbr.rel @p2 .LBB2_13-.Ltmp6, $4  }
0x293: {  	[tilespmem:s12+$0x33B0] =	vst v11;
	v11 =	vadd.f32 v62, v6  }
0x294: {  	[tilespmem:s12+$0x33C0] =	vst v10;
	v10 =	vadd.f32 v63, v7  }
0x295: {  	[tilespmem:s12+$0x33D0] =	vst v11  }
0x296: {  	s11 =	sadd.s32 $0x1, s11;
	[tilespmem:s12+$0x33E0] =	vst v10  }
0x297: {  	[spmem:s3] =	stream.indirect.scatter.add.f32 [tilespmem:s20], [sflag:$0x5], $0x80, s31, s19, $0xb8;
	[tilespmem:$0x1F8C0] =	vst v63  }
0x298: {  	_ =	swait.ge [sflag:s17], $0x4000  }
0x299: {  	[sflag:s17] =	ssyncset.done $0x0  }
0x29a: {  	[sflag:s17] =	ssyncadd.s32 $0xFFFFC000  }
0x29b: {  	_ =	swait.ge [sflag:s29], $0x180  }
0x29c: {  	s11 =	sshll.u32 @!p0 s4, $0x6;
	[sflag:s29] =	ssyncset.done $0x0  }
0x29d: {  	s12 =	sshrl.u32 @!p0 s8, $0x3;
	s10 =	sadd.s32 $0x1, s10;
	[sflag:s29] =	ssyncadd.s32 $0xFFFFFE80  }
0x29e: {  	s11 =	sor.u32 @!p0 $0x1C05, s11;
	p2 =	sne.s32 s10, s25;
	[bflag:$0x0] =	sbarrier.arrive $0xFFFF  }
0x29f: {  	[hbm:s24], [sflag:s11] =	dma.local @!p0 [spmem:s12], $0x3E80  }
.Ltmp7:
0x2a0: {  	_ = 	snop;
	(pc) =	sbr.rel @p2 .LBB2_1-.Ltmp7, $4  }
0x2a1: {  	s11 =	simm.s32 @!p0 $0x5  }
0x2a2: {  	_ =	swait.ge @!p0 [sflag:s11], $0x3E80  }
0x2a3: {  	[sflag:s11] =	ssyncset.done @!p0 $0x0  }
0x2a4: {  	[sflag:s11] =	ssyncadd.s32 @!p0 $0xFFFFC180  }
0x2a5: {  	_ =	sfence.sel $0x180000  }
0x2a6: {  	[bflag:$0x0] =	sbarrier.arrive $0xFFFF  }
0x2a7: {  	_ =	strace $0x90000047  }
0x2a8: {  	[bflag:$0x2] =	sbarrier.arrive $0xFFFF  }
0x2a9: {  	p0 =	sne.s32 s4, $0x0;
	s0 =	rddreg [dreg:$0x4]  }
0x2aa: {  	s0 =	sadd.s32 @!p0 $0x100000, s0  }
0x2ab: {  	[sflag:s0] =	ssyncadd.tile.s32 @!p0 $0x1;
	_ =	shalt  }
.Lfunc_end2:
_tile_overlayer_lowered:
.L_overlay_start_2:
0x2ac: {  	(tag) =	ssettag $0x2  }
0x2ad: {  	s0 =	rddreg [dreg:$0x0];
	s2 =	stileid.u32  }
0x2ae: {  	s1 =	rddreg [dreg:$0x1];
	p0 =	sne.s32 s2, $0x0  }
0x2af: {  	s3 =	rddreg [dreg:$0x2];
	[bflag:$0x3] =	sbarrier.arrive $0xFFFF;
	s2 =	simm.s32 @!p0 $0x1C05  }
0x2b0: {  	[timem:s3], [sflag:s2] =	dma.local @!p0 [hbm:s0], s1  }
0x2b1: {  	s0 =	simm.s32 @!p0 $0x5  }
0x2b2: {  	_ =	swait.ge @!p0 [sflag:s0], s1  }
0x2b3: {  	s1 =	ssub.s32 @!p0 $0x0, s1;
	[sflag:s0] =	ssyncset.done @!p0 $0x0  }
0x2b4: {  	[sflag:s0] =	ssyncadd.s32 @!p0 s1  }
0x2b5: {  	[bflag:$0x3] =	sbarrier.arrive $0xFFFF  }
0x2b6: {  	_ =	shalt  }

</sc_bundles>
